<compile_context>
chip_gen: v7x
topology: tpu7x:2x2x1
jax: 0.10.2.dev20260603
libtpu: 0.0.44.dev20260713+nightly
codegen_flags: <defaults>
</compile_context>

<pallas_src>
import functools

import jax
import jax.numpy as jnp
from jax import lax
from jax.experimental import pallas as pl
from jax.experimental.pallas import tpu as pltpu
from jax.experimental.pallas import tpu_sc as plsc

N = 10000
NP = 10240
E = 320000
EP = 327680
NW = 32
EPW = EP // NW
BB = 128
NB = EPW // BB
RB = 256
NM = NP // RB
STRIPE = NP // 16
C = 128


def _mesh():
    return plsc.VectorSubcoreMesh(
        core_axis_name="c", subcore_axis_name="s", num_cores=2, num_subcores=16
    )


_SC_PARAMS = pltpu.CompilerParams(needs_layout_passes=False)


def _sc_deg(src_flat, dst_flat):

    @functools.partial(
        pl.kernel,
        mesh=_mesh(),
        out_type=(
            jax.ShapeDtypeStruct((NW, NP), jnp.float32),
            jax.ShapeDtypeStruct((NW, EPW), jnp.int32),
        ),
        scratch_types=[
            pltpu.VMEM((EPW,), jnp.int32),
            pltpu.VMEM((EPW,), jnp.int32),
            pltpu.VMEM((EPW,), jnp.int32),
            pltpu.VMEM((NP,), jnp.float32),
        ],
        compiler_params=_SC_PARAMS,
    )
    def k(src_hbm, dst_hbm, deg_hbm, srcz_hbm, src_v, dst_v, srcz_v, hist_v):
        cc = lax.axis_index("c")
        ss = lax.axis_index("s")
        wid = cc * 16 + ss
        pltpu.sync_copy(src_hbm.at[wid], src_v)
        pltpu.sync_copy(dst_hbm.at[wid], dst_v)

        def zbody(i, carry):
            hist_v[pl.ds(i * 16, 16)] = jnp.zeros((16,), jnp.float32)
            return carry

        lax.fori_loop(0, NP // 16, zbody, 0)

        ones = jnp.ones((16,), jnp.float32)

        def ebody(i, carry):
            s16 = src_v[pl.ds(i * 16, 16)]
            d16 = dst_v[pl.ds(i * 16, 16)]
            m = s16 != d16
            plsc.addupdate_scatter(hist_v, [s16], ones, mask=m)
            srcz_v[pl.ds(i * 16, 16)] = jnp.where(m, s16, N)
            return carry

        lax.fori_loop(0, EPW // 16, ebody, 0)
        pltpu.sync_copy(hist_v, deg_hbm.at[wid])
        pltpu.sync_copy(srcz_v, srcz_hbm.at[wid])

    return k(src_flat, dst_flat)


def _sc_prop(g, srcz_r, dst_r, zero_stripe):
    nc = g.shape[0]

    @functools.partial(
        pl.kernel,
        mesh=_mesh(),
        out_type=jax.ShapeDtypeStruct((2, nc, NP, C), jnp.float32),
        scratch_types=[
            pltpu.VMEM((NB, BB), jnp.int32),
            pltpu.VMEM((NB, BB), jnp.int32),
            pltpu.VMEM((BB, C), jnp.float32),
            pltpu.VMEM_SHARED((NP, C), jnp.float32),
            pltpu.SemaphoreType.DMA,
        ],
        compiler_params=_SC_PARAMS,
    )
    def k(g_hbm, srcz_hbm, dst_hbm, zero_hbm, s_hbm, srcz_v, dst_v, rows_v, acc_sh, sem):
        cc = lax.axis_index("c")
        ss = lax.axis_index("s")
        wid = cc * 16 + ss
        pltpu.sync_copy(srcz_hbm.at[wid], srcz_v)
        pltpu.sync_copy(dst_hbm.at[wid], dst_v)
        for ci in range(nc):
            pltpu.sync_copy(zero_hbm, acc_sh.at[pl.ds(ss * STRIPE, STRIPE)])
            plsc.subcore_barrier()

            def body(b, carry):
                pltpu.async_copy(g_hbm.at[ci].at[srcz_v.at[b]], rows_v, sem).wait()
                pltpu.sync_copy(rows_v, acc_sh.at[dst_v.at[b]], add=True)
                return carry

            lax.fori_loop(0, NB, body, 0)
            plsc.subcore_barrier()
            pltpu.sync_copy(
                acc_sh.at[pl.ds(ss * STRIPE, STRIPE)],
                s_hbm.at[cc].at[ci].at[pl.ds(ss * STRIPE, STRIPE)],
            )

    return k(g, srcz_r, dst_r, zero_stripe)


def _dinv_of(deg_blk):
    deg = jnp.sum(deg_blk, axis=0)
    return jnp.where(deg > 0, lax.rsqrt(deg), 0.0)


def _tc_g0(x_c, deg_p):

    def body(x_ref, deg_ref, g_ref):
        dinv = _dinv_of(deg_ref[...])
        g_ref[0] = dinv[:, None] * x_ref[0]

    return pl.pallas_call(
        body,
        grid=(NM,),
        in_specs=[
            pl.BlockSpec((1, RB, C), lambda m: (0, m, 0)),
            pl.BlockSpec((NW, RB), lambda m: (0, m)),
        ],
        out_specs=pl.BlockSpec((1, RB, C), lambda m: (0, m, 0)),
        out_shape=jax.ShapeDtypeStruct((1, NP, C), jnp.float32),
    )(x_c, deg_p)


def _tc_mid(s1p, deg_p):
    nc = s1p.shape[1]

    def body(s_ref, deg_ref, t1_ref, g1_ref):
        dinv = _dinv_of(deg_ref[...])
        ssum = s_ref[0, 0] + s_ref[1, 0]
        t1 = -dinv[:, None] * ssum
        t1_ref[0] = t1
        g1_ref[0] = dinv[:, None] * t1

    return pl.pallas_call(
        body,
        grid=(nc, NM),
        in_specs=[
            pl.BlockSpec((2, 1, RB, C), lambda k, m: (0, k, m, 0)),
            pl.BlockSpec((NW, RB), lambda k, m: (0, m)),
        ],
        out_specs=[
            pl.BlockSpec((1, RB, C), lambda k, m: (k, m, 0)),
            pl.BlockSpec((1, RB, C), lambda k, m: (k, m, 0)),
        ],
        out_shape=[
            jax.ShapeDtypeStruct((nc, NP, C), jnp.float32),
            jax.ShapeDtypeStruct((nc, NP, C), jnp.float32),
        ],
    )(s1p, deg_p)


def _tc_out(h_c, t1_c, s2p, deg_p, Wcat, b2d, final):
    nc = h_c.shape[0]
    din = nc * C
    dout = Wcat.shape[1]
    mc = dout // C

    def body(h_ref, t1_ref, s_ref, deg_ref, w_ref, b_ref, *out_refs):
        dinv = _dinv_of(deg_ref[...])
        acc = jnp.zeros((RB, C), jnp.float32)
        for kk in range(nc):
            hk = h_ref[kk]
            uk = -2.0 * dinv[:, None] * (s_ref[0, kk] + s_ref[1, kk])
            w0 = w_ref[kk * C:(kk + 1) * C, :]
            w1 = w_ref[din + kk * C:din + (kk + 1) * C, :]
            w2 = w_ref[2 * din + kk * C:2 * din + (kk + 1) * C, :]
            acc = acc + jnp.dot(hk, w0, preferred_element_type=jnp.float32)
            acc = acc + jnp.dot(t1_ref[kk], w1, preferred_element_type=jnp.float32)
            acc = acc + jnp.dot(uk - hk, w2, preferred_element_type=jnp.float32)
        out = jnp.maximum(acc + b_ref[...], 0.0)
        if final:
            out_refs[0][...] = out
        else:
            out_refs[0][0] = out
            out_refs[1][0] = dinv[:, None] * out

    in_specs = [
        pl.BlockSpec((nc, RB, C), lambda m, n: (0, m, 0)),
        pl.BlockSpec((nc, RB, C), lambda m, n: (0, m, 0)),
        pl.BlockSpec((2, nc, RB, C), lambda m, n: (0, 0, m, 0)),
        pl.BlockSpec((NW, RB), lambda m, n: (0, m)),
        pl.BlockSpec((3 * din, C), lambda m, n: (0, n)),
        pl.BlockSpec((1, C), lambda m, n: (0, n)),
    ]
    if final:
        out_specs = pl.BlockSpec((RB, C), lambda m, n: (m, n))
        out_shape = jax.ShapeDtypeStruct((NP, dout), jnp.float32)
    else:
        out_specs = [
            pl.BlockSpec((1, RB, C), lambda m, n: (n, m, 0)),
            pl.BlockSpec((1, RB, C), lambda m, n: (n, m, 0)),
        ]
        out_shape = [
            jax.ShapeDtypeStruct((mc, NP, C), jnp.float32),
            jax.ShapeDtypeStruct((mc, NP, C), jnp.float32),
        ]
    return pl.pallas_call(
        body,
        grid=(NM, mc),
        in_specs=in_specs,
        out_specs=out_specs,
        out_shape=out_shape,
    )(h_c, t1_c, s2p, deg_p, Wcat, b2d)


def kernel(x, edge_index, W1_0, W1_1, W1_2, b1, W2_0, W2_1, W2_2, b2,
           W3_0, W3_1, W3_2, b3):
    src = jnp.pad(edge_index[0], (0, EP - E)).reshape(NW, EPW)
    dst = jnp.pad(edge_index[1], (0, EP - E)).reshape(NW, EPW)
    x_c = jnp.pad(x, ((0, NP - N), (0, 0))).reshape(1, NP, C)
    zero_stripe = jnp.zeros((STRIPE, C), jnp.float32)

    deg_p, srcz = _sc_deg(src, dst)
    srcz_r = srcz.reshape(NW, NB, BB)
    dst_r = dst.reshape(NW, NB, BB)

    h = x_c
    g = _tc_g0(x_c, deg_p)
    layers = [
        (W1_0, W1_1, W1_2, b1),
        (W2_0, W2_1, W2_2, b2),
        (W3_0, W3_1, W3_2, b3),
    ]
    for li, (W0, W1, W2, b) in enumerate(layers):
        final = li == len(layers) - 1
        s1p = _sc_prop(g, srcz_r, dst_r, zero_stripe)
        t1, g1 = _tc_mid(s1p, deg_p)
        s2p = _sc_prop(g1, srcz_r, dst_r, zero_stripe)
        Wcat = jnp.concatenate([W0, W1, W2], axis=0)
        b2d = b.reshape(1, -1)
        if final:
            h = _tc_out(h, t1, s2p, deg_p, Wcat, b2d, final=True)
        else:
            h, g = _tc_out(h, t1, s2p, deg_p, Wcat, b2d, final=False)
    return h[:N]

# --- scband reference (transcript-rebuilt; emitter-appended) ---
"""Pipeline reference for scband-target-encoder-31147102830959 (READ-ONLY COPY).

The authoritative reference and input builder live on the scoring server;
editing this copy changes nothing except your own understanding.
"""

import jax, jax.numpy as jnp
import numpy as np

N_NODES = 10000
N_EDGES = 320000
IN_FEATURES = 128


def _glorot(k, shape):
    fan_in, fan_out = shape
    limit = (6.0 / (fan_in + fan_out)) ** 0.5
    return jax.random.uniform(k, shape, minval=-limit, maxval=limit, dtype=jnp.float32)


def setup_inputs(seed: int = 0) -> dict:
    key = jax.random.key(seed)
    ks = jax.random.split(key, 12)
    x = jax.random.normal(ks[0], (N_NODES, IN_FEATURES), dtype=jnp.float32)
    edge_index = jax.random.randint(ks[1], (2, N_EDGES), 0, N_NODES, dtype=jnp.int32)
    dims = [(IN_FEATURES, IN_FEATURES * 2), (IN_FEATURES * 2, IN_FEATURES * 4), (IN_FEATURES * 4, IN_FEATURES * 4)]
    inp = {"x": x, "edge_index": edge_index}
    i = 2
    for li, (din, dout) in enumerate(dims, start=1):
        for kk in range(3):
            inp[f"W{li}_{kk}"] = _glorot(ks[i], (din, dout))
            i += 1
        inp[f"b{li}"] = jnp.zeros((dout,), dtype=jnp.float32)
    return inp


def _cheb_layer(x, edge_index, Ws, b, lambda_max=2.0):
    # Faithful PyG ChebConv (K=3, sym normalization, lambda_max=2.0)
    N = x.shape[0]
    src = edge_index[0]
    dst = edge_index[1]
    # remove_self_loops: zero out self-loop weights (equivalent to removal)
    w = jnp.where(src == dst, 0.0, 1.0).astype(x.dtype)
    # get_laplacian sym: deg computed by scatter over row
    deg = jnp.zeros((N,), x.dtype).at[src].add(w)
    deg_inv_sqrt = jnp.where(deg > 0, deg ** -0.5, 0.0)
    # L off-diagonal: -D^{-1/2} A D^{-1/2}; scaled by 2/lambda_max
    norm = -deg_inv_sqrt[src] * w * deg_inv_sqrt[dst]
    norm = norm * (2.0 / lambda_max)
    # L diagonal = 1, scaled by 2/lambda_max, then add_self_loops with fill -1
    diag = (2.0 / lambda_max) * 1.0 - 1.0

    def prop(h):
        msg = norm[:, None] * jnp.take(h, src, axis=0)
        out = jnp.zeros_like(h).at[dst].add(msg)
        return out + diag * h

    Tx_0 = x
    out = Tx_0 @ Ws[0]
    Tx_1 = prop(x)
    out = out + Tx_1 @ Ws[1]
    Tx_2 = 2.0 * prop(Tx_1) - Tx_0
    out = out + Tx_2 @ Ws[2]
    return out + b


def reference(x, edge_index, W1_0, W1_1, W1_2, b1, W2_0, W2_1, W2_2, b2, W3_0, W3_1, W3_2, b3):
    h = jax.nn.relu(_cheb_layer(x, edge_index, [W1_0, W1_1, W1_2], b1))
    h = jax.nn.relu(_cheb_layer(h, edge_index, [W2_0, W2_1, W2_2], b2))
    h = jax.nn.relu(_cheb_layer(h, edge_index, [W3_0, W3_1, W3_2], b3))
    return h

if __name__ == "__main__":
    import jax
    _d = setup_inputs()
    print(jax.jit(kernel)(*tuple(_d.values())))

</pallas_src>

<mosaic_0001>
#map = affine_map<(d0, d1) -> (0, 0, 0)>
#map1 = affine_map<(d0, d1) -> (0, 0)>
#map2 = affine_map<(d0, d1) -> (0, 0, 0, 0)>
module attributes {stable_mosaic.version = 14 : i64} {
  func.func @k(%arg0: i32, %arg1: i32, %arg2: memref<1x10240x128xf32, #tpu.memory_space<hbm>>, %arg3: memref<32x80x128xi32, #tpu.memory_space<hbm>>, %arg4: memref<32x80x128xi32, #tpu.memory_space<hbm>>, %arg5: memref<640x128xf32, #tpu.memory_space<hbm>>, %arg6: memref<2x1x10240x128xf32, #tpu.memory_space<hbm>>, %arg7: memref<80x128xi32, #tpu.memory_space<vmem>>, %arg8: memref<80x128xi32, #tpu.memory_space<vmem>>, %arg9: memref<128x128xf32, #tpu.memory_space<vmem>>, %arg10: memref<10240x128xf32, #tpu.memory_space<vmem_shared>>, %arg11: memref<!tpu.dma_semaphore, #tpu.memory_space<semaphore_mem>>) attributes {dimension_semantics = [#tpu.dimension_semantics<core_parallel>, #tpu.dimension_semantics<subcore_parallel>], iteration_bounds = array<i64: 2, 16>, scalar_prefetch = 0 : i64, scratch_operands = 5 : i64, tpu.core_type = #tpu.core_type<sc_vector_subcore>, window_params = [{transform_indices = #map}, {transform_indices = #map}, {transform_indices = #map}, {transform_indices = #map1}, {transform_indices = #map2}]} {
    %mul3A = arith.constant 16 : i32
    %mul3A_0 = arith.muli %arg0, %mul3A : i32
    %add3A = arith.addi %mul3A_0, %arg1 : i32
    "tpu.region"() ({
      %run_scoped3A_13 = tpu.sem_alloc : memref<!tpu.dma_semaphore, #tpu.memory_space<semaphore_mem>>
      %dma_start3A = arith.constant 0 : i32
      %dma_start3A_14 = arith.constant 0 : i32
      %dma_start3A_15 = tpu.memref_slice %arg3[%add3A, %dma_start3A, %dma_start3A_14] : memref<32x80x128xi32, #tpu.memory_space<hbm>> -> memref<1x80x128xi32, #tpu.memory_space<hbm>>
      %dma_start3A_16 = tpu.memref_squeeze %dma_start3A_15 : memref<1x80x128xi32, #tpu.memory_space<hbm>> -> memref<80x128xi32, #tpu.memory_space<hbm>>
      %dma_start3A_17 = arith.constant 0 : i32
      %dma_start3A_18 = arith.constant 0 : i32
      %dma_start3A_19 = tpu.memref_slice %arg3[%add3A, %dma_start3A_17, %dma_start3A_18] : memref<32x80x128xi32, #tpu.memory_space<hbm>> -> memref<1x80x128xi32, #tpu.memory_space<hbm>>
      %dma_start3A_20 = tpu.memref_squeeze %dma_start3A_19 : memref<1x80x128xi32, #tpu.memory_space<hbm>> -> memref<80x128xi32, #tpu.memory_space<hbm>>
      tpu.enqueue_dma source(%dma_start3A_20 : memref<80x128xi32, #tpu.memory_space<hbm>>) target(%arg7 : memref<80x128xi32, #tpu.memory_space<vmem>>) target_semaphore(%run_scoped3A_13 : memref<!tpu.dma_semaphore, #tpu.memory_space<semaphore_mem>>)
      %dma_wait3A = arith.constant 0 : i32
      %dma_wait3A_21 = arith.constant 0 : i32
      %dma_wait3A_22 = tpu.memref_slice %arg3[%add3A, %dma_wait3A, %dma_wait3A_21] : memref<32x80x128xi32, #tpu.memory_space<hbm>> -> memref<1x80x128xi32, #tpu.memory_space<hbm>>
      %dma_wait3A_23 = tpu.memref_squeeze %dma_wait3A_22 : memref<1x80x128xi32, #tpu.memory_space<hbm>> -> memref<80x128xi32, #tpu.memory_space<hbm>>
      %dma_wait3A_24 = arith.constant 0 : i32
      %dma_wait3A_25 = arith.constant 0 : i32
      %dma_wait3A_26 = tpu.memref_slice %arg3[%add3A, %dma_wait3A_24, %dma_wait3A_25] : memref<32x80x128xi32, #tpu.memory_space<hbm>> -> memref<1x80x128xi32, #tpu.memory_space<hbm>>
      %dma_wait3A_27 = tpu.memref_squeeze %dma_wait3A_26 : memref<1x80x128xi32, #tpu.memory_space<hbm>> -> memref<80x128xi32, #tpu.memory_space<hbm>>
      tpu.wait_dma2 semaphore(%run_scoped3A_13 : memref<!tpu.dma_semaphore, #tpu.memory_space<semaphore_mem>>) src(%dma_wait3A_27 : memref<80x128xi32, #tpu.memory_space<hbm>>) dst(%arg7 : memref<80x128xi32, #tpu.memory_space<vmem>>)
      tpu.yield
    }) : () -> ()
    "tpu.region"() ({
      %run_scoped3A_13 = tpu.sem_alloc : memref<!tpu.dma_semaphore, #tpu.memory_space<semaphore_mem>>
      %dma_start3A = arith.constant 0 : i32
      %dma_start3A_14 = arith.constant 0 : i32
      %dma_start3A_15 = tpu.memref_slice %arg4[%add3A, %dma_start3A, %dma_start3A_14] : memref<32x80x128xi32, #tpu.memory_space<hbm>> -> memref<1x80x128xi32, #tpu.memory_space<hbm>>
      %dma_start3A_16 = tpu.memref_squeeze %dma_start3A_15 : memref<1x80x128xi32, #tpu.memory_space<hbm>> -> memref<80x128xi32, #tpu.memory_space<hbm>>
      %dma_start3A_17 = arith.constant 0 : i32
      %dma_start3A_18 = arith.constant 0 : i32
      %dma_start3A_19 = tpu.memref_slice %arg4[%add3A, %dma_start3A_17, %dma_start3A_18] : memref<32x80x128xi32, #tpu.memory_space<hbm>> -> memref<1x80x128xi32, #tpu.memory_space<hbm>>
      %dma_start3A_20 = tpu.memref_squeeze %dma_start3A_19 : memref<1x80x128xi32, #tpu.memory_space<hbm>> -> memref<80x128xi32, #tpu.memory_space<hbm>>
      tpu.enqueue_dma source(%dma_start3A_20 : memref<80x128xi32, #tpu.memory_space<hbm>>) target(%arg8 : memref<80x128xi32, #tpu.memory_space<vmem>>) target_semaphore(%run_scoped3A_13 : memref<!tpu.dma_semaphore, #tpu.memory_space<semaphore_mem>>)
      %dma_wait3A = arith.constant 0 : i32
      %dma_wait3A_21 = arith.constant 0 : i32
      %dma_wait3A_22 = tpu.memref_slice %arg4[%add3A, %dma_wait3A, %dma_wait3A_21] : memref<32x80x128xi32, #tpu.memory_space<hbm>> -> memref<1x80x128xi32, #tpu.memory_space<hbm>>
      %dma_wait3A_23 = tpu.memref_squeeze %dma_wait3A_22 : memref<1x80x128xi32, #tpu.memory_space<hbm>> -> memref<80x128xi32, #tpu.memory_space<hbm>>
      %dma_wait3A_24 = arith.constant 0 : i32
      %dma_wait3A_25 = arith.constant 0 : i32
      %dma_wait3A_26 = tpu.memref_slice %arg4[%add3A, %dma_wait3A_24, %dma_wait3A_25] : memref<32x80x128xi32, #tpu.memory_space<hbm>> -> memref<1x80x128xi32, #tpu.memory_space<hbm>>
      %dma_wait3A_27 = tpu.memref_squeeze %dma_wait3A_26 : memref<1x80x128xi32, #tpu.memory_space<hbm>> -> memref<80x128xi32, #tpu.memory_space<hbm>>
      tpu.wait_dma2 semaphore(%run_scoped3A_13 : memref<!tpu.dma_semaphore, #tpu.memory_space<semaphore_mem>>) src(%dma_wait3A_27 : memref<80x128xi32, #tpu.memory_space<hbm>>) dst(%arg8 : memref<80x128xi32, #tpu.memory_space<vmem>>)
      tpu.yield
    }) : () -> ()
    %mul3A_1 = arith.constant 640 : i32
    %mul3A_2 = arith.muli %arg1, %mul3A_1 : i32
    "tpu.region"() ({
      %run_scoped3A_13 = tpu.sem_alloc : memref<!tpu.dma_semaphore, #tpu.memory_space<semaphore_mem>>
      %dma_start3A = arith.constant 0 : i32
      %dma_start3A_14 = tpu.memref_slice %arg10[%mul3A_2, %dma_start3A] : memref<10240x128xf32, #tpu.memory_space<vmem_shared>> -> memref<640x128xf32, #tpu.memory_space<vmem_shared>>
      tpu.enqueue_dma source(%arg5 : memref<640x128xf32, #tpu.memory_space<hbm>>) target(%dma_start3A_14 : memref<640x128xf32, #tpu.memory_space<vmem_shared>>) target_semaphore(%run_scoped3A_13 : memref<!tpu.dma_semaphore, #tpu.memory_space<semaphore_mem>>)
      %dma_wait3A = arith.constant 0 : i32
      %dma_wait3A_15 = tpu.memref_slice %arg10[%mul3A_2, %dma_wait3A] : memref<10240x128xf32, #tpu.memory_space<vmem_shared>> -> memref<640x128xf32, #tpu.memory_space<vmem_shared>>
      tpu.wait_dma2 semaphore(%run_scoped3A_13 : memref<!tpu.dma_semaphore, #tpu.memory_space<semaphore_mem>>) src(%arg5 : memref<640x128xf32, #tpu.memory_space<hbm>>) dst(%dma_wait3A_15 : memref<640x128xf32, #tpu.memory_space<vmem_shared>>)
      tpu.yield
    }) : () -> ()
    %barrier3A = arith.constant 0 : index
    tpu.barrier barrier_id(%barrier3A)
    %scan3A = arith.constant 0 : i32
    %scan3A_3 = arith.constant 0 : i32
    %scan3A_4 = arith.constant 80 : i32
    %scan3A_5 = arith.addi %scan3A_3, %scan3A_4 : i32
    %scan3A_6 = arith.constant 1 : i32
    scf.for %scan3A_13 = %scan3A_3 to %scan3A_5 step %scan3A_6  : i32 {
      %dma_start3A = arith.constant 0 : i32
      %dma_start3A_14 = arith.constant 0 : i32
      %dma_start3A_15 = tpu.memref_slice %arg7[%scan3A_13, %dma_start3A_14] : memref<80x128xi32, #tpu.memory_space<vmem>> -> memref<1x128xi32, #tpu.memory_space<vmem>>
      %dma_start3A_16 = tpu.memref_squeeze %dma_start3A_15 : memref<1x128xi32, #tpu.memory_space<vmem>> -> memref<128xi32, #tpu.memory_space<vmem>>
      %dma_start3A_17 = arith.constant 0 : i32
      %dma_start3A_18 = arith.constant 0 : i32
      %dma_start3A_19 = tpu.memref_slice %arg2[%dma_start3A, %dma_start3A_17, %dma_start3A_18] : memref<1x10240x128xf32, #tpu.memory_space<hbm>> -> memref<1x10240x128xf32, #tpu.memory_space<hbm>>
      %dma_start3A_20 = tpu.memref_squeeze %dma_start3A_19 : memref<1x10240x128xf32, #tpu.memory_space<hbm>> -> memref<10240x128xf32, #tpu.memory_space<hbm>>
      %dma_start3A_21 = arith.constant 0 : i32
      %dma_start3A_22 = arith.constant 0 : i32
      %dma_start3A_23 = tpu.memref_slice %dma_start3A_20[%dma_start3A_21, %dma_start3A_22] : memref<10240x128xf32, #tpu.memory_space<hbm>> -> memref<10240x128xf32, #tpu.memory_space<hbm>>
      tpu.enqueue_indirect_dma source(%dma_start3A_23 : memref<10240x128xf32, #tpu.memory_space<hbm>>) target(%arg9 : memref<128x128xf32, #tpu.memory_space<vmem>>) offsets(%dma_start3A_16 : memref<128xi32, #tpu.memory_space<vmem>>) semaphore(%arg11 : memref<!tpu.dma_semaphore, #tpu.memory_space<semaphore_mem>>)
      %dma_wait3A = arith.constant 0 : i32
      %dma_wait3A_24 = arith.constant 0 : i32
      %dma_wait3A_25 = tpu.memref_slice %arg7[%scan3A_13, %dma_wait3A_24] : memref<80x128xi32, #tpu.memory_space<vmem>> -> memref<1x128xi32, #tpu.memory_space<vmem>>
      %dma_wait3A_26 = tpu.memref_squeeze %dma_wait3A_25 : memref<1x128xi32, #tpu.memory_space<vmem>> -> memref<128xi32, #tpu.memory_space<vmem>>
      %dma_wait3A_27 = arith.constant 0 : i32
      %dma_wait3A_28 = arith.constant 0 : i32
      %dma_wait3A_29 = tpu.memref_slice %arg2[%dma_wait3A, %dma_wait3A_27, %dma_wait3A_28] : memref<1x10240x128xf32, #tpu.memory_space<hbm>> -> memref<1x10240x128xf32, #tpu.memory_space<hbm>>
      %dma_wait3A_30 = tpu.memref_squeeze %dma_wait3A_29 : memref<1x10240x128xf32, #tpu.memory_space<hbm>> -> memref<10240x128xf32, #tpu.memory_space<hbm>>
      %dma_wait3A_31 = arith.constant 0 : i32
      %dma_wait3A_32 = arith.constant 0 : i32
      %dma_wait3A_33 = tpu.memref_slice %dma_wait3A_30[%dma_wait3A_31, %dma_wait3A_32] : memref<10240x128xf32, #tpu.memory_space<hbm>> -> memref<10240x128xf32, #tpu.memory_space<hbm>>
      tpu.wait_indirect_dma semaphore(%arg11 : memref<!tpu.dma_semaphore, #tpu.memory_space<semaphore_mem>>) src(%dma_wait3A_33 : memref<10240x128xf32, #tpu.memory_space<hbm>>) dst(%arg9 : memref<128x128xf32, #tpu.memory_space<vmem>>)
      "tpu.region"() ({
        %run_scoped3A_34 = tpu.sem_alloc : memref<!tpu.dma_semaphore, #tpu.memory_space<semaphore_mem>>
        %dma_start3A_35 = arith.constant 0 : i32
        %dma_start3A_36 = tpu.memref_slice %arg8[%scan3A_13, %dma_start3A_35] : memref<80x128xi32, #tpu.memory_space<vmem>> -> memref<1x128xi32, #tpu.memory_space<vmem>>
        %dma_start3A_37 = tpu.memref_squeeze %dma_start3A_36 : memref<1x128xi32, #tpu.memory_space<vmem>> -> memref<128xi32, #tpu.memory_space<vmem>>
        %dma_start3A_38 = arith.constant 0 : i32
        %dma_start3A_39 = arith.constant 0 : i32
        %dma_start3A_40 = tpu.memref_slice %arg10[%dma_start3A_38, %dma_start3A_39] : memref<10240x128xf32, #tpu.memory_space<vmem_shared>> -> memref<10240x128xf32, #tpu.memory_space<vmem_shared>>
        tpu.enqueue_indirect_dma source(%arg9 : memref<128x128xf32, #tpu.memory_space<vmem>>) target(%dma_start3A_40 : memref<10240x128xf32, #tpu.memory_space<vmem_shared>>) offsets(%dma_start3A_37 : memref<128xi32, #tpu.memory_space<vmem>>) semaphore(%run_scoped3A_34 : memref<!tpu.dma_semaphore, #tpu.memory_space<semaphore_mem>>) {add = true}
        %dma_wait3A_41 = arith.constant 0 : i32
        %dma_wait3A_42 = tpu.memref_slice %arg8[%scan3A_13, %dma_wait3A_41] : memref<80x128xi32, #tpu.memory_space<vmem>> -> memref<1x128xi32, #tpu.memory_space<vmem>>
        %dma_wait3A_43 = tpu.memref_squeeze %dma_wait3A_42 : memref<1x128xi32, #tpu.memory_space<vmem>> -> memref<128xi32, #tpu.memory_space<vmem>>
        %dma_wait3A_44 = arith.constant 0 : i32
        %dma_wait3A_45 = arith.constant 0 : i32
        %dma_wait3A_46 = tpu.memref_slice %arg10[%dma_wait3A_44, %dma_wait3A_45] : memref<10240x128xf32, #tpu.memory_space<vmem_shared>> -> memref<10240x128xf32, #tpu.memory_space<vmem_shared>>
        tpu.wait_indirect_dma semaphore(%run_scoped3A_34 : memref<!tpu.dma_semaphore, #tpu.memory_space<semaphore_mem>>) src(%arg9 : memref<128x128xf32, #tpu.memory_space<vmem>>) dst(%dma_wait3A_46 : memref<10240x128xf32, #tpu.memory_space<vmem_shared>>)
        tpu.yield
      }) : () -> ()
    }
    %scan3A_7 = arith.constant 80 : i32
    %barrier3A_8 = arith.constant 0 : index
    tpu.barrier barrier_id(%barrier3A_8)
    %mul3A_9 = arith.constant 640 : i32
    %mul3A_10 = arith.muli %arg1, %mul3A_9 : i32
    %mul3A_11 = arith.constant 640 : i32
    %mul3A_12 = arith.muli %arg1, %mul3A_11 : i32
    %run_scoped3A = arith.constant 0 : i32
    "tpu.region"() ({
      %run_scoped3A_13 = tpu.sem_alloc : memref<!tpu.dma_semaphore, #tpu.memory_space<semaphore_mem>>
      %dma_start3A = arith.constant 0 : i32
      %dma_start3A_14 = arith.constant 0 : i32
      %dma_start3A_15 = arith.constant 0 : i32
      %dma_start3A_16 = tpu.memref_slice %arg6[%arg0, %dma_start3A, %dma_start3A_14, %dma_start3A_15] : memref<2x1x10240x128xf32, #tpu.memory_space<hbm>> -> memref<1x1x10240x128xf32, #tpu.memory_space<hbm>>
      %dma_start3A_17 = tpu.memref_squeeze %dma_start3A_16 : memref<1x1x10240x128xf32, #tpu.memory_space<hbm>> -> memref<1x10240x128xf32, #tpu.memory_space<hbm>>
      %dma_start3A_18 = arith.constant 0 : i32
      %dma_start3A_19 = arith.constant 0 : i32
      %dma_start3A_20 = tpu.memref_slice %dma_start3A_17[%run_scoped3A, %dma_start3A_18, %dma_start3A_19] : memref<1x10240x128xf32, #tpu.memory_space<hbm>> -> memref<1x10240x128xf32, #tpu.memory_space<hbm>>
      %dma_start3A_21 = tpu.memref_squeeze %dma_start3A_20 : memref<1x10240x128xf32, #tpu.memory_space<hbm>> -> memref<10240x128xf32, #tpu.memory_space<hbm>>
      %dma_start3A_22 = arith.constant 0 : i32
      %dma_start3A_23 = tpu.memref_slice %dma_start3A_21[%mul3A_12, %dma_start3A_22] : memref<10240x128xf32, #tpu.memory_space<hbm>> -> memref<640x128xf32, #tpu.memory_space<hbm>>
      %dma_start3A_24 = arith.constant 0 : i32
      %dma_start3A_25 = tpu.memref_slice %arg10[%mul3A_10, %dma_start3A_24] : memref<10240x128xf32, #tpu.memory_space<vmem_shared>> -> memref<640x128xf32, #tpu.memory_space<vmem_shared>>
      tpu.enqueue_dma source(%dma_start3A_25 : memref<640x128xf32, #tpu.memory_space<vmem_shared>>) target(%dma_start3A_23 : memref<640x128xf32, #tpu.memory_space<hbm>>) target_semaphore(%run_scoped3A_13 : memref<!tpu.dma_semaphore, #tpu.memory_space<semaphore_mem>>)
      %dma_wait3A = arith.constant 0 : i32
      %dma_wait3A_26 = arith.constant 0 : i32
      %dma_wait3A_27 = arith.constant 0 : i32
      %dma_wait3A_28 = tpu.memref_slice %arg6[%arg0, %dma_wait3A, %dma_wait3A_26, %dma_wait3A_27] : memref<2x1x10240x128xf32, #tpu.memory_space<hbm>> -> memref<1x1x10240x128xf32, #tpu.memory_space<hbm>>
      %dma_wait3A_29 = tpu.memref_squeeze %dma_wait3A_28 : memref<1x1x10240x128xf32, #tpu.memory_space<hbm>> -> memref<1x10240x128xf32, #tpu.memory_space<hbm>>
      %dma_wait3A_30 = arith.constant 0 : i32
      %dma_wait3A_31 = arith.constant 0 : i32
      %dma_wait3A_32 = tpu.memref_slice %dma_wait3A_29[%run_scoped3A, %dma_wait3A_30, %dma_wait3A_31] : memref<1x10240x128xf32, #tpu.memory_space<hbm>> -> memref<1x10240x128xf32, #tpu.memory_space<hbm>>
      %dma_wait3A_33 = tpu.memref_squeeze %dma_wait3A_32 : memref<1x10240x128xf32, #tpu.memory_space<hbm>> -> memref<10240x128xf32, #tpu.memory_space<hbm>>
      %dma_wait3A_34 = arith.constant 0 : i32
      %dma_wait3A_35 = tpu.memref_slice %dma_wait3A_33[%mul3A_12, %dma_wait3A_34] : memref<10240x128xf32, #tpu.memory_space<hbm>> -> memref<640x128xf32, #tpu.memory_space<hbm>>
      %dma_wait3A_36 = arith.constant 0 : i32
      %dma_wait3A_37 = tpu.memref_slice %arg10[%mul3A_10, %dma_wait3A_36] : memref<10240x128xf32, #tpu.memory_space<vmem_shared>> -> memref<640x128xf32, #tpu.memory_space<vmem_shared>>
      tpu.wait_dma2 semaphore(%run_scoped3A_13 : memref<!tpu.dma_semaphore, #tpu.memory_space<semaphore_mem>>) src(%dma_wait3A_37 : memref<640x128xf32, #tpu.memory_space<vmem_shared>>) dst(%dma_wait3A_35 : memref<640x128xf32, #tpu.memory_space<hbm>>)
      tpu.yield
    }) : () -> ()
    return
  }
}

#map = affine_map<(d0, d1) -> (0, 0)>
module attributes {stable_mosaic.version = 14 : i64} {
  func.func @k(%arg0: i32, %arg1: i32, %arg2: memref<32x10240xi32, #tpu.memory_space<hbm>>, %arg3: memref<32x10240xi32, #tpu.memory_space<hbm>>, %arg4: memref<32x10240xf32, #tpu.memory_space<hbm>>, %arg5: memref<32x10240xi32, #tpu.memory_space<hbm>>, %arg6: memref<10240xi32, #tpu.memory_space<vmem>>, %arg7: memref<10240xi32, #tpu.memory_space<vmem>>, %arg8: memref<10240xi32, #tpu.memory_space<vmem>>, %arg9: memref<10240xf32, #tpu.memory_space<vmem>>) attributes {dimension_semantics = [#tpu.dimension_semantics<core_parallel>, #tpu.dimension_semantics<subcore_parallel>], iteration_bounds = array<i64: 2, 16>, scalar_prefetch = 0 : i64, scratch_operands = 4 : i64, tpu.core_type = #tpu.core_type<sc_vector_subcore>, window_params = [{transform_indices = #map}, {transform_indices = #map}, {transform_indices = #map}, {transform_indices = #map}]} {
    %mul3A = arith.constant 16 : i32
    %mul3A_0 = arith.muli %arg0, %mul3A : i32
    %add3A = arith.addi %mul3A_0, %arg1 : i32
    "tpu.region"() ({
      %run_scoped3A = tpu.sem_alloc : memref<!tpu.dma_semaphore, #tpu.memory_space<semaphore_mem>>
      %dma_start3A = arith.constant 0 : i32
      %dma_start3A_13 = tpu.memref_slice %arg2[%add3A, %dma_start3A] : memref<32x10240xi32, #tpu.memory_space<hbm>> -> memref<1x10240xi32, #tpu.memory_space<hbm>>
      %dma_start3A_14 = tpu.memref_squeeze %dma_start3A_13 : memref<1x10240xi32, #tpu.memory_space<hbm>> -> memref<10240xi32, #tpu.memory_space<hbm>>
      %dma_start3A_15 = arith.constant 0 : i32
      %dma_start3A_16 = tpu.memref_slice %arg2[%add3A, %dma_start3A_15] : memref<32x10240xi32, #tpu.memory_space<hbm>> -> memref<1x10240xi32, #tpu.memory_space<hbm>>
      %dma_start3A_17 = tpu.memref_squeeze %dma_start3A_16 : memref<1x10240xi32, #tpu.memory_space<hbm>> -> memref<10240xi32, #tpu.memory_space<hbm>>
      tpu.enqueue_dma source(%dma_start3A_17 : memref<10240xi32, #tpu.memory_space<hbm>>) target(%arg6 : memref<10240xi32, #tpu.memory_space<vmem>>) target_semaphore(%run_scoped3A : memref<!tpu.dma_semaphore, #tpu.memory_space<semaphore_mem>>)
      %dma_wait3A = arith.constant 0 : i32
      %dma_wait3A_18 = tpu.memref_slice %arg2[%add3A, %dma_wait3A] : memref<32x10240xi32, #tpu.memory_space<hbm>> -> memref<1x10240xi32, #tpu.memory_space<hbm>>
      %dma_wait3A_19 = tpu.memref_squeeze %dma_wait3A_18 : memref<1x10240xi32, #tpu.memory_space<hbm>> -> memref<10240xi32, #tpu.memory_space<hbm>>
      %dma_wait3A_20 = arith.constant 0 : i32
      %dma_wait3A_21 = tpu.memref_slice %arg2[%add3A, %dma_wait3A_20] : memref<32x10240xi32, #tpu.memory_space<hbm>> -> memref<1x10240xi32, #tpu.memory_space<hbm>>
      %dma_wait3A_22 = tpu.memref_squeeze %dma_wait3A_21 : memref<1x10240xi32, #tpu.memory_space<hbm>> -> memref<10240xi32, #tpu.memory_space<hbm>>
      tpu.wait_dma2 semaphore(%run_scoped3A : memref<!tpu.dma_semaphore, #tpu.memory_space<semaphore_mem>>) src(%dma_wait3A_22 : memref<10240xi32, #tpu.memory_space<hbm>>) dst(%arg6 : memref<10240xi32, #tpu.memory_space<vmem>>)
      tpu.yield
    }) : () -> ()
    "tpu.region"() ({
      %run_scoped3A = tpu.sem_alloc : memref<!tpu.dma_semaphore, #tpu.memory_space<semaphore_mem>>
      %dma_start3A = arith.constant 0 : i32
      %dma_start3A_13 = tpu.memref_slice %arg3[%add3A, %dma_start3A] : memref<32x10240xi32, #tpu.memory_space<hbm>> -> memref<1x10240xi32, #tpu.memory_space<hbm>>
      %dma_start3A_14 = tpu.memref_squeeze %dma_start3A_13 : memref<1x10240xi32, #tpu.memory_space<hbm>> -> memref<10240xi32, #tpu.memory_space<hbm>>
      %dma_start3A_15 = arith.constant 0 : i32
      %dma_start3A_16 = tpu.memref_slice %arg3[%add3A, %dma_start3A_15] : memref<32x10240xi32, #tpu.memory_space<hbm>> -> memref<1x10240xi32, #tpu.memory_space<hbm>>
      %dma_start3A_17 = tpu.memref_squeeze %dma_start3A_16 : memref<1x10240xi32, #tpu.memory_space<hbm>> -> memref<10240xi32, #tpu.memory_space<hbm>>
      tpu.enqueue_dma source(%dma_start3A_17 : memref<10240xi32, #tpu.memory_space<hbm>>) target(%arg7 : memref<10240xi32, #tpu.memory_space<vmem>>) target_semaphore(%run_scoped3A : memref<!tpu.dma_semaphore, #tpu.memory_space<semaphore_mem>>)
      %dma_wait3A = arith.constant 0 : i32
      %dma_wait3A_18 = tpu.memref_slice %arg3[%add3A, %dma_wait3A] : memref<32x10240xi32, #tpu.memory_space<hbm>> -> memref<1x10240xi32, #tpu.memory_space<hbm>>
      %dma_wait3A_19 = tpu.memref_squeeze %dma_wait3A_18 : memref<1x10240xi32, #tpu.memory_space<hbm>> -> memref<10240xi32, #tpu.memory_space<hbm>>
      %dma_wait3A_20 = arith.constant 0 : i32
      %dma_wait3A_21 = tpu.memref_slice %arg3[%add3A, %dma_wait3A_20] : memref<32x10240xi32, #tpu.memory_space<hbm>> -> memref<1x10240xi32, #tpu.memory_space<hbm>>
      %dma_wait3A_22 = tpu.memref_squeeze %dma_wait3A_21 : memref<1x10240xi32, #tpu.memory_space<hbm>> -> memref<10240xi32, #tpu.memory_space<hbm>>
      tpu.wait_dma2 semaphore(%run_scoped3A : memref<!tpu.dma_semaphore, #tpu.memory_space<semaphore_mem>>) src(%dma_wait3A_22 : memref<10240xi32, #tpu.memory_space<hbm>>) dst(%arg7 : memref<10240xi32, #tpu.memory_space<vmem>>)
      tpu.yield
    }) : () -> ()
    %scan3A = arith.constant 0 : i32
    %scan3A_1 = arith.constant 0 : i32
    %scan3A_2 = arith.constant 640 : i32
    %scan3A_3 = arith.addi %scan3A_1, %scan3A_2 : i32
    %scan3A_4 = arith.constant 1 : i32
    scf.for %scan3A_13 = %scan3A_1 to %scan3A_3 step %scan3A_4  : i32 {
      %broadcast_in_dim3A_14 = arith.constant 0.000000e+00 : f32
      %broadcast_in_dim3A_15 = vector.broadcast %broadcast_in_dim3A_14 : f32 to vector<16xf32>
      %mul3A_16 = arith.constant 16 : i32
      %mul3A_17 = arith.muli %scan3A_13, %mul3A_16 : i32
      %swap3A = arith.index_cast %mul3A_17 : i32 to index
      %swap3A_18 = tpu.vector_load %arg9[%swap3A] {strides = array<i32>} : memref<10240xf32, #tpu.memory_space<vmem>>, vector<16xf32>,
      tpu.vector_store %arg9[%swap3A], %broadcast_in_dim3A_15 {strides = array<i32>} : memref<10240xf32, #tpu.memory_space<vmem>>, vector<16xf32>,
    }
    %scan3A_5 = arith.constant 640 : i32
    %broadcast_in_dim3A = arith.constant 1.000000e+00 : f32
    %broadcast_in_dim3A_6 = vector.broadcast %broadcast_in_dim3A : f32 to vector<16xf32>
    %scan3A_7 = arith.constant 0 : i32
    %scan3A_8 = arith.constant 0 : i32
    %scan3A_9 = arith.constant 640 : i32
    %scan3A_10 = arith.addi %scan3A_8, %scan3A_9 : i32
    %scan3A_11 = arith.constant 1 : i32
    scf.for %scan3A_13 = %scan3A_8 to %scan3A_10 step %scan3A_11  : i32 {
      %mul3A_14 = arith.constant 16 : i32
      %mul3A_15 = arith.muli %scan3A_13, %mul3A_14 : i32
      %get3A = arith.index_cast %mul3A_15 : i32 to index
      %get3A_16 = tpu.vector_load %arg6[%get3A] {strides = array<i32>} : memref<10240xi32, #tpu.memory_space<vmem>>, vector<16xi32>,
      %mul3A_17 = arith.constant 16 : i32
      %mul3A_18 = arith.muli %scan3A_13, %mul3A_17 : i32
      %get3A_19 = arith.index_cast %mul3A_18 : i32 to index
      %get3A_20 = tpu.vector_load %arg7[%get3A_19] {strides = array<i32>} : memref<10240xi32, #tpu.memory_space<vmem>>, vector<16xi32>,
      %ne3A = arith.cmpi ne, %get3A_16, %get3A_20 : vector<16xi32>
      tpu.vector_store_idx %arg9[%get3A_16], %broadcast_in_dim3A_6 masked %ne3A {add = true} : memref<10240xf32, #tpu.memory_space<vmem>>[vector<16xi32>], vector<16xf32>, vector<16xi1>
      %jit3A = arith.constant 10000 : i32
      %broadcast_in_dim3A_21 = vector.broadcast %jit3A : i32 to vector<16xi32>
      %select_n3A = arith.select %ne3A, %get3A_16, %broadcast_in_dim3A_21 : vector<16xi1>, vector<16xi32>
      %mul3A_22 = arith.constant 16 : i32
      %mul3A_23 = arith.muli %scan3A_13, %mul3A_22 : i32
      %swap3A = arith.index_cast %mul3A_23 : i32 to index
      %swap3A_24 = tpu.vector_load %arg8[%swap3A] {strides = array<i32>} : memref<10240xi32, #tpu.memory_space<vmem>>, vector<16xi32>,
      tpu.vector_store %arg8[%swap3A], %select_n3A {strides = array<i32>} : memref<10240xi32, #tpu.memory_space<vmem>>, vector<16xi32>,
    }
    %scan3A_12 = arith.constant 640 : i32
    "tpu.region"() ({
      %run_scoped3A = tpu.sem_alloc : memref<!tpu.dma_semaphore, #tpu.memory_space<semaphore_mem>>
      %dma_start3A = arith.constant 0 : i32
      %dma_start3A_13 = tpu.memref_slice %arg4[%add3A, %dma_start3A] : memref<32x10240xf32, #tpu.memory_space<hbm>> -> memref<1x10240xf32, #tpu.memory_space<hbm>>
      %dma_start3A_14 = tpu.memref_squeeze %dma_start3A_13 : memref<1x10240xf32, #tpu.memory_space<hbm>> -> memref<10240xf32, #tpu.memory_space<hbm>>
      %dma_start3A_15 = arith.constant 0 : i32
      %dma_start3A_16 = tpu.memref_slice %arg4[%add3A, %dma_start3A_15] : memref<32x10240xf32, #tpu.memory_space<hbm>> -> memref<1x10240xf32, #tpu.memory_space<hbm>>
      %dma_start3A_17 = tpu.memref_squeeze %dma_start3A_16 : memref<1x10240xf32, #tpu.memory_space<hbm>> -> memref<10240xf32, #tpu.memory_space<hbm>>
      tpu.enqueue_dma source(%arg9 : memref<10240xf32, #tpu.memory_space<vmem>>) target(%dma_start3A_17 : memref<10240xf32, #tpu.memory_space<hbm>>) target_semaphore(%run_scoped3A : memref<!tpu.dma_semaphore, #tpu.memory_space<semaphore_mem>>)
      %dma_wait3A = arith.constant 0 : i32
      %dma_wait3A_18 = tpu.memref_slice %arg4[%add3A, %dma_wait3A] : memref<32x10240xf32, #tpu.memory_space<hbm>> -> memref<1x10240xf32, #tpu.memory_space<hbm>>
      %dma_wait3A_19 = tpu.memref_squeeze %dma_wait3A_18 : memref<1x10240xf32, #tpu.memory_space<hbm>> -> memref<10240xf32, #tpu.memory_space<hbm>>
      %dma_wait3A_20 = arith.constant 0 : i32
      %dma_wait3A_21 = tpu.memref_slice %arg4[%add3A, %dma_wait3A_20] : memref<32x10240xf32, #tpu.memory_space<hbm>> -> memref<1x10240xf32, #tpu.memory_space<hbm>>
      %dma_wait3A_22 = tpu.memref_squeeze %dma_wait3A_21 : memref<1x10240xf32, #tpu.memory_space<hbm>> -> memref<10240xf32, #tpu.memory_space<hbm>>
      tpu.wait_dma2 semaphore(%run_scoped3A : memref<!tpu.dma_semaphore, #tpu.memory_space<semaphore_mem>>) src(%arg9 : memref<10240xf32, #tpu.memory_space<vmem>>) dst(%dma_wait3A_22 : memref<10240xf32, #tpu.memory_space<hbm>>)
      tpu.yield
    }) : () -> ()
    "tpu.region"() ({
      %run_scoped3A = tpu.sem_alloc : memref<!tpu.dma_semaphore, #tpu.memory_space<semaphore_mem>>
      %dma_start3A = arith.constant 0 : i32
      %dma_start3A_13 = tpu.memref_slice %arg5[%add3A, %dma_start3A] : memref<32x10240xi32, #tpu.memory_space<hbm>> -> memref<1x10240xi32, #tpu.memory_space<hbm>>
      %dma_start3A_14 = tpu.memref_squeeze %dma_start3A_13 : memref<1x10240xi32, #tpu.memory_space<hbm>> -> memref<10240xi32, #tpu.memory_space<hbm>>
      %dma_start3A_15 = arith.constant 0 : i32
      %dma_start3A_16 = tpu.memref_slice %arg5[%add3A, %dma_start3A_15] : memref<32x10240xi32, #tpu.memory_space<hbm>> -> memref<1x10240xi32, #tpu.memory_space<hbm>>
      %dma_start3A_17 = tpu.memref_squeeze %dma_start3A_16 : memref<1x10240xi32, #tpu.memory_space<hbm>> -> memref<10240xi32, #tpu.memory_space<hbm>>
      tpu.enqueue_dma source(%arg8 : memref<10240xi32, #tpu.memory_space<vmem>>) target(%dma_start3A_17 : memref<10240xi32, #tpu.memory_space<hbm>>) target_semaphore(%run_scoped3A : memref<!tpu.dma_semaphore, #tpu.memory_space<semaphore_mem>>)
      %dma_wait3A = arith.constant 0 : i32
      %dma_wait3A_18 = tpu.memref_slice %arg5[%add3A, %dma_wait3A] : memref<32x10240xi32, #tpu.memory_space<hbm>> -> memref<1x10240xi32, #tpu.memory_space<hbm>>
      %dma_wait3A_19 = tpu.memref_squeeze %dma_wait3A_18 : memref<1x10240xi32, #tpu.memory_space<hbm>> -> memref<10240xi32, #tpu.memory_space<hbm>>
      %dma_wait3A_20 = arith.constant 0 : i32
      %dma_wait3A_21 = tpu.memref_slice %arg5[%add3A, %dma_wait3A_20] : memref<32x10240xi32, #tpu.memory_space<hbm>> -> memref<1x10240xi32, #tpu.memory_space<hbm>>
      %dma_wait3A_22 = tpu.memref_squeeze %dma_wait3A_21 : memref<1x10240xi32, #tpu.memory_space<hbm>> -> memref<10240xi32, #tpu.memory_space<hbm>>
      tpu.wait_dma2 semaphore(%run_scoped3A : memref<!tpu.dma_semaphore, #tpu.memory_space<semaphore_mem>>) src(%arg8 : memref<10240xi32, #tpu.memory_space<vmem>>) dst(%dma_wait3A_22 : memref<10240xi32, #tpu.memory_space<hbm>>)
      tpu.yield
    }) : () -> ()
    return
  }
}

#map = affine_map<(d0, d1) -> (0, 0, 0)>
#map1 = affine_map<(d0, d1) -> (0, 0)>
#map2 = affine_map<(d0, d1) -> (0, 0, 0, 0)>
module attributes {stable_mosaic.version = 14 : i64} {
  func.func @k(%arg0: i32, %arg1: i32, %arg2: memref<1x10240x128xf32, #tpu.memory_space<hbm>>, %arg3: memref<32x80x128xi32, #tpu.memory_space<hbm>>, %arg4: memref<32x80x128xi32, #tpu.memory_space<hbm>>, %arg5: memref<640x128xf32, #tpu.memory_space<hbm>>, %arg6: memref<2x1x10240x128xf32, #tpu.memory_space<hbm>>, %arg7: memref<80x128xi32, #tpu.memory_space<vmem>>, %arg8: memref<80x128xi32, #tpu.memory_space<vmem>>, %arg9: memref<128x128xf32, #tpu.memory_space<vmem>>, %arg10: memref<10240x128xf32, #tpu.memory_space<vmem_shared>>, %arg11: memref<!tpu.dma_semaphore, #tpu.memory_space<semaphore_mem>>) attributes {dimension_semantics = [#tpu.dimension_semantics<core_parallel>, #tpu.dimension_semantics<subcore_parallel>], iteration_bounds = array<i64: 2, 16>, scalar_prefetch = 0 : i64, scratch_operands = 5 : i64, tpu.core_type = #tpu.core_type<sc_vector_subcore>, window_params = [{transform_indices = #map}, {transform_indices = #map}, {transform_indices = #map}, {transform_indices = #map1}, {transform_indices = #map2}]} {
    %mul3A = arith.constant 16 : i32
    %mul3A_0 = arith.muli %arg0, %mul3A : i32
    %add3A = arith.addi %mul3A_0, %arg1 : i32
    "tpu.region"() ({
      %run_scoped3A_13 = tpu.sem_alloc : memref<!tpu.dma_semaphore, #tpu.memory_space<semaphore_mem>>
      %dma_start3A = arith.constant 0 : i32
      %dma_start3A_14 = arith.constant 0 : i32
      %dma_start3A_15 = tpu.memref_slice %arg3[%add3A, %dma_start3A, %dma_start3A_14] : memref<32x80x128xi32, #tpu.memory_space<hbm>> -> memref<1x80x128xi32, #tpu.memory_space<hbm>>
      %dma_start3A_16 = tpu.memref_squeeze %dma_start3A_15 : memref<1x80x128xi32, #tpu.memory_space<hbm>> -> memref<80x128xi32, #tpu.memory_space<hbm>>
      %dma_start3A_17 = arith.constant 0 : i32
      %dma_start3A_18 = arith.constant 0 : i32
      %dma_start3A_19 = tpu.memref_slice %arg3[%add3A, %dma_start3A_17, %dma_start3A_18] : memref<32x80x128xi32, #tpu.memory_space<hbm>> -> memref<1x80x128xi32, #tpu.memory_space<hbm>>
      %dma_start3A_20 = tpu.memref_squeeze %dma_start3A_19 : memref<1x80x128xi32, #tpu.memory_space<hbm>> -> memref<80x128xi32, #tpu.memory_space<hbm>>
      tpu.enqueue_dma source(%dma_start3A_20 : memref<80x128xi32, #tpu.memory_space<hbm>>) target(%arg7 : memref<80x128xi32, #tpu.memory_space<vmem>>) target_semaphore(%run_scoped3A_13 : memref<!tpu.dma_semaphore, #tpu.memory_space<semaphore_mem>>)
      %dma_wait3A = arith.constant 0 : i32
      %dma_wait3A_21 = arith.constant 0 : i32
      %dma_wait3A_22 = tpu.memref_slice %arg3[%add3A, %dma_wait3A, %dma_wait3A_21] : memref<32x80x128xi32, #tpu.memory_space<hbm>> -> memref<1x80x128xi32, #tpu.memory_space<hbm>>
      %dma_wait3A_23 = tpu.memref_squeeze %dma_wait3A_22 : memref<1x80x128xi32, #tpu.memory_space<hbm>> -> memref<80x128xi32, #tpu.memory_space<hbm>>
      %dma_wait3A_24 = arith.constant 0 : i32
      %dma_wait3A_25 = arith.constant 0 : i32
      %dma_wait3A_26 = tpu.memref_slice %arg3[%add3A, %dma_wait3A_24, %dma_wait3A_25] : memref<32x80x128xi32, #tpu.memory_space<hbm>> -> memref<1x80x128xi32, #tpu.memory_space<hbm>>
      %dma_wait3A_27 = tpu.memref_squeeze %dma_wait3A_26 : memref<1x80x128xi32, #tpu.memory_space<hbm>> -> memref<80x128xi32, #tpu.memory_space<hbm>>
      tpu.wait_dma2 semaphore(%run_scoped3A_13 : memref<!tpu.dma_semaphore, #tpu.memory_space<semaphore_mem>>) src(%dma_wait3A_27 : memref<80x128xi32, #tpu.memory_space<hbm>>) dst(%arg7 : memref<80x128xi32, #tpu.memory_space<vmem>>)
      tpu.yield
    }) : () -> ()
    "tpu.region"() ({
      %run_scoped3A_13 = tpu.sem_alloc : memref<!tpu.dma_semaphore, #tpu.memory_space<semaphore_mem>>
      %dma_start3A = arith.constant 0 : i32
      %dma_start3A_14 = arith.constant 0 : i32
      %dma_start3A_15 = tpu.memref_slice %arg4[%add3A, %dma_start3A, %dma_start3A_14] : memref<32x80x128xi32, #tpu.memory_space<hbm>> -> memref<1x80x128xi32, #tpu.memory_space<hbm>>
      %dma_start3A_16 = tpu.memref_squeeze %dma_start3A_15 : memref<1x80x128xi32, #tpu.memory_space<hbm>> -> memref<80x128xi32, #tpu.memory_space<hbm>>
      %dma_start3A_17 = arith.constant 0 : i32
      %dma_start3A_18 = arith.constant 0 : i32
      %dma_start3A_19 = tpu.memref_slice %arg4[%add3A, %dma_start3A_17, %dma_start3A_18] : memref<32x80x128xi32, #tpu.memory_space<hbm>> -> memref<1x80x128xi32, #tpu.memory_space<hbm>>
      %dma_start3A_20 = tpu.memref_squeeze %dma_start3A_19 : memref<1x80x128xi32, #tpu.memory_space<hbm>> -> memref<80x128xi32, #tpu.memory_space<hbm>>
      tpu.enqueue_dma source(%dma_start3A_20 : memref<80x128xi32, #tpu.memory_space<hbm>>) target(%arg8 : memref<80x128xi32, #tpu.memory_space<vmem>>) target_semaphore(%run_scoped3A_13 : memref<!tpu.dma_semaphore, #tpu.memory_space<semaphore_mem>>)
      %dma_wait3A = arith.constant 0 : i32
      %dma_wait3A_21 = arith.constant 0 : i32
      %dma_wait3A_22 = tpu.memref_slice %arg4[%add3A, %dma_wait3A, %dma_wait3A_21] : memref<32x80x128xi32, #tpu.memory_space<hbm>> -> memref<1x80x128xi32, #tpu.memory_space<hbm>>
      %dma_wait3A_23 = tpu.memref_squeeze %dma_wait3A_22 : memref<1x80x128xi32, #tpu.memory_space<hbm>> -> memref<80x128xi32, #tpu.memory_space<hbm>>
      %dma_wait3A_24 = arith.constant 0 : i32
      %dma_wait3A_25 = arith.constant 0 : i32
      %dma_wait3A_26 = tpu.memref_slice %arg4[%add3A, %dma_wait3A_24, %dma_wait3A_25] : memref<32x80x128xi32, #tpu.memory_space<hbm>> -> memref<1x80x128xi32, #tpu.memory_space<hbm>>
      %dma_wait3A_27 = tpu.memref_squeeze %dma_wait3A_26 : memref<1x80x128xi32, #tpu.memory_space<hbm>> -> memref<80x128xi32, #tpu.memory_space<hbm>>
      tpu.wait_dma2 semaphore(%run_scoped3A_13 : memref<!tpu.dma_semaphore, #tpu.memory_space<semaphore_mem>>) src(%dma_wait3A_27 : memref<80x128xi32, #tpu.memory_space<hbm>>) dst(%arg8 : memref<80x128xi32, #tpu.memory_space<vmem>>)
      tpu.yield
    }) : () -> ()
    %mul3A_1 = arith.constant 640 : i32
    %mul3A_2 = arith.muli %arg1, %mul3A_1 : i32
    "tpu.region"() ({
      %run_scoped3A_13 = tpu.sem_alloc : memref<!tpu.dma_semaphore, #tpu.memory_space<semaphore_mem>>
      %dma_start3A = arith.constant 0 : i32
      %dma_start3A_14 = tpu.memref_slice %arg10[%mul3A_2, %dma_start3A] : memref<10240x128xf32, #tpu.memory_space<vmem_shared>> -> memref<640x128xf32, #tpu.memory_space<vmem_shared>>
      tpu.enqueue_dma source(%arg5 : memref<640x128xf32, #tpu.memory_space<hbm>>) target(%dma_start3A_14 : memref<640x128xf32, #tpu.memory_space<vmem_shared>>) target_semaphore(%run_scoped3A_13 : memref<!tpu.dma_semaphore, #tpu.memory_space<semaphore_mem>>)
      %dma_wait3A = arith.constant 0 : i32
      %dma_wait3A_15 = tpu.memref_slice %arg10[%mul3A_2, %dma_wait3A] : memref<10240x128xf32, #tpu.memory_space<vmem_shared>> -> memref<640x128xf32, #tpu.memory_space<vmem_shared>>
      tpu.wait_dma2 semaphore(%run_scoped3A_13 : memref<!tpu.dma_semaphore, #tpu.memory_space<semaphore_mem>>) src(%arg5 : memref<640x128xf32, #tpu.memory_space<hbm>>) dst(%dma_wait3A_15 : memref<640x128xf32, #tpu.memory_space<vmem_shared>>)
      tpu.yield
    }) : () -> ()
    %barrier3A = arith.constant 0 : index
    tpu.barrier barrier_id(%barrier3A)
    %scan3A = arith.constant 0 : i32
    %scan3A_3 = arith.constant 0 : i32
    %scan3A_4 = arith.constant 80 : i32
    %scan3A_5 = arith.addi %scan3A_3, %scan3A_4 : i32
    %scan3A_6 = arith.constant 1 : i32
    scf.for %scan3A_13 = %scan3A_3 to %scan3A_5 step %scan3A_6  : i32 {
      %dma_start3A = arith.constant 0 : i32
      %dma_start3A_14 = arith.constant 0 : i32
      %dma_start3A_15 = tpu.memref_slice %arg7[%scan3A_13, %dma_start3A_14] : memref<80x128xi32, #tpu.memory_space<vmem>> -> memref<1x128xi32, #tpu.memory_space<vmem>>
      %dma_start3A_16 = tpu.memref_squeeze %dma_start3A_15 : memref<1x128xi32, #tpu.memory_space<vmem>> -> memref<128xi32, #tpu.memory_space<vmem>>
      %dma_start3A_17 = arith.constant 0 : i32
      %dma_start3A_18 = arith.constant 0 : i32
      %dma_start3A_19 = tpu.memref_slice %arg2[%dma_start3A, %dma_start3A_17, %dma_start3A_18] : memref<1x10240x128xf32, #tpu.memory_space<hbm>> -> memref<1x10240x128xf32, #tpu.memory_space<hbm>>
      %dma_start3A_20 = tpu.memref_squeeze %dma_start3A_19 : memref<1x10240x128xf32, #tpu.memory_space<hbm>> -> memref<10240x128xf32, #tpu.memory_space<hbm>>
      %dma_start3A_21 = arith.constant 0 : i32
      %dma_start3A_22 = arith.constant 0 : i32
      %dma_start3A_23 = tpu.memref_slice %dma_start3A_20[%dma_start3A_21, %dma_start3A_22] : memref<10240x128xf32, #tpu.memory_space<hbm>> -> memref<10240x128xf32, #tpu.memory_space<hbm>>
      tpu.enqueue_indirect_dma source(%dma_start3A_23 : memref<10240x128xf32, #tpu.memory_space<hbm>>) target(%arg9 : memref<128x128xf32, #tpu.memory_space<vmem>>) offsets(%dma_start3A_16 : memref<128xi32, #tpu.memory_space<vmem>>) semaphore(%arg11 : memref<!tpu.dma_semaphore, #tpu.memory_space<semaphore_mem>>)
      %dma_wait3A = arith.constant 0 : i32
      %dma_wait3A_24 = arith.constant 0 : i32
      %dma_wait3A_25 = tpu.memref_slice %arg7[%scan3A_13, %dma_wait3A_24] : memref<80x128xi32, #tpu.memory_space<vmem>> -> memref<1x128xi32, #tpu.memory_space<vmem>>
      %dma_wait3A_26 = tpu.memref_squeeze %dma_wait3A_25 : memref<1x128xi32, #tpu.memory_space<vmem>> -> memref<128xi32, #tpu.memory_space<vmem>>
      %dma_wait3A_27 = arith.constant 0 : i32
      %dma_wait3A_28 = arith.constant 0 : i32
      %dma_wait3A_29 = tpu.memref_slice %arg2[%dma_wait3A, %dma_wait3A_27, %dma_wait3A_28] : memref<1x10240x128xf32, #tpu.memory_space<hbm>> -> memref<1x10240x128xf32, #tpu.memory_space<hbm>>
      %dma_wait3A_30 = tpu.memref_squeeze %dma_wait3A_29 : memref<1x10240x128xf32, #tpu.memory_space<hbm>> -> memref<10240x128xf32, #tpu.memory_space<hbm>>
      %dma_wait3A_31 = arith.constant 0 : i32
      %dma_wait3A_32 = arith.constant 0 : i32
      %dma_wait3A_33 = tpu.memref_slice %dma_wait3A_30[%dma_wait3A_31, %dma_wait3A_32] : memref<10240x128xf32, #tpu.memory_space<hbm>> -> memref<10240x128xf32, #tpu.memory_space<hbm>>
      tpu.wait_indirect_dma semaphore(%arg11 : memref<!tpu.dma_semaphore, #tpu.memory_space<semaphore_mem>>) src(%dma_wait3A_33 : memref<10240x128xf32, #tpu.memory_space<hbm>>) dst(%arg9 : memref<128x128xf32, #tpu.memory_space<vmem>>)
      "tpu.region"() ({
        %run_scoped3A_34 = tpu.sem_alloc : memref<!tpu.dma_semaphore, #tpu.memory_space<semaphore_mem>>
        %dma_start3A_35 = arith.constant 0 : i32
        %dma_start3A_36 = tpu.memref_slice %arg8[%scan3A_13, %dma_start3A_35] : memref<80x128xi32, #tpu.memory_space<vmem>> -> memref<1x128xi32, #tpu.memory_space<vmem>>
        %dma_start3A_37 = tpu.memref_squeeze %dma_start3A_36 : memref<1x128xi32, #tpu.memory_space<vmem>> -> memref<128xi32, #tpu.memory_space<vmem>>
        %dma_start3A_38 = arith.constant 0 : i32
        %dma_start3A_39 = arith.constant 0 : i32
        %dma_start3A_40 = tpu.memref_slice %arg10[%dma_start3A_38, %dma_start3A_39] : memref<10240x128xf32, #tpu.memory_space<vmem_shared>> -> memref<10240x128xf32, #tpu.memory_space<vmem_shared>>
        tpu.enqueue_indirect_dma source(%arg9 : memref<128x128xf32, #tpu.memory_space<vmem>>) target(%dma_start3A_40 : memref<10240x128xf32, #tpu.memory_space<vmem_shared>>) offsets(%dma_start3A_37 : memref<128xi32, #tpu.memory_space<vmem>>) semaphore(%run_scoped3A_34 : memref<!tpu.dma_semaphore, #tpu.memory_space<semaphore_mem>>) {add = true}
        %dma_wait3A_41 = arith.constant 0 : i32
        %dma_wait3A_42 = tpu.memref_slice %arg8[%scan3A_13, %dma_wait3A_41] : memref<80x128xi32, #tpu.memory_space<vmem>> -> memref<1x128xi32, #tpu.memory_space<vmem>>
        %dma_wait3A_43 = tpu.memref_squeeze %dma_wait3A_42 : memref<1x128xi32, #tpu.memory_space<vmem>> -> memref<128xi32, #tpu.memory_space<vmem>>
        %dma_wait3A_44 = arith.constant 0 : i32
        %dma_wait3A_45 = arith.constant 0 : i32
        %dma_wait3A_46 = tpu.memref_slice %arg10[%dma_wait3A_44, %dma_wait3A_45] : memref<10240x128xf32, #tpu.memory_space<vmem_shared>> -> memref<10240x128xf32, #tpu.memory_space<vmem_shared>>
        tpu.wait_indirect_dma semaphore(%run_scoped3A_34 : memref<!tpu.dma_semaphore, #tpu.memory_space<semaphore_mem>>) src(%arg9 : memref<128x128xf32, #tpu.memory_space<vmem>>) dst(%dma_wait3A_46 : memref<10240x128xf32, #tpu.memory_space<vmem_shared>>)
        tpu.yield
      }) : () -> ()
    }
    %scan3A_7 = arith.constant 80 : i32
    %barrier3A_8 = arith.constant 0 : index
    tpu.barrier barrier_id(%barrier3A_8)
    %mul3A_9 = arith.constant 640 : i32
    %mul3A_10 = arith.muli %arg1, %mul3A_9 : i32
    %mul3A_11 = arith.constant 640 : i32
    %mul3A_12 = arith.muli %arg1, %mul3A_11 : i32
    %run_scoped3A = arith.constant 0 : i32
    "tpu.region"() ({
      %run_scoped3A_13 = tpu.sem_alloc : memref<!tpu.dma_semaphore, #tpu.memory_space<semaphore_mem>>
      %dma_start3A = arith.constant 0 : i32
      %dma_start3A_14 = arith.constant 0 : i32
      %dma_start3A_15 = arith.constant 0 : i32
      %dma_start3A_16 = tpu.memref_slice %arg6[%arg0, %dma_start3A, %dma_start3A_14, %dma_start3A_15] : memref<2x1x10240x128xf32, #tpu.memory_space<hbm>> -> memref<1x1x10240x128xf32, #tpu.memory_space<hbm>>
      %dma_start3A_17 = tpu.memref_squeeze %dma_start3A_16 : memref<1x1x10240x128xf32, #tpu.memory_space<hbm>> -> memref<1x10240x128xf32, #tpu.memory_space<hbm>>
      %dma_start3A_18 = arith.constant 0 : i32
      %dma_start3A_19 = arith.constant 0 : i32
      %dma_start3A_20 = tpu.memref_slice %dma_start3A_17[%run_scoped3A, %dma_start3A_18, %dma_start3A_19] : memref<1x10240x128xf32, #tpu.memory_space<hbm>> -> memref<1x10240x128xf32, #tpu.memory_space<hbm>>
      %dma_start3A_21 = tpu.memref_squeeze %dma_start3A_20 : memref<1x10240x128xf32, #tpu.memory_space<hbm>> -> memref<10240x128xf32, #tpu.memory_space<hbm>>
      %dma_start3A_22 = arith.constant 0 : i32
      %dma_start3A_23 = tpu.memref_slice %dma_start3A_21[%mul3A_12, %dma_start3A_22] : memref<10240x128xf32, #tpu.memory_space<hbm>> -> memref<640x128xf32, #tpu.memory_space<hbm>>
      %dma_start3A_24 = arith.constant 0 : i32
      %dma_start3A_25 = tpu.memref_slice %arg10[%mul3A_10, %dma_start3A_24] : memref<10240x128xf32, #tpu.memory_space<vmem_shared>> -> memref<640x128xf32, #tpu.memory_space<vmem_shared>>
      tpu.enqueue_dma source(%dma_start3A_25 : memref<640x128xf32, #tpu.memory_space<vmem_shared>>) target(%dma_start3A_23 : memref<640x128xf32, #tpu.memory_space<hbm>>) target_semaphore(%run_scoped3A_13 : memref<!tpu.dma_semaphore, #tpu.memory_space<semaphore_mem>>)
      %dma_wait3A = arith.constant 0 : i32
      %dma_wait3A_26 = arith.constant 0 : i32
      %dma_wait3A_27 = arith.constant 0 : i32
      %dma_wait3A_28 = tpu.memref_slice %arg6[%arg0, %dma_wait3A, %dma_wait3A_26, %dma_wait3A_27] : memref<2x1x10240x128xf32, #tpu.memory_space<hbm>> -> memref<1x1x10240x128xf32, #tpu.memory_space<hbm>>
      %dma_wait3A_29 = tpu.memref_squeeze %dma_wait3A_28 : memref<1x1x10240x128xf32, #tpu.memory_space<hbm>> -> memref<1x10240x128xf32, #tpu.memory_space<hbm>>
      %dma_wait3A_30 = arith.constant 0 : i32
      %dma_wait3A_31 = arith.constant 0 : i32
      %dma_wait3A_32 = tpu.memref_slice %dma_wait3A_29[%run_scoped3A, %dma_wait3A_30, %dma_wait3A_31] : memref<1x10240x128xf32, #tpu.memory_space<hbm>> -> memref<1x10240x128xf32, #tpu.memory_space<hbm>>
      %dma_wait3A_33 = tpu.memref_squeeze %dma_wait3A_32 : memref<1x10240x128xf32, #tpu.memory_space<hbm>> -> memref<10240x128xf32, #tpu.memory_space<hbm>>
      %dma_wait3A_34 = arith.constant 0 : i32
      %dma_wait3A_35 = tpu.memref_slice %dma_wait3A_33[%mul3A_12, %dma_wait3A_34] : memref<10240x128xf32, #tpu.memory_space<hbm>> -> memref<640x128xf32, #tpu.memory_space<hbm>>
      %dma_wait3A_36 = arith.constant 0 : i32
      %dma_wait3A_37 = tpu.memref_slice %arg10[%mul3A_10, %dma_wait3A_36] : memref<10240x128xf32, #tpu.memory_space<vmem_shared>> -> memref<640x128xf32, #tpu.memory_space<vmem_shared>>
      tpu.wait_dma2 semaphore(%run_scoped3A_13 : memref<!tpu.dma_semaphore, #tpu.memory_space<semaphore_mem>>) src(%dma_wait3A_37 : memref<640x128xf32, #tpu.memory_space<vmem_shared>>) dst(%dma_wait3A_35 : memref<640x128xf32, #tpu.memory_space<hbm>>)
      tpu.yield
    }) : () -> ()
    return
  }
}

#map = affine_map<(d0, d1) -> (0, 0, 0)>
#map1 = affine_map<(d0, d1) -> (0, 0)>
#map2 = affine_map<(d0, d1) -> (0, 0, 0, 0)>
module attributes {stable_mosaic.version = 14 : i64} {
  func.func @k(%arg0: i32, %arg1: i32, %arg2: memref<2x10240x128xf32, #tpu.memory_space<hbm>>, %arg3: memref<32x80x128xi32, #tpu.memory_space<hbm>>, %arg4: memref<32x80x128xi32, #tpu.memory_space<hbm>>, %arg5: memref<640x128xf32, #tpu.memory_space<hbm>>, %arg6: memref<2x2x10240x128xf32, #tpu.memory_space<hbm>>, %arg7: memref<80x128xi32, #tpu.memory_space<vmem>>, %arg8: memref<80x128xi32, #tpu.memory_space<vmem>>, %arg9: memref<128x128xf32, #tpu.memory_space<vmem>>, %arg10: memref<10240x128xf32, #tpu.memory_space<vmem_shared>>, %arg11: memref<!tpu.dma_semaphore, #tpu.memory_space<semaphore_mem>>) attributes {dimension_semantics = [#tpu.dimension_semantics<core_parallel>, #tpu.dimension_semantics<subcore_parallel>], iteration_bounds = array<i64: 2, 16>, scalar_prefetch = 0 : i64, scratch_operands = 5 : i64, tpu.core_type = #tpu.core_type<sc_vector_subcore>, window_params = [{transform_indices = #map}, {transform_indices = #map}, {transform_indices = #map}, {transform_indices = #map1}, {transform_indices = #map2}]} {
    %mul3A = arith.constant 16 : i32
    %mul3A_0 = arith.muli %arg0, %mul3A : i32
    %add3A = arith.addi %mul3A_0, %arg1 : i32
    "tpu.region"() ({
      %run_scoped3A_28 = tpu.sem_alloc : memref<!tpu.dma_semaphore, #tpu.memory_space<semaphore_mem>>
      %dma_start3A = arith.constant 0 : i32
      %dma_start3A_29 = arith.constant 0 : i32
      %dma_start3A_30 = tpu.memref_slice %arg3[%add3A, %dma_start3A, %dma_start3A_29] : memref<32x80x128xi32, #tpu.memory_space<hbm>> -> memref<1x80x128xi32, #tpu.memory_space<hbm>>
      %dma_start3A_31 = tpu.memref_squeeze %dma_start3A_30 : memref<1x80x128xi32, #tpu.memory_space<hbm>> -> memref<80x128xi32, #tpu.memory_space<hbm>>
      %dma_start3A_32 = arith.constant 0 : i32
      %dma_start3A_33 = arith.constant 0 : i32
      %dma_start3A_34 = tpu.memref_slice %arg3[%add3A, %dma_start3A_32, %dma_start3A_33] : memref<32x80x128xi32, #tpu.memory_space<hbm>> -> memref<1x80x128xi32, #tpu.memory_space<hbm>>
      %dma_start3A_35 = tpu.memref_squeeze %dma_start3A_34 : memref<1x80x128xi32, #tpu.memory_space<hbm>> -> memref<80x128xi32, #tpu.memory_space<hbm>>
      tpu.enqueue_dma source(%dma_start3A_35 : memref<80x128xi32, #tpu.memory_space<hbm>>) target(%arg7 : memref<80x128xi32, #tpu.memory_space<vmem>>) target_semaphore(%run_scoped3A_28 : memref<!tpu.dma_semaphore, #tpu.memory_space<semaphore_mem>>)
      %dma_wait3A = arith.constant 0 : i32
      %dma_wait3A_36 = arith.constant 0 : i32
      %dma_wait3A_37 = tpu.memref_slice %arg3[%add3A, %dma_wait3A, %dma_wait3A_36] : memref<32x80x128xi32, #tpu.memory_space<hbm>> -> memref<1x80x128xi32, #tpu.memory_space<hbm>>
      %dma_wait3A_38 = tpu.memref_squeeze %dma_wait3A_37 : memref<1x80x128xi32, #tpu.memory_space<hbm>> -> memref<80x128xi32, #tpu.memory_space<hbm>>
      %dma_wait3A_39 = arith.constant 0 : i32
      %dma_wait3A_40 = arith.constant 0 : i32
      %dma_wait3A_41 = tpu.memref_slice %arg3[%add3A, %dma_wait3A_39, %dma_wait3A_40] : memref<32x80x128xi32, #tpu.memory_space<hbm>> -> memref<1x80x128xi32, #tpu.memory_space<hbm>>
      %dma_wait3A_42 = tpu.memref_squeeze %dma_wait3A_41 : memref<1x80x128xi32, #tpu.memory_space<hbm>> -> memref<80x128xi32, #tpu.memory_space<hbm>>
      tpu.wait_dma2 semaphore(%run_scoped3A_28 : memref<!tpu.dma_semaphore, #tpu.memory_space<semaphore_mem>>) src(%dma_wait3A_42 : memref<80x128xi32, #tpu.memory_space<hbm>>) dst(%arg7 : memref<80x128xi32, #tpu.memory_space<vmem>>)
      tpu.yield
    }) : () -> ()
    "tpu.region"() ({
      %run_scoped3A_28 = tpu.sem_alloc : memref<!tpu.dma_semaphore, #tpu.memory_space<semaphore_mem>>
      %dma_start3A = arith.constant 0 : i32
      %dma_start3A_29 = arith.constant 0 : i32
      %dma_start3A_30 = tpu.memref_slice %arg4[%add3A, %dma_start3A, %dma_start3A_29] : memref<32x80x128xi32, #tpu.memory_space<hbm>> -> memref<1x80x128xi32, #tpu.memory_space<hbm>>
      %dma_start3A_31 = tpu.memref_squeeze %dma_start3A_30 : memref<1x80x128xi32, #tpu.memory_space<hbm>> -> memref<80x128xi32, #tpu.memory_space<hbm>>
      %dma_start3A_32 = arith.constant 0 : i32
      %dma_start3A_33 = arith.constant 0 : i32
      %dma_start3A_34 = tpu.memref_slice %arg4[%add3A, %dma_start3A_32, %dma_start3A_33] : memref<32x80x128xi32, #tpu.memory_space<hbm>> -> memref<1x80x128xi32, #tpu.memory_space<hbm>>
      %dma_start3A_35 = tpu.memref_squeeze %dma_start3A_34 : memref<1x80x128xi32, #tpu.memory_space<hbm>> -> memref<80x128xi32, #tpu.memory_space<hbm>>
      tpu.enqueue_dma source(%dma_start3A_35 : memref<80x128xi32, #tpu.memory_space<hbm>>) target(%arg8 : memref<80x128xi32, #tpu.memory_space<vmem>>) target_semaphore(%run_scoped3A_28 : memref<!tpu.dma_semaphore, #tpu.memory_space<semaphore_mem>>)
      %dma_wait3A = arith.constant 0 : i32
      %dma_wait3A_36 = arith.constant 0 : i32
      %dma_wait3A_37 = tpu.memref_slice %arg4[%add3A, %dma_wait3A, %dma_wait3A_36] : memref<32x80x128xi32, #tpu.memory_space<hbm>> -> memref<1x80x128xi32, #tpu.memory_space<hbm>>
      %dma_wait3A_38 = tpu.memref_squeeze %dma_wait3A_37 : memref<1x80x128xi32, #tpu.memory_space<hbm>> -> memref<80x128xi32, #tpu.memory_space<hbm>>
      %dma_wait3A_39 = arith.constant 0 : i32
      %dma_wait3A_40 = arith.constant 0 : i32
      %dma_wait3A_41 = tpu.memref_slice %arg4[%add3A, %dma_wait3A_39, %dma_wait3A_40] : memref<32x80x128xi32, #tpu.memory_space<hbm>> -> memref<1x80x128xi32, #tpu.memory_space<hbm>>
      %dma_wait3A_42 = tpu.memref_squeeze %dma_wait3A_41 : memref<1x80x128xi32, #tpu.memory_space<hbm>> -> memref<80x128xi32, #tpu.memory_space<hbm>>
      tpu.wait_dma2 semaphore(%run_scoped3A_28 : memref<!tpu.dma_semaphore, #tpu.memory_space<semaphore_mem>>) src(%dma_wait3A_42 : memref<80x128xi32, #tpu.memory_space<hbm>>) dst(%arg8 : memref<80x128xi32, #tpu.memory_space<vmem>>)
      tpu.yield
    }) : () -> ()
    %mul3A_1 = arith.constant 640 : i32
    %mul3A_2 = arith.muli %arg1, %mul3A_1 : i32
    "tpu.region"() ({
      %run_scoped3A_28 = tpu.sem_alloc : memref<!tpu.dma_semaphore, #tpu.memory_space<semaphore_mem>>
      %dma_start3A = arith.constant 0 : i32
      %dma_start3A_29 = tpu.memref_slice %arg10[%mul3A_2, %dma_start3A] : memref<10240x128xf32, #tpu.memory_space<vmem_shared>> -> memref<640x128xf32, #tpu.memory_space<vmem_shared>>
      tpu.enqueue_dma source(%arg5 : memref<640x128xf32, #tpu.memory_space<hbm>>) target(%dma_start3A_29 : memref<640x128xf32, #tpu.memory_space<vmem_shared>>) target_semaphore(%run_scoped3A_28 : memref<!tpu.dma_semaphore, #tpu.memory_space<semaphore_mem>>)
      %dma_wait3A = arith.constant 0 : i32
      %dma_wait3A_30 = tpu.memref_slice %arg10[%mul3A_2, %dma_wait3A] : memref<10240x128xf32, #tpu.memory_space<vmem_shared>> -> memref<640x128xf32, #tpu.memory_space<vmem_shared>>
      tpu.wait_dma2 semaphore(%run_scoped3A_28 : memref<!tpu.dma_semaphore, #tpu.memory_space<semaphore_mem>>) src(%arg5 : memref<640x128xf32, #tpu.memory_space<hbm>>) dst(%dma_wait3A_30 : memref<640x128xf32, #tpu.memory_space<vmem_shared>>)
      tpu.yield
    }) : () -> ()
    %barrier3A = arith.constant 0 : index
    tpu.barrier barrier_id(%barrier3A)
    %scan3A = arith.constant 0 : i32
    %scan3A_3 = arith.constant 0 : i32
    %scan3A_4 = arith.constant 80 : i32
    %scan3A_5 = arith.addi %scan3A_3, %scan3A_4 : i32
    %scan3A_6 = arith.constant 1 : i32
    scf.for %scan3A_28 = %scan3A_3 to %scan3A_5 step %scan3A_6  : i32 {
      %dma_start3A = arith.constant 0 : i32
      %dma_start3A_29 = arith.constant 0 : i32
      %dma_start3A_30 = tpu.memref_slice %arg7[%scan3A_28, %dma_start3A_29] : memref<80x128xi32, #tpu.memory_space<vmem>> -> memref<1x128xi32, #tpu.memory_space<vmem>>
      %dma_start3A_31 = tpu.memref_squeeze %dma_start3A_30 : memref<1x128xi32, #tpu.memory_space<vmem>> -> memref<128xi32, #tpu.memory_space<vmem>>
      %dma_start3A_32 = arith.constant 0 : i32
      %dma_start3A_33 = arith.constant 0 : i32
      %dma_start3A_34 = tpu.memref_slice %arg2[%dma_start3A, %dma_start3A_32, %dma_start3A_33] : memref<2x10240x128xf32, #tpu.memory_space<hbm>> -> memref<1x10240x128xf32, #tpu.memory_space<hbm>>
      %dma_start3A_35 = tpu.memref_squeeze %dma_start3A_34 : memref<1x10240x128xf32, #tpu.memory_space<hbm>> -> memref<10240x128xf32, #tpu.memory_space<hbm>>
      %dma_start3A_36 = arith.constant 0 : i32
      %dma_start3A_37 = arith.constant 0 : i32
      %dma_start3A_38 = tpu.memref_slice %dma_start3A_35[%dma_start3A_36, %dma_start3A_37] : memref<10240x128xf32, #tpu.memory_space<hbm>> -> memref<10240x128xf32, #tpu.memory_space<hbm>>
      tpu.enqueue_indirect_dma source(%dma_start3A_38 : memref<10240x128xf32, #tpu.memory_space<hbm>>) target(%arg9 : memref<128x128xf32, #tpu.memory_space<vmem>>) offsets(%dma_start3A_31 : memref<128xi32, #tpu.memory_space<vmem>>) semaphore(%arg11 : memref<!tpu.dma_semaphore, #tpu.memory_space<semaphore_mem>>)
      %dma_wait3A = arith.constant 0 : i32
      %dma_wait3A_39 = arith.constant 0 : i32
      %dma_wait3A_40 = tpu.memref_slice %arg7[%scan3A_28, %dma_wait3A_39] : memref<80x128xi32, #tpu.memory_space<vmem>> -> memref<1x128xi32, #tpu.memory_space<vmem>>
      %dma_wait3A_41 = tpu.memref_squeeze %dma_wait3A_40 : memref<1x128xi32, #tpu.memory_space<vmem>> -> memref<128xi32, #tpu.memory_space<vmem>>
      %dma_wait3A_42 = arith.constant 0 : i32
      %dma_wait3A_43 = arith.constant 0 : i32
      %dma_wait3A_44 = tpu.memref_slice %arg2[%dma_wait3A, %dma_wait3A_42, %dma_wait3A_43] : memref<2x10240x128xf32, #tpu.memory_space<hbm>> -> memref<1x10240x128xf32, #tpu.memory_space<hbm>>
      %dma_wait3A_45 = tpu.memref_squeeze %dma_wait3A_44 : memref<1x10240x128xf32, #tpu.memory_space<hbm>> -> memref<10240x128xf32, #tpu.memory_space<hbm>>
      %dma_wait3A_46 = arith.constant 0 : i32
      %dma_wait3A_47 = arith.constant 0 : i32
      %dma_wait3A_48 = tpu.memref_slice %dma_wait3A_45[%dma_wait3A_46, %dma_wait3A_47] : memref<10240x128xf32, #tpu.memory_space<hbm>> -> memref<10240x128xf32, #tpu.memory_space<hbm>>
      tpu.wait_indirect_dma semaphore(%arg11 : memref<!tpu.dma_semaphore, #tpu.memory_space<semaphore_mem>>) src(%dma_wait3A_48 : memref<10240x128xf32, #tpu.memory_space<hbm>>) dst(%arg9 : memref<128x128xf32, #tpu.memory_space<vmem>>)
      "tpu.region"() ({
        %run_scoped3A_49 = tpu.sem_alloc : memref<!tpu.dma_semaphore, #tpu.memory_space<semaphore_mem>>
        %dma_start3A_50 = arith.constant 0 : i32
        %dma_start3A_51 = tpu.memref_slice %arg8[%scan3A_28, %dma_start3A_50] : memref<80x128xi32, #tpu.memory_space<vmem>> -> memref<1x128xi32, #tpu.memory_space<vmem>>
        %dma_start3A_52 = tpu.memref_squeeze %dma_start3A_51 : memref<1x128xi32, #tpu.memory_space<vmem>> -> memref<128xi32, #tpu.memory_space<vmem>>
        %dma_start3A_53 = arith.constant 0 : i32
        %dma_start3A_54 = arith.constant 0 : i32
        %dma_start3A_55 = tpu.memref_slice %arg10[%dma_start3A_53, %dma_start3A_54] : memref<10240x128xf32, #tpu.memory_space<vmem_shared>> -> memref<10240x128xf32, #tpu.memory_space<vmem_shared>>
        tpu.enqueue_indirect_dma source(%arg9 : memref<128x128xf32, #tpu.memory_space<vmem>>) target(%dma_start3A_55 : memref<10240x128xf32, #tpu.memory_space<vmem_shared>>) offsets(%dma_start3A_52 : memref<128xi32, #tpu.memory_space<vmem>>) semaphore(%run_scoped3A_49 : memref<!tpu.dma_semaphore, #tpu.memory_space<semaphore_mem>>) {add = true}
        %dma_wait3A_56 = arith.constant 0 : i32
        %dma_wait3A_57 = tpu.memref_slice %arg8[%scan3A_28, %dma_wait3A_56] : memref<80x128xi32, #tpu.memory_space<vmem>> -> memref<1x128xi32, #tpu.memory_space<vmem>>
        %dma_wait3A_58 = tpu.memref_squeeze %dma_wait3A_57 : memref<1x128xi32, #tpu.memory_space<vmem>> -> memref<128xi32, #tpu.memory_space<vmem>>
        %dma_wait3A_59 = arith.constant 0 : i32
        %dma_wait3A_60 = arith.constant 0 : i32
        %dma_wait3A_61 = tpu.memref_slice %arg10[%dma_wait3A_59, %dma_wait3A_60] : memref<10240x128xf32, #tpu.memory_space<vmem_shared>> -> memref<10240x128xf32, #tpu.memory_space<vmem_shared>>
        tpu.wait_indirect_dma semaphore(%run_scoped3A_49 : memref<!tpu.dma_semaphore, #tpu.memory_space<semaphore_mem>>) src(%arg9 : memref<128x128xf32, #tpu.memory_space<vmem>>) dst(%dma_wait3A_61 : memref<10240x128xf32, #tpu.memory_space<vmem_shared>>)
        tpu.yield
      }) : () -> ()
    }
    %scan3A_7 = arith.constant 80 : i32
    %barrier3A_8 = arith.constant 0 : index
    tpu.barrier barrier_id(%barrier3A_8)
    %mul3A_9 = arith.constant 640 : i32
    %mul3A_10 = arith.muli %arg1, %mul3A_9 : i32
    %mul3A_11 = arith.constant 640 : i32
    %mul3A_12 = arith.muli %arg1, %mul3A_11 : i32
    %run_scoped3A = arith.constant 0 : i32
    "tpu.region"() ({
      %run_scoped3A_28 = tpu.sem_alloc : memref<!tpu.dma_semaphore, #tpu.memory_space<semaphore_mem>>
      %dma_start3A = arith.constant 0 : i32
      %dma_start3A_29 = arith.constant 0 : i32
      %dma_start3A_30 = arith.constant 0 : i32
      %dma_start3A_31 = tpu.memref_slice %arg6[%arg0, %dma_start3A, %dma_start3A_29, %dma_start3A_30] : memref<2x2x10240x128xf32, #tpu.memory_space<hbm>> -> memref<1x2x10240x128xf32, #tpu.memory_space<hbm>>
      %dma_start3A_32 = tpu.memref_squeeze %dma_start3A_31 : memref<1x2x10240x128xf32, #tpu.memory_space<hbm>> -> memref<2x10240x128xf32, #tpu.memory_space<hbm>>
      %dma_start3A_33 = arith.constant 0 : i32
      %dma_start3A_34 = arith.constant 0 : i32
      %dma_start3A_35 = tpu.memref_slice %dma_start3A_32[%run_scoped3A, %dma_start3A_33, %dma_start3A_34] : memref<2x10240x128xf32, #tpu.memory_space<hbm>> -> memref<1x10240x128xf32, #tpu.memory_space<hbm>>
      %dma_start3A_36 = tpu.memref_squeeze %dma_start3A_35 : memref<1x10240x128xf32, #tpu.memory_space<hbm>> -> memref<10240x128xf32, #tpu.memory_space<hbm>>
      %dma_start3A_37 = arith.constant 0 : i32
      %dma_start3A_38 = tpu.memref_slice %dma_start3A_36[%mul3A_12, %dma_start3A_37] : memref<10240x128xf32, #tpu.memory_space<hbm>> -> memref<640x128xf32, #tpu.memory_space<hbm>>
      %dma_start3A_39 = arith.constant 0 : i32
      %dma_start3A_40 = tpu.memref_slice %arg10[%mul3A_10, %dma_start3A_39] : memref<10240x128xf32, #tpu.memory_space<vmem_shared>> -> memref<640x128xf32, #tpu.memory_space<vmem_shared>>
      tpu.enqueue_dma source(%dma_start3A_40 : memref<640x128xf32, #tpu.memory_space<vmem_shared>>) target(%dma_start3A_38 : memref<640x128xf32, #tpu.memory_space<hbm>>) target_semaphore(%run_scoped3A_28 : memref<!tpu.dma_semaphore, #tpu.memory_space<semaphore_mem>>)
      %dma_wait3A = arith.constant 0 : i32
      %dma_wait3A_41 = arith.constant 0 : i32
      %dma_wait3A_42 = arith.constant 0 : i32
      %dma_wait3A_43 = tpu.memref_slice %arg6[%arg0, %dma_wait3A, %dma_wait3A_41, %dma_wait3A_42] : memref<2x2x10240x128xf32, #tpu.memory_space<hbm>> -> memref<1x2x10240x128xf32, #tpu.memory_space<hbm>>
      %dma_wait3A_44 = tpu.memref_squeeze %dma_wait3A_43 : memref<1x2x10240x128xf32, #tpu.memory_space<hbm>> -> memref<2x10240x128xf32, #tpu.memory_space<hbm>>
      %dma_wait3A_45 = arith.constant 0 : i32
      %dma_wait3A_46 = arith.constant 0 : i32
      %dma_wait3A_47 = tpu.memref_slice %dma_wait3A_44[%run_scoped3A, %dma_wait3A_45, %dma_wait3A_46] : memref<2x10240x128xf32, #tpu.memory_space<hbm>> -> memref<1x10240x128xf32, #tpu.memory_space<hbm>>
      %dma_wait3A_48 = tpu.memref_squeeze %dma_wait3A_47 : memref<1x10240x128xf32, #tpu.memory_space<hbm>> -> memref<10240x128xf32, #tpu.memory_space<hbm>>
      %dma_wait3A_49 = arith.constant 0 : i32
      %dma_wait3A_50 = tpu.memref_slice %dma_wait3A_48[%mul3A_12, %dma_wait3A_49] : memref<10240x128xf32, #tpu.memory_space<hbm>> -> memref<640x128xf32, #tpu.memory_space<hbm>>
      %dma_wait3A_51 = arith.constant 0 : i32
      %dma_wait3A_52 = tpu.memref_slice %arg10[%mul3A_10, %dma_wait3A_51] : memref<10240x128xf32, #tpu.memory_space<vmem_shared>> -> memref<640x128xf32, #tpu.memory_space<vmem_shared>>
      tpu.wait_dma2 semaphore(%run_scoped3A_28 : memref<!tpu.dma_semaphore, #tpu.memory_space<semaphore_mem>>) src(%dma_wait3A_52 : memref<640x128xf32, #tpu.memory_space<vmem_shared>>) dst(%dma_wait3A_50 : memref<640x128xf32, #tpu.memory_space<hbm>>)
      tpu.yield
    }) : () -> ()
    %mul3A_13 = arith.constant 640 : i32
    %mul3A_14 = arith.muli %arg1, %mul3A_13 : i32
    "tpu.region"() ({
      %run_scoped3A_28 = tpu.sem_alloc : memref<!tpu.dma_semaphore, #tpu.memory_space<semaphore_mem>>
      %dma_start3A = arith.constant 0 : i32
      %dma_start3A_29 = tpu.memref_slice %arg10[%mul3A_14, %dma_start3A] : memref<10240x128xf32, #tpu.memory_space<vmem_shared>> -> memref<640x128xf32, #tpu.memory_space<vmem_shared>>
      tpu.enqueue_dma source(%arg5 : memref<640x128xf32, #tpu.memory_space<hbm>>) target(%dma_start3A_29 : memref<640x128xf32, #tpu.memory_space<vmem_shared>>) target_semaphore(%run_scoped3A_28 : memref<!tpu.dma_semaphore, #tpu.memory_space<semaphore_mem>>)
      %dma_wait3A = arith.constant 0 : i32
      %dma_wait3A_30 = tpu.memref_slice %arg10[%mul3A_14, %dma_wait3A] : memref<10240x128xf32, #tpu.memory_space<vmem_shared>> -> memref<640x128xf32, #tpu.memory_space<vmem_shared>>
      tpu.wait_dma2 semaphore(%run_scoped3A_28 : memref<!tpu.dma_semaphore, #tpu.memory_space<semaphore_mem>>) src(%arg5 : memref<640x128xf32, #tpu.memory_space<hbm>>) dst(%dma_wait3A_30 : memref<640x128xf32, #tpu.memory_space<vmem_shared>>)
      tpu.yield
    }) : () -> ()
    %barrier3A_15 = arith.constant 0 : index
    tpu.barrier barrier_id(%barrier3A_15)
    %scan3A_16 = arith.constant 0 : i32
    %scan3A_17 = arith.constant 0 : i32
    %scan3A_18 = arith.constant 80 : i32
    %scan3A_19 = arith.addi %scan3A_17, %scan3A_18 : i32
    %scan3A_20 = arith.constant 1 : i32
    scf.for %scan3A_28 = %scan3A_17 to %scan3A_19 step %scan3A_20  : i32 {
      %dma_start3A = arith.constant 1 : i32
      %dma_start3A_29 = arith.constant 0 : i32
      %dma_start3A_30 = tpu.memref_slice %arg7[%scan3A_28, %dma_start3A_29] : memref<80x128xi32, #tpu.memory_space<vmem>> -> memref<1x128xi32, #tpu.memory_space<vmem>>
      %dma_start3A_31 = tpu.memref_squeeze %dma_start3A_30 : memref<1x128xi32, #tpu.memory_space<vmem>> -> memref<128xi32, #tpu.memory_space<vmem>>
      %dma_start3A_32 = arith.constant 0 : i32
      %dma_start3A_33 = arith.constant 0 : i32
      %dma_start3A_34 = tpu.memref_slice %arg2[%dma_start3A, %dma_start3A_32, %dma_start3A_33] : memref<2x10240x128xf32, #tpu.memory_space<hbm>> -> memref<1x10240x128xf32, #tpu.memory_space<hbm>>
      %dma_start3A_35 = tpu.memref_squeeze %dma_start3A_34 : memref<1x10240x128xf32, #tpu.memory_space<hbm>> -> memref<10240x128xf32, #tpu.memory_space<hbm>>
      %dma_start3A_36 = arith.constant 0 : i32
      %dma_start3A_37 = arith.constant 0 : i32
      %dma_start3A_38 = tpu.memref_slice %dma_start3A_35[%dma_start3A_36, %dma_start3A_37] : memref<10240x128xf32, #tpu.memory_space<hbm>> -> memref<10240x128xf32, #tpu.memory_space<hbm>>
      tpu.enqueue_indirect_dma source(%dma_start3A_38 : memref<10240x128xf32, #tpu.memory_space<hbm>>) target(%arg9 : memref<128x128xf32, #tpu.memory_space<vmem>>) offsets(%dma_start3A_31 : memref<128xi32, #tpu.memory_space<vmem>>) semaphore(%arg11 : memref<!tpu.dma_semaphore, #tpu.memory_space<semaphore_mem>>)
      %dma_wait3A = arith.constant 1 : i32
      %dma_wait3A_39 = arith.constant 0 : i32
      %dma_wait3A_40 = tpu.memref_slice %arg7[%scan3A_28, %dma_wait3A_39] : memref<80x128xi32, #tpu.memory_space<vmem>> -> memref<1x128xi32, #tpu.memory_space<vmem>>
      %dma_wait3A_41 = tpu.memref_squeeze %dma_wait3A_40 : memref<1x128xi32, #tpu.memory_space<vmem>> -> memref<128xi32, #tpu.memory_space<vmem>>
      %dma_wait3A_42 = arith.constant 0 : i32
      %dma_wait3A_43 = arith.constant 0 : i32
      %dma_wait3A_44 = tpu.memref_slice %arg2[%dma_wait3A, %dma_wait3A_42, %dma_wait3A_43] : memref<2x10240x128xf32, #tpu.memory_space<hbm>> -> memref<1x10240x128xf32, #tpu.memory_space<hbm>>
      %dma_wait3A_45 = tpu.memref_squeeze %dma_wait3A_44 : memref<1x10240x128xf32, #tpu.memory_space<hbm>> -> memref<10240x128xf32, #tpu.memory_space<hbm>>
      %dma_wait3A_46 = arith.constant 0 : i32
      %dma_wait3A_47 = arith.constant 0 : i32
      %dma_wait3A_48 = tpu.memref_slice %dma_wait3A_45[%dma_wait3A_46, %dma_wait3A_47] : memref<10240x128xf32, #tpu.memory_space<hbm>> -> memref<10240x128xf32, #tpu.memory_space<hbm>>
      tpu.wait_indirect_dma semaphore(%arg11 : memref<!tpu.dma_semaphore, #tpu.memory_space<semaphore_mem>>) src(%dma_wait3A_48 : memref<10240x128xf32, #tpu.memory_space<hbm>>) dst(%arg9 : memref<128x128xf32, #tpu.memory_space<vmem>>)
      "tpu.region"() ({
        %run_scoped3A_49 = tpu.sem_alloc : memref<!tpu.dma_semaphore, #tpu.memory_space<semaphore_mem>>
        %dma_start3A_50 = arith.constant 0 : i32
        %dma_start3A_51 = tpu.memref_slice %arg8[%scan3A_28, %dma_start3A_50] : memref<80x128xi32, #tpu.memory_space<vmem>> -> memref<1x128xi32, #tpu.memory_space<vmem>>
        %dma_start3A_52 = tpu.memref_squeeze %dma_start3A_51 : memref<1x128xi32, #tpu.memory_space<vmem>> -> memref<128xi32, #tpu.memory_space<vmem>>
        %dma_start3A_53 = arith.constant 0 : i32
        %dma_start3A_54 = arith.constant 0 : i32
        %dma_start3A_55 = tpu.memref_slice %arg10[%dma_start3A_53, %dma_start3A_54] : memref<10240x128xf32, #tpu.memory_space<vmem_shared>> -> memref<10240x128xf32, #tpu.memory_space<vmem_shared>>
        tpu.enqueue_indirect_dma source(%arg9 : memref<128x128xf32, #tpu.memory_space<vmem>>) target(%dma_start3A_55 : memref<10240x128xf32, #tpu.memory_space<vmem_shared>>) offsets(%dma_start3A_52 : memref<128xi32, #tpu.memory_space<vmem>>) semaphore(%run_scoped3A_49 : memref<!tpu.dma_semaphore, #tpu.memory_space<semaphore_mem>>) {add = true}
        %dma_wait3A_56 = arith.constant 0 : i32
        %dma_wait3A_57 = tpu.memref_slice %arg8[%scan3A_28, %dma_wait3A_56] : memref<80x128xi32, #tpu.memory_space<vmem>> -> memref<1x128xi32, #tpu.memory_space<vmem>>
        %dma_wait3A_58 = tpu.memref_squeeze %dma_wait3A_57 : memref<1x128xi32, #tpu.memory_space<vmem>> -> memref<128xi32, #tpu.memory_space<vmem>>
        %dma_wait3A_59 = arith.constant 0 : i32
        %dma_wait3A_60 = arith.constant 0 : i32
        %dma_wait3A_61 = tpu.memref_slice %arg10[%dma_wait3A_59, %dma_wait3A_60] : memref<10240x128xf32, #tpu.memory_space<vmem_shared>> -> memref<10240x128xf32, #tpu.memory_space<vmem_shared>>
        tpu.wait_indirect_dma semaphore(%run_scoped3A_49 : memref<!tpu.dma_semaphore, #tpu.memory_space<semaphore_mem>>) src(%arg9 : memref<128x128xf32, #tpu.memory_space<vmem>>) dst(%dma_wait3A_61 : memref<10240x128xf32, #tpu.memory_space<vmem_shared>>)
        tpu.yield
      }) : () -> ()
    }
    %scan3A_21 = arith.constant 80 : i32
    %barrier3A_22 = arith.constant 0 : index
    tpu.barrier barrier_id(%barrier3A_22)
    %mul3A_23 = arith.constant 640 : i32
    %mul3A_24 = arith.muli %arg1, %mul3A_23 : i32
    %mul3A_25 = arith.constant 640 : i32
    %mul3A_26 = arith.muli %arg1, %mul3A_25 : i32
    %run_scoped3A_27 = arith.constant 1 : i32
    "tpu.region"() ({
      %run_scoped3A_28 = tpu.sem_alloc : memref<!tpu.dma_semaphore, #tpu.memory_space<semaphore_mem>>
      %dma_start3A = arith.constant 0 : i32
      %dma_start3A_29 = arith.constant 0 : i32
      %dma_start3A_30 = arith.constant 0 : i32
      %dma_start3A_31 = tpu.memref_slice %arg6[%arg0, %dma_start3A, %dma_start3A_29, %dma_start3A_30] : memref<2x2x10240x128xf32, #tpu.memory_space<hbm>> -> memref<1x2x10240x128xf32, #tpu.memory_space<hbm>>
      %dma_start3A_32 = tpu.memref_squeeze %dma_start3A_31 : memref<1x2x10240x128xf32, #tpu.memory_space<hbm>> -> memref<2x10240x128xf32, #tpu.memory_space<hbm>>
      %dma_start3A_33 = arith.constant 0 : i32
      %dma_start3A_34 = arith.constant 0 : i32
      %dma_start3A_35 = tpu.memref_slice %dma_start3A_32[%run_scoped3A_27, %dma_start3A_33, %dma_start3A_34] : memref<2x10240x128xf32, #tpu.memory_space<hbm>> -> memref<1x10240x128xf32, #tpu.memory_space<hbm>>
      %dma_start3A_36 = tpu.memref_squeeze %dma_start3A_35 : memref<1x10240x128xf32, #tpu.memory_space<hbm>> -> memref<10240x128xf32, #tpu.memory_space<hbm>>
      %dma_start3A_37 = arith.constant 0 : i32
      %dma_start3A_38 = tpu.memref_slice %dma_start3A_36[%mul3A_26, %dma_start3A_37] : memref<10240x128xf32, #tpu.memory_space<hbm>> -> memref<640x128xf32, #tpu.memory_space<hbm>>
      %dma_start3A_39 = arith.constant 0 : i32
      %dma_start3A_40 = tpu.memref_slice %arg10[%mul3A_24, %dma_start3A_39] : memref<10240x128xf32, #tpu.memory_space<vmem_shared>> -> memref<640x128xf32, #tpu.memory_space<vmem_shared>>
      tpu.enqueue_dma source(%dma_start3A_40 : memref<640x128xf32, #tpu.memory_space<vmem_shared>>) target(%dma_start3A_38 : memref<640x128xf32, #tpu.memory_space<hbm>>) target_semaphore(%run_scoped3A_28 : memref<!tpu.dma_semaphore, #tpu.memory_space<semaphore_mem>>)
      %dma_wait3A = arith.constant 0 : i32
      %dma_wait3A_41 = arith.constant 0 : i32
      %dma_wait3A_42 = arith.constant 0 : i32
      %dma_wait3A_43 = tpu.memref_slice %arg6[%arg0, %dma_wait3A, %dma_wait3A_41, %dma_wait3A_42] : memref<2x2x10240x128xf32, #tpu.memory_space<hbm>> -> memref<1x2x10240x128xf32, #tpu.memory_space<hbm>>
      %dma_wait3A_44 = tpu.memref_squeeze %dma_wait3A_43 : memref<1x2x10240x128xf32, #tpu.memory_space<hbm>> -> memref<2x10240x128xf32, #tpu.memory_space<hbm>>
      %dma_wait3A_45 = arith.constant 0 : i32
      %dma_wait3A_46 = arith.constant 0 : i32
      %dma_wait3A_47 = tpu.memref_slice %dma_wait3A_44[%run_scoped3A_27, %dma_wait3A_45, %dma_wait3A_46] : memref<2x10240x128xf32, #tpu.memory_space<hbm>> -> memref<1x10240x128xf32, #tpu.memory_space<hbm>>
      %dma_wait3A_48 = tpu.memref_squeeze %dma_wait3A_47 : memref<1x10240x128xf32, #tpu.memory_space<hbm>> -> memref<10240x128xf32, #tpu.memory_space<hbm>>
      %dma_wait3A_49 = arith.constant 0 : i32
      %dma_wait3A_50 = tpu.memref_slice %dma_wait3A_48[%mul3A_26, %dma_wait3A_49] : memref<10240x128xf32, #tpu.memory_space<hbm>> -> memref<640x128xf32, #tpu.memory_space<hbm>>
      %dma_wait3A_51 = arith.constant 0 : i32
      %dma_wait3A_52 = tpu.memref_slice %arg10[%mul3A_24, %dma_wait3A_51] : memref<10240x128xf32, #tpu.memory_space<vmem_shared>> -> memref<640x128xf32, #tpu.memory_space<vmem_shared>>
      tpu.wait_dma2 semaphore(%run_scoped3A_28 : memref<!tpu.dma_semaphore, #tpu.memory_space<semaphore_mem>>) src(%dma_wait3A_52 : memref<640x128xf32, #tpu.memory_space<vmem_shared>>) dst(%dma_wait3A_50 : memref<640x128xf32, #tpu.memory_space<hbm>>)
      tpu.yield
    }) : () -> ()
    return
  }
}

#map = affine_map<(d0, d1) -> (0, 0, 0)>
#map1 = affine_map<(d0, d1) -> (0, 0)>
#map2 = affine_map<(d0, d1) -> (0, 0, 0, 0)>
module attributes {stable_mosaic.version = 14 : i64} {
  func.func @k(%arg0: i32, %arg1: i32, %arg2: memref<2x10240x128xf32, #tpu.memory_space<hbm>>, %arg3: memref<32x80x128xi32, #tpu.memory_space<hbm>>, %arg4: memref<32x80x128xi32, #tpu.memory_space<hbm>>, %arg5: memref<640x128xf32, #tpu.memory_space<hbm>>, %arg6: memref<2x2x10240x128xf32, #tpu.memory_space<hbm>>, %arg7: memref<80x128xi32, #tpu.memory_space<vmem>>, %arg8: memref<80x128xi32, #tpu.memory_space<vmem>>, %arg9: memref<128x128xf32, #tpu.memory_space<vmem>>, %arg10: memref<10240x128xf32, #tpu.memory_space<vmem_shared>>, %arg11: memref<!tpu.dma_semaphore, #tpu.memory_space<semaphore_mem>>) attributes {dimension_semantics = [#tpu.dimension_semantics<core_parallel>, #tpu.dimension_semantics<subcore_parallel>], iteration_bounds = array<i64: 2, 16>, scalar_prefetch = 0 : i64, scratch_operands = 5 : i64, tpu.core_type = #tpu.core_type<sc_vector_subcore>, window_params = [{transform_indices = #map}, {transform_indices = #map}, {transform_indices = #map}, {transform_indices = #map1}, {transform_indices = #map2}]} {
    %mul3A = arith.constant 16 : i32
    %mul3A_0 = arith.muli %arg0, %mul3A : i32
    %add3A = arith.addi %mul3A_0, %arg1 : i32
    "tpu.region"() ({
      %run_scoped3A_28 = tpu.sem_alloc : memref<!tpu.dma_semaphore, #tpu.memory_space<semaphore_mem>>
      %dma_start3A = arith.constant 0 : i32
      %dma_start3A_29 = arith.constant 0 : i32
      %dma_start3A_30 = tpu.memref_slice %arg3[%add3A, %dma_start3A, %dma_start3A_29] : memref<32x80x128xi32, #tpu.memory_space<hbm>> -> memref<1x80x128xi32, #tpu.memory_space<hbm>>
      %dma_start3A_31 = tpu.memref_squeeze %dma_start3A_30 : memref<1x80x128xi32, #tpu.memory_space<hbm>> -> memref<80x128xi32, #tpu.memory_space<hbm>>
      %dma_start3A_32 = arith.constant 0 : i32
      %dma_start3A_33 = arith.constant 0 : i32
      %dma_start3A_34 = tpu.memref_slice %arg3[%add3A, %dma_start3A_32, %dma_start3A_33] : memref<32x80x128xi32, #tpu.memory_space<hbm>> -> memref<1x80x128xi32, #tpu.memory_space<hbm>>
      %dma_start3A_35 = tpu.memref_squeeze %dma_start3A_34 : memref<1x80x128xi32, #tpu.memory_space<hbm>> -> memref<80x128xi32, #tpu.memory_space<hbm>>
      tpu.enqueue_dma source(%dma_start3A_35 : memref<80x128xi32, #tpu.memory_space<hbm>>) target(%arg7 : memref<80x128xi32, #tpu.memory_space<vmem>>) target_semaphore(%run_scoped3A_28 : memref<!tpu.dma_semaphore, #tpu.memory_space<semaphore_mem>>)
      %dma_wait3A = arith.constant 0 : i32
      %dma_wait3A_36 = arith.constant 0 : i32
      %dma_wait3A_37 = tpu.memref_slice %arg3[%add3A, %dma_wait3A, %dma_wait3A_36] : memref<32x80x128xi32, #tpu.memory_space<hbm>> -> memref<1x80x128xi32, #tpu.memory_space<hbm>>
      %dma_wait3A_38 = tpu.memref_squeeze %dma_wait3A_37 : memref<1x80x128xi32, #tpu.memory_space<hbm>> -> memref<80x128xi32, #tpu.memory_space<hbm>>
      %dma_wait3A_39 = arith.constant 0 : i32
      %dma_wait3A_40 = arith.constant 0 : i32
      %dma_wait3A_41 = tpu.memref_slice %arg3[%add3A, %dma_wait3A_39, %dma_wait3A_40] : memref<32x80x128xi32, #tpu.memory_space<hbm>> -> memref<1x80x128xi32, #tpu.memory_space<hbm>>
      %dma_wait3A_42 = tpu.memref_squeeze %dma_wait3A_41 : memref<1x80x128xi32, #tpu.memory_space<hbm>> -> memref<80x128xi32, #tpu.memory_space<hbm>>
      tpu.wait_dma2 semaphore(%run_scoped3A_28 : memref<!tpu.dma_semaphore, #tpu.memory_space<semaphore_mem>>) src(%dma_wait3A_42 : memref<80x128xi32, #tpu.memory_space<hbm>>) dst(%arg7 : memref<80x128xi32, #tpu.memory_space<vmem>>)
      tpu.yield
    }) : () -> ()
    "tpu.region"() ({
      %run_scoped3A_28 = tpu.sem_alloc : memref<!tpu.dma_semaphore, #tpu.memory_space<semaphore_mem>>
      %dma_start3A = arith.constant 0 : i32
      %dma_start3A_29 = arith.constant 0 : i32
      %dma_start3A_30 = tpu.memref_slice %arg4[%add3A, %dma_start3A, %dma_start3A_29] : memref<32x80x128xi32, #tpu.memory_space<hbm>> -> memref<1x80x128xi32, #tpu.memory_space<hbm>>
      %dma_start3A_31 = tpu.memref_squeeze %dma_start3A_30 : memref<1x80x128xi32, #tpu.memory_space<hbm>> -> memref<80x128xi32, #tpu.memory_space<hbm>>
      %dma_start3A_32 = arith.constant 0 : i32
      %dma_start3A_33 = arith.constant 0 : i32
      %dma_start3A_34 = tpu.memref_slice %arg4[%add3A, %dma_start3A_32, %dma_start3A_33] : memref<32x80x128xi32, #tpu.memory_space<hbm>> -> memref<1x80x128xi32, #tpu.memory_space<hbm>>
      %dma_start3A_35 = tpu.memref_squeeze %dma_start3A_34 : memref<1x80x128xi32, #tpu.memory_space<hbm>> -> memref<80x128xi32, #tpu.memory_space<hbm>>
      tpu.enqueue_dma source(%dma_start3A_35 : memref<80x128xi32, #tpu.memory_space<hbm>>) target(%arg8 : memref<80x128xi32, #tpu.memory_space<vmem>>) target_semaphore(%run_scoped3A_28 : memref<!tpu.dma_semaphore, #tpu.memory_space<semaphore_mem>>)
      %dma_wait3A = arith.constant 0 : i32
      %dma_wait3A_36 = arith.constant 0 : i32
      %dma_wait3A_37 = tpu.memref_slice %arg4[%add3A, %dma_wait3A, %dma_wait3A_36] : memref<32x80x128xi32, #tpu.memory_space<hbm>> -> memref<1x80x128xi32, #tpu.memory_space<hbm>>
      %dma_wait3A_38 = tpu.memref_squeeze %dma_wait3A_37 : memref<1x80x128xi32, #tpu.memory_space<hbm>> -> memref<80x128xi32, #tpu.memory_space<hbm>>
      %dma_wait3A_39 = arith.constant 0 : i32
      %dma_wait3A_40 = arith.constant 0 : i32
      %dma_wait3A_41 = tpu.memref_slice %arg4[%add3A, %dma_wait3A_39, %dma_wait3A_40] : memref<32x80x128xi32, #tpu.memory_space<hbm>> -> memref<1x80x128xi32, #tpu.memory_space<hbm>>
      %dma_wait3A_42 = tpu.memref_squeeze %dma_wait3A_41 : memref<1x80x128xi32, #tpu.memory_space<hbm>> -> memref<80x128xi32, #tpu.memory_space<hbm>>
      tpu.wait_dma2 semaphore(%run_scoped3A_28 : memref<!tpu.dma_semaphore, #tpu.memory_space<semaphore_mem>>) src(%dma_wait3A_42 : memref<80x128xi32, #tpu.memory_space<hbm>>) dst(%arg8 : memref<80x128xi32, #tpu.memory_space<vmem>>)
      tpu.yield
    }) : () -> ()
    %mul3A_1 = arith.constant 640 : i32
    %mul3A_2 = arith.muli %arg1, %mul3A_1 : i32
    "tpu.region"() ({
      %run_scoped3A_28 = tpu.sem_alloc : memref<!tpu.dma_semaphore, #tpu.memory_space<semaphore_mem>>
      %dma_start3A = arith.constant 0 : i32
      %dma_start3A_29 = tpu.memref_slice %arg10[%mul3A_2, %dma_start3A] : memref<10240x128xf32, #tpu.memory_space<vmem_shared>> -> memref<640x128xf32, #tpu.memory_space<vmem_shared>>
      tpu.enqueue_dma source(%arg5 : memref<640x128xf32, #tpu.memory_space<hbm>>) target(%dma_start3A_29 : memref<640x128xf32, #tpu.memory_space<vmem_shared>>) target_semaphore(%run_scoped3A_28 : memref<!tpu.dma_semaphore, #tpu.memory_space<semaphore_mem>>)
      %dma_wait3A = arith.constant 0 : i32
      %dma_wait3A_30 = tpu.memref_slice %arg10[%mul3A_2, %dma_wait3A] : memref<10240x128xf32, #tpu.memory_space<vmem_shared>> -> memref<640x128xf32, #tpu.memory_space<vmem_shared>>
      tpu.wait_dma2 semaphore(%run_scoped3A_28 : memref<!tpu.dma_semaphore, #tpu.memory_space<semaphore_mem>>) src(%arg5 : memref<640x128xf32, #tpu.memory_space<hbm>>) dst(%dma_wait3A_30 : memref<640x128xf32, #tpu.memory_space<vmem_shared>>)
      tpu.yield
    }) : () -> ()
    %barrier3A = arith.constant 0 : index
    tpu.barrier barrier_id(%barrier3A)
    %scan3A = arith.constant 0 : i32
    %scan3A_3 = arith.constant 0 : i32
    %scan3A_4 = arith.constant 80 : i32
    %scan3A_5 = arith.addi %scan3A_3, %scan3A_4 : i32
    %scan3A_6 = arith.constant 1 : i32
    scf.for %scan3A_28 = %scan3A_3 to %scan3A_5 step %scan3A_6  : i32 {
      %dma_start3A = arith.constant 0 : i32
      %dma_start3A_29 = arith.constant 0 : i32
      %dma_start3A_30 = tpu.memref_slice %arg7[%scan3A_28, %dma_start3A_29] : memref<80x128xi32, #tpu.memory_space<vmem>> -> memref<1x128xi32, #tpu.memory_space<vmem>>
      %dma_start3A_31 = tpu.memref_squeeze %dma_start3A_30 : memref<1x128xi32, #tpu.memory_space<vmem>> -> memref<128xi32, #tpu.memory_space<vmem>>
      %dma_start3A_32 = arith.constant 0 : i32
      %dma_start3A_33 = arith.constant 0 : i32
      %dma_start3A_34 = tpu.memref_slice %arg2[%dma_start3A, %dma_start3A_32, %dma_start3A_33] : memref<2x10240x128xf32, #tpu.memory_space<hbm>> -> memref<1x10240x128xf32, #tpu.memory_space<hbm>>
      %dma_start3A_35 = tpu.memref_squeeze %dma_start3A_34 : memref<1x10240x128xf32, #tpu.memory_space<hbm>> -> memref<10240x128xf32, #tpu.memory_space<hbm>>
      %dma_start3A_36 = arith.constant 0 : i32
      %dma_start3A_37 = arith.constant 0 : i32
      %dma_start3A_38 = tpu.memref_slice %dma_start3A_35[%dma_start3A_36, %dma_start3A_37] : memref<10240x128xf32, #tpu.memory_space<hbm>> -> memref<10240x128xf32, #tpu.memory_space<hbm>>
      tpu.enqueue_indirect_dma source(%dma_start3A_38 : memref<10240x128xf32, #tpu.memory_space<hbm>>) target(%arg9 : memref<128x128xf32, #tpu.memory_space<vmem>>) offsets(%dma_start3A_31 : memref<128xi32, #tpu.memory_space<vmem>>) semaphore(%arg11 : memref<!tpu.dma_semaphore, #tpu.memory_space<semaphore_mem>>)
      %dma_wait3A = arith.constant 0 : i32
      %dma_wait3A_39 = arith.constant 0 : i32
      %dma_wait3A_40 = tpu.memref_slice %arg7[%scan3A_28, %dma_wait3A_39] : memref<80x128xi32, #tpu.memory_space<vmem>> -> memref<1x128xi32, #tpu.memory_space<vmem>>
      %dma_wait3A_41 = tpu.memref_squeeze %dma_wait3A_40 : memref<1x128xi32, #tpu.memory_space<vmem>> -> memref<128xi32, #tpu.memory_space<vmem>>
      %dma_wait3A_42 = arith.constant 0 : i32
      %dma_wait3A_43 = arith.constant 0 : i32
      %dma_wait3A_44 = tpu.memref_slice %arg2[%dma_wait3A, %dma_wait3A_42, %dma_wait3A_43] : memref<2x10240x128xf32, #tpu.memory_space<hbm>> -> memref<1x10240x128xf32, #tpu.memory_space<hbm>>
      %dma_wait3A_45 = tpu.memref_squeeze %dma_wait3A_44 : memref<1x10240x128xf32, #tpu.memory_space<hbm>> -> memref<10240x128xf32, #tpu.memory_space<hbm>>
      %dma_wait3A_46 = arith.constant 0 : i32
      %dma_wait3A_47 = arith.constant 0 : i32
      %dma_wait3A_48 = tpu.memref_slice %dma_wait3A_45[%dma_wait3A_46, %dma_wait3A_47] : memref<10240x128xf32, #tpu.memory_space<hbm>> -> memref<10240x128xf32, #tpu.memory_space<hbm>>
      tpu.wait_indirect_dma semaphore(%arg11 : memref<!tpu.dma_semaphore, #tpu.memory_space<semaphore_mem>>) src(%dma_wait3A_48 : memref<10240x128xf32, #tpu.memory_space<hbm>>) dst(%arg9 : memref<128x128xf32, #tpu.memory_space<vmem>>)
      "tpu.region"() ({
        %run_scoped3A_49 = tpu.sem_alloc : memref<!tpu.dma_semaphore, #tpu.memory_space<semaphore_mem>>
        %dma_start3A_50 = arith.constant 0 : i32
        %dma_start3A_51 = tpu.memref_slice %arg8[%scan3A_28, %dma_start3A_50] : memref<80x128xi32, #tpu.memory_space<vmem>> -> memref<1x128xi32, #tpu.memory_space<vmem>>
        %dma_start3A_52 = tpu.memref_squeeze %dma_start3A_51 : memref<1x128xi32, #tpu.memory_space<vmem>> -> memref<128xi32, #tpu.memory_space<vmem>>
        %dma_start3A_53 = arith.constant 0 : i32
        %dma_start3A_54 = arith.constant 0 : i32
        %dma_start3A_55 = tpu.memref_slice %arg10[%dma_start3A_53, %dma_start3A_54] : memref<10240x128xf32, #tpu.memory_space<vmem_shared>> -> memref<10240x128xf32, #tpu.memory_space<vmem_shared>>
        tpu.enqueue_indirect_dma source(%arg9 : memref<128x128xf32, #tpu.memory_space<vmem>>) target(%dma_start3A_55 : memref<10240x128xf32, #tpu.memory_space<vmem_shared>>) offsets(%dma_start3A_52 : memref<128xi32, #tpu.memory_space<vmem>>) semaphore(%run_scoped3A_49 : memref<!tpu.dma_semaphore, #tpu.memory_space<semaphore_mem>>) {add = true}
        %dma_wait3A_56 = arith.constant 0 : i32
        %dma_wait3A_57 = tpu.memref_slice %arg8[%scan3A_28, %dma_wait3A_56] : memref<80x128xi32, #tpu.memory_space<vmem>> -> memref<1x128xi32, #tpu.memory_space<vmem>>
        %dma_wait3A_58 = tpu.memref_squeeze %dma_wait3A_57 : memref<1x128xi32, #tpu.memory_space<vmem>> -> memref<128xi32, #tpu.memory_space<vmem>>
        %dma_wait3A_59 = arith.constant 0 : i32
        %dma_wait3A_60 = arith.constant 0 : i32
        %dma_wait3A_61 = tpu.memref_slice %arg10[%dma_wait3A_59, %dma_wait3A_60] : memref<10240x128xf32, #tpu.memory_space<vmem_shared>> -> memref<10240x128xf32, #tpu.memory_space<vmem_shared>>
        tpu.wait_indirect_dma semaphore(%run_scoped3A_49 : memref<!tpu.dma_semaphore, #tpu.memory_space<semaphore_mem>>) src(%arg9 : memref<128x128xf32, #tpu.memory_space<vmem>>) dst(%dma_wait3A_61 : memref<10240x128xf32, #tpu.memory_space<vmem_shared>>)
        tpu.yield
      }) : () -> ()
    }
    %scan3A_7 = arith.constant 80 : i32
    %barrier3A_8 = arith.constant 0 : index
    tpu.barrier barrier_id(%barrier3A_8)
    %mul3A_9 = arith.constant 640 : i32
    %mul3A_10 = arith.muli %arg1, %mul3A_9 : i32
    %mul3A_11 = arith.constant 640 : i32
    %mul3A_12 = arith.muli %arg1, %mul3A_11 : i32
    %run_scoped3A = arith.constant 0 : i32
    "tpu.region"() ({
      %run_scoped3A_28 = tpu.sem_alloc : memref<!tpu.dma_semaphore, #tpu.memory_space<semaphore_mem>>
      %dma_start3A = arith.constant 0 : i32
      %dma_start3A_29 = arith.constant 0 : i32
      %dma_start3A_30 = arith.constant 0 : i32
      %dma_start3A_31 = tpu.memref_slice %arg6[%arg0, %dma_start3A, %dma_start3A_29, %dma_start3A_30] : memref<2x2x10240x128xf32, #tpu.memory_space<hbm>> -> memref<1x2x10240x128xf32, #tpu.memory_space<hbm>>
      %dma_start3A_32 = tpu.memref_squeeze %dma_start3A_31 : memref<1x2x10240x128xf32, #tpu.memory_space<hbm>> -> memref<2x10240x128xf32, #tpu.memory_space<hbm>>
      %dma_start3A_33 = arith.constant 0 : i32
      %dma_start3A_34 = arith.constant 0 : i32
      %dma_start3A_35 = tpu.memref_slice %dma_start3A_32[%run_scoped3A, %dma_start3A_33, %dma_start3A_34] : memref<2x10240x128xf32, #tpu.memory_space<hbm>> -> memref<1x10240x128xf32, #tpu.memory_space<hbm>>
      %dma_start3A_36 = tpu.memref_squeeze %dma_start3A_35 : memref<1x10240x128xf32, #tpu.memory_space<hbm>> -> memref<10240x128xf32, #tpu.memory_space<hbm>>
      %dma_start3A_37 = arith.constant 0 : i32
      %dma_start3A_38 = tpu.memref_slice %dma_start3A_36[%mul3A_12, %dma_start3A_37] : memref<10240x128xf32, #tpu.memory_space<hbm>> -> memref<640x128xf32, #tpu.memory_space<hbm>>
      %dma_start3A_39 = arith.constant 0 : i32
      %dma_start3A_40 = tpu.memref_slice %arg10[%mul3A_10, %dma_start3A_39] : memref<10240x128xf32, #tpu.memory_space<vmem_shared>> -> memref<640x128xf32, #tpu.memory_space<vmem_shared>>
      tpu.enqueue_dma source(%dma_start3A_40 : memref<640x128xf32, #tpu.memory_space<vmem_shared>>) target(%dma_start3A_38 : memref<640x128xf32, #tpu.memory_space<hbm>>) target_semaphore(%run_scoped3A_28 : memref<!tpu.dma_semaphore, #tpu.memory_space<semaphore_mem>>)
      %dma_wait3A = arith.constant 0 : i32
      %dma_wait3A_41 = arith.constant 0 : i32
      %dma_wait3A_42 = arith.constant 0 : i32
      %dma_wait3A_43 = tpu.memref_slice %arg6[%arg0, %dma_wait3A, %dma_wait3A_41, %dma_wait3A_42] : memref<2x2x10240x128xf32, #tpu.memory_space<hbm>> -> memref<1x2x10240x128xf32, #tpu.memory_space<hbm>>
      %dma_wait3A_44 = tpu.memref_squeeze %dma_wait3A_43 : memref<1x2x10240x128xf32, #tpu.memory_space<hbm>> -> memref<2x10240x128xf32, #tpu.memory_space<hbm>>
      %dma_wait3A_45 = arith.constant 0 : i32
      %dma_wait3A_46 = arith.constant 0 : i32
      %dma_wait3A_47 = tpu.memref_slice %dma_wait3A_44[%run_scoped3A, %dma_wait3A_45, %dma_wait3A_46] : memref<2x10240x128xf32, #tpu.memory_space<hbm>> -> memref<1x10240x128xf32, #tpu.memory_space<hbm>>
      %dma_wait3A_48 = tpu.memref_squeeze %dma_wait3A_47 : memref<1x10240x128xf32, #tpu.memory_space<hbm>> -> memref<10240x128xf32, #tpu.memory_space<hbm>>
      %dma_wait3A_49 = arith.constant 0 : i32
      %dma_wait3A_50 = tpu.memref_slice %dma_wait3A_48[%mul3A_12, %dma_wait3A_49] : memref<10240x128xf32, #tpu.memory_space<hbm>> -> memref<640x128xf32, #tpu.memory_space<hbm>>
      %dma_wait3A_51 = arith.constant 0 : i32
      %dma_wait3A_52 = tpu.memref_slice %arg10[%mul3A_10, %dma_wait3A_51] : memref<10240x128xf32, #tpu.memory_space<vmem_shared>> -> memref<640x128xf32, #tpu.memory_space<vmem_shared>>
      tpu.wait_dma2 semaphore(%run_scoped3A_28 : memref<!tpu.dma_semaphore, #tpu.memory_space<semaphore_mem>>) src(%dma_wait3A_52 : memref<640x128xf32, #tpu.memory_space<vmem_shared>>) dst(%dma_wait3A_50 : memref<640x128xf32, #tpu.memory_space<hbm>>)
      tpu.yield
    }) : () -> ()
    %mul3A_13 = arith.constant 640 : i32
    %mul3A_14 = arith.muli %arg1, %mul3A_13 : i32
    "tpu.region"() ({
      %run_scoped3A_28 = tpu.sem_alloc : memref<!tpu.dma_semaphore, #tpu.memory_space<semaphore_mem>>
      %dma_start3A = arith.constant 0 : i32
      %dma_start3A_29 = tpu.memref_slice %arg10[%mul3A_14, %dma_start3A] : memref<10240x128xf32, #tpu.memory_space<vmem_shared>> -> memref<640x128xf32, #tpu.memory_space<vmem_shared>>
      tpu.enqueue_dma source(%arg5 : memref<640x128xf32, #tpu.memory_space<hbm>>) target(%dma_start3A_29 : memref<640x128xf32, #tpu.memory_space<vmem_shared>>) target_semaphore(%run_scoped3A_28 : memref<!tpu.dma_semaphore, #tpu.memory_space<semaphore_mem>>)
      %dma_wait3A = arith.constant 0 : i32
      %dma_wait3A_30 = tpu.memref_slice %arg10[%mul3A_14, %dma_wait3A] : memref<10240x128xf32, #tpu.memory_space<vmem_shared>> -> memref<640x128xf32, #tpu.memory_space<vmem_shared>>
      tpu.wait_dma2 semaphore(%run_scoped3A_28 : memref<!tpu.dma_semaphore, #tpu.memory_space<semaphore_mem>>) src(%arg5 : memref<640x128xf32, #tpu.memory_space<hbm>>) dst(%dma_wait3A_30 : memref<640x128xf32, #tpu.memory_space<vmem_shared>>)
      tpu.yield
    }) : () -> ()
    %barrier3A_15 = arith.constant 0 : index
    tpu.barrier barrier_id(%barrier3A_15)
    %scan3A_16 = arith.constant 0 : i32
    %scan3A_17 = arith.constant 0 : i32
    %scan3A_18 = arith.constant 80 : i32
    %scan3A_19 = arith.addi %scan3A_17, %scan3A_18 : i32
    %scan3A_20 = arith.constant 1 : i32
    scf.for %scan3A_28 = %scan3A_17 to %scan3A_19 step %scan3A_20  : i32 {
      %dma_start3A = arith.constant 1 : i32
      %dma_start3A_29 = arith.constant 0 : i32
      %dma_start3A_30 = tpu.memref_slice %arg7[%scan3A_28, %dma_start3A_29] : memref<80x128xi32, #tpu.memory_space<vmem>> -> memref<1x128xi32, #tpu.memory_space<vmem>>
      %dma_start3A_31 = tpu.memref_squeeze %dma_start3A_30 : memref<1x128xi32, #tpu.memory_space<vmem>> -> memref<128xi32, #tpu.memory_space<vmem>>
      %dma_start3A_32 = arith.constant 0 : i32
      %dma_start3A_33 = arith.constant 0 : i32
      %dma_start3A_34 = tpu.memref_slice %arg2[%dma_start3A, %dma_start3A_32, %dma_start3A_33] : memref<2x10240x128xf32, #tpu.memory_space<hbm>> -> memref<1x10240x128xf32, #tpu.memory_space<hbm>>
      %dma_start3A_35 = tpu.memref_squeeze %dma_start3A_34 : memref<1x10240x128xf32, #tpu.memory_space<hbm>> -> memref<10240x128xf32, #tpu.memory_space<hbm>>
      %dma_start3A_36 = arith.constant 0 : i32
      %dma_start3A_37 = arith.constant 0 : i32
      %dma_start3A_38 = tpu.memref_slice %dma_start3A_35[%dma_start3A_36, %dma_start3A_37] : memref<10240x128xf32, #tpu.memory_space<hbm>> -> memref<10240x128xf32, #tpu.memory_space<hbm>>
      tpu.enqueue_indirect_dma source(%dma_start3A_38 : memref<10240x128xf32, #tpu.memory_space<hbm>>) target(%arg9 : memref<128x128xf32, #tpu.memory_space<vmem>>) offsets(%dma_start3A_31 : memref<128xi32, #tpu.memory_space<vmem>>) semaphore(%arg11 : memref<!tpu.dma_semaphore, #tpu.memory_space<semaphore_mem>>)
      %dma_wait3A = arith.constant 1 : i32
      %dma_wait3A_39 = arith.constant 0 : i32
      %dma_wait3A_40 = tpu.memref_slice %arg7[%scan3A_28, %dma_wait3A_39] : memref<80x128xi32, #tpu.memory_space<vmem>> -> memref<1x128xi32, #tpu.memory_space<vmem>>
      %dma_wait3A_41 = tpu.memref_squeeze %dma_wait3A_40 : memref<1x128xi32, #tpu.memory_space<vmem>> -> memref<128xi32, #tpu.memory_space<vmem>>
      %dma_wait3A_42 = arith.constant 0 : i32
      %dma_wait3A_43 = arith.constant 0 : i32
      %dma_wait3A_44 = tpu.memref_slice %arg2[%dma_wait3A, %dma_wait3A_42, %dma_wait3A_43] : memref<2x10240x128xf32, #tpu.memory_space<hbm>> -> memref<1x10240x128xf32, #tpu.memory_space<hbm>>
      %dma_wait3A_45 = tpu.memref_squeeze %dma_wait3A_44 : memref<1x10240x128xf32, #tpu.memory_space<hbm>> -> memref<10240x128xf32, #tpu.memory_space<hbm>>
      %dma_wait3A_46 = arith.constant 0 : i32
      %dma_wait3A_47 = arith.constant 0 : i32
      %dma_wait3A_48 = tpu.memref_slice %dma_wait3A_45[%dma_wait3A_46, %dma_wait3A_47] : memref<10240x128xf32, #tpu.memory_space<hbm>> -> memref<10240x128xf32, #tpu.memory_space<hbm>>
      tpu.wait_indirect_dma semaphore(%arg11 : memref<!tpu.dma_semaphore, #tpu.memory_space<semaphore_mem>>) src(%dma_wait3A_48 : memref<10240x128xf32, #tpu.memory_space<hbm>>) dst(%arg9 : memref<128x128xf32, #tpu.memory_space<vmem>>)
      "tpu.region"() ({
        %run_scoped3A_49 = tpu.sem_alloc : memref<!tpu.dma_semaphore, #tpu.memory_space<semaphore_mem>>
        %dma_start3A_50 = arith.constant 0 : i32
        %dma_start3A_51 = tpu.memref_slice %arg8[%scan3A_28, %dma_start3A_50] : memref<80x128xi32, #tpu.memory_space<vmem>> -> memref<1x128xi32, #tpu.memory_space<vmem>>
        %dma_start3A_52 = tpu.memref_squeeze %dma_start3A_51 : memref<1x128xi32, #tpu.memory_space<vmem>> -> memref<128xi32, #tpu.memory_space<vmem>>
        %dma_start3A_53 = arith.constant 0 : i32
        %dma_start3A_54 = arith.constant 0 : i32
        %dma_start3A_55 = tpu.memref_slice %arg10[%dma_start3A_53, %dma_start3A_54] : memref<10240x128xf32, #tpu.memory_space<vmem_shared>> -> memref<10240x128xf32, #tpu.memory_space<vmem_shared>>
        tpu.enqueue_indirect_dma source(%arg9 : memref<128x128xf32, #tpu.memory_space<vmem>>) target(%dma_start3A_55 : memref<10240x128xf32, #tpu.memory_space<vmem_shared>>) offsets(%dma_start3A_52 : memref<128xi32, #tpu.memory_space<vmem>>) semaphore(%run_scoped3A_49 : memref<!tpu.dma_semaphore, #tpu.memory_space<semaphore_mem>>) {add = true}
        %dma_wait3A_56 = arith.constant 0 : i32
        %dma_wait3A_57 = tpu.memref_slice %arg8[%scan3A_28, %dma_wait3A_56] : memref<80x128xi32, #tpu.memory_space<vmem>> -> memref<1x128xi32, #tpu.memory_space<vmem>>
        %dma_wait3A_58 = tpu.memref_squeeze %dma_wait3A_57 : memref<1x128xi32, #tpu.memory_space<vmem>> -> memref<128xi32, #tpu.memory_space<vmem>>
        %dma_wait3A_59 = arith.constant 0 : i32
        %dma_wait3A_60 = arith.constant 0 : i32
        %dma_wait3A_61 = tpu.memref_slice %arg10[%dma_wait3A_59, %dma_wait3A_60] : memref<10240x128xf32, #tpu.memory_space<vmem_shared>> -> memref<10240x128xf32, #tpu.memory_space<vmem_shared>>
        tpu.wait_indirect_dma semaphore(%run_scoped3A_49 : memref<!tpu.dma_semaphore, #tpu.memory_space<semaphore_mem>>) src(%arg9 : memref<128x128xf32, #tpu.memory_space<vmem>>) dst(%dma_wait3A_61 : memref<10240x128xf32, #tpu.memory_space<vmem_shared>>)
        tpu.yield
      }) : () -> ()
    }
    %scan3A_21 = arith.constant 80 : i32
    %barrier3A_22 = arith.constant 0 : index
    tpu.barrier barrier_id(%barrier3A_22)
    %mul3A_23 = arith.constant 640 : i32
    %mul3A_24 = arith.muli %arg1, %mul3A_23 : i32
    %mul3A_25 = arith.constant 640 : i32
    %mul3A_26 = arith.muli %arg1, %mul3A_25 : i32
    %run_scoped3A_27 = arith.constant 1 : i32
    "tpu.region"() ({
      %run_scoped3A_28 = tpu.sem_alloc : memref<!tpu.dma_semaphore, #tpu.memory_space<semaphore_mem>>
      %dma_start3A = arith.constant 0 : i32
      %dma_start3A_29 = arith.constant 0 : i32
      %dma_start3A_30 = arith.constant 0 : i32
      %dma_start3A_31 = tpu.memref_slice %arg6[%arg0, %dma_start3A, %dma_start3A_29, %dma_start3A_30] : memref<2x2x10240x128xf32, #tpu.memory_space<hbm>> -> memref<1x2x10240x128xf32, #tpu.memory_space<hbm>>
      %dma_start3A_32 = tpu.memref_squeeze %dma_start3A_31 : memref<1x2x10240x128xf32, #tpu.memory_space<hbm>> -> memref<2x10240x128xf32, #tpu.memory_space<hbm>>
      %dma_start3A_33 = arith.constant 0 : i32
      %dma_start3A_34 = arith.constant 0 : i32
      %dma_start3A_35 = tpu.memref_slice %dma_start3A_32[%run_scoped3A_27, %dma_start3A_33, %dma_start3A_34] : memref<2x10240x128xf32, #tpu.memory_space<hbm>> -> memref<1x10240x128xf32, #tpu.memory_space<hbm>>
      %dma_start3A_36 = tpu.memref_squeeze %dma_start3A_35 : memref<1x10240x128xf32, #tpu.memory_space<hbm>> -> memref<10240x128xf32, #tpu.memory_space<hbm>>
      %dma_start3A_37 = arith.constant 0 : i32
      %dma_start3A_38 = tpu.memref_slice %dma_start3A_36[%mul3A_26, %dma_start3A_37] : memref<10240x128xf32, #tpu.memory_space<hbm>> -> memref<640x128xf32, #tpu.memory_space<hbm>>
      %dma_start3A_39 = arith.constant 0 : i32
      %dma_start3A_40 = tpu.memref_slice %arg10[%mul3A_24, %dma_start3A_39] : memref<10240x128xf32, #tpu.memory_space<vmem_shared>> -> memref<640x128xf32, #tpu.memory_space<vmem_shared>>
      tpu.enqueue_dma source(%dma_start3A_40 : memref<640x128xf32, #tpu.memory_space<vmem_shared>>) target(%dma_start3A_38 : memref<640x128xf32, #tpu.memory_space<hbm>>) target_semaphore(%run_scoped3A_28 : memref<!tpu.dma_semaphore, #tpu.memory_space<semaphore_mem>>)
      %dma_wait3A = arith.constant 0 : i32
      %dma_wait3A_41 = arith.constant 0 : i32
      %dma_wait3A_42 = arith.constant 0 : i32
      %dma_wait3A_43 = tpu.memref_slice %arg6[%arg0, %dma_wait3A, %dma_wait3A_41, %dma_wait3A_42] : memref<2x2x10240x128xf32, #tpu.memory_space<hbm>> -> memref<1x2x10240x128xf32, #tpu.memory_space<hbm>>
      %dma_wait3A_44 = tpu.memref_squeeze %dma_wait3A_43 : memref<1x2x10240x128xf32, #tpu.memory_space<hbm>> -> memref<2x10240x128xf32, #tpu.memory_space<hbm>>
      %dma_wait3A_45 = arith.constant 0 : i32
      %dma_wait3A_46 = arith.constant 0 : i32
      %dma_wait3A_47 = tpu.memref_slice %dma_wait3A_44[%run_scoped3A_27, %dma_wait3A_45, %dma_wait3A_46] : memref<2x10240x128xf32, #tpu.memory_space<hbm>> -> memref<1x10240x128xf32, #tpu.memory_space<hbm>>
      %dma_wait3A_48 = tpu.memref_squeeze %dma_wait3A_47 : memref<1x10240x128xf32, #tpu.memory_space<hbm>> -> memref<10240x128xf32, #tpu.memory_space<hbm>>
      %dma_wait3A_49 = arith.constant 0 : i32
      %dma_wait3A_50 = tpu.memref_slice %dma_wait3A_48[%mul3A_26, %dma_wait3A_49] : memref<10240x128xf32, #tpu.memory_space<hbm>> -> memref<640x128xf32, #tpu.memory_space<hbm>>
      %dma_wait3A_51 = arith.constant 0 : i32
      %dma_wait3A_52 = tpu.memref_slice %arg10[%mul3A_24, %dma_wait3A_51] : memref<10240x128xf32, #tpu.memory_space<vmem_shared>> -> memref<640x128xf32, #tpu.memory_space<vmem_shared>>
      tpu.wait_dma2 semaphore(%run_scoped3A_28 : memref<!tpu.dma_semaphore, #tpu.memory_space<semaphore_mem>>) src(%dma_wait3A_52 : memref<640x128xf32, #tpu.memory_space<vmem_shared>>) dst(%dma_wait3A_50 : memref<640x128xf32, #tpu.memory_space<hbm>>)
      tpu.yield
    }) : () -> ()
    return
  }
}

#map = affine_map<(d0, d1) -> (0, 0, 0)>
#map1 = affine_map<(d0, d1) -> (0, 0)>
#map2 = affine_map<(d0, d1) -> (0, 0, 0, 0)>
module attributes {stable_mosaic.version = 14 : i64} {
  func.func @k(%arg0: i32, %arg1: i32, %arg2: memref<4x10240x128xf32, #tpu.memory_space<hbm>>, %arg3: memref<32x80x128xi32, #tpu.memory_space<hbm>>, %arg4: memref<32x80x128xi32, #tpu.memory_space<hbm>>, %arg5: memref<640x128xf32, #tpu.memory_space<hbm>>, %arg6: memref<2x4x10240x128xf32, #tpu.memory_space<hbm>>, %arg7: memref<80x128xi32, #tpu.memory_space<vmem>>, %arg8: memref<80x128xi32, #tpu.memory_space<vmem>>, %arg9: memref<128x128xf32, #tpu.memory_space<vmem>>, %arg10: memref<10240x128xf32, #tpu.memory_space<vmem_shared>>, %arg11: memref<!tpu.dma_semaphore, #tpu.memory_space<semaphore_mem>>) attributes {dimension_semantics = [#tpu.dimension_semantics<core_parallel>, #tpu.dimension_semantics<subcore_parallel>], iteration_bounds = array<i64: 2, 16>, scalar_prefetch = 0 : i64, scratch_operands = 5 : i64, tpu.core_type = #tpu.core_type<sc_vector_subcore>, window_params = [{transform_indices = #map}, {transform_indices = #map}, {transform_indices = #map}, {transform_indices = #map1}, {transform_indices = #map2}]} {
    %mul3A = arith.constant 16 : i32
    %mul3A_0 = arith.muli %arg0, %mul3A : i32
    %add3A = arith.addi %mul3A_0, %arg1 : i32
    "tpu.region"() ({
      %run_scoped3A_58 = tpu.sem_alloc : memref<!tpu.dma_semaphore, #tpu.memory_space<semaphore_mem>>
      %dma_start3A = arith.constant 0 : i32
      %dma_start3A_59 = arith.constant 0 : i32
      %dma_start3A_60 = tpu.memref_slice %arg3[%add3A, %dma_start3A, %dma_start3A_59] : memref<32x80x128xi32, #tpu.memory_space<hbm>> -> memref<1x80x128xi32, #tpu.memory_space<hbm>>
      %dma_start3A_61 = tpu.memref_squeeze %dma_start3A_60 : memref<1x80x128xi32, #tpu.memory_space<hbm>> -> memref<80x128xi32, #tpu.memory_space<hbm>>
      %dma_start3A_62 = arith.constant 0 : i32
      %dma_start3A_63 = arith.constant 0 : i32
      %dma_start3A_64 = tpu.memref_slice %arg3[%add3A, %dma_start3A_62, %dma_start3A_63] : memref<32x80x128xi32, #tpu.memory_space<hbm>> -> memref<1x80x128xi32, #tpu.memory_space<hbm>>
      %dma_start3A_65 = tpu.memref_squeeze %dma_start3A_64 : memref<1x80x128xi32, #tpu.memory_space<hbm>> -> memref<80x128xi32, #tpu.memory_space<hbm>>
      tpu.enqueue_dma source(%dma_start3A_65 : memref<80x128xi32, #tpu.memory_space<hbm>>) target(%arg7 : memref<80x128xi32, #tpu.memory_space<vmem>>) target_semaphore(%run_scoped3A_58 : memref<!tpu.dma_semaphore, #tpu.memory_space<semaphore_mem>>)
      %dma_wait3A = arith.constant 0 : i32
      %dma_wait3A_66 = arith.constant 0 : i32
      %dma_wait3A_67 = tpu.memref_slice %arg3[%add3A, %dma_wait3A, %dma_wait3A_66] : memref<32x80x128xi32, #tpu.memory_space<hbm>> -> memref<1x80x128xi32, #tpu.memory_space<hbm>>
      %dma_wait3A_68 = tpu.memref_squeeze %dma_wait3A_67 : memref<1x80x128xi32, #tpu.memory_space<hbm>> -> memref<80x128xi32, #tpu.memory_space<hbm>>
      %dma_wait3A_69 = arith.constant 0 : i32
      %dma_wait3A_70 = arith.constant 0 : i32
      %dma_wait3A_71 = tpu.memref_slice %arg3[%add3A, %dma_wait3A_69, %dma_wait3A_70] : memref<32x80x128xi32, #tpu.memory_space<hbm>> -> memref<1x80x128xi32, #tpu.memory_space<hbm>>
      %dma_wait3A_72 = tpu.memref_squeeze %dma_wait3A_71 : memref<1x80x128xi32, #tpu.memory_space<hbm>> -> memref<80x128xi32, #tpu.memory_space<hbm>>
      tpu.wait_dma2 semaphore(%run_scoped3A_58 : memref<!tpu.dma_semaphore, #tpu.memory_space<semaphore_mem>>) src(%dma_wait3A_72 : memref<80x128xi32, #tpu.memory_space<hbm>>) dst(%arg7 : memref<80x128xi32, #tpu.memory_space<vmem>>)
      tpu.yield
    }) : () -> ()
    "tpu.region"() ({
      %run_scoped3A_58 = tpu.sem_alloc : memref<!tpu.dma_semaphore, #tpu.memory_space<semaphore_mem>>
      %dma_start3A = arith.constant 0 : i32
      %dma_start3A_59 = arith.constant 0 : i32
      %dma_start3A_60 = tpu.memref_slice %arg4[%add3A, %dma_start3A, %dma_start3A_59] : memref<32x80x128xi32, #tpu.memory_space<hbm>> -> memref<1x80x128xi32, #tpu.memory_space<hbm>>
      %dma_start3A_61 = tpu.memref_squeeze %dma_start3A_60 : memref<1x80x128xi32, #tpu.memory_space<hbm>> -> memref<80x128xi32, #tpu.memory_space<hbm>>
      %dma_start3A_62 = arith.constant 0 : i32
      %dma_start3A_63 = arith.constant 0 : i32
      %dma_start3A_64 = tpu.memref_slice %arg4[%add3A, %dma_start3A_62, %dma_start3A_63] : memref<32x80x128xi32, #tpu.memory_space<hbm>> -> memref<1x80x128xi32, #tpu.memory_space<hbm>>
      %dma_start3A_65 = tpu.memref_squeeze %dma_start3A_64 : memref<1x80x128xi32, #tpu.memory_space<hbm>> -> memref<80x128xi32, #tpu.memory_space<hbm>>
      tpu.enqueue_dma source(%dma_start3A_65 : memref<80x128xi32, #tpu.memory_space<hbm>>) target(%arg8 : memref<80x128xi32, #tpu.memory_space<vmem>>) target_semaphore(%run_scoped3A_58 : memref<!tpu.dma_semaphore, #tpu.memory_space<semaphore_mem>>)
      %dma_wait3A = arith.constant 0 : i32
      %dma_wait3A_66 = arith.constant 0 : i32
      %dma_wait3A_67 = tpu.memref_slice %arg4[%add3A, %dma_wait3A, %dma_wait3A_66] : memref<32x80x128xi32, #tpu.memory_space<hbm>> -> memref<1x80x128xi32, #tpu.memory_space<hbm>>
      %dma_wait3A_68 = tpu.memref_squeeze %dma_wait3A_67 : memref<1x80x128xi32, #tpu.memory_space<hbm>> -> memref<80x128xi32, #tpu.memory_space<hbm>>
      %dma_wait3A_69 = arith.constant 0 : i32
      %dma_wait3A_70 = arith.constant 0 : i32
      %dma_wait3A_71 = tpu.memref_slice %arg4[%add3A, %dma_wait3A_69, %dma_wait3A_70] : memref<32x80x128xi32, #tpu.memory_space<hbm>> -> memref<1x80x128xi32, #tpu.memory_space<hbm>>
      %dma_wait3A_72 = tpu.memref_squeeze %dma_wait3A_71 : memref<1x80x128xi32, #tpu.memory_space<hbm>> -> memref<80x128xi32, #tpu.memory_space<hbm>>
      tpu.wait_dma2 semaphore(%run_scoped3A_58 : memref<!tpu.dma_semaphore, #tpu.memory_space<semaphore_mem>>) src(%dma_wait3A_72 : memref<80x128xi32, #tpu.memory_space<hbm>>) dst(%arg8 : memref<80x128xi32, #tpu.memory_space<vmem>>)
      tpu.yield
    }) : () -> ()
    %mul3A_1 = arith.constant 640 : i32
    %mul3A_2 = arith.muli %arg1, %mul3A_1 : i32
    "tpu.region"() ({
      %run_scoped3A_58 = tpu.sem_alloc : memref<!tpu.dma_semaphore, #tpu.memory_space<semaphore_mem>>
      %dma_start3A = arith.constant 0 : i32
      %dma_start3A_59 = tpu.memref_slice %arg10[%mul3A_2, %dma_start3A] : memref<10240x128xf32, #tpu.memory_space<vmem_shared>> -> memref<640x128xf32, #tpu.memory_space<vmem_shared>>
      tpu.enqueue_dma source(%arg5 : memref<640x128xf32, #tpu.memory_space<hbm>>) target(%dma_start3A_59 : memref<640x128xf32, #tpu.memory_space<vmem_shared>>) target_semaphore(%run_scoped3A_58 : memref<!tpu.dma_semaphore, #tpu.memory_space<semaphore_mem>>)
      %dma_wait3A = arith.constant 0 : i32
      %dma_wait3A_60 = tpu.memref_slice %arg10[%mul3A_2, %dma_wait3A] : memref<10240x128xf32, #tpu.memory_space<vmem_shared>> -> memref<640x128xf32, #tpu.memory_space<vmem_shared>>
      tpu.wait_dma2 semaphore(%run_scoped3A_58 : memref<!tpu.dma_semaphore, #tpu.memory_space<semaphore_mem>>) src(%arg5 : memref<640x128xf32, #tpu.memory_space<hbm>>) dst(%dma_wait3A_60 : memref<640x128xf32, #tpu.memory_space<vmem_shared>>)
      tpu.yield
    }) : () -> ()
    %barrier3A = arith.constant 0 : index
    tpu.barrier barrier_id(%barrier3A)
    %scan3A = arith.constant 0 : i32
    %scan3A_3 = arith.constant 0 : i32
    %scan3A_4 = arith.constant 80 : i32
    %scan3A_5 = arith.addi %scan3A_3, %scan3A_4 : i32
    %scan3A_6 = arith.constant 1 : i32
    scf.for %scan3A_58 = %scan3A_3 to %scan3A_5 step %scan3A_6  : i32 {
      %dma_start3A = arith.constant 0 : i32
      %dma_start3A_59 = arith.constant 0 : i32
      %dma_start3A_60 = tpu.memref_slice %arg7[%scan3A_58, %dma_start3A_59] : memref<80x128xi32, #tpu.memory_space<vmem>> -> memref<1x128xi32, #tpu.memory_space<vmem>>
      %dma_start3A_61 = tpu.memref_squeeze %dma_start3A_60 : memref<1x128xi32, #tpu.memory_space<vmem>> -> memref<128xi32, #tpu.memory_space<vmem>>
      %dma_start3A_62 = arith.constant 0 : i32
      %dma_start3A_63 = arith.constant 0 : i32
      %dma_start3A_64 = tpu.memref_slice %arg2[%dma_start3A, %dma_start3A_62, %dma_start3A_63] : memref<4x10240x128xf32, #tpu.memory_space<hbm>> -> memref<1x10240x128xf32, #tpu.memory_space<hbm>>
      %dma_start3A_65 = tpu.memref_squeeze %dma_start3A_64 : memref<1x10240x128xf32, #tpu.memory_space<hbm>> -> memref<10240x128xf32, #tpu.memory_space<hbm>>
      %dma_start3A_66 = arith.constant 0 : i32
      %dma_start3A_67 = arith.constant 0 : i32
      %dma_start3A_68 = tpu.memref_slice %dma_start3A_65[%dma_start3A_66, %dma_start3A_67] : memref<10240x128xf32, #tpu.memory_space<hbm>> -> memref<10240x128xf32, #tpu.memory_space<hbm>>
      tpu.enqueue_indirect_dma source(%dma_start3A_68 : memref<10240x128xf32, #tpu.memory_space<hbm>>) target(%arg9 : memref<128x128xf32, #tpu.memory_space<vmem>>) offsets(%dma_start3A_61 : memref<128xi32, #tpu.memory_space<vmem>>) semaphore(%arg11 : memref<!tpu.dma_semaphore, #tpu.memory_space<semaphore_mem>>)
      %dma_wait3A = arith.constant 0 : i32
      %dma_wait3A_69 = arith.constant 0 : i32
      %dma_wait3A_70 = tpu.memref_slice %arg7[%scan3A_58, %dma_wait3A_69] : memref<80x128xi32, #tpu.memory_space<vmem>> -> memref<1x128xi32, #tpu.memory_space<vmem>>
      %dma_wait3A_71 = tpu.memref_squeeze %dma_wait3A_70 : memref<1x128xi32, #tpu.memory_space<vmem>> -> memref<128xi32, #tpu.memory_space<vmem>>
      %dma_wait3A_72 = arith.constant 0 : i32
      %dma_wait3A_73 = arith.constant 0 : i32
      %dma_wait3A_74 = tpu.memref_slice %arg2[%dma_wait3A, %dma_wait3A_72, %dma_wait3A_73] : memref<4x10240x128xf32, #tpu.memory_space<hbm>> -> memref<1x10240x128xf32, #tpu.memory_space<hbm>>
      %dma_wait3A_75 = tpu.memref_squeeze %dma_wait3A_74 : memref<1x10240x128xf32, #tpu.memory_space<hbm>> -> memref<10240x128xf32, #tpu.memory_space<hbm>>
      %dma_wait3A_76 = arith.constant 0 : i32
      %dma_wait3A_77 = arith.constant 0 : i32
      %dma_wait3A_78 = tpu.memref_slice %dma_wait3A_75[%dma_wait3A_76, %dma_wait3A_77] : memref<10240x128xf32, #tpu.memory_space<hbm>> -> memref<10240x128xf32, #tpu.memory_space<hbm>>
      tpu.wait_indirect_dma semaphore(%arg11 : memref<!tpu.dma_semaphore, #tpu.memory_space<semaphore_mem>>) src(%dma_wait3A_78 : memref<10240x128xf32, #tpu.memory_space<hbm>>) dst(%arg9 : memref<128x128xf32, #tpu.memory_space<vmem>>)
      "tpu.region"() ({
        %run_scoped3A_79 = tpu.sem_alloc : memref<!tpu.dma_semaphore, #tpu.memory_space<semaphore_mem>>
        %dma_start3A_80 = arith.constant 0 : i32
        %dma_start3A_81 = tpu.memref_slice %arg8[%scan3A_58, %dma_start3A_80] : memref<80x128xi32, #tpu.memory_space<vmem>> -> memref<1x128xi32, #tpu.memory_space<vmem>>
        %dma_start3A_82 = tpu.memref_squeeze %dma_start3A_81 : memref<1x128xi32, #tpu.memory_space<vmem>> -> memref<128xi32, #tpu.memory_space<vmem>>
        %dma_start3A_83 = arith.constant 0 : i32
        %dma_start3A_84 = arith.constant 0 : i32
        %dma_start3A_85 = tpu.memref_slice %arg10[%dma_start3A_83, %dma_start3A_84] : memref<10240x128xf32, #tpu.memory_space<vmem_shared>> -> memref<10240x128xf32, #tpu.memory_space<vmem_shared>>
        tpu.enqueue_indirect_dma source(%arg9 : memref<128x128xf32, #tpu.memory_space<vmem>>) target(%dma_start3A_85 : memref<10240x128xf32, #tpu.memory_space<vmem_shared>>) offsets(%dma_start3A_82 : memref<128xi32, #tpu.memory_space<vmem>>) semaphore(%run_scoped3A_79 : memref<!tpu.dma_semaphore, #tpu.memory_space<semaphore_mem>>) {add = true}
        %dma_wait3A_86 = arith.constant 0 : i32
        %dma_wait3A_87 = tpu.memref_slice %arg8[%scan3A_58, %dma_wait3A_86] : memref<80x128xi32, #tpu.memory_space<vmem>> -> memref<1x128xi32, #tpu.memory_space<vmem>>
        %dma_wait3A_88 = tpu.memref_squeeze %dma_wait3A_87 : memref<1x128xi32, #tpu.memory_space<vmem>> -> memref<128xi32, #tpu.memory_space<vmem>>
        %dma_wait3A_89 = arith.constant 0 : i32
        %dma_wait3A_90 = arith.constant 0 : i32
        %dma_wait3A_91 = tpu.memref_slice %arg10[%dma_wait3A_89, %dma_wait3A_90] : memref<10240x128xf32, #tpu.memory_space<vmem_shared>> -> memref<10240x128xf32, #tpu.memory_space<vmem_shared>>
        tpu.wait_indirect_dma semaphore(%run_scoped3A_79 : memref<!tpu.dma_semaphore, #tpu.memory_space<semaphore_mem>>) src(%arg9 : memref<128x128xf32, #tpu.memory_space<vmem>>) dst(%dma_wait3A_91 : memref<10240x128xf32, #tpu.memory_space<vmem_shared>>)
        tpu.yield
      }) : () -> ()
    }
    %scan3A_7 = arith.constant 80 : i32
    %barrier3A_8 = arith.constant 0 : index
    tpu.barrier barrier_id(%barrier3A_8)
    %mul3A_9 = arith.constant 640 : i32
    %mul3A_10 = arith.muli %arg1, %mul3A_9 : i32
    %mul3A_11 = arith.constant 640 : i32
    %mul3A_12 = arith.muli %arg1, %mul3A_11 : i32
    %run_scoped3A = arith.constant 0 : i32
    "tpu.region"() ({
      %run_scoped3A_58 = tpu.sem_alloc : memref<!tpu.dma_semaphore, #tpu.memory_space<semaphore_mem>>
      %dma_start3A = arith.constant 0 : i32
      %dma_start3A_59 = arith.constant 0 : i32
      %dma_start3A_60 = arith.constant 0 : i32
      %dma_start3A_61 = tpu.memref_slice %arg6[%arg0, %dma_start3A, %dma_start3A_59, %dma_start3A_60] : memref<2x4x10240x128xf32, #tpu.memory_space<hbm>> -> memref<1x4x10240x128xf32, #tpu.memory_space<hbm>>
      %dma_start3A_62 = tpu.memref_squeeze %dma_start3A_61 : memref<1x4x10240x128xf32, #tpu.memory_space<hbm>> -> memref<4x10240x128xf32, #tpu.memory_space<hbm>>
      %dma_start3A_63 = arith.constant 0 : i32
      %dma_start3A_64 = arith.constant 0 : i32
      %dma_start3A_65 = tpu.memref_slice %dma_start3A_62[%run_scoped3A, %dma_start3A_63, %dma_start3A_64] : memref<4x10240x128xf32, #tpu.memory_space<hbm>> -> memref<1x10240x128xf32, #tpu.memory_space<hbm>>
      %dma_start3A_66 = tpu.memref_squeeze %dma_start3A_65 : memref<1x10240x128xf32, #tpu.memory_space<hbm>> -> memref<10240x128xf32, #tpu.memory_space<hbm>>
      %dma_start3A_67 = arith.constant 0 : i32
      %dma_start3A_68 = tpu.memref_slice %dma_start3A_66[%mul3A_12, %dma_start3A_67] : memref<10240x128xf32, #tpu.memory_space<hbm>> -> memref<640x128xf32, #tpu.memory_space<hbm>>
      %dma_start3A_69 = arith.constant 0 : i32
      %dma_start3A_70 = tpu.memref_slice %arg10[%mul3A_10, %dma_start3A_69] : memref<10240x128xf32, #tpu.memory_space<vmem_shared>> -> memref<640x128xf32, #tpu.memory_space<vmem_shared>>
      tpu.enqueue_dma source(%dma_start3A_70 : memref<640x128xf32, #tpu.memory_space<vmem_shared>>) target(%dma_start3A_68 : memref<640x128xf32, #tpu.memory_space<hbm>>) target_semaphore(%run_scoped3A_58 : memref<!tpu.dma_semaphore, #tpu.memory_space<semaphore_mem>>)
      %dma_wait3A = arith.constant 0 : i32
      %dma_wait3A_71 = arith.constant 0 : i32
      %dma_wait3A_72 = arith.constant 0 : i32
      %dma_wait3A_73 = tpu.memref_slice %arg6[%arg0, %dma_wait3A, %dma_wait3A_71, %dma_wait3A_72] : memref<2x4x10240x128xf32, #tpu.memory_space<hbm>> -> memref<1x4x10240x128xf32, #tpu.memory_space<hbm>>
      %dma_wait3A_74 = tpu.memref_squeeze %dma_wait3A_73 : memref<1x4x10240x128xf32, #tpu.memory_space<hbm>> -> memref<4x10240x128xf32, #tpu.memory_space<hbm>>
      %dma_wait3A_75 = arith.constant 0 : i32
      %dma_wait3A_76 = arith.constant 0 : i32
      %dma_wait3A_77 = tpu.memref_slice %dma_wait3A_74[%run_scoped3A, %dma_wait3A_75, %dma_wait3A_76] : memref<4x10240x128xf32, #tpu.memory_space<hbm>> -> memref<1x10240x128xf32, #tpu.memory_space<hbm>>
      %dma_wait3A_78 = tpu.memref_squeeze %dma_wait3A_77 : memref<1x10240x128xf32, #tpu.memory_space<hbm>> -> memref<10240x128xf32, #tpu.memory_space<hbm>>
      %dma_wait3A_79 = arith.constant 0 : i32
      %dma_wait3A_80 = tpu.memref_slice %dma_wait3A_78[%mul3A_12, %dma_wait3A_79] : memref<10240x128xf32, #tpu.memory_space<hbm>> -> memref<640x128xf32, #tpu.memory_space<hbm>>
      %dma_wait3A_81 = arith.constant 0 : i32
      %dma_wait3A_82 = tpu.memref_slice %arg10[%mul3A_10, %dma_wait3A_81] : memref<10240x128xf32, #tpu.memory_space<vmem_shared>> -> memref<640x128xf32, #tpu.memory_space<vmem_shared>>
      tpu.wait_dma2 semaphore(%run_scoped3A_58 : memref<!tpu.dma_semaphore, #tpu.memory_space<semaphore_mem>>) src(%dma_wait3A_82 : memref<640x128xf32, #tpu.memory_space<vmem_shared>>) dst(%dma_wait3A_80 : memref<640x128xf32, #tpu.memory_space<hbm>>)
      tpu.yield
    }) : () -> ()
    %mul3A_13 = arith.constant 640 : i32
    %mul3A_14 = arith.muli %arg1, %mul3A_13 : i32
    "tpu.region"() ({
      %run_scoped3A_58 = tpu.sem_alloc : memref<!tpu.dma_semaphore, #tpu.memory_space<semaphore_mem>>
      %dma_start3A = arith.constant 0 : i32
      %dma_start3A_59 = tpu.memref_slice %arg10[%mul3A_14, %dma_start3A] : memref<10240x128xf32, #tpu.memory_space<vmem_shared>> -> memref<640x128xf32, #tpu.memory_space<vmem_shared>>
      tpu.enqueue_dma source(%arg5 : memref<640x128xf32, #tpu.memory_space<hbm>>) target(%dma_start3A_59 : memref<640x128xf32, #tpu.memory_space<vmem_shared>>) target_semaphore(%run_scoped3A_58 : memref<!tpu.dma_semaphore, #tpu.memory_space<semaphore_mem>>)
      %dma_wait3A = arith.constant 0 : i32
      %dma_wait3A_60 = tpu.memref_slice %arg10[%mul3A_14, %dma_wait3A] : memref<10240x128xf32, #tpu.memory_space<vmem_shared>> -> memref<640x128xf32, #tpu.memory_space<vmem_shared>>
      tpu.wait_dma2 semaphore(%run_scoped3A_58 : memref<!tpu.dma_semaphore, #tpu.memory_space<semaphore_mem>>) src(%arg5 : memref<640x128xf32, #tpu.memory_space<hbm>>) dst(%dma_wait3A_60 : memref<640x128xf32, #tpu.memory_space<vmem_shared>>)
      tpu.yield
    }) : () -> ()
    %barrier3A_15 = arith.constant 0 : index
    tpu.barrier barrier_id(%barrier3A_15)
    %scan3A_16 = arith.constant 0 : i32
    %scan3A_17 = arith.constant 0 : i32
    %scan3A_18 = arith.constant 80 : i32
    %scan3A_19 = arith.addi %scan3A_17, %scan3A_18 : i32
    %scan3A_20 = arith.constant 1 : i32
    scf.for %scan3A_58 = %scan3A_17 to %scan3A_19 step %scan3A_20  : i32 {
      %dma_start3A = arith.constant 1 : i32
      %dma_start3A_59 = arith.constant 0 : i32
      %dma_start3A_60 = tpu.memref_slice %arg7[%scan3A_58, %dma_start3A_59] : memref<80x128xi32, #tpu.memory_space<vmem>> -> memref<1x128xi32, #tpu.memory_space<vmem>>
      %dma_start3A_61 = tpu.memref_squeeze %dma_start3A_60 : memref<1x128xi32, #tpu.memory_space<vmem>> -> memref<128xi32, #tpu.memory_space<vmem>>
      %dma_start3A_62 = arith.constant 0 : i32
      %dma_start3A_63 = arith.constant 0 : i32
      %dma_start3A_64 = tpu.memref_slice %arg2[%dma_start3A, %dma_start3A_62, %dma_start3A_63] : memref<4x10240x128xf32, #tpu.memory_space<hbm>> -> memref<1x10240x128xf32, #tpu.memory_space<hbm>>
      %dma_start3A_65 = tpu.memref_squeeze %dma_start3A_64 : memref<1x10240x128xf32, #tpu.memory_space<hbm>> -> memref<10240x128xf32, #tpu.memory_space<hbm>>
      %dma_start3A_66 = arith.constant 0 : i32
      %dma_start3A_67 = arith.constant 0 : i32
      %dma_start3A_68 = tpu.memref_slice %dma_start3A_65[%dma_start3A_66, %dma_start3A_67] : memref<10240x128xf32, #tpu.memory_space<hbm>> -> memref<10240x128xf32, #tpu.memory_space<hbm>>
      tpu.enqueue_indirect_dma source(%dma_start3A_68 : memref<10240x128xf32, #tpu.memory_space<hbm>>) target(%arg9 : memref<128x128xf32, #tpu.memory_space<vmem>>) offsets(%dma_start3A_61 : memref<128xi32, #tpu.memory_space<vmem>>) semaphore(%arg11 : memref<!tpu.dma_semaphore, #tpu.memory_space<semaphore_mem>>)
      %dma_wait3A = arith.constant 1 : i32
      %dma_wait3A_69 = arith.constant 0 : i32
      %dma_wait3A_70 = tpu.memref_slice %arg7[%scan3A_58, %dma_wait3A_69] : memref<80x128xi32, #tpu.memory_space<vmem>> -> memref<1x128xi32, #tpu.memory_space<vmem>>
      %dma_wait3A_71 = tpu.memref_squeeze %dma_wait3A_70 : memref<1x128xi32, #tpu.memory_space<vmem>> -> memref<128xi32, #tpu.memory_space<vmem>>
      %dma_wait3A_72 = arith.constant 0 : i32
      %dma_wait3A_73 = arith.constant 0 : i32
      %dma_wait3A_74 = tpu.memref_slice %arg2[%dma_wait3A, %dma_wait3A_72, %dma_wait3A_73] : memref<4x10240x128xf32, #tpu.memory_space<hbm>> -> memref<1x10240x128xf32, #tpu.memory_space<hbm>>
      %dma_wait3A_75 = tpu.memref_squeeze %dma_wait3A_74 : memref<1x10240x128xf32, #tpu.memory_space<hbm>> -> memref<10240x128xf32, #tpu.memory_space<hbm>>
      %dma_wait3A_76 = arith.constant 0 : i32
      %dma_wait3A_77 = arith.constant 0 : i32
      %dma_wait3A_78 = tpu.memref_slice %dma_wait3A_75[%dma_wait3A_76, %dma_wait3A_77] : memref<10240x128xf32, #tpu.memory_space<hbm>> -> memref<10240x128xf32, #tpu.memory_space<hbm>>
      tpu.wait_indirect_dma semaphore(%arg11 : memref<!tpu.dma_semaphore, #tpu.memory_space<semaphore_mem>>) src(%dma_wait3A_78 : memref<10240x128xf32, #tpu.memory_space<hbm>>) dst(%arg9 : memref<128x128xf32, #tpu.memory_space<vmem>>)
      "tpu.region"() ({
        %run_scoped3A_79 = tpu.sem_alloc : memref<!tpu.dma_semaphore, #tpu.memory_space<semaphore_mem>>
        %dma_start3A_80 = arith.constant 0 : i32
        %dma_start3A_81 = tpu.memref_slice %arg8[%scan3A_58, %dma_start3A_80] : memref<80x128xi32, #tpu.memory_space<vmem>> -> memref<1x128xi32, #tpu.memory_space<vmem>>
        %dma_start3A_82 = tpu.memref_squeeze %dma_start3A_81 : memref<1x128xi32, #tpu.memory_space<vmem>> -> memref<128xi32, #tpu.memory_space<vmem>>
        %dma_start3A_83 = arith.constant 0 : i32
        %dma_start3A_84 = arith.constant 0 : i32
        %dma_start3A_85 = tpu.memref_slice %arg10[%dma_start3A_83, %dma_start3A_84] : memref<10240x128xf32, #tpu.memory_space<vmem_shared>> -> memref<10240x128xf32, #tpu.memory_space<vmem_shared>>
        tpu.enqueue_indirect_dma source(%arg9 : memref<128x128xf32, #tpu.memory_space<vmem>>) target(%dma_start3A_85 : memref<10240x128xf32, #tpu.memory_space<vmem_shared>>) offsets(%dma_start3A_82 : memref<128xi32, #tpu.memory_space<vmem>>) semaphore(%run_scoped3A_79 : memref<!tpu.dma_semaphore, #tpu.memory_space<semaphore_mem>>) {add = true}
        %dma_wait3A_86 = arith.constant 0 : i32
        %dma_wait3A_87 = tpu.memref_slice %arg8[%scan3A_58, %dma_wait3A_86] : memref<80x128xi32, #tpu.memory_space<vmem>> -> memref<1x128xi32, #tpu.memory_space<vmem>>
        %dma_wait3A_88 = tpu.memref_squeeze %dma_wait3A_87 : memref<1x128xi32, #tpu.memory_space<vmem>> -> memref<128xi32, #tpu.memory_space<vmem>>
        %dma_wait3A_89 = arith.constant 0 : i32
        %dma_wait3A_90 = arith.constant 0 : i32
        %dma_wait3A_91 = tpu.memref_slice %arg10[%dma_wait3A_89, %dma_wait3A_90] : memref<10240x128xf32, #tpu.memory_space<vmem_shared>> -> memref<10240x128xf32, #tpu.memory_space<vmem_shared>>
        tpu.wait_indirect_dma semaphore(%run_scoped3A_79 : memref<!tpu.dma_semaphore, #tpu.memory_space<semaphore_mem>>) src(%arg9 : memref<128x128xf32, #tpu.memory_space<vmem>>) dst(%dma_wait3A_91 : memref<10240x128xf32, #tpu.memory_space<vmem_shared>>)
        tpu.yield
      }) : () -> ()
    }
    %scan3A_21 = arith.constant 80 : i32
    %barrier3A_22 = arith.constant 0 : index
    tpu.barrier barrier_id(%barrier3A_22)
    %mul3A_23 = arith.constant 640 : i32
    %mul3A_24 = arith.muli %arg1, %mul3A_23 : i32
    %mul3A_25 = arith.constant 640 : i32
    %mul3A_26 = arith.muli %arg1, %mul3A_25 : i32
    %run_scoped3A_27 = arith.constant 1 : i32
    "tpu.region"() ({
      %run_scoped3A_58 = tpu.sem_alloc : memref<!tpu.dma_semaphore, #tpu.memory_space<semaphore_mem>>
      %dma_start3A = arith.constant 0 : i32
      %dma_start3A_59 = arith.constant 0 : i32
      %dma_start3A_60 = arith.constant 0 : i32
      %dma_start3A_61 = tpu.memref_slice %arg6[%arg0, %dma_start3A, %dma_start3A_59, %dma_start3A_60] : memref<2x4x10240x128xf32, #tpu.memory_space<hbm>> -> memref<1x4x10240x128xf32, #tpu.memory_space<hbm>>
      %dma_start3A_62 = tpu.memref_squeeze %dma_start3A_61 : memref<1x4x10240x128xf32, #tpu.memory_space<hbm>> -> memref<4x10240x128xf32, #tpu.memory_space<hbm>>
      %dma_start3A_63 = arith.constant 0 : i32
      %dma_start3A_64 = arith.constant 0 : i32
      %dma_start3A_65 = tpu.memref_slice %dma_start3A_62[%run_scoped3A_27, %dma_start3A_63, %dma_start3A_64] : memref<4x10240x128xf32, #tpu.memory_space<hbm>> -> memref<1x10240x128xf32, #tpu.memory_space<hbm>>
      %dma_start3A_66 = tpu.memref_squeeze %dma_start3A_65 : memref<1x10240x128xf32, #tpu.memory_space<hbm>> -> memref<10240x128xf32, #tpu.memory_space<hbm>>
      %dma_start3A_67 = arith.constant 0 : i32
      %dma_start3A_68 = tpu.memref_slice %dma_start3A_66[%mul3A_26, %dma_start3A_67] : memref<10240x128xf32, #tpu.memory_space<hbm>> -> memref<640x128xf32, #tpu.memory_space<hbm>>
      %dma_start3A_69 = arith.constant 0 : i32
      %dma_start3A_70 = tpu.memref_slice %arg10[%mul3A_24, %dma_start3A_69] : memref<10240x128xf32, #tpu.memory_space<vmem_shared>> -> memref<640x128xf32, #tpu.memory_space<vmem_shared>>
      tpu.enqueue_dma source(%dma_start3A_70 : memref<640x128xf32, #tpu.memory_space<vmem_shared>>) target(%dma_start3A_68 : memref<640x128xf32, #tpu.memory_space<hbm>>) target_semaphore(%run_scoped3A_58 : memref<!tpu.dma_semaphore, #tpu.memory_space<semaphore_mem>>)
      %dma_wait3A = arith.constant 0 : i32
      %dma_wait3A_71 = arith.constant 0 : i32
      %dma_wait3A_72 = arith.constant 0 : i32
      %dma_wait3A_73 = tpu.memref_slice %arg6[%arg0, %dma_wait3A, %dma_wait3A_71, %dma_wait3A_72] : memref<2x4x10240x128xf32, #tpu.memory_space<hbm>> -> memref<1x4x10240x128xf32, #tpu.memory_space<hbm>>
      %dma_wait3A_74 = tpu.memref_squeeze %dma_wait3A_73 : memref<1x4x10240x128xf32, #tpu.memory_space<hbm>> -> memref<4x10240x128xf32, #tpu.memory_space<hbm>>
      %dma_wait3A_75 = arith.constant 0 : i32
      %dma_wait3A_76 = arith.constant 0 : i32
      %dma_wait3A_77 = tpu.memref_slice %dma_wait3A_74[%run_scoped3A_27, %dma_wait3A_75, %dma_wait3A_76] : memref<4x10240x128xf32, #tpu.memory_space<hbm>> -> memref<1x10240x128xf32, #tpu.memory_space<hbm>>
      %dma_wait3A_78 = tpu.memref_squeeze %dma_wait3A_77 : memref<1x10240x128xf32, #tpu.memory_space<hbm>> -> memref<10240x128xf32, #tpu.memory_space<hbm>>
      %dma_wait3A_79 = arith.constant 0 : i32
      %dma_wait3A_80 = tpu.memref_slice %dma_wait3A_78[%mul3A_26, %dma_wait3A_79] : memref<10240x128xf32, #tpu.memory_space<hbm>> -> memref<640x128xf32, #tpu.memory_space<hbm>>
      %dma_wait3A_81 = arith.constant 0 : i32
      %dma_wait3A_82 = tpu.memref_slice %arg10[%mul3A_24, %dma_wait3A_81] : memref<10240x128xf32, #tpu.memory_space<vmem_shared>> -> memref<640x128xf32, #tpu.memory_space<vmem_shared>>
      tpu.wait_dma2 semaphore(%run_scoped3A_58 : memref<!tpu.dma_semaphore, #tpu.memory_space<semaphore_mem>>) src(%dma_wait3A_82 : memref<640x128xf32, #tpu.memory_space<vmem_shared>>) dst(%dma_wait3A_80 : memref<640x128xf32, #tpu.memory_space<hbm>>)
      tpu.yield
    }) : () -> ()
    %mul3A_28 = arith.constant 640 : i32
    %mul3A_29 = arith.muli %arg1, %mul3A_28 : i32
    "tpu.region"() ({
      %run_scoped3A_58 = tpu.sem_alloc : memref<!tpu.dma_semaphore, #tpu.memory_space<semaphore_mem>>
      %dma_start3A = arith.constant 0 : i32
      %dma_start3A_59 = tpu.memref_slice %arg10[%mul3A_29, %dma_start3A] : memref<10240x128xf32, #tpu.memory_space<vmem_shared>> -> memref<640x128xf32, #tpu.memory_space<vmem_shared>>
      tpu.enqueue_dma source(%arg5 : memref<640x128xf32, #tpu.memory_space<hbm>>) target(%dma_start3A_59 : memref<640x128xf32, #tpu.memory_space<vmem_shared>>) target_semaphore(%run_scoped3A_58 : memref<!tpu.dma_semaphore, #tpu.memory_space<semaphore_mem>>)
      %dma_wait3A = arith.constant 0 : i32
      %dma_wait3A_60 = tpu.memref_slice %arg10[%mul3A_29, %dma_wait3A] : memref<10240x128xf32, #tpu.memory_space<vmem_shared>> -> memref<640x128xf32, #tpu.memory_space<vmem_shared>>
      tpu.wait_dma2 semaphore(%run_scoped3A_58 : memref<!tpu.dma_semaphore, #tpu.memory_space<semaphore_mem>>) src(%arg5 : memref<640x128xf32, #tpu.memory_space<hbm>>) dst(%dma_wait3A_60 : memref<640x128xf32, #tpu.memory_space<vmem_shared>>)
      tpu.yield
    }) : () -> ()
    %barrier3A_30 = arith.constant 0 : index
    tpu.barrier barrier_id(%barrier3A_30)
    %scan3A_31 = arith.constant 0 : i32
    %scan3A_32 = arith.constant 0 : i32
    %scan3A_33 = arith.constant 80 : i32
    %scan3A_34 = arith.addi %scan3A_32, %scan3A_33 : i32
    %scan3A_35 = arith.constant 1 : i32
    scf.for %scan3A_58 = %scan3A_32 to %scan3A_34 step %scan3A_35  : i32 {
      %dma_start3A = arith.constant 2 : i32
      %dma_start3A_59 = arith.constant 0 : i32
      %dma_start3A_60 = tpu.memref_slice %arg7[%scan3A_58, %dma_start3A_59] : memref<80x128xi32, #tpu.memory_space<vmem>> -> memref<1x128xi32, #tpu.memory_space<vmem>>
      %dma_start3A_61 = tpu.memref_squeeze %dma_start3A_60 : memref<1x128xi32, #tpu.memory_space<vmem>> -> memref<128xi32, #tpu.memory_space<vmem>>
      %dma_start3A_62 = arith.constant 0 : i32
      %dma_start3A_63 = arith.constant 0 : i32
      %dma_start3A_64 = tpu.memref_slice %arg2[%dma_start3A, %dma_start3A_62, %dma_start3A_63] : memref<4x10240x128xf32, #tpu.memory_space<hbm>> -> memref<1x10240x128xf32, #tpu.memory_space<hbm>>
      %dma_start3A_65 = tpu.memref_squeeze %dma_start3A_64 : memref<1x10240x128xf32, #tpu.memory_space<hbm>> -> memref<10240x128xf32, #tpu.memory_space<hbm>>
      %dma_start3A_66 = arith.constant 0 : i32
      %dma_start3A_67 = arith.constant 0 : i32
      %dma_start3A_68 = tpu.memref_slice %dma_start3A_65[%dma_start3A_66, %dma_start3A_67] : memref<10240x128xf32, #tpu.memory_space<hbm>> -> memref<10240x128xf32, #tpu.memory_space<hbm>>
      tpu.enqueue_indirect_dma source(%dma_start3A_68 : memref<10240x128xf32, #tpu.memory_space<hbm>>) target(%arg9 : memref<128x128xf32, #tpu.memory_space<vmem>>) offsets(%dma_start3A_61 : memref<128xi32, #tpu.memory_space<vmem>>) semaphore(%arg11 : memref<!tpu.dma_semaphore, #tpu.memory_space<semaphore_mem>>)
      %dma_wait3A = arith.constant 2 : i32
      %dma_wait3A_69 = arith.constant 0 : i32
      %dma_wait3A_70 = tpu.memref_slice %arg7[%scan3A_58, %dma_wait3A_69] : memref<80x128xi32, #tpu.memory_space<vmem>> -> memref<1x128xi32, #tpu.memory_space<vmem>>
      %dma_wait3A_71 = tpu.memref_squeeze %dma_wait3A_70 : memref<1x128xi32, #tpu.memory_space<vmem>> -> memref<128xi32, #tpu.memory_space<vmem>>
      %dma_wait3A_72 = arith.constant 0 : i32
      %dma_wait3A_73 = arith.constant 0 : i32
      %dma_wait3A_74 = tpu.memref_slice %arg2[%dma_wait3A, %dma_wait3A_72, %dma_wait3A_73] : memref<4x10240x128xf32, #tpu.memory_space<hbm>> -> memref<1x10240x128xf32, #tpu.memory_space<hbm>>
      %dma_wait3A_75 = tpu.memref_squeeze %dma_wait3A_74 : memref<1x10240x128xf32, #tpu.memory_space<hbm>> -> memref<10240x128xf32, #tpu.memory_space<hbm>>
      %dma_wait3A_76 = arith.constant 0 : i32
      %dma_wait3A_77 = arith.constant 0 : i32
      %dma_wait3A_78 = tpu.memref_slice %dma_wait3A_75[%dma_wait3A_76, %dma_wait3A_77] : memref<10240x128xf32, #tpu.memory_space<hbm>> -> memref<10240x128xf32, #tpu.memory_space<hbm>>
      tpu.wait_indirect_dma semaphore(%arg11 : memref<!tpu.dma_semaphore, #tpu.memory_space<semaphore_mem>>) src(%dma_wait3A_78 : memref<10240x128xf32, #tpu.memory_space<hbm>>) dst(%arg9 : memref<128x128xf32, #tpu.memory_space<vmem>>)
      "tpu.region"() ({
        %run_scoped3A_79 = tpu.sem_alloc : memref<!tpu.dma_semaphore, #tpu.memory_space<semaphore_mem>>
        %dma_start3A_80 = arith.constant 0 : i32
        %dma_start3A_81 = tpu.memref_slice %arg8[%scan3A_58, %dma_start3A_80] : memref<80x128xi32, #tpu.memory_space<vmem>> -> memref<1x128xi32, #tpu.memory_space<vmem>>
        %dma_start3A_82 = tpu.memref_squeeze %dma_start3A_81 : memref<1x128xi32, #tpu.memory_space<vmem>> -> memref<128xi32, #tpu.memory_space<vmem>>
        %dma_start3A_83 = arith.constant 0 : i32
        %dma_start3A_84 = arith.constant 0 : i32
        %dma_start3A_85 = tpu.memref_slice %arg10[%dma_start3A_83, %dma_start3A_84] : memref<10240x128xf32, #tpu.memory_space<vmem_shared>> -> memref<10240x128xf32, #tpu.memory_space<vmem_shared>>
        tpu.enqueue_indirect_dma source(%arg9 : memref<128x128xf32, #tpu.memory_space<vmem>>) target(%dma_start3A_85 : memref<10240x128xf32, #tpu.memory_space<vmem_shared>>) offsets(%dma_start3A_82 : memref<128xi32, #tpu.memory_space<vmem>>) semaphore(%run_scoped3A_79 : memref<!tpu.dma_semaphore, #tpu.memory_space<semaphore_mem>>) {add = true}
        %dma_wait3A_86 = arith.constant 0 : i32
        %dma_wait3A_87 = tpu.memref_slice %arg8[%scan3A_58, %dma_wait3A_86] : memref<80x128xi32, #tpu.memory_space<vmem>> -> memref<1x128xi32, #tpu.memory_space<vmem>>
        %dma_wait3A_88 = tpu.memref_squeeze %dma_wait3A_87 : memref<1x128xi32, #tpu.memory_space<vmem>> -> memref<128xi32, #tpu.memory_space<vmem>>
        %dma_wait3A_89 = arith.constant 0 : i32
        %dma_wait3A_90 = arith.constant 0 : i32
        %dma_wait3A_91 = tpu.memref_slice %arg10[%dma_wait3A_89, %dma_wait3A_90] : memref<10240x128xf32, #tpu.memory_space<vmem_shared>> -> memref<10240x128xf32, #tpu.memory_space<vmem_shared>>
        tpu.wait_indirect_dma semaphore(%run_scoped3A_79 : memref<!tpu.dma_semaphore, #tpu.memory_space<semaphore_mem>>) src(%arg9 : memref<128x128xf32, #tpu.memory_space<vmem>>) dst(%dma_wait3A_91 : memref<10240x128xf32, #tpu.memory_space<vmem_shared>>)
        tpu.yield
      }) : () -> ()
    }
    %scan3A_36 = arith.constant 80 : i32
    %barrier3A_37 = arith.constant 0 : index
    tpu.barrier barrier_id(%barrier3A_37)
    %mul3A_38 = arith.constant 640 : i32
    %mul3A_39 = arith.muli %arg1, %mul3A_38 : i32
    %mul3A_40 = arith.constant 640 : i32
    %mul3A_41 = arith.muli %arg1, %mul3A_40 : i32
    %run_scoped3A_42 = arith.constant 2 : i32
    "tpu.region"() ({
      %run_scoped3A_58 = tpu.sem_alloc : memref<!tpu.dma_semaphore, #tpu.memory_space<semaphore_mem>>
      %dma_start3A = arith.constant 0 : i32
      %dma_start3A_59 = arith.constant 0 : i32
      %dma_start3A_60 = arith.constant 0 : i32
      %dma_start3A_61 = tpu.memref_slice %arg6[%arg0, %dma_start3A, %dma_start3A_59, %dma_start3A_60] : memref<2x4x10240x128xf32, #tpu.memory_space<hbm>> -> memref<1x4x10240x128xf32, #tpu.memory_space<hbm>>
      %dma_start3A_62 = tpu.memref_squeeze %dma_start3A_61 : memref<1x4x10240x128xf32, #tpu.memory_space<hbm>> -> memref<4x10240x128xf32, #tpu.memory_space<hbm>>
      %dma_start3A_63 = arith.constant 0 : i32
      %dma_start3A_64 = arith.constant 0 : i32
      %dma_start3A_65 = tpu.memref_slice %dma_start3A_62[%run_scoped3A_42, %dma_start3A_63, %dma_start3A_64] : memref<4x10240x128xf32, #tpu.memory_space<hbm>> -> memref<1x10240x128xf32, #tpu.memory_space<hbm>>
      %dma_start3A_66 = tpu.memref_squeeze %dma_start3A_65 : memref<1x10240x128xf32, #tpu.memory_space<hbm>> -> memref<10240x128xf32, #tpu.memory_space<hbm>>
      %dma_start3A_67 = arith.constant 0 : i32
      %dma_start3A_68 = tpu.memref_slice %dma_start3A_66[%mul3A_41, %dma_start3A_67] : memref<10240x128xf32, #tpu.memory_space<hbm>> -> memref<640x128xf32, #tpu.memory_space<hbm>>
      %dma_start3A_69 = arith.constant 0 : i32
      %dma_start3A_70 = tpu.memref_slice %arg10[%mul3A_39, %dma_start3A_69] : memref<10240x128xf32, #tpu.memory_space<vmem_shared>> -> memref<640x128xf32, #tpu.memory_space<vmem_shared>>
      tpu.enqueue_dma source(%dma_start3A_70 : memref<640x128xf32, #tpu.memory_space<vmem_shared>>) target(%dma_start3A_68 : memref<640x128xf32, #tpu.memory_space<hbm>>) target_semaphore(%run_scoped3A_58 : memref<!tpu.dma_semaphore, #tpu.memory_space<semaphore_mem>>)
      %dma_wait3A = arith.constant 0 : i32
      %dma_wait3A_71 = arith.constant 0 : i32
      %dma_wait3A_72 = arith.constant 0 : i32
      %dma_wait3A_73 = tpu.memref_slice %arg6[%arg0, %dma_wait3A, %dma_wait3A_71, %dma_wait3A_72] : memref<2x4x10240x128xf32, #tpu.memory_space<hbm>> -> memref<1x4x10240x128xf32, #tpu.memory_space<hbm>>
      %dma_wait3A_74 = tpu.memref_squeeze %dma_wait3A_73 : memref<1x4x10240x128xf32, #tpu.memory_space<hbm>> -> memref<4x10240x128xf32, #tpu.memory_space<hbm>>
      %dma_wait3A_75 = arith.constant 0 : i32
      %dma_wait3A_76 = arith.constant 0 : i32
      %dma_wait3A_77 = tpu.memref_slice %dma_wait3A_74[%run_scoped3A_42, %dma_wait3A_75, %dma_wait3A_76] : memref<4x10240x128xf32, #tpu.memory_space<hbm>> -> memref<1x10240x128xf32, #tpu.memory_space<hbm>>
      %dma_wait3A_78 = tpu.memref_squeeze %dma_wait3A_77 : memref<1x10240x128xf32, #tpu.memory_space<hbm>> -> memref<10240x128xf32, #tpu.memory_space<hbm>>
      %dma_wait3A_79 = arith.constant 0 : i32
      %dma_wait3A_80 = tpu.memref_slice %dma_wait3A_78[%mul3A_41, %dma_wait3A_79] : memref<10240x128xf32, #tpu.memory_space<hbm>> -> memref<640x128xf32, #tpu.memory_space<hbm>>
      %dma_wait3A_81 = arith.constant 0 : i32
      %dma_wait3A_82 = tpu.memref_slice %arg10[%mul3A_39, %dma_wait3A_81] : memref<10240x128xf32, #tpu.memory_space<vmem_shared>> -> memref<640x128xf32, #tpu.memory_space<vmem_shared>>
      tpu.wait_dma2 semaphore(%run_scoped3A_58 : memref<!tpu.dma_semaphore, #tpu.memory_space<semaphore_mem>>) src(%dma_wait3A_82 : memref<640x128xf32, #tpu.memory_space<vmem_shared>>) dst(%dma_wait3A_80 : memref<640x128xf32, #tpu.memory_space<hbm>>)
      tpu.yield
    }) : () -> ()
    %mul3A_43 = arith.constant 640 : i32
    %mul3A_44 = arith.muli %arg1, %mul3A_43 : i32
    "tpu.region"() ({
      %run_scoped3A_58 = tpu.sem_alloc : memref<!tpu.dma_semaphore, #tpu.memory_space<semaphore_mem>>
      %dma_start3A = arith.constant 0 : i32
      %dma_start3A_59 = tpu.memref_slice %arg10[%mul3A_44, %dma_start3A] : memref<10240x128xf32, #tpu.memory_space<vmem_shared>> -> memref<640x128xf32, #tpu.memory_space<vmem_shared>>
      tpu.enqueue_dma source(%arg5 : memref<640x128xf32, #tpu.memory_space<hbm>>) target(%dma_start3A_59 : memref<640x128xf32, #tpu.memory_space<vmem_shared>>) target_semaphore(%run_scoped3A_58 : memref<!tpu.dma_semaphore, #tpu.memory_space<semaphore_mem>>)
      %dma_wait3A = arith.constant 0 : i32
      %dma_wait3A_60 = tpu.memref_slice %arg10[%mul3A_44, %dma_wait3A] : memref<10240x128xf32, #tpu.memory_space<vmem_shared>> -> memref<640x128xf32, #tpu.memory_space<vmem_shared>>
      tpu.wait_dma2 semaphore(%run_scoped3A_58 : memref<!tpu.dma_semaphore, #tpu.memory_space<semaphore_mem>>) src(%arg5 : memref<640x128xf32, #tpu.memory_space<hbm>>) dst(%dma_wait3A_60 : memref<640x128xf32, #tpu.memory_space<vmem_shared>>)
      tpu.yield
    }) : () -> ()
    %barrier3A_45 = arith.constant 0 : index
    tpu.barrier barrier_id(%barrier3A_45)
    %scan3A_46 = arith.constant 0 : i32
    %scan3A_47 = arith.constant 0 : i32
    %scan3A_48 = arith.constant 80 : i32
    %scan3A_49 = arith.addi %scan3A_47, %scan3A_48 : i32
    %scan3A_50 = arith.constant 1 : i32
    scf.for %scan3A_58 = %scan3A_47 to %scan3A_49 step %scan3A_50  : i32 {
      %dma_start3A = arith.constant 3 : i32
      %dma_start3A_59 = arith.constant 0 : i32
      %dma_start3A_60 = tpu.memref_slice %arg7[%scan3A_58, %dma_start3A_59] : memref<80x128xi32, #tpu.memory_space<vmem>> -> memref<1x128xi32, #tpu.memory_space<vmem>>
      %dma_start3A_61 = tpu.memref_squeeze %dma_start3A_60 : memref<1x128xi32, #tpu.memory_space<vmem>> -> memref<128xi32, #tpu.memory_space<vmem>>
      %dma_start3A_62 = arith.constant 0 : i32
      %dma_start3A_63 = arith.constant 0 : i32
      %dma_start3A_64 = tpu.memref_slice %arg2[%dma_start3A, %dma_start3A_62, %dma_start3A_63] : memref<4x10240x128xf32, #tpu.memory_space<hbm>> -> memref<1x10240x128xf32, #tpu.memory_space<hbm>>
      %dma_start3A_65 = tpu.memref_squeeze %dma_start3A_64 : memref<1x10240x128xf32, #tpu.memory_space<hbm>> -> memref<10240x128xf32, #tpu.memory_space<hbm>>
      %dma_start3A_66 = arith.constant 0 : i32
      %dma_start3A_67 = arith.constant 0 : i32
      %dma_start3A_68 = tpu.memref_slice %dma_start3A_65[%dma_start3A_66, %dma_start3A_67] : memref<10240x128xf32, #tpu.memory_space<hbm>> -> memref<10240x128xf32, #tpu.memory_space<hbm>>
      tpu.enqueue_indirect_dma source(%dma_start3A_68 : memref<10240x128xf32, #tpu.memory_space<hbm>>) target(%arg9 : memref<128x128xf32, #tpu.memory_space<vmem>>) offsets(%dma_start3A_61 : memref<128xi32, #tpu.memory_space<vmem>>) semaphore(%arg11 : memref<!tpu.dma_semaphore, #tpu.memory_space<semaphore_mem>>)
      %dma_wait3A = arith.constant 3 : i32
      %dma_wait3A_69 = arith.constant 0 : i32
      %dma_wait3A_70 = tpu.memref_slice %arg7[%scan3A_58, %dma_wait3A_69] : memref<80x128xi32, #tpu.memory_space<vmem>> -> memref<1x128xi32, #tpu.memory_space<vmem>>
      %dma_wait3A_71 = tpu.memref_squeeze %dma_wait3A_70 : memref<1x128xi32, #tpu.memory_space<vmem>> -> memref<128xi32, #tpu.memory_space<vmem>>
      %dma_wait3A_72 = arith.constant 0 : i32
      %dma_wait3A_73 = arith.constant 0 : i32
      %dma_wait3A_74 = tpu.memref_slice %arg2[%dma_wait3A, %dma_wait3A_72, %dma_wait3A_73] : memref<4x10240x128xf32, #tpu.memory_space<hbm>> -> memref<1x10240x128xf32, #tpu.memory_space<hbm>>
      %dma_wait3A_75 = tpu.memref_squeeze %dma_wait3A_74 : memref<1x10240x128xf32, #tpu.memory_space<hbm>> -> memref<10240x128xf32, #tpu.memory_space<hbm>>
      %dma_wait3A_76 = arith.constant 0 : i32
      %dma_wait3A_77 = arith.constant 0 : i32
      %dma_wait3A_78 = tpu.memref_slice %dma_wait3A_75[%dma_wait3A_76, %dma_wait3A_77] : memref<10240x128xf32, #tpu.memory_space<hbm>> -> memref<10240x128xf32, #tpu.memory_space<hbm>>
      tpu.wait_indirect_dma semaphore(%arg11 : memref<!tpu.dma_semaphore, #tpu.memory_space<semaphore_mem>>) src(%dma_wait3A_78 : memref<10240x128xf32, #tpu.memory_space<hbm>>) dst(%arg9 : memref<128x128xf32, #tpu.memory_space<vmem>>)
      "tpu.region"() ({
        %run_scoped3A_79 = tpu.sem_alloc : memref<!tpu.dma_semaphore, #tpu.memory_space<semaphore_mem>>
        %dma_start3A_80 = arith.constant 0 : i32
        %dma_start3A_81 = tpu.memref_slice %arg8[%scan3A_58, %dma_start3A_80] : memref<80x128xi32, #tpu.memory_space<vmem>> -> memref<1x128xi32, #tpu.memory_space<vmem>>
        %dma_start3A_82 = tpu.memref_squeeze %dma_start3A_81 : memref<1x128xi32, #tpu.memory_space<vmem>> -> memref<128xi32, #tpu.memory_space<vmem>>
        %dma_start3A_83 = arith.constant 0 : i32
        %dma_start3A_84 = arith.constant 0 : i32
        %dma_start3A_85 = tpu.memref_slice %arg10[%dma_start3A_83, %dma_start3A_84] : memref<10240x128xf32, #tpu.memory_space<vmem_shared>> -> memref<10240x128xf32, #tpu.memory_space<vmem_shared>>
        tpu.enqueue_indirect_dma source(%arg9 : memref<128x128xf32, #tpu.memory_space<vmem>>) target(%dma_start3A_85 : memref<10240x128xf32, #tpu.memory_space<vmem_shared>>) offsets(%dma_start3A_82 : memref<128xi32, #tpu.memory_space<vmem>>) semaphore(%run_scoped3A_79 : memref<!tpu.dma_semaphore, #tpu.memory_space<semaphore_mem>>) {add = true}
        %dma_wait3A_86 = arith.constant 0 : i32
        %dma_wait3A_87 = tpu.memref_slice %arg8[%scan3A_58, %dma_wait3A_86] : memref<80x128xi32, #tpu.memory_space<vmem>> -> memref<1x128xi32, #tpu.memory_space<vmem>>
        %dma_wait3A_88 = tpu.memref_squeeze %dma_wait3A_87 : memref<1x128xi32, #tpu.memory_space<vmem>> -> memref<128xi32, #tpu.memory_space<vmem>>
        %dma_wait3A_89 = arith.constant 0 : i32
        %dma_wait3A_90 = arith.constant 0 : i32
        %dma_wait3A_91 = tpu.memref_slice %arg10[%dma_wait3A_89, %dma_wait3A_90] : memref<10240x128xf32, #tpu.memory_space<vmem_shared>> -> memref<10240x128xf32, #tpu.memory_space<vmem_shared>>
        tpu.wait_indirect_dma semaphore(%run_scoped3A_79 : memref<!tpu.dma_semaphore, #tpu.memory_space<semaphore_mem>>) src(%arg9 : memref<128x128xf32, #tpu.memory_space<vmem>>) dst(%dma_wait3A_91 : memref<10240x128xf32, #tpu.memory_space<vmem_shared>>)
        tpu.yield
      }) : () -> ()
    }
    %scan3A_51 = arith.constant 80 : i32
    %barrier3A_52 = arith.constant 0 : index
    tpu.barrier barrier_id(%barrier3A_52)
    %mul3A_53 = arith.constant 640 : i32
    %mul3A_54 = arith.muli %arg1, %mul3A_53 : i32
    %mul3A_55 = arith.constant 640 : i32
    %mul3A_56 = arith.muli %arg1, %mul3A_55 : i32
    %run_scoped3A_57 = arith.constant 3 : i32
    "tpu.region"() ({
      %run_scoped3A_58 = tpu.sem_alloc : memref<!tpu.dma_semaphore, #tpu.memory_space<semaphore_mem>>
      %dma_start3A = arith.constant 0 : i32
      %dma_start3A_59 = arith.constant 0 : i32
      %dma_start3A_60 = arith.constant 0 : i32
      %dma_start3A_61 = tpu.memref_slice %arg6[%arg0, %dma_start3A, %dma_start3A_59, %dma_start3A_60] : memref<2x4x10240x128xf32, #tpu.memory_space<hbm>> -> memref<1x4x10240x128xf32, #tpu.memory_space<hbm>>
      %dma_start3A_62 = tpu.memref_squeeze %dma_start3A_61 : memref<1x4x10240x128xf32, #tpu.memory_space<hbm>> -> memref<4x10240x128xf32, #tpu.memory_space<hbm>>
      %dma_start3A_63 = arith.constant 0 : i32
      %dma_start3A_64 = arith.constant 0 : i32
      %dma_start3A_65 = tpu.memref_slice %dma_start3A_62[%run_scoped3A_57, %dma_start3A_63, %dma_start3A_64] : memref<4x10240x128xf32, #tpu.memory_space<hbm>> -> memref<1x10240x128xf32, #tpu.memory_space<hbm>>
      %dma_start3A_66 = tpu.memref_squeeze %dma_start3A_65 : memref<1x10240x128xf32, #tpu.memory_space<hbm>> -> memref<10240x128xf32, #tpu.memory_space<hbm>>
      %dma_start3A_67 = arith.constant 0 : i32
      %dma_start3A_68 = tpu.memref_slice %dma_start3A_66[%mul3A_56, %dma_start3A_67] : memref<10240x128xf32, #tpu.memory_space<hbm>> -> memref<640x128xf32, #tpu.memory_space<hbm>>
      %dma_start3A_69 = arith.constant 0 : i32
      %dma_start3A_70 = tpu.memref_slice %arg10[%mul3A_54, %dma_start3A_69] : memref<10240x128xf32, #tpu.memory_space<vmem_shared>> -> memref<640x128xf32, #tpu.memory_space<vmem_shared>>
      tpu.enqueue_dma source(%dma_start3A_70 : memref<640x128xf32, #tpu.memory_space<vmem_shared>>) target(%dma_start3A_68 : memref<640x128xf32, #tpu.memory_space<hbm>>) target_semaphore(%run_scoped3A_58 : memref<!tpu.dma_semaphore, #tpu.memory_space<semaphore_mem>>)
      %dma_wait3A = arith.constant 0 : i32
      %dma_wait3A_71 = arith.constant 0 : i32
      %dma_wait3A_72 = arith.constant 0 : i32
      %dma_wait3A_73 = tpu.memref_slice %arg6[%arg0, %dma_wait3A, %dma_wait3A_71, %dma_wait3A_72] : memref<2x4x10240x128xf32, #tpu.memory_space<hbm>> -> memref<1x4x10240x128xf32, #tpu.memory_space<hbm>>
      %dma_wait3A_74 = tpu.memref_squeeze %dma_wait3A_73 : memref<1x4x10240x128xf32, #tpu.memory_space<hbm>> -> memref<4x10240x128xf32, #tpu.memory_space<hbm>>
      %dma_wait3A_75 = arith.constant 0 : i32
      %dma_wait3A_76 = arith.constant 0 : i32
      %dma_wait3A_77 = tpu.memref_slice %dma_wait3A_74[%run_scoped3A_57, %dma_wait3A_75, %dma_wait3A_76] : memref<4x10240x128xf32, #tpu.memory_space<hbm>> -> memref<1x10240x128xf32, #tpu.memory_space<hbm>>
      %dma_wait3A_78 = tpu.memref_squeeze %dma_wait3A_77 : memref<1x10240x128xf32, #tpu.memory_space<hbm>> -> memref<10240x128xf32, #tpu.memory_space<hbm>>
      %dma_wait3A_79 = arith.constant 0 : i32
      %dma_wait3A_80 = tpu.memref_slice %dma_wait3A_78[%mul3A_56, %dma_wait3A_79] : memref<10240x128xf32, #tpu.memory_space<hbm>> -> memref<640x128xf32, #tpu.memory_space<hbm>>
      %dma_wait3A_81 = arith.constant 0 : i32
      %dma_wait3A_82 = tpu.memref_slice %arg10[%mul3A_54, %dma_wait3A_81] : memref<10240x128xf32, #tpu.memory_space<vmem_shared>> -> memref<640x128xf32, #tpu.memory_space<vmem_shared>>
      tpu.wait_dma2 semaphore(%run_scoped3A_58 : memref<!tpu.dma_semaphore, #tpu.memory_space<semaphore_mem>>) src(%dma_wait3A_82 : memref<640x128xf32, #tpu.memory_space<vmem_shared>>) dst(%dma_wait3A_80 : memref<640x128xf32, #tpu.memory_space<hbm>>)
      tpu.yield
    }) : () -> ()
    return
  }
}

#map = affine_map<(d0, d1) -> (0, 0, 0)>
#map1 = affine_map<(d0, d1) -> (0, 0)>
#map2 = affine_map<(d0, d1) -> (0, 0, 0, 0)>
module attributes {stable_mosaic.version = 14 : i64} {
  func.func @k(%arg0: i32, %arg1: i32, %arg2: memref<4x10240x128xf32, #tpu.memory_space<hbm>>, %arg3: memref<32x80x128xi32, #tpu.memory_space<hbm>>, %arg4: memref<32x80x128xi32, #tpu.memory_space<hbm>>, %arg5: memref<640x128xf32, #tpu.memory_space<hbm>>, %arg6: memref<2x4x10240x128xf32, #tpu.memory_space<hbm>>, %arg7: memref<80x128xi32, #tpu.memory_space<vmem>>, %arg8: memref<80x128xi32, #tpu.memory_space<vmem>>, %arg9: memref<128x128xf32, #tpu.memory_space<vmem>>, %arg10: memref<10240x128xf32, #tpu.memory_space<vmem_shared>>, %arg11: memref<!tpu.dma_semaphore, #tpu.memory_space<semaphore_mem>>) attributes {dimension_semantics = [#tpu.dimension_semantics<core_parallel>, #tpu.dimension_semantics<subcore_parallel>], iteration_bounds = array<i64: 2, 16>, scalar_prefetch = 0 : i64, scratch_operands = 5 : i64, tpu.core_type = #tpu.core_type<sc_vector_subcore>, window_params = [{transform_indices = #map}, {transform_indices = #map}, {transform_indices = #map}, {transform_indices = #map1}, {transform_indices = #map2}]} {
    %mul3A = arith.constant 16 : i32
    %mul3A_0 = arith.muli %arg0, %mul3A : i32
    %add3A = arith.addi %mul3A_0, %arg1 : i32
    "tpu.region"() ({
      %run_scoped3A_58 = tpu.sem_alloc : memref<!tpu.dma_semaphore, #tpu.memory_space<semaphore_mem>>
      %dma_start3A = arith.constant 0 : i32
      %dma_start3A_59 = arith.constant 0 : i32
      %dma_start3A_60 = tpu.memref_slice %arg3[%add3A, %dma_start3A, %dma_start3A_59] : memref<32x80x128xi32, #tpu.memory_space<hbm>> -> memref<1x80x128xi32, #tpu.memory_space<hbm>>
      %dma_start3A_61 = tpu.memref_squeeze %dma_start3A_60 : memref<1x80x128xi32, #tpu.memory_space<hbm>> -> memref<80x128xi32, #tpu.memory_space<hbm>>
      %dma_start3A_62 = arith.constant 0 : i32
      %dma_start3A_63 = arith.constant 0 : i32
      %dma_start3A_64 = tpu.memref_slice %arg3[%add3A, %dma_start3A_62, %dma_start3A_63] : memref<32x80x128xi32, #tpu.memory_space<hbm>> -> memref<1x80x128xi32, #tpu.memory_space<hbm>>
      %dma_start3A_65 = tpu.memref_squeeze %dma_start3A_64 : memref<1x80x128xi32, #tpu.memory_space<hbm>> -> memref<80x128xi32, #tpu.memory_space<hbm>>
      tpu.enqueue_dma source(%dma_start3A_65 : memref<80x128xi32, #tpu.memory_space<hbm>>) target(%arg7 : memref<80x128xi32, #tpu.memory_space<vmem>>) target_semaphore(%run_scoped3A_58 : memref<!tpu.dma_semaphore, #tpu.memory_space<semaphore_mem>>)
      %dma_wait3A = arith.constant 0 : i32
      %dma_wait3A_66 = arith.constant 0 : i32
      %dma_wait3A_67 = tpu.memref_slice %arg3[%add3A, %dma_wait3A, %dma_wait3A_66] : memref<32x80x128xi32, #tpu.memory_space<hbm>> -> memref<1x80x128xi32, #tpu.memory_space<hbm>>
      %dma_wait3A_68 = tpu.memref_squeeze %dma_wait3A_67 : memref<1x80x128xi32, #tpu.memory_space<hbm>> -> memref<80x128xi32, #tpu.memory_space<hbm>>
      %dma_wait3A_69 = arith.constant 0 : i32
      %dma_wait3A_70 = arith.constant 0 : i32
      %dma_wait3A_71 = tpu.memref_slice %arg3[%add3A, %dma_wait3A_69, %dma_wait3A_70] : memref<32x80x128xi32, #tpu.memory_space<hbm>> -> memref<1x80x128xi32, #tpu.memory_space<hbm>>
      %dma_wait3A_72 = tpu.memref_squeeze %dma_wait3A_71 : memref<1x80x128xi32, #tpu.memory_space<hbm>> -> memref<80x128xi32, #tpu.memory_space<hbm>>
      tpu.wait_dma2 semaphore(%run_scoped3A_58 : memref<!tpu.dma_semaphore, #tpu.memory_space<semaphore_mem>>) src(%dma_wait3A_72 : memref<80x128xi32, #tpu.memory_space<hbm>>) dst(%arg7 : memref<80x128xi32, #tpu.memory_space<vmem>>)
      tpu.yield
    }) : () -> ()
    "tpu.region"() ({
      %run_scoped3A_58 = tpu.sem_alloc : memref<!tpu.dma_semaphore, #tpu.memory_space<semaphore_mem>>
      %dma_start3A = arith.constant 0 : i32
      %dma_start3A_59 = arith.constant 0 : i32
      %dma_start3A_60 = tpu.memref_slice %arg4[%add3A, %dma_start3A, %dma_start3A_59] : memref<32x80x128xi32, #tpu.memory_space<hbm>> -> memref<1x80x128xi32, #tpu.memory_space<hbm>>
      %dma_start3A_61 = tpu.memref_squeeze %dma_start3A_60 : memref<1x80x128xi32, #tpu.memory_space<hbm>> -> memref<80x128xi32, #tpu.memory_space<hbm>>
      %dma_start3A_62 = arith.constant 0 : i32
      %dma_start3A_63 = arith.constant 0 : i32
      %dma_start3A_64 = tpu.memref_slice %arg4[%add3A, %dma_start3A_62, %dma_start3A_63] : memref<32x80x128xi32, #tpu.memory_space<hbm>> -> memref<1x80x128xi32, #tpu.memory_space<hbm>>
      %dma_start3A_65 = tpu.memref_squeeze %dma_start3A_64 : memref<1x80x128xi32, #tpu.memory_space<hbm>> -> memref<80x128xi32, #tpu.memory_space<hbm>>
      tpu.enqueue_dma source(%dma_start3A_65 : memref<80x128xi32, #tpu.memory_space<hbm>>) target(%arg8 : memref<80x128xi32, #tpu.memory_space<vmem>>) target_semaphore(%run_scoped3A_58 : memref<!tpu.dma_semaphore, #tpu.memory_space<semaphore_mem>>)
      %dma_wait3A = arith.constant 0 : i32
      %dma_wait3A_66 = arith.constant 0 : i32
      %dma_wait3A_67 = tpu.memref_slice %arg4[%add3A, %dma_wait3A, %dma_wait3A_66] : memref<32x80x128xi32, #tpu.memory_space<hbm>> -> memref<1x80x128xi32, #tpu.memory_space<hbm>>
      %dma_wait3A_68 = tpu.memref_squeeze %dma_wait3A_67 : memref<1x80x128xi32, #tpu.memory_space<hbm>> -> memref<80x128xi32, #tpu.memory_space<hbm>>
      %dma_wait3A_69 = arith.constant 0 : i32
      %dma_wait3A_70 = arith.constant 0 : i32
      %dma_wait3A_71 = tpu.memref_slice %arg4[%add3A, %dma_wait3A_69, %dma_wait3A_70] : memref<32x80x128xi32, #tpu.memory_space<hbm>> -> memref<1x80x128xi32, #tpu.memory_space<hbm>>
      %dma_wait3A_72 = tpu.memref_squeeze %dma_wait3A_71 : memref<1x80x128xi32, #tpu.memory_space<hbm>> -> memref<80x128xi32, #tpu.memory_space<hbm>>
      tpu.wait_dma2 semaphore(%run_scoped3A_58 : memref<!tpu.dma_semaphore, #tpu.memory_space<semaphore_mem>>) src(%dma_wait3A_72 : memref<80x128xi32, #tpu.memory_space<hbm>>) dst(%arg8 : memref<80x128xi32, #tpu.memory_space<vmem>>)
      tpu.yield
    }) : () -> ()
    %mul3A_1 = arith.constant 640 : i32
    %mul3A_2 = arith.muli %arg1, %mul3A_1 : i32
    "tpu.region"() ({
      %run_scoped3A_58 = tpu.sem_alloc : memref<!tpu.dma_semaphore, #tpu.memory_space<semaphore_mem>>
      %dma_start3A = arith.constant 0 : i32
      %dma_start3A_59 = tpu.memref_slice %arg10[%mul3A_2, %dma_start3A] : memref<10240x128xf32, #tpu.memory_space<vmem_shared>> -> memref<640x128xf32, #tpu.memory_space<vmem_shared>>
      tpu.enqueue_dma source(%arg5 : memref<640x128xf32, #tpu.memory_space<hbm>>) target(%dma_start3A_59 : memref<640x128xf32, #tpu.memory_space<vmem_shared>>) target_semaphore(%run_scoped3A_58 : memref<!tpu.dma_semaphore, #tpu.memory_space<semaphore_mem>>)
      %dma_wait3A = arith.constant 0 : i32
      %dma_wait3A_60 = tpu.memref_slice %arg10[%mul3A_2, %dma_wait3A] : memref<10240x128xf32, #tpu.memory_space<vmem_shared>> -> memref<640x128xf32, #tpu.memory_space<vmem_shared>>
      tpu.wait_dma2 semaphore(%run_scoped3A_58 : memref<!tpu.dma_semaphore, #tpu.memory_space<semaphore_mem>>) src(%arg5 : memref<640x128xf32, #tpu.memory_space<hbm>>) dst(%dma_wait3A_60 : memref<640x128xf32, #tpu.memory_space<vmem_shared>>)
      tpu.yield
    }) : () -> ()
    %barrier3A = arith.constant 0 : index
    tpu.barrier barrier_id(%barrier3A)
    %scan3A = arith.constant 0 : i32
    %scan3A_3 = arith.constant 0 : i32
    %scan3A_4 = arith.constant 80 : i32
    %scan3A_5 = arith.addi %scan3A_3, %scan3A_4 : i32
    %scan3A_6 = arith.constant 1 : i32
    scf.for %scan3A_58 = %scan3A_3 to %scan3A_5 step %scan3A_6  : i32 {
      %dma_start3A = arith.constant 0 : i32
      %dma_start3A_59 = arith.constant 0 : i32
      %dma_start3A_60 = tpu.memref_slice %arg7[%scan3A_58, %dma_start3A_59] : memref<80x128xi32, #tpu.memory_space<vmem>> -> memref<1x128xi32, #tpu.memory_space<vmem>>
      %dma_start3A_61 = tpu.memref_squeeze %dma_start3A_60 : memref<1x128xi32, #tpu.memory_space<vmem>> -> memref<128xi32, #tpu.memory_space<vmem>>
      %dma_start3A_62 = arith.constant 0 : i32
      %dma_start3A_63 = arith.constant 0 : i32
      %dma_start3A_64 = tpu.memref_slice %arg2[%dma_start3A, %dma_start3A_62, %dma_start3A_63] : memref<4x10240x128xf32, #tpu.memory_space<hbm>> -> memref<1x10240x128xf32, #tpu.memory_space<hbm>>
      %dma_start3A_65 = tpu.memref_squeeze %dma_start3A_64 : memref<1x10240x128xf32, #tpu.memory_space<hbm>> -> memref<10240x128xf32, #tpu.memory_space<hbm>>
      %dma_start3A_66 = arith.constant 0 : i32
      %dma_start3A_67 = arith.constant 0 : i32
      %dma_start3A_68 = tpu.memref_slice %dma_start3A_65[%dma_start3A_66, %dma_start3A_67] : memref<10240x128xf32, #tpu.memory_space<hbm>> -> memref<10240x128xf32, #tpu.memory_space<hbm>>
      tpu.enqueue_indirect_dma source(%dma_start3A_68 : memref<10240x128xf32, #tpu.memory_space<hbm>>) target(%arg9 : memref<128x128xf32, #tpu.memory_space<vmem>>) offsets(%dma_start3A_61 : memref<128xi32, #tpu.memory_space<vmem>>) semaphore(%arg11 : memref<!tpu.dma_semaphore, #tpu.memory_space<semaphore_mem>>)
      %dma_wait3A = arith.constant 0 : i32
      %dma_wait3A_69 = arith.constant 0 : i32
      %dma_wait3A_70 = tpu.memref_slice %arg7[%scan3A_58, %dma_wait3A_69] : memref<80x128xi32, #tpu.memory_space<vmem>> -> memref<1x128xi32, #tpu.memory_space<vmem>>
      %dma_wait3A_71 = tpu.memref_squeeze %dma_wait3A_70 : memref<1x128xi32, #tpu.memory_space<vmem>> -> memref<128xi32, #tpu.memory_space<vmem>>
      %dma_wait3A_72 = arith.constant 0 : i32
      %dma_wait3A_73 = arith.constant 0 : i32
      %dma_wait3A_74 = tpu.memref_slice %arg2[%dma_wait3A, %dma_wait3A_72, %dma_wait3A_73] : memref<4x10240x128xf32, #tpu.memory_space<hbm>> -> memref<1x10240x128xf32, #tpu.memory_space<hbm>>
      %dma_wait3A_75 = tpu.memref_squeeze %dma_wait3A_74 : memref<1x10240x128xf32, #tpu.memory_space<hbm>> -> memref<10240x128xf32, #tpu.memory_space<hbm>>
      %dma_wait3A_76 = arith.constant 0 : i32
      %dma_wait3A_77 = arith.constant 0 : i32
      %dma_wait3A_78 = tpu.memref_slice %dma_wait3A_75[%dma_wait3A_76, %dma_wait3A_77] : memref<10240x128xf32, #tpu.memory_space<hbm>> -> memref<10240x128xf32, #tpu.memory_space<hbm>>
      tpu.wait_indirect_dma semaphore(%arg11 : memref<!tpu.dma_semaphore, #tpu.memory_space<semaphore_mem>>) src(%dma_wait3A_78 : memref<10240x128xf32, #tpu.memory_space<hbm>>) dst(%arg9 : memref<128x128xf32, #tpu.memory_space<vmem>>)
      "tpu.region"() ({
        %run_scoped3A_79 = tpu.sem_alloc : memref<!tpu.dma_semaphore, #tpu.memory_space<semaphore_mem>>
        %dma_start3A_80 = arith.constant 0 : i32
        %dma_start3A_81 = tpu.memref_slice %arg8[%scan3A_58, %dma_start3A_80] : memref<80x128xi32, #tpu.memory_space<vmem>> -> memref<1x128xi32, #tpu.memory_space<vmem>>
        %dma_start3A_82 = tpu.memref_squeeze %dma_start3A_81 : memref<1x128xi32, #tpu.memory_space<vmem>> -> memref<128xi32, #tpu.memory_space<vmem>>
        %dma_start3A_83 = arith.constant 0 : i32
        %dma_start3A_84 = arith.constant 0 : i32
        %dma_start3A_85 = tpu.memref_slice %arg10[%dma_start3A_83, %dma_start3A_84] : memref<10240x128xf32, #tpu.memory_space<vmem_shared>> -> memref<10240x128xf32, #tpu.memory_space<vmem_shared>>
        tpu.enqueue_indirect_dma source(%arg9 : memref<128x128xf32, #tpu.memory_space<vmem>>) target(%dma_start3A_85 : memref<10240x128xf32, #tpu.memory_space<vmem_shared>>) offsets(%dma_start3A_82 : memref<128xi32, #tpu.memory_space<vmem>>) semaphore(%run_scoped3A_79 : memref<!tpu.dma_semaphore, #tpu.memory_space<semaphore_mem>>) {add = true}
        %dma_wait3A_86 = arith.constant 0 : i32
        %dma_wait3A_87 = tpu.memref_slice %arg8[%scan3A_58, %dma_wait3A_86] : memref<80x128xi32, #tpu.memory_space<vmem>> -> memref<1x128xi32, #tpu.memory_space<vmem>>
        %dma_wait3A_88 = tpu.memref_squeeze %dma_wait3A_87 : memref<1x128xi32, #tpu.memory_space<vmem>> -> memref<128xi32, #tpu.memory_space<vmem>>
        %dma_wait3A_89 = arith.constant 0 : i32
        %dma_wait3A_90 = arith.constant 0 : i32
        %dma_wait3A_91 = tpu.memref_slice %arg10[%dma_wait3A_89, %dma_wait3A_90] : memref<10240x128xf32, #tpu.memory_space<vmem_shared>> -> memref<10240x128xf32, #tpu.memory_space<vmem_shared>>
        tpu.wait_indirect_dma semaphore(%run_scoped3A_79 : memref<!tpu.dma_semaphore, #tpu.memory_space<semaphore_mem>>) src(%arg9 : memref<128x128xf32, #tpu.memory_space<vmem>>) dst(%dma_wait3A_91 : memref<10240x128xf32, #tpu.memory_space<vmem_shared>>)
        tpu.yield
      }) : () -> ()
    }
    %scan3A_7 = arith.constant 80 : i32
    %barrier3A_8 = arith.constant 0 : index
    tpu.barrier barrier_id(%barrier3A_8)
    %mul3A_9 = arith.constant 640 : i32
    %mul3A_10 = arith.muli %arg1, %mul3A_9 : i32
    %mul3A_11 = arith.constant 640 : i32
    %mul3A_12 = arith.muli %arg1, %mul3A_11 : i32
    %run_scoped3A = arith.constant 0 : i32
    "tpu.region"() ({
      %run_scoped3A_58 = tpu.sem_alloc : memref<!tpu.dma_semaphore, #tpu.memory_space<semaphore_mem>>
      %dma_start3A = arith.constant 0 : i32
      %dma_start3A_59 = arith.constant 0 : i32
      %dma_start3A_60 = arith.constant 0 : i32
      %dma_start3A_61 = tpu.memref_slice %arg6[%arg0, %dma_start3A, %dma_start3A_59, %dma_start3A_60] : memref<2x4x10240x128xf32, #tpu.memory_space<hbm>> -> memref<1x4x10240x128xf32, #tpu.memory_space<hbm>>
      %dma_start3A_62 = tpu.memref_squeeze %dma_start3A_61 : memref<1x4x10240x128xf32, #tpu.memory_space<hbm>> -> memref<4x10240x128xf32, #tpu.memory_space<hbm>>
      %dma_start3A_63 = arith.constant 0 : i32
      %dma_start3A_64 = arith.constant 0 : i32
      %dma_start3A_65 = tpu.memref_slice %dma_start3A_62[%run_scoped3A, %dma_start3A_63, %dma_start3A_64] : memref<4x10240x128xf32, #tpu.memory_space<hbm>> -> memref<1x10240x128xf32, #tpu.memory_space<hbm>>
      %dma_start3A_66 = tpu.memref_squeeze %dma_start3A_65 : memref<1x10240x128xf32, #tpu.memory_space<hbm>> -> memref<10240x128xf32, #tpu.memory_space<hbm>>
      %dma_start3A_67 = arith.constant 0 : i32
      %dma_start3A_68 = tpu.memref_slice %dma_start3A_66[%mul3A_12, %dma_start3A_67] : memref<10240x128xf32, #tpu.memory_space<hbm>> -> memref<640x128xf32, #tpu.memory_space<hbm>>
      %dma_start3A_69 = arith.constant 0 : i32
      %dma_start3A_70 = tpu.memref_slice %arg10[%mul3A_10, %dma_start3A_69] : memref<10240x128xf32, #tpu.memory_space<vmem_shared>> -> memref<640x128xf32, #tpu.memory_space<vmem_shared>>
      tpu.enqueue_dma source(%dma_start3A_70 : memref<640x128xf32, #tpu.memory_space<vmem_shared>>) target(%dma_start3A_68 : memref<640x128xf32, #tpu.memory_space<hbm>>) target_semaphore(%run_scoped3A_58 : memref<!tpu.dma_semaphore, #tpu.memory_space<semaphore_mem>>)
      %dma_wait3A = arith.constant 0 : i32
      %dma_wait3A_71 = arith.constant 0 : i32
      %dma_wait3A_72 = arith.constant 0 : i32
      %dma_wait3A_73 = tpu.memref_slice %arg6[%arg0, %dma_wait3A, %dma_wait3A_71, %dma_wait3A_72] : memref<2x4x10240x128xf32, #tpu.memory_space<hbm>> -> memref<1x4x10240x128xf32, #tpu.memory_space<hbm>>
      %dma_wait3A_74 = tpu.memref_squeeze %dma_wait3A_73 : memref<1x4x10240x128xf32, #tpu.memory_space<hbm>> -> memref<4x10240x128xf32, #tpu.memory_space<hbm>>
      %dma_wait3A_75 = arith.constant 0 : i32
      %dma_wait3A_76 = arith.constant 0 : i32
      %dma_wait3A_77 = tpu.memref_slice %dma_wait3A_74[%run_scoped3A, %dma_wait3A_75, %dma_wait3A_76] : memref<4x10240x128xf32, #tpu.memory_space<hbm>> -> memref<1x10240x128xf32, #tpu.memory_space<hbm>>
      %dma_wait3A_78 = tpu.memref_squeeze %dma_wait3A_77 : memref<1x10240x128xf32, #tpu.memory_space<hbm>> -> memref<10240x128xf32, #tpu.memory_space<hbm>>
      %dma_wait3A_79 = arith.constant 0 : i32
      %dma_wait3A_80 = tpu.memref_slice %dma_wait3A_78[%mul3A_12, %dma_wait3A_79] : memref<10240x128xf32, #tpu.memory_space<hbm>> -> memref<640x128xf32, #tpu.memory_space<hbm>>
      %dma_wait3A_81 = arith.constant 0 : i32
      %dma_wait3A_82 = tpu.memref_slice %arg10[%mul3A_10, %dma_wait3A_81] : memref<10240x128xf32, #tpu.memory_space<vmem_shared>> -> memref<640x128xf32, #tpu.memory_space<vmem_shared>>
      tpu.wait_dma2 semaphore(%run_scoped3A_58 : memref<!tpu.dma_semaphore, #tpu.memory_space<semaphore_mem>>) src(%dma_wait3A_82 : memref<640x128xf32, #tpu.memory_space<vmem_shared>>) dst(%dma_wait3A_80 : memref<640x128xf32, #tpu.memory_space<hbm>>)
      tpu.yield
    }) : () -> ()
    %mul3A_13 = arith.constant 640 : i32
    %mul3A_14 = arith.muli %arg1, %mul3A_13 : i32
    "tpu.region"() ({
      %run_scoped3A_58 = tpu.sem_alloc : memref<!tpu.dma_semaphore, #tpu.memory_space<semaphore_mem>>
      %dma_start3A = arith.constant 0 : i32
      %dma_start3A_59 = tpu.memref_slice %arg10[%mul3A_14, %dma_start3A] : memref<10240x128xf32, #tpu.memory_space<vmem_shared>> -> memref<640x128xf32, #tpu.memory_space<vmem_shared>>
      tpu.enqueue_dma source(%arg5 : memref<640x128xf32, #tpu.memory_space<hbm>>) target(%dma_start3A_59 : memref<640x128xf32, #tpu.memory_space<vmem_shared>>) target_semaphore(%run_scoped3A_58 : memref<!tpu.dma_semaphore, #tpu.memory_space<semaphore_mem>>)
      %dma_wait3A = arith.constant 0 : i32
      %dma_wait3A_60 = tpu.memref_slice %arg10[%mul3A_14, %dma_wait3A] : memref<10240x128xf32, #tpu.memory_space<vmem_shared>> -> memref<640x128xf32, #tpu.memory_space<vmem_shared>>
      tpu.wait_dma2 semaphore(%run_scoped3A_58 : memref<!tpu.dma_semaphore, #tpu.memory_space<semaphore_mem>>) src(%arg5 : memref<640x128xf32, #tpu.memory_space<hbm>>) dst(%dma_wait3A_60 : memref<640x128xf32, #tpu.memory_space<vmem_shared>>)
      tpu.yield
    }) : () -> ()
    %barrier3A_15 = arith.constant 0 : index
    tpu.barrier barrier_id(%barrier3A_15)
    %scan3A_16 = arith.constant 0 : i32
    %scan3A_17 = arith.constant 0 : i32
    %scan3A_18 = arith.constant 80 : i32
    %scan3A_19 = arith.addi %scan3A_17, %scan3A_18 : i32
    %scan3A_20 = arith.constant 1 : i32
    scf.for %scan3A_58 = %scan3A_17 to %scan3A_19 step %scan3A_20  : i32 {
      %dma_start3A = arith.constant 1 : i32
      %dma_start3A_59 = arith.constant 0 : i32
      %dma_start3A_60 = tpu.memref_slice %arg7[%scan3A_58, %dma_start3A_59] : memref<80x128xi32, #tpu.memory_space<vmem>> -> memref<1x128xi32, #tpu.memory_space<vmem>>
      %dma_start3A_61 = tpu.memref_squeeze %dma_start3A_60 : memref<1x128xi32, #tpu.memory_space<vmem>> -> memref<128xi32, #tpu.memory_space<vmem>>
      %dma_start3A_62 = arith.constant 0 : i32
      %dma_start3A_63 = arith.constant 0 : i32
      %dma_start3A_64 = tpu.memref_slice %arg2[%dma_start3A, %dma_start3A_62, %dma_start3A_63] : memref<4x10240x128xf32, #tpu.memory_space<hbm>> -> memref<1x10240x128xf32, #tpu.memory_space<hbm>>
      %dma_start3A_65 = tpu.memref_squeeze %dma_start3A_64 : memref<1x10240x128xf32, #tpu.memory_space<hbm>> -> memref<10240x128xf32, #tpu.memory_space<hbm>>
      %dma_start3A_66 = arith.constant 0 : i32
      %dma_start3A_67 = arith.constant 0 : i32
      %dma_start3A_68 = tpu.memref_slice %dma_start3A_65[%dma_start3A_66, %dma_start3A_67] : memref<10240x128xf32, #tpu.memory_space<hbm>> -> memref<10240x128xf32, #tpu.memory_space<hbm>>
      tpu.enqueue_indirect_dma source(%dma_start3A_68 : memref<10240x128xf32, #tpu.memory_space<hbm>>) target(%arg9 : memref<128x128xf32, #tpu.memory_space<vmem>>) offsets(%dma_start3A_61 : memref<128xi32, #tpu.memory_space<vmem>>) semaphore(%arg11 : memref<!tpu.dma_semaphore, #tpu.memory_space<semaphore_mem>>)
      %dma_wait3A = arith.constant 1 : i32
      %dma_wait3A_69 = arith.constant 0 : i32
      %dma_wait3A_70 = tpu.memref_slice %arg7[%scan3A_58, %dma_wait3A_69] : memref<80x128xi32, #tpu.memory_space<vmem>> -> memref<1x128xi32, #tpu.memory_space<vmem>>
      %dma_wait3A_71 = tpu.memref_squeeze %dma_wait3A_70 : memref<1x128xi32, #tpu.memory_space<vmem>> -> memref<128xi32, #tpu.memory_space<vmem>>
      %dma_wait3A_72 = arith.constant 0 : i32
      %dma_wait3A_73 = arith.constant 0 : i32
      %dma_wait3A_74 = tpu.memref_slice %arg2[%dma_wait3A, %dma_wait3A_72, %dma_wait3A_73] : memref<4x10240x128xf32, #tpu.memory_space<hbm>> -> memref<1x10240x128xf32, #tpu.memory_space<hbm>>
      %dma_wait3A_75 = tpu.memref_squeeze %dma_wait3A_74 : memref<1x10240x128xf32, #tpu.memory_space<hbm>> -> memref<10240x128xf32, #tpu.memory_space<hbm>>
      %dma_wait3A_76 = arith.constant 0 : i32
      %dma_wait3A_77 = arith.constant 0 : i32
      %dma_wait3A_78 = tpu.memref_slice %dma_wait3A_75[%dma_wait3A_76, %dma_wait3A_77] : memref<10240x128xf32, #tpu.memory_space<hbm>> -> memref<10240x128xf32, #tpu.memory_space<hbm>>
      tpu.wait_indirect_dma semaphore(%arg11 : memref<!tpu.dma_semaphore, #tpu.memory_space<semaphore_mem>>) src(%dma_wait3A_78 : memref<10240x128xf32, #tpu.memory_space<hbm>>) dst(%arg9 : memref<128x128xf32, #tpu.memory_space<vmem>>)
      "tpu.region"() ({
        %run_scoped3A_79 = tpu.sem_alloc : memref<!tpu.dma_semaphore, #tpu.memory_space<semaphore_mem>>
        %dma_start3A_80 = arith.constant 0 : i32
        %dma_start3A_81 = tpu.memref_slice %arg8[%scan3A_58, %dma_start3A_80] : memref<80x128xi32, #tpu.memory_space<vmem>> -> memref<1x128xi32, #tpu.memory_space<vmem>>
        %dma_start3A_82 = tpu.memref_squeeze %dma_start3A_81 : memref<1x128xi32, #tpu.memory_space<vmem>> -> memref<128xi32, #tpu.memory_space<vmem>>
        %dma_start3A_83 = arith.constant 0 : i32
        %dma_start3A_84 = arith.constant 0 : i32
        %dma_start3A_85 = tpu.memref_slice %arg10[%dma_start3A_83, %dma_start3A_84] : memref<10240x128xf32, #tpu.memory_space<vmem_shared>> -> memref<10240x128xf32, #tpu.memory_space<vmem_shared>>
        tpu.enqueue_indirect_dma source(%arg9 : memref<128x128xf32, #tpu.memory_space<vmem>>) target(%dma_start3A_85 : memref<10240x128xf32, #tpu.memory_space<vmem_shared>>) offsets(%dma_start3A_82 : memref<128xi32, #tpu.memory_space<vmem>>) semaphore(%run_scoped3A_79 : memref<!tpu.dma_semaphore, #tpu.memory_space<semaphore_mem>>) {add = true}
        %dma_wait3A_86 = arith.constant 0 : i32
        %dma_wait3A_87 = tpu.memref_slice %arg8[%scan3A_58, %dma_wait3A_86] : memref<80x128xi32, #tpu.memory_space<vmem>> -> memref<1x128xi32, #tpu.memory_space<vmem>>
        %dma_wait3A_88 = tpu.memref_squeeze %dma_wait3A_87 : memref<1x128xi32, #tpu.memory_space<vmem>> -> memref<128xi32, #tpu.memory_space<vmem>>
        %dma_wait3A_89 = arith.constant 0 : i32
        %dma_wait3A_90 = arith.constant 0 : i32
        %dma_wait3A_91 = tpu.memref_slice %arg10[%dma_wait3A_89, %dma_wait3A_90] : memref<10240x128xf32, #tpu.memory_space<vmem_shared>> -> memref<10240x128xf32, #tpu.memory_space<vmem_shared>>
        tpu.wait_indirect_dma semaphore(%run_scoped3A_79 : memref<!tpu.dma_semaphore, #tpu.memory_space<semaphore_mem>>) src(%arg9 : memref<128x128xf32, #tpu.memory_space<vmem>>) dst(%dma_wait3A_91 : memref<10240x128xf32, #tpu.memory_space<vmem_shared>>)
        tpu.yield
      }) : () -> ()
    }
    %scan3A_21 = arith.constant 80 : i32
    %barrier3A_22 = arith.constant 0 : index
    tpu.barrier barrier_id(%barrier3A_22)
    %mul3A_23 = arith.constant 640 : i32
    %mul3A_24 = arith.muli %arg1, %mul3A_23 : i32
    %mul3A_25 = arith.constant 640 : i32
    %mul3A_26 = arith.muli %arg1, %mul3A_25 : i32
    %run_scoped3A_27 = arith.constant 1 : i32
    "tpu.region"() ({
      %run_scoped3A_58 = tpu.sem_alloc : memref<!tpu.dma_semaphore, #tpu.memory_space<semaphore_mem>>
      %dma_start3A = arith.constant 0 : i32
      %dma_start3A_59 = arith.constant 0 : i32
      %dma_start3A_60 = arith.constant 0 : i32
      %dma_start3A_61 = tpu.memref_slice %arg6[%arg0, %dma_start3A, %dma_start3A_59, %dma_start3A_60] : memref<2x4x10240x128xf32, #tpu.memory_space<hbm>> -> memref<1x4x10240x128xf32, #tpu.memory_space<hbm>>
      %dma_start3A_62 = tpu.memref_squeeze %dma_start3A_61 : memref<1x4x10240x128xf32, #tpu.memory_space<hbm>> -> memref<4x10240x128xf32, #tpu.memory_space<hbm>>
      %dma_start3A_63 = arith.constant 0 : i32
      %dma_start3A_64 = arith.constant 0 : i32
      %dma_start3A_65 = tpu.memref_slice %dma_start3A_62[%run_scoped3A_27, %dma_start3A_63, %dma_start3A_64] : memref<4x10240x128xf32, #tpu.memory_space<hbm>> -> memref<1x10240x128xf32, #tpu.memory_space<hbm>>
      %dma_start3A_66 = tpu.memref_squeeze %dma_start3A_65 : memref<1x10240x128xf32, #tpu.memory_space<hbm>> -> memref<10240x128xf32, #tpu.memory_space<hbm>>
      %dma_start3A_67 = arith.constant 0 : i32
      %dma_start3A_68 = tpu.memref_slice %dma_start3A_66[%mul3A_26, %dma_start3A_67] : memref<10240x128xf32, #tpu.memory_space<hbm>> -> memref<640x128xf32, #tpu.memory_space<hbm>>
      %dma_start3A_69 = arith.constant 0 : i32
      %dma_start3A_70 = tpu.memref_slice %arg10[%mul3A_24, %dma_start3A_69] : memref<10240x128xf32, #tpu.memory_space<vmem_shared>> -> memref<640x128xf32, #tpu.memory_space<vmem_shared>>
      tpu.enqueue_dma source(%dma_start3A_70 : memref<640x128xf32, #tpu.memory_space<vmem_shared>>) target(%dma_start3A_68 : memref<640x128xf32, #tpu.memory_space<hbm>>) target_semaphore(%run_scoped3A_58 : memref<!tpu.dma_semaphore, #tpu.memory_space<semaphore_mem>>)
      %dma_wait3A = arith.constant 0 : i32
      %dma_wait3A_71 = arith.constant 0 : i32
      %dma_wait3A_72 = arith.constant 0 : i32
      %dma_wait3A_73 = tpu.memref_slice %arg6[%arg0, %dma_wait3A, %dma_wait3A_71, %dma_wait3A_72] : memref<2x4x10240x128xf32, #tpu.memory_space<hbm>> -> memref<1x4x10240x128xf32, #tpu.memory_space<hbm>>
      %dma_wait3A_74 = tpu.memref_squeeze %dma_wait3A_73 : memref<1x4x10240x128xf32, #tpu.memory_space<hbm>> -> memref<4x10240x128xf32, #tpu.memory_space<hbm>>
      %dma_wait3A_75 = arith.constant 0 : i32
      %dma_wait3A_76 = arith.constant 0 : i32
      %dma_wait3A_77 = tpu.memref_slice %dma_wait3A_74[%run_scoped3A_27, %dma_wait3A_75, %dma_wait3A_76] : memref<4x10240x128xf32, #tpu.memory_space<hbm>> -> memref<1x10240x128xf32, #tpu.memory_space<hbm>>
      %dma_wait3A_78 = tpu.memref_squeeze %dma_wait3A_77 : memref<1x10240x128xf32, #tpu.memory_space<hbm>> -> memref<10240x128xf32, #tpu.memory_space<hbm>>
      %dma_wait3A_79 = arith.constant 0 : i32
      %dma_wait3A_80 = tpu.memref_slice %dma_wait3A_78[%mul3A_26, %dma_wait3A_79] : memref<10240x128xf32, #tpu.memory_space<hbm>> -> memref<640x128xf32, #tpu.memory_space<hbm>>
      %dma_wait3A_81 = arith.constant 0 : i32
      %dma_wait3A_82 = tpu.memref_slice %arg10[%mul3A_24, %dma_wait3A_81] : memref<10240x128xf32, #tpu.memory_space<vmem_shared>> -> memref<640x128xf32, #tpu.memory_space<vmem_shared>>
      tpu.wait_dma2 semaphore(%run_scoped3A_58 : memref<!tpu.dma_semaphore, #tpu.memory_space<semaphore_mem>>) src(%dma_wait3A_82 : memref<640x128xf32, #tpu.memory_space<vmem_shared>>) dst(%dma_wait3A_80 : memref<640x128xf32, #tpu.memory_space<hbm>>)
      tpu.yield
    }) : () -> ()
    %mul3A_28 = arith.constant 640 : i32
    %mul3A_29 = arith.muli %arg1, %mul3A_28 : i32
    "tpu.region"() ({
      %run_scoped3A_58 = tpu.sem_alloc : memref<!tpu.dma_semaphore, #tpu.memory_space<semaphore_mem>>
      %dma_start3A = arith.constant 0 : i32
      %dma_start3A_59 = tpu.memref_slice %arg10[%mul3A_29, %dma_start3A] : memref<10240x128xf32, #tpu.memory_space<vmem_shared>> -> memref<640x128xf32, #tpu.memory_space<vmem_shared>>
      tpu.enqueue_dma source(%arg5 : memref<640x128xf32, #tpu.memory_space<hbm>>) target(%dma_start3A_59 : memref<640x128xf32, #tpu.memory_space<vmem_shared>>) target_semaphore(%run_scoped3A_58 : memref<!tpu.dma_semaphore, #tpu.memory_space<semaphore_mem>>)
      %dma_wait3A = arith.constant 0 : i32
      %dma_wait3A_60 = tpu.memref_slice %arg10[%mul3A_29, %dma_wait3A] : memref<10240x128xf32, #tpu.memory_space<vmem_shared>> -> memref<640x128xf32, #tpu.memory_space<vmem_shared>>
      tpu.wait_dma2 semaphore(%run_scoped3A_58 : memref<!tpu.dma_semaphore, #tpu.memory_space<semaphore_mem>>) src(%arg5 : memref<640x128xf32, #tpu.memory_space<hbm>>) dst(%dma_wait3A_60 : memref<640x128xf32, #tpu.memory_space<vmem_shared>>)
      tpu.yield
    }) : () -> ()
    %barrier3A_30 = arith.constant 0 : index
    tpu.barrier barrier_id(%barrier3A_30)
    %scan3A_31 = arith.constant 0 : i32
    %scan3A_32 = arith.constant 0 : i32
    %scan3A_33 = arith.constant 80 : i32
    %scan3A_34 = arith.addi %scan3A_32, %scan3A_33 : i32
    %scan3A_35 = arith.constant 1 : i32
    scf.for %scan3A_58 = %scan3A_32 to %scan3A_34 step %scan3A_35  : i32 {
      %dma_start3A = arith.constant 2 : i32
      %dma_start3A_59 = arith.constant 0 : i32
      %dma_start3A_60 = tpu.memref_slice %arg7[%scan3A_58, %dma_start3A_59] : memref<80x128xi32, #tpu.memory_space<vmem>> -> memref<1x128xi32, #tpu.memory_space<vmem>>
      %dma_start3A_61 = tpu.memref_squeeze %dma_start3A_60 : memref<1x128xi32, #tpu.memory_space<vmem>> -> memref<128xi32, #tpu.memory_space<vmem>>
      %dma_start3A_62 = arith.constant 0 : i32
      %dma_start3A_63 = arith.constant 0 : i32
      %dma_start3A_64 = tpu.memref_slice %arg2[%dma_start3A, %dma_start3A_62, %dma_start3A_63] : memref<4x10240x128xf32, #tpu.memory_space<hbm>> -> memref<1x10240x128xf32, #tpu.memory_space<hbm>>
      %dma_start3A_65 = tpu.memref_squeeze %dma_start3A_64 : memref<1x10240x128xf32, #tpu.memory_space<hbm>> -> memref<10240x128xf32, #tpu.memory_space<hbm>>
      %dma_start3A_66 = arith.constant 0 : i32
      %dma_start3A_67 = arith.constant 0 : i32
      %dma_start3A_68 = tpu.memref_slice %dma_start3A_65[%dma_start3A_66, %dma_start3A_67] : memref<10240x128xf32, #tpu.memory_space<hbm>> -> memref<10240x128xf32, #tpu.memory_space<hbm>>
      tpu.enqueue_indirect_dma source(%dma_start3A_68 : memref<10240x128xf32, #tpu.memory_space<hbm>>) target(%arg9 : memref<128x128xf32, #tpu.memory_space<vmem>>) offsets(%dma_start3A_61 : memref<128xi32, #tpu.memory_space<vmem>>) semaphore(%arg11 : memref<!tpu.dma_semaphore, #tpu.memory_space<semaphore_mem>>)
      %dma_wait3A = arith.constant 2 : i32
      %dma_wait3A_69 = arith.constant 0 : i32
      %dma_wait3A_70 = tpu.memref_slice %arg7[%scan3A_58, %dma_wait3A_69] : memref<80x128xi32, #tpu.memory_space<vmem>> -> memref<1x128xi32, #tpu.memory_space<vmem>>
      %dma_wait3A_71 = tpu.memref_squeeze %dma_wait3A_70 : memref<1x128xi32, #tpu.memory_space<vmem>> -> memref<128xi32, #tpu.memory_space<vmem>>
      %dma_wait3A_72 = arith.constant 0 : i32
      %dma_wait3A_73 = arith.constant 0 : i32
      %dma_wait3A_74 = tpu.memref_slice %arg2[%dma_wait3A, %dma_wait3A_72, %dma_wait3A_73] : memref<4x10240x128xf32, #tpu.memory_space<hbm>> -> memref<1x10240x128xf32, #tpu.memory_space<hbm>>
      %dma_wait3A_75 = tpu.memref_squeeze %dma_wait3A_74 : memref<1x10240x128xf32, #tpu.memory_space<hbm>> -> memref<10240x128xf32, #tpu.memory_space<hbm>>
      %dma_wait3A_76 = arith.constant 0 : i32
      %dma_wait3A_77 = arith.constant 0 : i32
      %dma_wait3A_78 = tpu.memref_slice %dma_wait3A_75[%dma_wait3A_76, %dma_wait3A_77] : memref<10240x128xf32, #tpu.memory_space<hbm>> -> memref<10240x128xf32, #tpu.memory_space<hbm>>
      tpu.wait_indirect_dma semaphore(%arg11 : memref<!tpu.dma_semaphore, #tpu.memory_space<semaphore_mem>>) src(%dma_wait3A_78 : memref<10240x128xf32, #tpu.memory_space<hbm>>) dst(%arg9 : memref<128x128xf32, #tpu.memory_space<vmem>>)
      "tpu.region"() ({
        %run_scoped3A_79 = tpu.sem_alloc : memref<!tpu.dma_semaphore, #tpu.memory_space<semaphore_mem>>
        %dma_start3A_80 = arith.constant 0 : i32
        %dma_start3A_81 = tpu.memref_slice %arg8[%scan3A_58, %dma_start3A_80] : memref<80x128xi32, #tpu.memory_space<vmem>> -> memref<1x128xi32, #tpu.memory_space<vmem>>
        %dma_start3A_82 = tpu.memref_squeeze %dma_start3A_81 : memref<1x128xi32, #tpu.memory_space<vmem>> -> memref<128xi32, #tpu.memory_space<vmem>>
        %dma_start3A_83 = arith.constant 0 : i32
        %dma_start3A_84 = arith.constant 0 : i32
        %dma_start3A_85 = tpu.memref_slice %arg10[%dma_start3A_83, %dma_start3A_84] : memref<10240x128xf32, #tpu.memory_space<vmem_shared>> -> memref<10240x128xf32, #tpu.memory_space<vmem_shared>>
        tpu.enqueue_indirect_dma source(%arg9 : memref<128x128xf32, #tpu.memory_space<vmem>>) target(%dma_start3A_85 : memref<10240x128xf32, #tpu.memory_space<vmem_shared>>) offsets(%dma_start3A_82 : memref<128xi32, #tpu.memory_space<vmem>>) semaphore(%run_scoped3A_79 : memref<!tpu.dma_semaphore, #tpu.memory_space<semaphore_mem>>) {add = true}
        %dma_wait3A_86 = arith.constant 0 : i32
        %dma_wait3A_87 = tpu.memref_slice %arg8[%scan3A_58, %dma_wait3A_86] : memref<80x128xi32, #tpu.memory_space<vmem>> -> memref<1x128xi32, #tpu.memory_space<vmem>>
        %dma_wait3A_88 = tpu.memref_squeeze %dma_wait3A_87 : memref<1x128xi32, #tpu.memory_space<vmem>> -> memref<128xi32, #tpu.memory_space<vmem>>
        %dma_wait3A_89 = arith.constant 0 : i32
        %dma_wait3A_90 = arith.constant 0 : i32
        %dma_wait3A_91 = tpu.memref_slice %arg10[%dma_wait3A_89, %dma_wait3A_90] : memref<10240x128xf32, #tpu.memory_space<vmem_shared>> -> memref<10240x128xf32, #tpu.memory_space<vmem_shared>>
        tpu.wait_indirect_dma semaphore(%run_scoped3A_79 : memref<!tpu.dma_semaphore, #tpu.memory_space<semaphore_mem>>) src(%arg9 : memref<128x128xf32, #tpu.memory_space<vmem>>) dst(%dma_wait3A_91 : memref<10240x128xf32, #tpu.memory_space<vmem_shared>>)
        tpu.yield
      }) : () -> ()
    }
    %scan3A_36 = arith.constant 80 : i32
    %barrier3A_37 = arith.constant 0 : index
    tpu.barrier barrier_id(%barrier3A_37)
    %mul3A_38 = arith.constant 640 : i32
    %mul3A_39 = arith.muli %arg1, %mul3A_38 : i32
    %mul3A_40 = arith.constant 640 : i32
    %mul3A_41 = arith.muli %arg1, %mul3A_40 : i32
    %run_scoped3A_42 = arith.constant 2 : i32
    "tpu.region"() ({
      %run_scoped3A_58 = tpu.sem_alloc : memref<!tpu.dma_semaphore, #tpu.memory_space<semaphore_mem>>
      %dma_start3A = arith.constant 0 : i32
      %dma_start3A_59 = arith.constant 0 : i32
      %dma_start3A_60 = arith.constant 0 : i32
      %dma_start3A_61 = tpu.memref_slice %arg6[%arg0, %dma_start3A, %dma_start3A_59, %dma_start3A_60] : memref<2x4x10240x128xf32, #tpu.memory_space<hbm>> -> memref<1x4x10240x128xf32, #tpu.memory_space<hbm>>
      %dma_start3A_62 = tpu.memref_squeeze %dma_start3A_61 : memref<1x4x10240x128xf32, #tpu.memory_space<hbm>> -> memref<4x10240x128xf32, #tpu.memory_space<hbm>>
      %dma_start3A_63 = arith.constant 0 : i32
      %dma_start3A_64 = arith.constant 0 : i32
      %dma_start3A_65 = tpu.memref_slice %dma_start3A_62[%run_scoped3A_42, %dma_start3A_63, %dma_start3A_64] : memref<4x10240x128xf32, #tpu.memory_space<hbm>> -> memref<1x10240x128xf32, #tpu.memory_space<hbm>>
      %dma_start3A_66 = tpu.memref_squeeze %dma_start3A_65 : memref<1x10240x128xf32, #tpu.memory_space<hbm>> -> memref<10240x128xf32, #tpu.memory_space<hbm>>
      %dma_start3A_67 = arith.constant 0 : i32
      %dma_start3A_68 = tpu.memref_slice %dma_start3A_66[%mul3A_41, %dma_start3A_67] : memref<10240x128xf32, #tpu.memory_space<hbm>> -> memref<640x128xf32, #tpu.memory_space<hbm>>
      %dma_start3A_69 = arith.constant 0 : i32
      %dma_start3A_70 = tpu.memref_slice %arg10[%mul3A_39, %dma_start3A_69] : memref<10240x128xf32, #tpu.memory_space<vmem_shared>> -> memref<640x128xf32, #tpu.memory_space<vmem_shared>>
      tpu.enqueue_dma source(%dma_start3A_70 : memref<640x128xf32, #tpu.memory_space<vmem_shared>>) target(%dma_start3A_68 : memref<640x128xf32, #tpu.memory_space<hbm>>) target_semaphore(%run_scoped3A_58 : memref<!tpu.dma_semaphore, #tpu.memory_space<semaphore_mem>>)
      %dma_wait3A = arith.constant 0 : i32
      %dma_wait3A_71 = arith.constant 0 : i32
      %dma_wait3A_72 = arith.constant 0 : i32
      %dma_wait3A_73 = tpu.memref_slice %arg6[%arg0, %dma_wait3A, %dma_wait3A_71, %dma_wait3A_72] : memref<2x4x10240x128xf32, #tpu.memory_space<hbm>> -> memref<1x4x10240x128xf32, #tpu.memory_space<hbm>>
      %dma_wait3A_74 = tpu.memref_squeeze %dma_wait3A_73 : memref<1x4x10240x128xf32, #tpu.memory_space<hbm>> -> memref<4x10240x128xf32, #tpu.memory_space<hbm>>
      %dma_wait3A_75 = arith.constant 0 : i32
      %dma_wait3A_76 = arith.constant 0 : i32
      %dma_wait3A_77 = tpu.memref_slice %dma_wait3A_74[%run_scoped3A_42, %dma_wait3A_75, %dma_wait3A_76] : memref<4x10240x128xf32, #tpu.memory_space<hbm>> -> memref<1x10240x128xf32, #tpu.memory_space<hbm>>
      %dma_wait3A_78 = tpu.memref_squeeze %dma_wait3A_77 : memref<1x10240x128xf32, #tpu.memory_space<hbm>> -> memref<10240x128xf32, #tpu.memory_space<hbm>>
      %dma_wait3A_79 = arith.constant 0 : i32
      %dma_wait3A_80 = tpu.memref_slice %dma_wait3A_78[%mul3A_41, %dma_wait3A_79] : memref<10240x128xf32, #tpu.memory_space<hbm>> -> memref<640x128xf32, #tpu.memory_space<hbm>>
      %dma_wait3A_81 = arith.constant 0 : i32
      %dma_wait3A_82 = tpu.memref_slice %arg10[%mul3A_39, %dma_wait3A_81] : memref<10240x128xf32, #tpu.memory_space<vmem_shared>> -> memref<640x128xf32, #tpu.memory_space<vmem_shared>>
      tpu.wait_dma2 semaphore(%run_scoped3A_58 : memref<!tpu.dma_semaphore, #tpu.memory_space<semaphore_mem>>) src(%dma_wait3A_82 : memref<640x128xf32, #tpu.memory_space<vmem_shared>>) dst(%dma_wait3A_80 : memref<640x128xf32, #tpu.memory_space<hbm>>)
      tpu.yield
    }) : () -> ()
    %mul3A_43 = arith.constant 640 : i32
    %mul3A_44 = arith.muli %arg1, %mul3A_43 : i32
    "tpu.region"() ({
      %run_scoped3A_58 = tpu.sem_alloc : memref<!tpu.dma_semaphore, #tpu.memory_space<semaphore_mem>>
      %dma_start3A = arith.constant 0 : i32
      %dma_start3A_59 = tpu.memref_slice %arg10[%mul3A_44, %dma_start3A] : memref<10240x128xf32, #tpu.memory_space<vmem_shared>> -> memref<640x128xf32, #tpu.memory_space<vmem_shared>>
      tpu.enqueue_dma source(%arg5 : memref<640x128xf32, #tpu.memory_space<hbm>>) target(%dma_start3A_59 : memref<640x128xf32, #tpu.memory_space<vmem_shared>>) target_semaphore(%run_scoped3A_58 : memref<!tpu.dma_semaphore, #tpu.memory_space<semaphore_mem>>)
      %dma_wait3A = arith.constant 0 : i32
      %dma_wait3A_60 = tpu.memref_slice %arg10[%mul3A_44, %dma_wait3A] : memref<10240x128xf32, #tpu.memory_space<vmem_shared>> -> memref<640x128xf32, #tpu.memory_space<vmem_shared>>
      tpu.wait_dma2 semaphore(%run_scoped3A_58 : memref<!tpu.dma_semaphore, #tpu.memory_space<semaphore_mem>>) src(%arg5 : memref<640x128xf32, #tpu.memory_space<hbm>>) dst(%dma_wait3A_60 : memref<640x128xf32, #tpu.memory_space<vmem_shared>>)
      tpu.yield
    }) : () -> ()
    %barrier3A_45 = arith.constant 0 : index
    tpu.barrier barrier_id(%barrier3A_45)
    %scan3A_46 = arith.constant 0 : i32
    %scan3A_47 = arith.constant 0 : i32
    %scan3A_48 = arith.constant 80 : i32
    %scan3A_49 = arith.addi %scan3A_47, %scan3A_48 : i32
    %scan3A_50 = arith.constant 1 : i32
    scf.for %scan3A_58 = %scan3A_47 to %scan3A_49 step %scan3A_50  : i32 {
      %dma_start3A = arith.constant 3 : i32
      %dma_start3A_59 = arith.constant 0 : i32
      %dma_start3A_60 = tpu.memref_slice %arg7[%scan3A_58, %dma_start3A_59] : memref<80x128xi32, #tpu.memory_space<vmem>> -> memref<1x128xi32, #tpu.memory_space<vmem>>
      %dma_start3A_61 = tpu.memref_squeeze %dma_start3A_60 : memref<1x128xi32, #tpu.memory_space<vmem>> -> memref<128xi32, #tpu.memory_space<vmem>>
      %dma_start3A_62 = arith.constant 0 : i32
      %dma_start3A_63 = arith.constant 0 : i32
      %dma_start3A_64 = tpu.memref_slice %arg2[%dma_start3A, %dma_start3A_62, %dma_start3A_63] : memref<4x10240x128xf32, #tpu.memory_space<hbm>> -> memref<1x10240x128xf32, #tpu.memory_space<hbm>>
      %dma_start3A_65 = tpu.memref_squeeze %dma_start3A_64 : memref<1x10240x128xf32, #tpu.memory_space<hbm>> -> memref<10240x128xf32, #tpu.memory_space<hbm>>
      %dma_start3A_66 = arith.constant 0 : i32
      %dma_start3A_67 = arith.constant 0 : i32
      %dma_start3A_68 = tpu.memref_slice %dma_start3A_65[%dma_start3A_66, %dma_start3A_67] : memref<10240x128xf32, #tpu.memory_space<hbm>> -> memref<10240x128xf32, #tpu.memory_space<hbm>>
      tpu.enqueue_indirect_dma source(%dma_start3A_68 : memref<10240x128xf32, #tpu.memory_space<hbm>>) target(%arg9 : memref<128x128xf32, #tpu.memory_space<vmem>>) offsets(%dma_start3A_61 : memref<128xi32, #tpu.memory_space<vmem>>) semaphore(%arg11 : memref<!tpu.dma_semaphore, #tpu.memory_space<semaphore_mem>>)
      %dma_wait3A = arith.constant 3 : i32
      %dma_wait3A_69 = arith.constant 0 : i32
      %dma_wait3A_70 = tpu.memref_slice %arg7[%scan3A_58, %dma_wait3A_69] : memref<80x128xi32, #tpu.memory_space<vmem>> -> memref<1x128xi32, #tpu.memory_space<vmem>>
      %dma_wait3A_71 = tpu.memref_squeeze %dma_wait3A_70 : memref<1x128xi32, #tpu.memory_space<vmem>> -> memref<128xi32, #tpu.memory_space<vmem>>
      %dma_wait3A_72 = arith.constant 0 : i32
      %dma_wait3A_73 = arith.constant 0 : i32
      %dma_wait3A_74 = tpu.memref_slice %arg2[%dma_wait3A, %dma_wait3A_72, %dma_wait3A_73] : memref<4x10240x128xf32, #tpu.memory_space<hbm>> -> memref<1x10240x128xf32, #tpu.memory_space<hbm>>
      %dma_wait3A_75 = tpu.memref_squeeze %dma_wait3A_74 : memref<1x10240x128xf32, #tpu.memory_space<hbm>> -> memref<10240x128xf32, #tpu.memory_space<hbm>>
      %dma_wait3A_76 = arith.constant 0 : i32
      %dma_wait3A_77 = arith.constant 0 : i32
      %dma_wait3A_78 = tpu.memref_slice %dma_wait3A_75[%dma_wait3A_76, %dma_wait3A_77] : memref<10240x128xf32, #tpu.memory_space<hbm>> -> memref<10240x128xf32, #tpu.memory_space<hbm>>
      tpu.wait_indirect_dma semaphore(%arg11 : memref<!tpu.dma_semaphore, #tpu.memory_space<semaphore_mem>>) src(%dma_wait3A_78 : memref<10240x128xf32, #tpu.memory_space<hbm>>) dst(%arg9 : memref<128x128xf32, #tpu.memory_space<vmem>>)
      "tpu.region"() ({
        %run_scoped3A_79 = tpu.sem_alloc : memref<!tpu.dma_semaphore, #tpu.memory_space<semaphore_mem>>
        %dma_start3A_80 = arith.constant 0 : i32
        %dma_start3A_81 = tpu.memref_slice %arg8[%scan3A_58, %dma_start3A_80] : memref<80x128xi32, #tpu.memory_space<vmem>> -> memref<1x128xi32, #tpu.memory_space<vmem>>
        %dma_start3A_82 = tpu.memref_squeeze %dma_start3A_81 : memref<1x128xi32, #tpu.memory_space<vmem>> -> memref<128xi32, #tpu.memory_space<vmem>>
        %dma_start3A_83 = arith.constant 0 : i32
        %dma_start3A_84 = arith.constant 0 : i32
        %dma_start3A_85 = tpu.memref_slice %arg10[%dma_start3A_83, %dma_start3A_84] : memref<10240x128xf32, #tpu.memory_space<vmem_shared>> -> memref<10240x128xf32, #tpu.memory_space<vmem_shared>>
        tpu.enqueue_indirect_dma source(%arg9 : memref<128x128xf32, #tpu.memory_space<vmem>>) target(%dma_start3A_85 : memref<10240x128xf32, #tpu.memory_space<vmem_shared>>) offsets(%dma_start3A_82 : memref<128xi32, #tpu.memory_space<vmem>>) semaphore(%run_scoped3A_79 : memref<!tpu.dma_semaphore, #tpu.memory_space<semaphore_mem>>) {add = true}
        %dma_wait3A_86 = arith.constant 0 : i32
        %dma_wait3A_87 = tpu.memref_slice %arg8[%scan3A_58, %dma_wait3A_86] : memref<80x128xi32, #tpu.memory_space<vmem>> -> memref<1x128xi32, #tpu.memory_space<vmem>>
        %dma_wait3A_88 = tpu.memref_squeeze %dma_wait3A_87 : memref<1x128xi32, #tpu.memory_space<vmem>> -> memref<128xi32, #tpu.memory_space<vmem>>
        %dma_wait3A_89 = arith.constant 0 : i32
        %dma_wait3A_90 = arith.constant 0 : i32
        %dma_wait3A_91 = tpu.memref_slice %arg10[%dma_wait3A_89, %dma_wait3A_90] : memref<10240x128xf32, #tpu.memory_space<vmem_shared>> -> memref<10240x128xf32, #tpu.memory_space<vmem_shared>>
        tpu.wait_indirect_dma semaphore(%run_scoped3A_79 : memref<!tpu.dma_semaphore, #tpu.memory_space<semaphore_mem>>) src(%arg9 : memref<128x128xf32, #tpu.memory_space<vmem>>) dst(%dma_wait3A_91 : memref<10240x128xf32, #tpu.memory_space<vmem_shared>>)
        tpu.yield
      }) : () -> ()
    }
    %scan3A_51 = arith.constant 80 : i32
    %barrier3A_52 = arith.constant 0 : index
    tpu.barrier barrier_id(%barrier3A_52)
    %mul3A_53 = arith.constant 640 : i32
    %mul3A_54 = arith.muli %arg1, %mul3A_53 : i32
    %mul3A_55 = arith.constant 640 : i32
    %mul3A_56 = arith.muli %arg1, %mul3A_55 : i32
    %run_scoped3A_57 = arith.constant 3 : i32
    "tpu.region"() ({
      %run_scoped3A_58 = tpu.sem_alloc : memref<!tpu.dma_semaphore, #tpu.memory_space<semaphore_mem>>
      %dma_start3A = arith.constant 0 : i32
      %dma_start3A_59 = arith.constant 0 : i32
      %dma_start3A_60 = arith.constant 0 : i32
      %dma_start3A_61 = tpu.memref_slice %arg6[%arg0, %dma_start3A, %dma_start3A_59, %dma_start3A_60] : memref<2x4x10240x128xf32, #tpu.memory_space<hbm>> -> memref<1x4x10240x128xf32, #tpu.memory_space<hbm>>
      %dma_start3A_62 = tpu.memref_squeeze %dma_start3A_61 : memref<1x4x10240x128xf32, #tpu.memory_space<hbm>> -> memref<4x10240x128xf32, #tpu.memory_space<hbm>>
      %dma_start3A_63 = arith.constant 0 : i32
      %dma_start3A_64 = arith.constant 0 : i32
      %dma_start3A_65 = tpu.memref_slice %dma_start3A_62[%run_scoped3A_57, %dma_start3A_63, %dma_start3A_64] : memref<4x10240x128xf32, #tpu.memory_space<hbm>> -> memref<1x10240x128xf32, #tpu.memory_space<hbm>>
      %dma_start3A_66 = tpu.memref_squeeze %dma_start3A_65 : memref<1x10240x128xf32, #tpu.memory_space<hbm>> -> memref<10240x128xf32, #tpu.memory_space<hbm>>
      %dma_start3A_67 = arith.constant 0 : i32
      %dma_start3A_68 = tpu.memref_slice %dma_start3A_66[%mul3A_56, %dma_start3A_67] : memref<10240x128xf32, #tpu.memory_space<hbm>> -> memref<640x128xf32, #tpu.memory_space<hbm>>
      %dma_start3A_69 = arith.constant 0 : i32
      %dma_start3A_70 = tpu.memref_slice %arg10[%mul3A_54, %dma_start3A_69] : memref<10240x128xf32, #tpu.memory_space<vmem_shared>> -> memref<640x128xf32, #tpu.memory_space<vmem_shared>>
      tpu.enqueue_dma source(%dma_start3A_70 : memref<640x128xf32, #tpu.memory_space<vmem_shared>>) target(%dma_start3A_68 : memref<640x128xf32, #tpu.memory_space<hbm>>) target_semaphore(%run_scoped3A_58 : memref<!tpu.dma_semaphore, #tpu.memory_space<semaphore_mem>>)
      %dma_wait3A = arith.constant 0 : i32
      %dma_wait3A_71 = arith.constant 0 : i32
      %dma_wait3A_72 = arith.constant 0 : i32
      %dma_wait3A_73 = tpu.memref_slice %arg6[%arg0, %dma_wait3A, %dma_wait3A_71, %dma_wait3A_72] : memref<2x4x10240x128xf32, #tpu.memory_space<hbm>> -> memref<1x4x10240x128xf32, #tpu.memory_space<hbm>>
      %dma_wait3A_74 = tpu.memref_squeeze %dma_wait3A_73 : memref<1x4x10240x128xf32, #tpu.memory_space<hbm>> -> memref<4x10240x128xf32, #tpu.memory_space<hbm>>
      %dma_wait3A_75 = arith.constant 0 : i32
      %dma_wait3A_76 = arith.constant 0 : i32
      %dma_wait3A_77 = tpu.memref_slice %dma_wait3A_74[%run_scoped3A_57, %dma_wait3A_75, %dma_wait3A_76] : memref<4x10240x128xf32, #tpu.memory_space<hbm>> -> memref<1x10240x128xf32, #tpu.memory_space<hbm>>
      %dma_wait3A_78 = tpu.memref_squeeze %dma_wait3A_77 : memref<1x10240x128xf32, #tpu.memory_space<hbm>> -> memref<10240x128xf32, #tpu.memory_space<hbm>>
      %dma_wait3A_79 = arith.constant 0 : i32
      %dma_wait3A_80 = tpu.memref_slice %dma_wait3A_78[%mul3A_56, %dma_wait3A_79] : memref<10240x128xf32, #tpu.memory_space<hbm>> -> memref<640x128xf32, #tpu.memory_space<hbm>>
      %dma_wait3A_81 = arith.constant 0 : i32
      %dma_wait3A_82 = tpu.memref_slice %arg10[%mul3A_54, %dma_wait3A_81] : memref<10240x128xf32, #tpu.memory_space<vmem_shared>> -> memref<640x128xf32, #tpu.memory_space<vmem_shared>>
      tpu.wait_dma2 semaphore(%run_scoped3A_58 : memref<!tpu.dma_semaphore, #tpu.memory_space<semaphore_mem>>) src(%dma_wait3A_82 : memref<640x128xf32, #tpu.memory_space<vmem_shared>>) dst(%dma_wait3A_80 : memref<640x128xf32, #tpu.memory_space<hbm>>)
      tpu.yield
    }) : () -> ()
    return
  }
}

module attributes {stable_mosaic.version = 14 : i64} {
  func.func @body(%arg0: i32, %arg1: memref<1x256x128xf32, #tpu.memory_space<vmem>>, %arg2: memref<32x256xf32, #tpu.memory_space<vmem>>, %arg3: memref<1x256x128xf32, #tpu.memory_space<vmem>>) attributes {dimension_semantics = [#tpu.dimension_semantics<arbitrary>], iteration_bounds = array<i64: 40>, scalar_prefetch = 0 : i64, scratch_operands = 0 : i64, tpu.core_type = #tpu.core_type<tc>, window_params = [{transform_indices = @transform_0, window_bounds = array<i64: 1, 256, 128>}, {transform_indices = @transform_1, window_bounds = array<i64: 32, 256>}, {transform_indices = @transform_2, window_bounds = array<i64: 1, 256, 128>}]} {
    %get3A = arith.constant 0 : index
    %get3A_0 = arith.constant 0 : index
    %get3A_1 = vector.load %arg2[%get3A, %get3A_0] : memref<32x256xf32, #tpu.memory_space<vmem>>, vector<32x256xf32>
    %reduce_sum3A = arith.constant dense<0.000000e+00> : vector<256xf32>
    %reduce_sum3A_2 = vector.multi_reduction <add>, %get3A_1, %reduce_sum3A [0] : vector<32x256xf32> to vector<256xf32>
    %gt3A = arith.constant 0.000000e+00 : f32
    %gt3A_3 = vector.broadcast %gt3A : f32 to vector<256xf32>
    %gt3A_4 = arith.cmpf ogt, %reduce_sum3A_2, %gt3A_3 : vector<256xf32>
    %rsqrt3A = math.rsqrt %reduce_sum3A_2 : vector<256xf32>
    %jit3A = arith.constant 0.000000e+00 : f32
    %broadcast_in_dim3A = vector.broadcast %jit3A : f32 to vector<256xf32>
    %select_n3A = arith.select %gt3A_4, %rsqrt3A, %broadcast_in_dim3A : vector<256xi1>, vector<256xf32>
    %broadcast_in_dim3A_5 = vector.shape_cast %select_n3A : vector<256xf32> to vector<256x1xf32>
    %get3A_6 = arith.constant 0 : index
    %get3A_7 = arith.constant 0 : index
    %get3A_8 = arith.constant 0 : index
    %get3A_9 = vector.load %arg1[%get3A_6, %get3A_7, %get3A_8] : memref<1x256x128xf32, #tpu.memory_space<vmem>>, vector<1x256x128xf32>
    %get3A_10 = vector.shape_cast %get3A_9 : vector<1x256x128xf32> to vector<256x128xf32>
    %mul3A = vector.broadcast %broadcast_in_dim3A_5 : vector<256x1xf32> to vector<256x128xf32>
    %mul3A_11 = arith.mulf %mul3A, %get3A_10 : vector<256x128xf32>
    %swap3A = arith.constant 0 : index
    %swap3A_12 = arith.constant 0 : index
    %swap3A_13 = arith.constant 0 : index
    %swap3A_14 = vector.load %arg3[%swap3A, %swap3A_12, %swap3A_13] : memref<1x256x128xf32, #tpu.memory_space<vmem>>, vector<1x256x128xf32>
    %swap3A_15 = vector.shape_cast %swap3A_14 : vector<1x256x128xf32> to vector<256x128xf32>
    %swap3A_16 = vector.shape_cast %mul3A_11 : vector<256x128xf32> to vector<1x256x128xf32>
    tpu.vector_store %arg3[%swap3A, %swap3A_12, %swap3A_13], %swap3A_16 {strides = array<i32>} : memref<1x256x128xf32, #tpu.memory_space<vmem>>, vector<1x256x128xf32>,
    return
  }
  func.func @transform_0(%arg0: i32) -> (i32, i32, i32) {
    %c0_i32 = arith.constant 0 : i32
    %c0_i32_0 = arith.constant 0 : i32
    %c0_i32_1 = arith.constant 0 : i32
    return %c0_i32, %arg0, %c0_i32_0 : i32, i32, i32
  }
  func.func @transform_1(%arg0: i32) -> (i32, i32) {
    %c0_i32 = arith.constant 0 : i32
    %c0_i32_0 = arith.constant 0 : i32
    return %c0_i32, %arg0 : i32, i32
  }
  func.func @transform_2(%arg0: i32) -> (i32, i32, i32) {
    %c0_i32 = arith.constant 0 : i32
    %c0_i32_0 = arith.constant 0 : i32
    %c0_i32_1 = arith.constant 0 : i32
    return %c0_i32, %arg0, %c0_i32_0 : i32, i32, i32
  }
}

module attributes {stable_mosaic.version = 14 : i64} {
  func.func @body(%arg0: i32, %arg1: i32, %arg2: memref<2x1x256x128xf32, #tpu.memory_space<vmem>>, %arg3: memref<32x256xf32, #tpu.memory_space<vmem>>, %arg4: memref<1x256x128xf32, #tpu.memory_space<vmem>>, %arg5: memref<1x256x128xf32, #tpu.memory_space<vmem>>) attributes {dimension_semantics = [#tpu.dimension_semantics<arbitrary>, #tpu.dimension_semantics<arbitrary>], iteration_bounds = array<i64: 1, 40>, scalar_prefetch = 0 : i64, scratch_operands = 0 : i64, tpu.core_type = #tpu.core_type<tc>, window_params = [{transform_indices = @transform_0, window_bounds = array<i64: 2, 1, 256, 128>}, {transform_indices = @transform_1, window_bounds = array<i64: 32, 256>}, {transform_indices = @transform_2, window_bounds = array<i64: 1, 256, 128>}, {transform_indices = @transform_3, window_bounds = array<i64: 1, 256, 128>}]} {
    %get3A = arith.constant 0 : index
    %get3A_0 = arith.constant 0 : index
    %get3A_1 = vector.load %arg3[%get3A, %get3A_0] : memref<32x256xf32, #tpu.memory_space<vmem>>, vector<32x256xf32>
    %reduce_sum3A = arith.constant dense<0.000000e+00> : vector<256xf32>
    %reduce_sum3A_2 = vector.multi_reduction <add>, %get3A_1, %reduce_sum3A [0] : vector<32x256xf32> to vector<256xf32>
    %gt3A = arith.constant 0.000000e+00 : f32
    %gt3A_3 = vector.broadcast %gt3A : f32 to vector<256xf32>
    %gt3A_4 = arith.cmpf ogt, %reduce_sum3A_2, %gt3A_3 : vector<256xf32>
    %rsqrt3A = math.rsqrt %reduce_sum3A_2 : vector<256xf32>
    %jit3A = arith.constant 0.000000e+00 : f32
    %broadcast_in_dim3A = vector.broadcast %jit3A : f32 to vector<256xf32>
    %select_n3A = arith.select %gt3A_4, %rsqrt3A, %broadcast_in_dim3A : vector<256xi1>, vector<256xf32>
    %get3A_5 = arith.constant 0 : index
    %get3A_6 = arith.constant 0 : index
    %get3A_7 = arith.constant 0 : index
    %get3A_8 = arith.constant 0 : index
    %get3A_9 = vector.load %arg2[%get3A_5, %get3A_6, %get3A_7, %get3A_8] : memref<2x1x256x128xf32, #tpu.memory_space<vmem>>, vector<1x1x256x128xf32>
    %get3A_10 = vector.shape_cast %get3A_9 : vector<1x1x256x128xf32> to vector<256x128xf32>
    %get3A_11 = arith.constant 1 : index
    %get3A_12 = arith.constant 0 : index
    %get3A_13 = arith.constant 0 : index
    %get3A_14 = arith.constant 0 : index
    %get3A_15 = vector.load %arg2[%get3A_11, %get3A_12, %get3A_13, %get3A_14] : memref<2x1x256x128xf32, #tpu.memory_space<vmem>>, vector<1x1x256x128xf32>
    %get3A_16 = vector.shape_cast %get3A_15 : vector<1x1x256x128xf32> to vector<256x128xf32>
    %add3A = arith.addf %get3A_10, %get3A_16 : vector<256x128xf32>
    %broadcast_in_dim3A_17 = vector.shape_cast %select_n3A : vector<256xf32> to vector<256x1xf32>
    %neg3A = arith.constant 0.000000e+00 : f32
    %neg3A_18 = vector.broadcast %neg3A : f32 to vector<256x1xf32>
    %neg3A_19 = arith.subf %neg3A_18, %broadcast_in_dim3A_17 : vector<256x1xf32>
    %mul3A = vector.broadcast %neg3A_19 : vector<256x1xf32> to vector<256x128xf32>
    %mul3A_20 = arith.mulf %mul3A, %add3A : vector<256x128xf32>
    %swap3A = arith.constant 0 : index
    %swap3A_21 = arith.constant 0 : index
    %swap3A_22 = arith.constant 0 : index
    %swap3A_23 = vector.load %arg4[%swap3A, %swap3A_21, %swap3A_22] : memref<1x256x128xf32, #tpu.memory_space<vmem>>, vector<1x256x128xf32>
    %swap3A_24 = vector.shape_cast %swap3A_23 : vector<1x256x128xf32> to vector<256x128xf32>
    %swap3A_25 = vector.shape_cast %mul3A_20 : vector<256x128xf32> to vector<1x256x128xf32>
    tpu.vector_store %arg4[%swap3A, %swap3A_21, %swap3A_22], %swap3A_25 {strides = array<i32>} : memref<1x256x128xf32, #tpu.memory_space<vmem>>, vector<1x256x128xf32>,
    %broadcast_in_dim3A_26 = vector.shape_cast %select_n3A : vector<256xf32> to vector<256x1xf32>
    %mul3A_27 = vector.broadcast %broadcast_in_dim3A_26 : vector<256x1xf32> to vector<256x128xf32>
    %mul3A_28 = arith.mulf %mul3A_27, %mul3A_20 : vector<256x128xf32>
    %swap3A_29 = arith.constant 0 : index
    %swap3A_30 = arith.constant 0 : index
    %swap3A_31 = arith.constant 0 : index
    %swap3A_32 = vector.load %arg5[%swap3A_29, %swap3A_30, %swap3A_31] : memref<1x256x128xf32, #tpu.memory_space<vmem>>, vector<1x256x128xf32>
    %swap3A_33 = vector.shape_cast %swap3A_32 : vector<1x256x128xf32> to vector<256x128xf32>
    %swap3A_34 = vector.shape_cast %mul3A_28 : vector<256x128xf32> to vector<1x256x128xf32>
    tpu.vector_store %arg5[%swap3A_29, %swap3A_30, %swap3A_31], %swap3A_34 {strides = array<i32>} : memref<1x256x128xf32, #tpu.memory_space<vmem>>, vector<1x256x128xf32>,
    return
  }
  func.func @transform_0(%arg0: i32, %arg1: i32) -> (i32, i32, i32, i32) {
    %c0_i32 = arith.constant 0 : i32
    %c0_i32_0 = arith.constant 0 : i32
    %c0_i32_1 = arith.constant 0 : i32
    return %c0_i32, %arg0, %arg1, %c0_i32_0 : i32, i32, i32, i32
  }
  func.func @transform_1(%arg0: i32, %arg1: i32) -> (i32, i32) {
    %c0_i32 = arith.constant 0 : i32
    %c0_i32_0 = arith.constant 0 : i32
    return %c0_i32, %arg1 : i32, i32
  }
  func.func @transform_2(%arg0: i32, %arg1: i32) -> (i32, i32, i32) {
    %c0_i32 = arith.constant 0 : i32
    %c0_i32_0 = arith.constant 0 : i32
    return %arg0, %arg1, %c0_i32 : i32, i32, i32
  }
  func.func @transform_3(%arg0: i32, %arg1: i32) -> (i32, i32, i32) {
    %c0_i32 = arith.constant 0 : i32
    %c0_i32_0 = arith.constant 0 : i32
    return %arg0, %arg1, %c0_i32 : i32, i32, i32
  }
}

module attributes {stable_mosaic.version = 14 : i64} {
  func.func @body(%arg0: i32, %arg1: i32, %arg2: memref<1x256x128xf32, #tpu.memory_space<vmem>>, %arg3: memref<1x256x128xf32, #tpu.memory_space<vmem>>, %arg4: memref<2x1x256x128xf32, #tpu.memory_space<vmem>>, %arg5: memref<32x256xf32, #tpu.memory_space<vmem>>, %arg6: memref<384x128xf32, #tpu.memory_space<vmem>>, %arg7: memref<1x128xf32, #tpu.memory_space<vmem>>, %arg8: memref<1x256x128xf32, #tpu.memory_space<vmem>>, %arg9: memref<1x256x128xf32, #tpu.memory_space<vmem>>) attributes {dimension_semantics = [#tpu.dimension_semantics<arbitrary>, #tpu.dimension_semantics<arbitrary>], iteration_bounds = array<i64: 40, 2>, scalar_prefetch = 0 : i64, scratch_operands = 0 : i64, tpu.core_type = #tpu.core_type<tc>, window_params = [{transform_indices = @transform_0, window_bounds = array<i64: 1, 256, 128>}, {transform_indices = @transform_1, window_bounds = array<i64: 1, 256, 128>}, {transform_indices = @transform_2, window_bounds = array<i64: 2, 1, 256, 128>}, {transform_indices = @transform_3, window_bounds = array<i64: 32, 256>}, {transform_indices = @transform_4, window_bounds = array<i64: 384, 128>}, {transform_indices = @transform_5, window_bounds = array<i64: 1, 128>}, {transform_indices = @transform_6, window_bounds = array<i64: 1, 256, 128>}, {transform_indices = @transform_7, window_bounds = array<i64: 1, 256, 128>}]} {
    %get3A = arith.constant 0 : index
    %get3A_0 = arith.constant 0 : index
    %get3A_1 = vector.load %arg5[%get3A, %get3A_0] : memref<32x256xf32, #tpu.memory_space<vmem>>, vector<32x256xf32>
    %reduce_sum3A = arith.constant dense<0.000000e+00> : vector<256xf32>
    %reduce_sum3A_2 = vector.multi_reduction <add>, %get3A_1, %reduce_sum3A [0] : vector<32x256xf32> to vector<256xf32>
    %gt3A = arith.constant 0.000000e+00 : f32
    %gt3A_3 = vector.broadcast %gt3A : f32 to vector<256xf32>
    %gt3A_4 = arith.cmpf ogt, %reduce_sum3A_2, %gt3A_3 : vector<256xf32>
    %rsqrt3A = math.rsqrt %reduce_sum3A_2 : vector<256xf32>
    %jit3A = arith.constant 0.000000e+00 : f32
    %broadcast_in_dim3A = vector.broadcast %jit3A : f32 to vector<256xf32>
    %select_n3A = arith.select %gt3A_4, %rsqrt3A, %broadcast_in_dim3A : vector<256xi1>, vector<256xf32>
    %broadcast_in_dim3A_5 = arith.constant 0.000000e+00 : f32
    %broadcast_in_dim3A_6 = vector.broadcast %broadcast_in_dim3A_5 : f32 to vector<256x128xf32>
    %get3A_7 = arith.constant 0 : index
    %get3A_8 = arith.constant 0 : index
    %get3A_9 = arith.constant 0 : index
    %get3A_10 = vector.load %arg2[%get3A_7, %get3A_8, %get3A_9] : memref<1x256x128xf32, #tpu.memory_space<vmem>>, vector<1x256x128xf32>
    %get3A_11 = vector.shape_cast %get3A_10 : vector<1x256x128xf32> to vector<256x128xf32>
    %broadcast_in_dim3A_12 = vector.shape_cast %select_n3A : vector<256xf32> to vector<256x1xf32>
    %mul3A = arith.constant -2.000000e+00 : f32
    %mul3A_13 = vector.broadcast %mul3A : f32 to vector<256x1xf32>
    %mul3A_14 = arith.mulf %mul3A_13, %broadcast_in_dim3A_12 : vector<256x1xf32>
    %get3A_15 = arith.constant 0 : index
    %get3A_16 = arith.constant 0 : index
    %get3A_17 = arith.constant 0 : index
    %get3A_18 = arith.constant 0 : index
    %get3A_19 = vector.load %arg4[%get3A_15, %get3A_16, %get3A_17, %get3A_18] : memref<2x1x256x128xf32, #tpu.memory_space<vmem>>, vector<1x1x256x128xf32>
    %get3A_20 = vector.shape_cast %get3A_19 : vector<1x1x256x128xf32> to vector<256x128xf32>
    %get3A_21 = arith.constant 1 : index
    %get3A_22 = arith.constant 0 : index
    %get3A_23 = arith.constant 0 : index
    %get3A_24 = arith.constant 0 : index
    %get3A_25 = vector.load %arg4[%get3A_21, %get3A_22, %get3A_23, %get3A_24] : memref<2x1x256x128xf32, #tpu.memory_space<vmem>>, vector<1x1x256x128xf32>
    %get3A_26 = vector.shape_cast %get3A_25 : vector<1x1x256x128xf32> to vector<256x128xf32>
    %add3A = arith.addf %get3A_20, %get3A_26 : vector<256x128xf32>
    %mul3A_27 = vector.broadcast %mul3A_14 : vector<256x1xf32> to vector<256x128xf32>
    %mul3A_28 = arith.mulf %mul3A_27, %add3A : vector<256x128xf32>
    %get3A_29 = arith.constant 0 : index
    %get3A_30 = arith.constant 0 : index
    %get3A_31 = vector.load %arg6[%get3A_29, %get3A_30] : memref<384x128xf32, #tpu.memory_space<vmem>>, vector<128x128xf32>
    %get3A_32 = arith.constant 128 : index
    %get3A_33 = arith.constant 0 : index
    %get3A_34 = vector.load %arg6[%get3A_32, %get3A_33] : memref<384x128xf32, #tpu.memory_space<vmem>>, vector<128x128xf32>
    %get3A_35 = arith.constant 256 : index
    %get3A_36 = arith.constant 0 : index
    %get3A_37 = vector.load %arg6[%get3A_35, %get3A_36] : memref<384x128xf32, #tpu.memory_space<vmem>>, vector<128x128xf32>
    %dot_general3A = arith.constant dense<0.000000e+00> : vector<256x128xf32>
    %dot_general3A_38 = tpu.matmul %get3A_11, %get3A_31, %dot_general3A {dimension_numbers = #tpu.dot_dimension_numbers<[1], [0], [0], [1], [0, 0, 1, 1], [], []>, transpose_lhs_hint = false} : vector<256x128xf32>, vector<128x128xf32>, vector<256x128xf32> -> vector<256x128xf32>
    %add3A_39 = arith.addf %broadcast_in_dim3A_6, %dot_general3A_38 : vector<256x128xf32>
    %get3A_40 = arith.constant 0 : index
    %get3A_41 = arith.constant 0 : index
    %get3A_42 = arith.constant 0 : index
    %get3A_43 = vector.load %arg3[%get3A_40, %get3A_41, %get3A_42] : memref<1x256x128xf32, #tpu.memory_space<vmem>>, vector<1x256x128xf32>
    %get3A_44 = vector.shape_cast %get3A_43 : vector<1x256x128xf32> to vector<256x128xf32>
    %dot_general3A_45 = arith.constant dense<0.000000e+00> : vector<256x128xf32>
    %dot_general3A_46 = tpu.matmul %get3A_44, %get3A_34, %dot_general3A_45 {dimension_numbers = #tpu.dot_dimension_numbers<[1], [0], [0], [1], [0, 0, 1, 1], [], []>, transpose_lhs_hint = false} : vector<256x128xf32>, vector<128x128xf32>, vector<256x128xf32> -> vector<256x128xf32>
    %add3A_47 = arith.addf %add3A_39, %dot_general3A_46 : vector<256x128xf32>
    %sub3A = arith.subf %mul3A_28, %get3A_11 : vector<256x128xf32>
    %dot_general3A_48 = arith.constant dense<0.000000e+00> : vector<256x128xf32>
    %dot_general3A_49 = tpu.matmul %sub3A, %get3A_37, %dot_general3A_48 {dimension_numbers = #tpu.dot_dimension_numbers<[1], [0], [0], [1], [0, 0, 1, 1], [], []>, transpose_lhs_hint = false} : vector<256x128xf32>, vector<128x128xf32>, vector<256x128xf32> -> vector<256x128xf32>
    %add3A_50 = arith.addf %add3A_47, %dot_general3A_49 : vector<256x128xf32>
    %get3A_51 = arith.constant 0 : index
    %get3A_52 = arith.constant 0 : index
    %get3A_53 = vector.load %arg7[%get3A_51, %get3A_52] : memref<1x128xf32, #tpu.memory_space<vmem>>, vector<1x128xf32>
    %add3A_54 = vector.broadcast %get3A_53 : vector<1x128xf32> to vector<256x128xf32>
    %add3A_55 = arith.addf %add3A_50, %add3A_54 : vector<256x128xf32>
    %max3A = arith.constant 0.000000e+00 : f32
    %max3A_56 = vector.broadcast %max3A : f32 to vector<256x128xf32>
    %max3A_57 = arith.maximumf %add3A_55, %max3A_56 : vector<256x128xf32>
    %swap3A = arith.constant 0 : index
    %swap3A_58 = arith.constant 0 : index
    %swap3A_59 = arith.constant 0 : index
    %swap3A_60 = vector.load %arg8[%swap3A, %swap3A_58, %swap3A_59] : memref<1x256x128xf32, #tpu.memory_space<vmem>>, vector<1x256x128xf32>
    %swap3A_61 = vector.shape_cast %swap3A_60 : vector<1x256x128xf32> to vector<256x128xf32>
    %swap3A_62 = vector.shape_cast %max3A_57 : vector<256x128xf32> to vector<1x256x128xf32>
    tpu.vector_store %arg8[%swap3A, %swap3A_58, %swap3A_59], %swap3A_62 {strides = array<i32>} : memref<1x256x128xf32, #tpu.memory_space<vmem>>, vector<1x256x128xf32>,
    %broadcast_in_dim3A_63 = vector.shape_cast %select_n3A : vector<256xf32> to vector<256x1xf32>
    %mul3A_64 = vector.broadcast %broadcast_in_dim3A_63 : vector<256x1xf32> to vector<256x128xf32>
    %mul3A_65 = arith.mulf %mul3A_64, %max3A_57 : vector<256x128xf32>
    %swap3A_66 = arith.constant 0 : index
    %swap3A_67 = arith.constant 0 : index
    %swap3A_68 = arith.constant 0 : index
    %swap3A_69 = vector.load %arg9[%swap3A_66, %swap3A_67, %swap3A_68] : memref<1x256x128xf32, #tpu.memory_space<vmem>>, vector<1x256x128xf32>
    %swap3A_70 = vector.shape_cast %swap3A_69 : vector<1x256x128xf32> to vector<256x128xf32>
    %swap3A_71 = vector.shape_cast %mul3A_65 : vector<256x128xf32> to vector<1x256x128xf32>
    tpu.vector_store %arg9[%swap3A_66, %swap3A_67, %swap3A_68], %swap3A_71 {strides = array<i32>} : memref<1x256x128xf32, #tpu.memory_space<vmem>>, vector<1x256x128xf32>,
    return
  }
  func.func @transform_0(%arg0: i32, %arg1: i32) -> (i32, i32, i32) {
    %c0_i32 = arith.constant 0 : i32
    %c0_i32_0 = arith.constant 0 : i32
    %c0_i32_1 = arith.constant 0 : i32
    return %c0_i32, %arg0, %c0_i32_0 : i32, i32, i32
  }
  func.func @transform_1(%arg0: i32, %arg1: i32) -> (i32, i32, i32) {
    %c0_i32 = arith.constant 0 : i32
    %c0_i32_0 = arith.constant 0 : i32
    %c0_i32_1 = arith.constant 0 : i32
    return %c0_i32, %arg0, %c0_i32_0 : i32, i32, i32
  }
  func.func @transform_2(%arg0: i32, %arg1: i32) -> (i32, i32, i32, i32) {
    %c0_i32 = arith.constant 0 : i32
    %c0_i32_0 = arith.constant 0 : i32
    %c0_i32_1 = arith.constant 0 : i32
    %c0_i32_2 = arith.constant 0 : i32
    return %c0_i32, %c0_i32_0, %arg0, %c0_i32_1 : i32, i32, i32, i32
  }
  func.func @transform_3(%arg0: i32, %arg1: i32) -> (i32, i32) {
    %c0_i32 = arith.constant 0 : i32
    %c0_i32_0 = arith.constant 0 : i32
    return %c0_i32, %arg0 : i32, i32
  }
  func.func @transform_4(%arg0: i32, %arg1: i32) -> (i32, i32) {
    %c0_i32 = arith.constant 0 : i32
    %c0_i32_0 = arith.constant 0 : i32
    return %c0_i32, %arg1 : i32, i32
  }
  func.func @transform_5(%arg0: i32, %arg1: i32) -> (i32, i32) {
    %c0_i32 = arith.constant 0 : i32
    %c0_i32_0 = arith.constant 0 : i32
    return %c0_i32, %arg1 : i32, i32
  }
  func.func @transform_6(%arg0: i32, %arg1: i32) -> (i32, i32, i32) {
    %c0_i32 = arith.constant 0 : i32
    %c0_i32_0 = arith.constant 0 : i32
    return %arg1, %arg0, %c0_i32 : i32, i32, i32
  }
  func.func @transform_7(%arg0: i32, %arg1: i32) -> (i32, i32, i32) {
    %c0_i32 = arith.constant 0 : i32
    %c0_i32_0 = arith.constant 0 : i32
    return %arg1, %arg0, %c0_i32 : i32, i32, i32
  }
}

module attributes {stable_mosaic.version = 14 : i64} {
  func.func @body(%arg0: i32, %arg1: i32, %arg2: memref<2x1x256x128xf32, #tpu.memory_space<vmem>>, %arg3: memref<32x256xf32, #tpu.memory_space<vmem>>, %arg4: memref<1x256x128xf32, #tpu.memory_space<vmem>>, %arg5: memref<1x256x128xf32, #tpu.memory_space<vmem>>) attributes {dimension_semantics = [#tpu.dimension_semantics<arbitrary>, #tpu.dimension_semantics<arbitrary>], iteration_bounds = array<i64: 2, 40>, scalar_prefetch = 0 : i64, scratch_operands = 0 : i64, tpu.core_type = #tpu.core_type<tc>, window_params = [{transform_indices = @transform_0, window_bounds = array<i64: 2, 1, 256, 128>}, {transform_indices = @transform_1, window_bounds = array<i64: 32, 256>}, {transform_indices = @transform_2, window_bounds = array<i64: 1, 256, 128>}, {transform_indices = @transform_3, window_bounds = array<i64: 1, 256, 128>}]} {
    %get3A = arith.constant 0 : index
    %get3A_0 = arith.constant 0 : index
    %get3A_1 = vector.load %arg3[%get3A, %get3A_0] : memref<32x256xf32, #tpu.memory_space<vmem>>, vector<32x256xf32>
    %reduce_sum3A = arith.constant dense<0.000000e+00> : vector<256xf32>
    %reduce_sum3A_2 = vector.multi_reduction <add>, %get3A_1, %reduce_sum3A [0] : vector<32x256xf32> to vector<256xf32>
    %gt3A = arith.constant 0.000000e+00 : f32
    %gt3A_3 = vector.broadcast %gt3A : f32 to vector<256xf32>
    %gt3A_4 = arith.cmpf ogt, %reduce_sum3A_2, %gt3A_3 : vector<256xf32>
    %rsqrt3A = math.rsqrt %reduce_sum3A_2 : vector<256xf32>
    %jit3A = arith.constant 0.000000e+00 : f32
    %broadcast_in_dim3A = vector.broadcast %jit3A : f32 to vector<256xf32>
    %select_n3A = arith.select %gt3A_4, %rsqrt3A, %broadcast_in_dim3A : vector<256xi1>, vector<256xf32>
    %get3A_5 = arith.constant 0 : index
    %get3A_6 = arith.constant 0 : index
    %get3A_7 = arith.constant 0 : index
    %get3A_8 = arith.constant 0 : index
    %get3A_9 = vector.load %arg2[%get3A_5, %get3A_6, %get3A_7, %get3A_8] : memref<2x1x256x128xf32, #tpu.memory_space<vmem>>, vector<1x1x256x128xf32>
    %get3A_10 = vector.shape_cast %get3A_9 : vector<1x1x256x128xf32> to vector<256x128xf32>
    %get3A_11 = arith.constant 1 : index
    %get3A_12 = arith.constant 0 : index
    %get3A_13 = arith.constant 0 : index
    %get3A_14 = arith.constant 0 : index
    %get3A_15 = vector.load %arg2[%get3A_11, %get3A_12, %get3A_13, %get3A_14] : memref<2x1x256x128xf32, #tpu.memory_space<vmem>>, vector<1x1x256x128xf32>
    %get3A_16 = vector.shape_cast %get3A_15 : vector<1x1x256x128xf32> to vector<256x128xf32>
    %add3A = arith.addf %get3A_10, %get3A_16 : vector<256x128xf32>
    %broadcast_in_dim3A_17 = vector.shape_cast %select_n3A : vector<256xf32> to vector<256x1xf32>
    %neg3A = arith.constant 0.000000e+00 : f32
    %neg3A_18 = vector.broadcast %neg3A : f32 to vector<256x1xf32>
    %neg3A_19 = arith.subf %neg3A_18, %broadcast_in_dim3A_17 : vector<256x1xf32>
    %mul3A = vector.broadcast %neg3A_19 : vector<256x1xf32> to vector<256x128xf32>
    %mul3A_20 = arith.mulf %mul3A, %add3A : vector<256x128xf32>
    %swap3A = arith.constant 0 : index
    %swap3A_21 = arith.constant 0 : index
    %swap3A_22 = arith.constant 0 : index
    %swap3A_23 = vector.load %arg4[%swap3A, %swap3A_21, %swap3A_22] : memref<1x256x128xf32, #tpu.memory_space<vmem>>, vector<1x256x128xf32>
    %swap3A_24 = vector.shape_cast %swap3A_23 : vector<1x256x128xf32> to vector<256x128xf32>
    %swap3A_25 = vector.shape_cast %mul3A_20 : vector<256x128xf32> to vector<1x256x128xf32>
    tpu.vector_store %arg4[%swap3A, %swap3A_21, %swap3A_22], %swap3A_25 {strides = array<i32>} : memref<1x256x128xf32, #tpu.memory_space<vmem>>, vector<1x256x128xf32>,
    %broadcast_in_dim3A_26 = vector.shape_cast %select_n3A : vector<256xf32> to vector<256x1xf32>
    %mul3A_27 = vector.broadcast %broadcast_in_dim3A_26 : vector<256x1xf32> to vector<256x128xf32>
    %mul3A_28 = arith.mulf %mul3A_27, %mul3A_20 : vector<256x128xf32>
    %swap3A_29 = arith.constant 0 : index
    %swap3A_30 = arith.constant 0 : index
    %swap3A_31 = arith.constant 0 : index
    %swap3A_32 = vector.load %arg5[%swap3A_29, %swap3A_30, %swap3A_31] : memref<1x256x128xf32, #tpu.memory_space<vmem>>, vector<1x256x128xf32>
    %swap3A_33 = vector.shape_cast %swap3A_32 : vector<1x256x128xf32> to vector<256x128xf32>
    %swap3A_34 = vector.shape_cast %mul3A_28 : vector<256x128xf32> to vector<1x256x128xf32>
    tpu.vector_store %arg5[%swap3A_29, %swap3A_30, %swap3A_31], %swap3A_34 {strides = array<i32>} : memref<1x256x128xf32, #tpu.memory_space<vmem>>, vector<1x256x128xf32>,
    return
  }
  func.func @transform_0(%arg0: i32, %arg1: i32) -> (i32, i32, i32, i32) {
    %c0_i32 = arith.constant 0 : i32
    %c0_i32_0 = arith.constant 0 : i32
    %c0_i32_1 = arith.constant 0 : i32
    return %c0_i32, %arg0, %arg1, %c0_i32_0 : i32, i32, i32, i32
  }
  func.func @transform_1(%arg0: i32, %arg1: i32) -> (i32, i32) {
    %c0_i32 = arith.constant 0 : i32
    %c0_i32_0 = arith.constant 0 : i32
    return %c0_i32, %arg1 : i32, i32
  }
  func.func @transform_2(%arg0: i32, %arg1: i32) -> (i32, i32, i32) {
    %c0_i32 = arith.constant 0 : i32
    %c0_i32_0 = arith.constant 0 : i32
    return %arg0, %arg1, %c0_i32 : i32, i32, i32
  }
  func.func @transform_3(%arg0: i32, %arg1: i32) -> (i32, i32, i32) {
    %c0_i32 = arith.constant 0 : i32
    %c0_i32_0 = arith.constant 0 : i32
    return %arg0, %arg1, %c0_i32 : i32, i32, i32
  }
}

module attributes {stable_mosaic.version = 14 : i64} {
  func.func @body(%arg0: i32, %arg1: i32, %arg2: memref<2x256x128xf32, #tpu.memory_space<vmem>>, %arg3: memref<2x256x128xf32, #tpu.memory_space<vmem>>, %arg4: memref<2x2x256x128xf32, #tpu.memory_space<vmem>>, %arg5: memref<32x256xf32, #tpu.memory_space<vmem>>, %arg6: memref<768x128xf32, #tpu.memory_space<vmem>>, %arg7: memref<1x128xf32, #tpu.memory_space<vmem>>, %arg8: memref<1x256x128xf32, #tpu.memory_space<vmem>>, %arg9: memref<1x256x128xf32, #tpu.memory_space<vmem>>) attributes {dimension_semantics = [#tpu.dimension_semantics<arbitrary>, #tpu.dimension_semantics<arbitrary>], iteration_bounds = array<i64: 40, 4>, scalar_prefetch = 0 : i64, scratch_operands = 0 : i64, tpu.core_type = #tpu.core_type<tc>, window_params = [{transform_indices = @transform_0, window_bounds = array<i64: 2, 256, 128>}, {transform_indices = @transform_1, window_bounds = array<i64: 2, 256, 128>}, {transform_indices = @transform_2, window_bounds = array<i64: 2, 2, 256, 128>}, {transform_indices = @transform_3, window_bounds = array<i64: 32, 256>}, {transform_indices = @transform_4, window_bounds = array<i64: 768, 128>}, {transform_indices = @transform_5, window_bounds = array<i64: 1, 128>}, {transform_indices = @transform_6, window_bounds = array<i64: 1, 256, 128>}, {transform_indices = @transform_7, window_bounds = array<i64: 1, 256, 128>}]} {
    %get3A = arith.constant 0 : index
    %get3A_0 = arith.constant 0 : index
    %get3A_1 = vector.load %arg5[%get3A, %get3A_0] : memref<32x256xf32, #tpu.memory_space<vmem>>, vector<32x256xf32>
    %reduce_sum3A = arith.constant dense<0.000000e+00> : vector<256xf32>
    %reduce_sum3A_2 = vector.multi_reduction <add>, %get3A_1, %reduce_sum3A [0] : vector<32x256xf32> to vector<256xf32>
    %gt3A = arith.constant 0.000000e+00 : f32
    %gt3A_3 = vector.broadcast %gt3A : f32 to vector<256xf32>
    %gt3A_4 = arith.cmpf ogt, %reduce_sum3A_2, %gt3A_3 : vector<256xf32>
    %rsqrt3A = math.rsqrt %reduce_sum3A_2 : vector<256xf32>
    %jit3A = arith.constant 0.000000e+00 : f32
    %broadcast_in_dim3A = vector.broadcast %jit3A : f32 to vector<256xf32>
    %select_n3A = arith.select %gt3A_4, %rsqrt3A, %broadcast_in_dim3A : vector<256xi1>, vector<256xf32>
    %broadcast_in_dim3A_5 = arith.constant 0.000000e+00 : f32
    %broadcast_in_dim3A_6 = vector.broadcast %broadcast_in_dim3A_5 : f32 to vector<256x128xf32>
    %get3A_7 = arith.constant 0 : index
    %get3A_8 = arith.constant 0 : index
    %get3A_9 = arith.constant 0 : index
    %get3A_10 = vector.load %arg2[%get3A_7, %get3A_8, %get3A_9] : memref<2x256x128xf32, #tpu.memory_space<vmem>>, vector<1x256x128xf32>
    %get3A_11 = vector.shape_cast %get3A_10 : vector<1x256x128xf32> to vector<256x128xf32>
    %broadcast_in_dim3A_12 = vector.shape_cast %select_n3A : vector<256xf32> to vector<256x1xf32>
    %mul3A = arith.constant -2.000000e+00 : f32
    %mul3A_13 = vector.broadcast %mul3A : f32 to vector<256x1xf32>
    %mul3A_14 = arith.mulf %mul3A_13, %broadcast_in_dim3A_12 : vector<256x1xf32>
    %get3A_15 = arith.constant 0 : index
    %get3A_16 = arith.constant 0 : index
    %get3A_17 = arith.constant 0 : index
    %get3A_18 = arith.constant 0 : index
    %get3A_19 = vector.load %arg4[%get3A_15, %get3A_16, %get3A_17, %get3A_18] : memref<2x2x256x128xf32, #tpu.memory_space<vmem>>, vector<1x1x256x128xf32>
    %get3A_20 = vector.shape_cast %get3A_19 : vector<1x1x256x128xf32> to vector<256x128xf32>
    %get3A_21 = arith.constant 1 : index
    %get3A_22 = arith.constant 0 : index
    %get3A_23 = arith.constant 0 : index
    %get3A_24 = arith.constant 0 : index
    %get3A_25 = vector.load %arg4[%get3A_21, %get3A_22, %get3A_23, %get3A_24] : memref<2x2x256x128xf32, #tpu.memory_space<vmem>>, vector<1x1x256x128xf32>
    %get3A_26 = vector.shape_cast %get3A_25 : vector<1x1x256x128xf32> to vector<256x128xf32>
    %add3A = arith.addf %get3A_20, %get3A_26 : vector<256x128xf32>
    %mul3A_27 = vector.broadcast %mul3A_14 : vector<256x1xf32> to vector<256x128xf32>
    %mul3A_28 = arith.mulf %mul3A_27, %add3A : vector<256x128xf32>
    %get3A_29 = arith.constant 0 : index
    %get3A_30 = arith.constant 0 : index
    %get3A_31 = vector.load %arg6[%get3A_29, %get3A_30] : memref<768x128xf32, #tpu.memory_space<vmem>>, vector<128x128xf32>
    %get3A_32 = arith.constant 256 : index
    %get3A_33 = arith.constant 0 : index
    %get3A_34 = vector.load %arg6[%get3A_32, %get3A_33] : memref<768x128xf32, #tpu.memory_space<vmem>>, vector<128x128xf32>
    %get3A_35 = arith.constant 512 : index
    %get3A_36 = arith.constant 0 : index
    %get3A_37 = vector.load %arg6[%get3A_35, %get3A_36] : memref<768x128xf32, #tpu.memory_space<vmem>>, vector<128x128xf32>
    %dot_general3A = arith.constant dense<0.000000e+00> : vector<256x128xf32>
    %dot_general3A_38 = tpu.matmul %get3A_11, %get3A_31, %dot_general3A {dimension_numbers = #tpu.dot_dimension_numbers<[1], [0], [0], [1], [0, 0, 1, 1], [], []>, transpose_lhs_hint = false} : vector<256x128xf32>, vector<128x128xf32>, vector<256x128xf32> -> vector<256x128xf32>
    %add3A_39 = arith.addf %broadcast_in_dim3A_6, %dot_general3A_38 : vector<256x128xf32>
    %get3A_40 = arith.constant 0 : index
    %get3A_41 = arith.constant 0 : index
    %get3A_42 = arith.constant 0 : index
    %get3A_43 = vector.load %arg3[%get3A_40, %get3A_41, %get3A_42] : memref<2x256x128xf32, #tpu.memory_space<vmem>>, vector<1x256x128xf32>
    %get3A_44 = vector.shape_cast %get3A_43 : vector<1x256x128xf32> to vector<256x128xf32>
    %dot_general3A_45 = arith.constant dense<0.000000e+00> : vector<256x128xf32>
    %dot_general3A_46 = tpu.matmul %get3A_44, %get3A_34, %dot_general3A_45 {dimension_numbers = #tpu.dot_dimension_numbers<[1], [0], [0], [1], [0, 0, 1, 1], [], []>, transpose_lhs_hint = false} : vector<256x128xf32>, vector<128x128xf32>, vector<256x128xf32> -> vector<256x128xf32>
    %add3A_47 = arith.addf %add3A_39, %dot_general3A_46 : vector<256x128xf32>
    %sub3A = arith.subf %mul3A_28, %get3A_11 : vector<256x128xf32>
    %dot_general3A_48 = arith.constant dense<0.000000e+00> : vector<256x128xf32>
    %dot_general3A_49 = tpu.matmul %sub3A, %get3A_37, %dot_general3A_48 {dimension_numbers = #tpu.dot_dimension_numbers<[1], [0], [0], [1], [0, 0, 1, 1], [], []>, transpose_lhs_hint = false} : vector<256x128xf32>, vector<128x128xf32>, vector<256x128xf32> -> vector<256x128xf32>
    %add3A_50 = arith.addf %add3A_47, %dot_general3A_49 : vector<256x128xf32>
    %get3A_51 = arith.constant 1 : index
    %get3A_52 = arith.constant 0 : index
    %get3A_53 = arith.constant 0 : index
    %get3A_54 = vector.load %arg2[%get3A_51, %get3A_52, %get3A_53] : memref<2x256x128xf32, #tpu.memory_space<vmem>>, vector<1x256x128xf32>
    %get3A_55 = vector.shape_cast %get3A_54 : vector<1x256x128xf32> to vector<256x128xf32>
    %broadcast_in_dim3A_56 = vector.shape_cast %select_n3A : vector<256xf32> to vector<256x1xf32>
    %mul3A_57 = arith.constant -2.000000e+00 : f32
    %mul3A_58 = vector.broadcast %mul3A_57 : f32 to vector<256x1xf32>
    %mul3A_59 = arith.mulf %mul3A_58, %broadcast_in_dim3A_56 : vector<256x1xf32>
    %get3A_60 = arith.constant 0 : index
    %get3A_61 = arith.constant 1 : index
    %get3A_62 = arith.constant 0 : index
    %get3A_63 = arith.constant 0 : index
    %get3A_64 = vector.load %arg4[%get3A_60, %get3A_61, %get3A_62, %get3A_63] : memref<2x2x256x128xf32, #tpu.memory_space<vmem>>, vector<1x1x256x128xf32>
    %get3A_65 = vector.shape_cast %get3A_64 : vector<1x1x256x128xf32> to vector<256x128xf32>
    %get3A_66 = arith.constant 1 : index
    %get3A_67 = arith.constant 1 : index
    %get3A_68 = arith.constant 0 : index
    %get3A_69 = arith.constant 0 : index
    %get3A_70 = vector.load %arg4[%get3A_66, %get3A_67, %get3A_68, %get3A_69] : memref<2x2x256x128xf32, #tpu.memory_space<vmem>>, vector<1x1x256x128xf32>
    %get3A_71 = vector.shape_cast %get3A_70 : vector<1x1x256x128xf32> to vector<256x128xf32>
    %add3A_72 = arith.addf %get3A_65, %get3A_71 : vector<256x128xf32>
    %mul3A_73 = vector.broadcast %mul3A_59 : vector<256x1xf32> to vector<256x128xf32>
    %mul3A_74 = arith.mulf %mul3A_73, %add3A_72 : vector<256x128xf32>
    %get3A_75 = arith.constant 128 : index
    %get3A_76 = arith.constant 0 : index
    %get3A_77 = vector.load %arg6[%get3A_75, %get3A_76] : memref<768x128xf32, #tpu.memory_space<vmem>>, vector<128x128xf32>
    %get3A_78 = arith.constant 384 : index
    %get3A_79 = arith.constant 0 : index
    %get3A_80 = vector.load %arg6[%get3A_78, %get3A_79] : memref<768x128xf32, #tpu.memory_space<vmem>>, vector<128x128xf32>
    %get3A_81 = arith.constant 640 : index
    %get3A_82 = arith.constant 0 : index
    %get3A_83 = vector.load %arg6[%get3A_81, %get3A_82] : memref<768x128xf32, #tpu.memory_space<vmem>>, vector<128x128xf32>
    %dot_general3A_84 = arith.constant dense<0.000000e+00> : vector<256x128xf32>
    %dot_general3A_85 = tpu.matmul %get3A_55, %get3A_77, %dot_general3A_84 {dimension_numbers = #tpu.dot_dimension_numbers<[1], [0], [0], [1], [0, 0, 1, 1], [], []>, transpose_lhs_hint = false} : vector<256x128xf32>, vector<128x128xf32>, vector<256x128xf32> -> vector<256x128xf32>
    %add3A_86 = arith.addf %add3A_50, %dot_general3A_85 : vector<256x128xf32>
    %get3A_87 = arith.constant 1 : index
    %get3A_88 = arith.constant 0 : index
    %get3A_89 = arith.constant 0 : index
    %get3A_90 = vector.load %arg3[%get3A_87, %get3A_88, %get3A_89] : memref<2x256x128xf32, #tpu.memory_space<vmem>>, vector<1x256x128xf32>
    %get3A_91 = vector.shape_cast %get3A_90 : vector<1x256x128xf32> to vector<256x128xf32>
    %dot_general3A_92 = arith.constant dense<0.000000e+00> : vector<256x128xf32>
    %dot_general3A_93 = tpu.matmul %get3A_91, %get3A_80, %dot_general3A_92 {dimension_numbers = #tpu.dot_dimension_numbers<[1], [0], [0], [1], [0, 0, 1, 1], [], []>, transpose_lhs_hint = false} : vector<256x128xf32>, vector<128x128xf32>, vector<256x128xf32> -> vector<256x128xf32>
    %add3A_94 = arith.addf %add3A_86, %dot_general3A_93 : vector<256x128xf32>
    %sub3A_95 = arith.subf %mul3A_74, %get3A_55 : vector<256x128xf32>
    %dot_general3A_96 = arith.constant dense<0.000000e+00> : vector<256x128xf32>
    %dot_general3A_97 = tpu.matmul %sub3A_95, %get3A_83, %dot_general3A_96 {dimension_numbers = #tpu.dot_dimension_numbers<[1], [0], [0], [1], [0, 0, 1, 1], [], []>, transpose_lhs_hint = false} : vector<256x128xf32>, vector<128x128xf32>, vector<256x128xf32> -> vector<256x128xf32>
    %add3A_98 = arith.addf %add3A_94, %dot_general3A_97 : vector<256x128xf32>
    %get3A_99 = arith.constant 0 : index
    %get3A_100 = arith.constant 0 : index
    %get3A_101 = vector.load %arg7[%get3A_99, %get3A_100] : memref<1x128xf32, #tpu.memory_space<vmem>>, vector<1x128xf32>
    %add3A_102 = vector.broadcast %get3A_101 : vector<1x128xf32> to vector<256x128xf32>
    %add3A_103 = arith.addf %add3A_98, %add3A_102 : vector<256x128xf32>
    %max3A = arith.constant 0.000000e+00 : f32
    %max3A_104 = vector.broadcast %max3A : f32 to vector<256x128xf32>
    %max3A_105 = arith.maximumf %add3A_103, %max3A_104 : vector<256x128xf32>
    %swap3A = arith.constant 0 : index
    %swap3A_106 = arith.constant 0 : index
    %swap3A_107 = arith.constant 0 : index
    %swap3A_108 = vector.load %arg8[%swap3A, %swap3A_106, %swap3A_107] : memref<1x256x128xf32, #tpu.memory_space<vmem>>, vector<1x256x128xf32>
    %swap3A_109 = vector.shape_cast %swap3A_108 : vector<1x256x128xf32> to vector<256x128xf32>
    %swap3A_110 = vector.shape_cast %max3A_105 : vector<256x128xf32> to vector<1x256x128xf32>
    tpu.vector_store %arg8[%swap3A, %swap3A_106, %swap3A_107], %swap3A_110 {strides = array<i32>} : memref<1x256x128xf32, #tpu.memory_space<vmem>>, vector<1x256x128xf32>,
    %broadcast_in_dim3A_111 = vector.shape_cast %select_n3A : vector<256xf32> to vector<256x1xf32>
    %mul3A_112 = vector.broadcast %broadcast_in_dim3A_111 : vector<256x1xf32> to vector<256x128xf32>
    %mul3A_113 = arith.mulf %mul3A_112, %max3A_105 : vector<256x128xf32>
    %swap3A_114 = arith.constant 0 : index
    %swap3A_115 = arith.constant 0 : index
    %swap3A_116 = arith.constant 0 : index
    %swap3A_117 = vector.load %arg9[%swap3A_114, %swap3A_115, %swap3A_116] : memref<1x256x128xf32, #tpu.memory_space<vmem>>, vector<1x256x128xf32>
    %swap3A_118 = vector.shape_cast %swap3A_117 : vector<1x256x128xf32> to vector<256x128xf32>
    %swap3A_119 = vector.shape_cast %mul3A_113 : vector<256x128xf32> to vector<1x256x128xf32>
    tpu.vector_store %arg9[%swap3A_114, %swap3A_115, %swap3A_116], %swap3A_119 {strides = array<i32>} : memref<1x256x128xf32, #tpu.memory_space<vmem>>, vector<1x256x128xf32>,
    return
  }
  func.func @transform_0(%arg0: i32, %arg1: i32) -> (i32, i32, i32) {
    %c0_i32 = arith.constant 0 : i32
    %c0_i32_0 = arith.constant 0 : i32
    %c0_i32_1 = arith.constant 0 : i32
    return %c0_i32, %arg0, %c0_i32_0 : i32, i32, i32
  }
  func.func @transform_1(%arg0: i32, %arg1: i32) -> (i32, i32, i32) {
    %c0_i32 = arith.constant 0 : i32
    %c0_i32_0 = arith.constant 0 : i32
    %c0_i32_1 = arith.constant 0 : i32
    return %c0_i32, %arg0, %c0_i32_0 : i32, i32, i32
  }
  func.func @transform_2(%arg0: i32, %arg1: i32) -> (i32, i32, i32, i32) {
    %c0_i32 = arith.constant 0 : i32
    %c0_i32_0 = arith.constant 0 : i32
    %c0_i32_1 = arith.constant 0 : i32
    %c0_i32_2 = arith.constant 0 : i32
    return %c0_i32, %c0_i32_0, %arg0, %c0_i32_1 : i32, i32, i32, i32
  }
  func.func @transform_3(%arg0: i32, %arg1: i32) -> (i32, i32) {
    %c0_i32 = arith.constant 0 : i32
    %c0_i32_0 = arith.constant 0 : i32
    return %c0_i32, %arg0 : i32, i32
  }
  func.func @transform_4(%arg0: i32, %arg1: i32) -> (i32, i32) {
    %c0_i32 = arith.constant 0 : i32
    %c0_i32_0 = arith.constant 0 : i32
    return %c0_i32, %arg1 : i32, i32
  }
  func.func @transform_5(%arg0: i32, %arg1: i32) -> (i32, i32) {
    %c0_i32 = arith.constant 0 : i32
    %c0_i32_0 = arith.constant 0 : i32
    return %c0_i32, %arg1 : i32, i32
  }
  func.func @transform_6(%arg0: i32, %arg1: i32) -> (i32, i32, i32) {
    %c0_i32 = arith.constant 0 : i32
    %c0_i32_0 = arith.constant 0 : i32
    return %arg1, %arg0, %c0_i32 : i32, i32, i32
  }
  func.func @transform_7(%arg0: i32, %arg1: i32) -> (i32, i32, i32) {
    %c0_i32 = arith.constant 0 : i32
    %c0_i32_0 = arith.constant 0 : i32
    return %arg1, %arg0, %c0_i32 : i32, i32, i32
  }
}

module attributes {stable_mosaic.version = 14 : i64} {
  func.func @body(%arg0: i32, %arg1: i32, %arg2: memref<2x1x256x128xf32, #tpu.memory_space<vmem>>, %arg3: memref<32x256xf32, #tpu.memory_space<vmem>>, %arg4: memref<1x256x128xf32, #tpu.memory_space<vmem>>, %arg5: memref<1x256x128xf32, #tpu.memory_space<vmem>>) attributes {dimension_semantics = [#tpu.dimension_semantics<arbitrary>, #tpu.dimension_semantics<arbitrary>], iteration_bounds = array<i64: 4, 40>, scalar_prefetch = 0 : i64, scratch_operands = 0 : i64, tpu.core_type = #tpu.core_type<tc>, window_params = [{transform_indices = @transform_0, window_bounds = array<i64: 2, 1, 256, 128>}, {transform_indices = @transform_1, window_bounds = array<i64: 32, 256>}, {transform_indices = @transform_2, window_bounds = array<i64: 1, 256, 128>}, {transform_indices = @transform_3, window_bounds = array<i64: 1, 256, 128>}]} {
    %get3A = arith.constant 0 : index
    %get3A_0 = arith.constant 0 : index
    %get3A_1 = vector.load %arg3[%get3A, %get3A_0] : memref<32x256xf32, #tpu.memory_space<vmem>>, vector<32x256xf32>
    %reduce_sum3A = arith.constant dense<0.000000e+00> : vector<256xf32>
    %reduce_sum3A_2 = vector.multi_reduction <add>, %get3A_1, %reduce_sum3A [0] : vector<32x256xf32> to vector<256xf32>
    %gt3A = arith.constant 0.000000e+00 : f32
    %gt3A_3 = vector.broadcast %gt3A : f32 to vector<256xf32>
    %gt3A_4 = arith.cmpf ogt, %reduce_sum3A_2, %gt3A_3 : vector<256xf32>
    %rsqrt3A = math.rsqrt %reduce_sum3A_2 : vector<256xf32>
    %jit3A = arith.constant 0.000000e+00 : f32
    %broadcast_in_dim3A = vector.broadcast %jit3A : f32 to vector<256xf32>
    %select_n3A = arith.select %gt3A_4, %rsqrt3A, %broadcast_in_dim3A : vector<256xi1>, vector<256xf32>
    %get3A_5 = arith.constant 0 : index
    %get3A_6 = arith.constant 0 : index
    %get3A_7 = arith.constant 0 : index
    %get3A_8 = arith.constant 0 : index
    %get3A_9 = vector.load %arg2[%get3A_5, %get3A_6, %get3A_7, %get3A_8] : memref<2x1x256x128xf32, #tpu.memory_space<vmem>>, vector<1x1x256x128xf32>
    %get3A_10 = vector.shape_cast %get3A_9 : vector<1x1x256x128xf32> to vector<256x128xf32>
    %get3A_11 = arith.constant 1 : index
    %get3A_12 = arith.constant 0 : index
    %get3A_13 = arith.constant 0 : index
    %get3A_14 = arith.constant 0 : index
    %get3A_15 = vector.load %arg2[%get3A_11, %get3A_12, %get3A_13, %get3A_14] : memref<2x1x256x128xf32, #tpu.memory_space<vmem>>, vector<1x1x256x128xf32>
    %get3A_16 = vector.shape_cast %get3A_15 : vector<1x1x256x128xf32> to vector<256x128xf32>
    %add3A = arith.addf %get3A_10, %get3A_16 : vector<256x128xf32>
    %broadcast_in_dim3A_17 = vector.shape_cast %select_n3A : vector<256xf32> to vector<256x1xf32>
    %neg3A = arith.constant 0.000000e+00 : f32
    %neg3A_18 = vector.broadcast %neg3A : f32 to vector<256x1xf32>
    %neg3A_19 = arith.subf %neg3A_18, %broadcast_in_dim3A_17 : vector<256x1xf32>
    %mul3A = vector.broadcast %neg3A_19 : vector<256x1xf32> to vector<256x128xf32>
    %mul3A_20 = arith.mulf %mul3A, %add3A : vector<256x128xf32>
    %swap3A = arith.constant 0 : index
    %swap3A_21 = arith.constant 0 : index
    %swap3A_22 = arith.constant 0 : index
    %swap3A_23 = vector.load %arg4[%swap3A, %swap3A_21, %swap3A_22] : memref<1x256x128xf32, #tpu.memory_space<vmem>>, vector<1x256x128xf32>
    %swap3A_24 = vector.shape_cast %swap3A_23 : vector<1x256x128xf32> to vector<256x128xf32>
    %swap3A_25 = vector.shape_cast %mul3A_20 : vector<256x128xf32> to vector<1x256x128xf32>
    tpu.vector_store %arg4[%swap3A, %swap3A_21, %swap3A_22], %swap3A_25 {strides = array<i32>} : memref<1x256x128xf32, #tpu.memory_space<vmem>>, vector<1x256x128xf32>,
    %broadcast_in_dim3A_26 = vector.shape_cast %select_n3A : vector<256xf32> to vector<256x1xf32>
    %mul3A_27 = vector.broadcast %broadcast_in_dim3A_26 : vector<256x1xf32> to vector<256x128xf32>
    %mul3A_28 = arith.mulf %mul3A_27, %mul3A_20 : vector<256x128xf32>
    %swap3A_29 = arith.constant 0 : index
    %swap3A_30 = arith.constant 0 : index
    %swap3A_31 = arith.constant 0 : index
    %swap3A_32 = vector.load %arg5[%swap3A_29, %swap3A_30, %swap3A_31] : memref<1x256x128xf32, #tpu.memory_space<vmem>>, vector<1x256x128xf32>
    %swap3A_33 = vector.shape_cast %swap3A_32 : vector<1x256x128xf32> to vector<256x128xf32>
    %swap3A_34 = vector.shape_cast %mul3A_28 : vector<256x128xf32> to vector<1x256x128xf32>
    tpu.vector_store %arg5[%swap3A_29, %swap3A_30, %swap3A_31], %swap3A_34 {strides = array<i32>} : memref<1x256x128xf32, #tpu.memory_space<vmem>>, vector<1x256x128xf32>,
    return
  }
  func.func @transform_0(%arg0: i32, %arg1: i32) -> (i32, i32, i32, i32) {
    %c0_i32 = arith.constant 0 : i32
    %c0_i32_0 = arith.constant 0 : i32
    %c0_i32_1 = arith.constant 0 : i32
    return %c0_i32, %arg0, %arg1, %c0_i32_0 : i32, i32, i32, i32
  }
  func.func @transform_1(%arg0: i32, %arg1: i32) -> (i32, i32) {
    %c0_i32 = arith.constant 0 : i32
    %c0_i32_0 = arith.constant 0 : i32
    return %c0_i32, %arg1 : i32, i32
  }
  func.func @transform_2(%arg0: i32, %arg1: i32) -> (i32, i32, i32) {
    %c0_i32 = arith.constant 0 : i32
    %c0_i32_0 = arith.constant 0 : i32
    return %arg0, %arg1, %c0_i32 : i32, i32, i32
  }
  func.func @transform_3(%arg0: i32, %arg1: i32) -> (i32, i32, i32) {
    %c0_i32 = arith.constant 0 : i32
    %c0_i32_0 = arith.constant 0 : i32
    return %arg0, %arg1, %c0_i32 : i32, i32, i32
  }
}

module attributes {stable_mosaic.version = 14 : i64} {
  func.func @body(%arg0: i32, %arg1: i32, %arg2: memref<4x256x128xf32, #tpu.memory_space<vmem>>, %arg3: memref<4x256x128xf32, #tpu.memory_space<vmem>>, %arg4: memref<2x4x256x128xf32, #tpu.memory_space<vmem>>, %arg5: memref<32x256xf32, #tpu.memory_space<vmem>>, %arg6: memref<1536x128xf32, #tpu.memory_space<vmem>>, %arg7: memref<1x128xf32, #tpu.memory_space<vmem>>, %arg8: memref<256x128xf32, #tpu.memory_space<vmem>>) attributes {dimension_semantics = [#tpu.dimension_semantics<arbitrary>, #tpu.dimension_semantics<arbitrary>], iteration_bounds = array<i64: 40, 4>, scalar_prefetch = 0 : i64, scratch_operands = 0 : i64, tpu.core_type = #tpu.core_type<tc>, window_params = [{transform_indices = @transform_0, window_bounds = array<i64: 4, 256, 128>}, {transform_indices = @transform_1, window_bounds = array<i64: 4, 256, 128>}, {transform_indices = @transform_2, window_bounds = array<i64: 2, 4, 256, 128>}, {transform_indices = @transform_3, window_bounds = array<i64: 32, 256>}, {transform_indices = @transform_4, window_bounds = array<i64: 1536, 128>}, {transform_indices = @transform_5, window_bounds = array<i64: 1, 128>}, {transform_indices = @transform_6, window_bounds = array<i64: 256, 128>}]} {
    %get3A = arith.constant 0 : index
    %get3A_0 = arith.constant 0 : index
    %get3A_1 = vector.load %arg5[%get3A, %get3A_0] : memref<32x256xf32, #tpu.memory_space<vmem>>, vector<32x256xf32>
    %reduce_sum3A = arith.constant dense<0.000000e+00> : vector<256xf32>
    %reduce_sum3A_2 = vector.multi_reduction <add>, %get3A_1, %reduce_sum3A [0] : vector<32x256xf32> to vector<256xf32>
    %gt3A = arith.constant 0.000000e+00 : f32
    %gt3A_3 = vector.broadcast %gt3A : f32 to vector<256xf32>
    %gt3A_4 = arith.cmpf ogt, %reduce_sum3A_2, %gt3A_3 : vector<256xf32>
    %rsqrt3A = math.rsqrt %reduce_sum3A_2 : vector<256xf32>
    %jit3A = arith.constant 0.000000e+00 : f32
    %broadcast_in_dim3A = vector.broadcast %jit3A : f32 to vector<256xf32>
    %select_n3A = arith.select %gt3A_4, %rsqrt3A, %broadcast_in_dim3A : vector<256xi1>, vector<256xf32>
    %broadcast_in_dim3A_5 = arith.constant 0.000000e+00 : f32
    %broadcast_in_dim3A_6 = vector.broadcast %broadcast_in_dim3A_5 : f32 to vector<256x128xf32>
    %get3A_7 = arith.constant 0 : index
    %get3A_8 = arith.constant 0 : index
    %get3A_9 = arith.constant 0 : index
    %get3A_10 = vector.load %arg2[%get3A_7, %get3A_8, %get3A_9] : memref<4x256x128xf32, #tpu.memory_space<vmem>>, vector<1x256x128xf32>
    %get3A_11 = vector.shape_cast %get3A_10 : vector<1x256x128xf32> to vector<256x128xf32>
    %broadcast_in_dim3A_12 = vector.shape_cast %select_n3A : vector<256xf32> to vector<256x1xf32>
    %mul3A = arith.constant -2.000000e+00 : f32
    %mul3A_13 = vector.broadcast %mul3A : f32 to vector<256x1xf32>
    %mul3A_14 = arith.mulf %mul3A_13, %broadcast_in_dim3A_12 : vector<256x1xf32>
    %get3A_15 = arith.constant 0 : index
    %get3A_16 = arith.constant 0 : index
    %get3A_17 = arith.constant 0 : index
    %get3A_18 = arith.constant 0 : index
    %get3A_19 = vector.load %arg4[%get3A_15, %get3A_16, %get3A_17, %get3A_18] : memref<2x4x256x128xf32, #tpu.memory_space<vmem>>, vector<1x1x256x128xf32>
    %get3A_20 = vector.shape_cast %get3A_19 : vector<1x1x256x128xf32> to vector<256x128xf32>
    %get3A_21 = arith.constant 1 : index
    %get3A_22 = arith.constant 0 : index
    %get3A_23 = arith.constant 0 : index
    %get3A_24 = arith.constant 0 : index
    %get3A_25 = vector.load %arg4[%get3A_21, %get3A_22, %get3A_23, %get3A_24] : memref<2x4x256x128xf32, #tpu.memory_space<vmem>>, vector<1x1x256x128xf32>
    %get3A_26 = vector.shape_cast %get3A_25 : vector<1x1x256x128xf32> to vector<256x128xf32>
    %add3A = arith.addf %get3A_20, %get3A_26 : vector<256x128xf32>
    %mul3A_27 = vector.broadcast %mul3A_14 : vector<256x1xf32> to vector<256x128xf32>
    %mul3A_28 = arith.mulf %mul3A_27, %add3A : vector<256x128xf32>
    %get3A_29 = arith.constant 0 : index
    %get3A_30 = arith.constant 0 : index
    %get3A_31 = vector.load %arg6[%get3A_29, %get3A_30] : memref<1536x128xf32, #tpu.memory_space<vmem>>, vector<128x128xf32>
    %get3A_32 = arith.constant 512 : index
    %get3A_33 = arith.constant 0 : index
    %get3A_34 = vector.load %arg6[%get3A_32, %get3A_33] : memref<1536x128xf32, #tpu.memory_space<vmem>>, vector<128x128xf32>
    %get3A_35 = arith.constant 1024 : index
    %get3A_36 = arith.constant 0 : index
    %get3A_37 = vector.load %arg6[%get3A_35, %get3A_36] : memref<1536x128xf32, #tpu.memory_space<vmem>>, vector<128x128xf32>
    %dot_general3A = arith.constant dense<0.000000e+00> : vector<256x128xf32>
    %dot_general3A_38 = tpu.matmul %get3A_11, %get3A_31, %dot_general3A {dimension_numbers = #tpu.dot_dimension_numbers<[1], [0], [0], [1], [0, 0, 1, 1], [], []>, transpose_lhs_hint = false} : vector<256x128xf32>, vector<128x128xf32>, vector<256x128xf32> -> vector<256x128xf32>
    %add3A_39 = arith.addf %broadcast_in_dim3A_6, %dot_general3A_38 : vector<256x128xf32>
    %get3A_40 = arith.constant 0 : index
    %get3A_41 = arith.constant 0 : index
    %get3A_42 = arith.constant 0 : index
    %get3A_43 = vector.load %arg3[%get3A_40, %get3A_41, %get3A_42] : memref<4x256x128xf32, #tpu.memory_space<vmem>>, vector<1x256x128xf32>
    %get3A_44 = vector.shape_cast %get3A_43 : vector<1x256x128xf32> to vector<256x128xf32>
    %dot_general3A_45 = arith.constant dense<0.000000e+00> : vector<256x128xf32>
    %dot_general3A_46 = tpu.matmul %get3A_44, %get3A_34, %dot_general3A_45 {dimension_numbers = #tpu.dot_dimension_numbers<[1], [0], [0], [1], [0, 0, 1, 1], [], []>, transpose_lhs_hint = false} : vector<256x128xf32>, vector<128x128xf32>, vector<256x128xf32> -> vector<256x128xf32>
    %add3A_47 = arith.addf %add3A_39, %dot_general3A_46 : vector<256x128xf32>
    %sub3A = arith.subf %mul3A_28, %get3A_11 : vector<256x128xf32>
    %dot_general3A_48 = arith.constant dense<0.000000e+00> : vector<256x128xf32>
    %dot_general3A_49 = tpu.matmul %sub3A, %get3A_37, %dot_general3A_48 {dimension_numbers = #tpu.dot_dimension_numbers<[1], [0], [0], [1], [0, 0, 1, 1], [], []>, transpose_lhs_hint = false} : vector<256x128xf32>, vector<128x128xf32>, vector<256x128xf32> -> vector<256x128xf32>
    %add3A_50 = arith.addf %add3A_47, %dot_general3A_49 : vector<256x128xf32>
    %get3A_51 = arith.constant 1 : index
    %get3A_52 = arith.constant 0 : index
    %get3A_53 = arith.constant 0 : index
    %get3A_54 = vector.load %arg2[%get3A_51, %get3A_52, %get3A_53] : memref<4x256x128xf32, #tpu.memory_space<vmem>>, vector<1x256x128xf32>
    %get3A_55 = vector.shape_cast %get3A_54 : vector<1x256x128xf32> to vector<256x128xf32>
    %broadcast_in_dim3A_56 = vector.shape_cast %select_n3A : vector<256xf32> to vector<256x1xf32>
    %mul3A_57 = arith.constant -2.000000e+00 : f32
    %mul3A_58 = vector.broadcast %mul3A_57 : f32 to vector<256x1xf32>
    %mul3A_59 = arith.mulf %mul3A_58, %broadcast_in_dim3A_56 : vector<256x1xf32>
    %get3A_60 = arith.constant 0 : index
    %get3A_61 = arith.constant 1 : index
    %get3A_62 = arith.constant 0 : index
    %get3A_63 = arith.constant 0 : index
    %get3A_64 = vector.load %arg4[%get3A_60, %get3A_61, %get3A_62, %get3A_63] : memref<2x4x256x128xf32, #tpu.memory_space<vmem>>, vector<1x1x256x128xf32>
    %get3A_65 = vector.shape_cast %get3A_64 : vector<1x1x256x128xf32> to vector<256x128xf32>
    %get3A_66 = arith.constant 1 : index
    %get3A_67 = arith.constant 1 : index
    %get3A_68 = arith.constant 0 : index
    %get3A_69 = arith.constant 0 : index
    %get3A_70 = vector.load %arg4[%get3A_66, %get3A_67, %get3A_68, %get3A_69] : memref<2x4x256x128xf32, #tpu.memory_space<vmem>>, vector<1x1x256x128xf32>
    %get3A_71 = vector.shape_cast %get3A_70 : vector<1x1x256x128xf32> to vector<256x128xf32>
    %add3A_72 = arith.addf %get3A_65, %get3A_71 : vector<256x128xf32>
    %mul3A_73 = vector.broadcast %mul3A_59 : vector<256x1xf32> to vector<256x128xf32>
    %mul3A_74 = arith.mulf %mul3A_73, %add3A_72 : vector<256x128xf32>
    %get3A_75 = arith.constant 128 : index
    %get3A_76 = arith.constant 0 : index
    %get3A_77 = vector.load %arg6[%get3A_75, %get3A_76] : memref<1536x128xf32, #tpu.memory_space<vmem>>, vector<128x128xf32>
    %get3A_78 = arith.constant 640 : index
    %get3A_79 = arith.constant 0 : index
    %get3A_80 = vector.load %arg6[%get3A_78, %get3A_79] : memref<1536x128xf32, #tpu.memory_space<vmem>>, vector<128x128xf32>
    %get3A_81 = arith.constant 1152 : index
    %get3A_82 = arith.constant 0 : index
    %get3A_83 = vector.load %arg6[%get3A_81, %get3A_82] : memref<1536x128xf32, #tpu.memory_space<vmem>>, vector<128x128xf32>
    %dot_general3A_84 = arith.constant dense<0.000000e+00> : vector<256x128xf32>
    %dot_general3A_85 = tpu.matmul %get3A_55, %get3A_77, %dot_general3A_84 {dimension_numbers = #tpu.dot_dimension_numbers<[1], [0], [0], [1], [0, 0, 1, 1], [], []>, transpose_lhs_hint = false} : vector<256x128xf32>, vector<128x128xf32>, vector<256x128xf32> -> vector<256x128xf32>
    %add3A_86 = arith.addf %add3A_50, %dot_general3A_85 : vector<256x128xf32>
    %get3A_87 = arith.constant 1 : index
    %get3A_88 = arith.constant 0 : index
    %get3A_89 = arith.constant 0 : index
    %get3A_90 = vector.load %arg3[%get3A_87, %get3A_88, %get3A_89] : memref<4x256x128xf32, #tpu.memory_space<vmem>>, vector<1x256x128xf32>
    %get3A_91 = vector.shape_cast %get3A_90 : vector<1x256x128xf32> to vector<256x128xf32>
    %dot_general3A_92 = arith.constant dense<0.000000e+00> : vector<256x128xf32>
    %dot_general3A_93 = tpu.matmul %get3A_91, %get3A_80, %dot_general3A_92 {dimension_numbers = #tpu.dot_dimension_numbers<[1], [0], [0], [1], [0, 0, 1, 1], [], []>, transpose_lhs_hint = false} : vector<256x128xf32>, vector<128x128xf32>, vector<256x128xf32> -> vector<256x128xf32>
    %add3A_94 = arith.addf %add3A_86, %dot_general3A_93 : vector<256x128xf32>
    %sub3A_95 = arith.subf %mul3A_74, %get3A_55 : vector<256x128xf32>
    %dot_general3A_96 = arith.constant dense<0.000000e+00> : vector<256x128xf32>
    %dot_general3A_97 = tpu.matmul %sub3A_95, %get3A_83, %dot_general3A_96 {dimension_numbers = #tpu.dot_dimension_numbers<[1], [0], [0], [1], [0, 0, 1, 1], [], []>, transpose_lhs_hint = false} : vector<256x128xf32>, vector<128x128xf32>, vector<256x128xf32> -> vector<256x128xf32>
    %add3A_98 = arith.addf %add3A_94, %dot_general3A_97 : vector<256x128xf32>
    %get3A_99 = arith.constant 2 : index
    %get3A_100 = arith.constant 0 : index
    %get3A_101 = arith.constant 0 : index
    %get3A_102 = vector.load %arg2[%get3A_99, %get3A_100, %get3A_101] : memref<4x256x128xf32, #tpu.memory_space<vmem>>, vector<1x256x128xf32>
    %get3A_103 = vector.shape_cast %get3A_102 : vector<1x256x128xf32> to vector<256x128xf32>
    %broadcast_in_dim3A_104 = vector.shape_cast %select_n3A : vector<256xf32> to vector<256x1xf32>
    %mul3A_105 = arith.constant -2.000000e+00 : f32
    %mul3A_106 = vector.broadcast %mul3A_105 : f32 to vector<256x1xf32>
    %mul3A_107 = arith.mulf %mul3A_106, %broadcast_in_dim3A_104 : vector<256x1xf32>
    %get3A_108 = arith.constant 0 : index
    %get3A_109 = arith.constant 2 : index
    %get3A_110 = arith.constant 0 : index
    %get3A_111 = arith.constant 0 : index
    %get3A_112 = vector.load %arg4[%get3A_108, %get3A_109, %get3A_110, %get3A_111] : memref<2x4x256x128xf32, #tpu.memory_space<vmem>>, vector<1x1x256x128xf32>
    %get3A_113 = vector.shape_cast %get3A_112 : vector<1x1x256x128xf32> to vector<256x128xf32>
    %get3A_114 = arith.constant 1 : index
    %get3A_115 = arith.constant 2 : index
    %get3A_116 = arith.constant 0 : index
    %get3A_117 = arith.constant 0 : index
    %get3A_118 = vector.load %arg4[%get3A_114, %get3A_115, %get3A_116, %get3A_117] : memref<2x4x256x128xf32, #tpu.memory_space<vmem>>, vector<1x1x256x128xf32>
    %get3A_119 = vector.shape_cast %get3A_118 : vector<1x1x256x128xf32> to vector<256x128xf32>
    %add3A_120 = arith.addf %get3A_113, %get3A_119 : vector<256x128xf32>
    %mul3A_121 = vector.broadcast %mul3A_107 : vector<256x1xf32> to vector<256x128xf32>
    %mul3A_122 = arith.mulf %mul3A_121, %add3A_120 : vector<256x128xf32>
    %get3A_123 = arith.constant 256 : index
    %get3A_124 = arith.constant 0 : index
    %get3A_125 = vector.load %arg6[%get3A_123, %get3A_124] : memref<1536x128xf32, #tpu.memory_space<vmem>>, vector<128x128xf32>
    %get3A_126 = arith.constant 768 : index
    %get3A_127 = arith.constant 0 : index
    %get3A_128 = vector.load %arg6[%get3A_126, %get3A_127] : memref<1536x128xf32, #tpu.memory_space<vmem>>, vector<128x128xf32>
    %get3A_129 = arith.constant 1280 : index
    %get3A_130 = arith.constant 0 : index
    %get3A_131 = vector.load %arg6[%get3A_129, %get3A_130] : memref<1536x128xf32, #tpu.memory_space<vmem>>, vector<128x128xf32>
    %dot_general3A_132 = arith.constant dense<0.000000e+00> : vector<256x128xf32>
    %dot_general3A_133 = tpu.matmul %get3A_103, %get3A_125, %dot_general3A_132 {dimension_numbers = #tpu.dot_dimension_numbers<[1], [0], [0], [1], [0, 0, 1, 1], [], []>, transpose_lhs_hint = false} : vector<256x128xf32>, vector<128x128xf32>, vector<256x128xf32> -> vector<256x128xf32>
    %add3A_134 = arith.addf %add3A_98, %dot_general3A_133 : vector<256x128xf32>
    %get3A_135 = arith.constant 2 : index
    %get3A_136 = arith.constant 0 : index
    %get3A_137 = arith.constant 0 : index
    %get3A_138 = vector.load %arg3[%get3A_135, %get3A_136, %get3A_137] : memref<4x256x128xf32, #tpu.memory_space<vmem>>, vector<1x256x128xf32>
    %get3A_139 = vector.shape_cast %get3A_138 : vector<1x256x128xf32> to vector<256x128xf32>
    %dot_general3A_140 = arith.constant dense<0.000000e+00> : vector<256x128xf32>
    %dot_general3A_141 = tpu.matmul %get3A_139, %get3A_128, %dot_general3A_140 {dimension_numbers = #tpu.dot_dimension_numbers<[1], [0], [0], [1], [0, 0, 1, 1], [], []>, transpose_lhs_hint = false} : vector<256x128xf32>, vector<128x128xf32>, vector<256x128xf32> -> vector<256x128xf32>
    %add3A_142 = arith.addf %add3A_134, %dot_general3A_141 : vector<256x128xf32>
    %sub3A_143 = arith.subf %mul3A_122, %get3A_103 : vector<256x128xf32>
    %dot_general3A_144 = arith.constant dense<0.000000e+00> : vector<256x128xf32>
    %dot_general3A_145 = tpu.matmul %sub3A_143, %get3A_131, %dot_general3A_144 {dimension_numbers = #tpu.dot_dimension_numbers<[1], [0], [0], [1], [0, 0, 1, 1], [], []>, transpose_lhs_hint = false} : vector<256x128xf32>, vector<128x128xf32>, vector<256x128xf32> -> vector<256x128xf32>
    %add3A_146 = arith.addf %add3A_142, %dot_general3A_145 : vector<256x128xf32>
    %get3A_147 = arith.constant 3 : index
    %get3A_148 = arith.constant 0 : index
    %get3A_149 = arith.constant 0 : index
    %get3A_150 = vector.load %arg2[%get3A_147, %get3A_148, %get3A_149] : memref<4x256x128xf32, #tpu.memory_space<vmem>>, vector<1x256x128xf32>
    %get3A_151 = vector.shape_cast %get3A_150 : vector<1x256x128xf32> to vector<256x128xf32>
    %broadcast_in_dim3A_152 = vector.shape_cast %select_n3A : vector<256xf32> to vector<256x1xf32>
    %mul3A_153 = arith.constant -2.000000e+00 : f32
    %mul3A_154 = vector.broadcast %mul3A_153 : f32 to vector<256x1xf32>
    %mul3A_155 = arith.mulf %mul3A_154, %broadcast_in_dim3A_152 : vector<256x1xf32>
    %get3A_156 = arith.constant 0 : index
    %get3A_157 = arith.constant 3 : index
    %get3A_158 = arith.constant 0 : index
    %get3A_159 = arith.constant 0 : index
    %get3A_160 = vector.load %arg4[%get3A_156, %get3A_157, %get3A_158, %get3A_159] : memref<2x4x256x128xf32, #tpu.memory_space<vmem>>, vector<1x1x256x128xf32>
    %get3A_161 = vector.shape_cast %get3A_160 : vector<1x1x256x128xf32> to vector<256x128xf32>
    %get3A_162 = arith.constant 1 : index
    %get3A_163 = arith.constant 3 : index
    %get3A_164 = arith.constant 0 : index
    %get3A_165 = arith.constant 0 : index
    %get3A_166 = vector.load %arg4[%get3A_162, %get3A_163, %get3A_164, %get3A_165] : memref<2x4x256x128xf32, #tpu.memory_space<vmem>>, vector<1x1x256x128xf32>
    %get3A_167 = vector.shape_cast %get3A_166 : vector<1x1x256x128xf32> to vector<256x128xf32>
    %add3A_168 = arith.addf %get3A_161, %get3A_167 : vector<256x128xf32>
    %mul3A_169 = vector.broadcast %mul3A_155 : vector<256x1xf32> to vector<256x128xf32>
    %mul3A_170 = arith.mulf %mul3A_169, %add3A_168 : vector<256x128xf32>
    %get3A_171 = arith.constant 384 : index
    %get3A_172 = arith.constant 0 : index
    %get3A_173 = vector.load %arg6[%get3A_171, %get3A_172] : memref<1536x128xf32, #tpu.memory_space<vmem>>, vector<128x128xf32>
    %get3A_174 = arith.constant 896 : index
    %get3A_175 = arith.constant 0 : index
    %get3A_176 = vector.load %arg6[%get3A_174, %get3A_175] : memref<1536x128xf32, #tpu.memory_space<vmem>>, vector<128x128xf32>
    %get3A_177 = arith.constant 1408 : index
    %get3A_178 = arith.constant 0 : index
    %get3A_179 = vector.load %arg6[%get3A_177, %get3A_178] : memref<1536x128xf32, #tpu.memory_space<vmem>>, vector<128x128xf32>
    %dot_general3A_180 = arith.constant dense<0.000000e+00> : vector<256x128xf32>
    %dot_general3A_181 = tpu.matmul %get3A_151, %get3A_173, %dot_general3A_180 {dimension_numbers = #tpu.dot_dimension_numbers<[1], [0], [0], [1], [0, 0, 1, 1], [], []>, transpose_lhs_hint = false} : vector<256x128xf32>, vector<128x128xf32>, vector<256x128xf32> -> vector<256x128xf32>
    %add3A_182 = arith.addf %add3A_146, %dot_general3A_181 : vector<256x128xf32>
    %get3A_183 = arith.constant 3 : index
    %get3A_184 = arith.constant 0 : index
    %get3A_185 = arith.constant 0 : index
    %get3A_186 = vector.load %arg3[%get3A_183, %get3A_184, %get3A_185] : memref<4x256x128xf32, #tpu.memory_space<vmem>>, vector<1x256x128xf32>
    %get3A_187 = vector.shape_cast %get3A_186 : vector<1x256x128xf32> to vector<256x128xf32>
    %dot_general3A_188 = arith.constant dense<0.000000e+00> : vector<256x128xf32>
    %dot_general3A_189 = tpu.matmul %get3A_187, %get3A_176, %dot_general3A_188 {dimension_numbers = #tpu.dot_dimension_numbers<[1], [0], [0], [1], [0, 0, 1, 1], [], []>, transpose_lhs_hint = false} : vector<256x128xf32>, vector<128x128xf32>, vector<256x128xf32> -> vector<256x128xf32>
    %add3A_190 = arith.addf %add3A_182, %dot_general3A_189 : vector<256x128xf32>
    %sub3A_191 = arith.subf %mul3A_170, %get3A_151 : vector<256x128xf32>
    %dot_general3A_192 = arith.constant dense<0.000000e+00> : vector<256x128xf32>
    %dot_general3A_193 = tpu.matmul %sub3A_191, %get3A_179, %dot_general3A_192 {dimension_numbers = #tpu.dot_dimension_numbers<[1], [0], [0], [1], [0, 0, 1, 1], [], []>, transpose_lhs_hint = false} : vector<256x128xf32>, vector<128x128xf32>, vector<256x128xf32> -> vector<256x128xf32>
    %add3A_194 = arith.addf %add3A_190, %dot_general3A_193 : vector<256x128xf32>
    %get3A_195 = arith.constant 0 : index
    %get3A_196 = arith.constant 0 : index
    %get3A_197 = vector.load %arg7[%get3A_195, %get3A_196] : memref<1x128xf32, #tpu.memory_space<vmem>>, vector<1x128xf32>
    %add3A_198 = vector.broadcast %get3A_197 : vector<1x128xf32> to vector<256x128xf32>
    %add3A_199 = arith.addf %add3A_194, %add3A_198 : vector<256x128xf32>
    %max3A = arith.constant 0.000000e+00 : f32
    %max3A_200 = vector.broadcast %max3A : f32 to vector<256x128xf32>
    %max3A_201 = arith.maximumf %add3A_199, %max3A_200 : vector<256x128xf32>
    %swap3A = arith.constant 0 : index
    %swap3A_202 = arith.constant 0 : index
    %swap3A_203 = vector.load %arg8[%swap3A, %swap3A_202] : memref<256x128xf32, #tpu.memory_space<vmem>>, vector<256x128xf32>
    tpu.vector_store %arg8[%swap3A, %swap3A_202], %max3A_201 {strides = array<i32>} : memref<256x128xf32, #tpu.memory_space<vmem>>, vector<256x128xf32>,
    return
  }
  func.func @transform_0(%arg0: i32, %arg1: i32) -> (i32, i32, i32) {
    %c0_i32 = arith.constant 0 : i32
    %c0_i32_0 = arith.constant 0 : i32
    %c0_i32_1 = arith.constant 0 : i32
    return %c0_i32, %arg0, %c0_i32_0 : i32, i32, i32
  }
  func.func @transform_1(%arg0: i32, %arg1: i32) -> (i32, i32, i32) {
    %c0_i32 = arith.constant 0 : i32
    %c0_i32_0 = arith.constant 0 : i32
    %c0_i32_1 = arith.constant 0 : i32
    return %c0_i32, %arg0, %c0_i32_0 : i32, i32, i32
  }
  func.func @transform_2(%arg0: i32, %arg1: i32) -> (i32, i32, i32, i32) {
    %c0_i32 = arith.constant 0 : i32
    %c0_i32_0 = arith.constant 0 : i32
    %c0_i32_1 = arith.constant 0 : i32
    %c0_i32_2 = arith.constant 0 : i32
    return %c0_i32, %c0_i32_0, %arg0, %c0_i32_1 : i32, i32, i32, i32
  }
  func.func @transform_3(%arg0: i32, %arg1: i32) -> (i32, i32) {
    %c0_i32 = arith.constant 0 : i32
    %c0_i32_0 = arith.constant 0 : i32
    return %c0_i32, %arg0 : i32, i32
  }
  func.func @transform_4(%arg0: i32, %arg1: i32) -> (i32, i32) {
    %c0_i32 = arith.constant 0 : i32
    %c0_i32_0 = arith.constant 0 : i32
    return %c0_i32, %arg1 : i32, i32
  }
  func.func @transform_5(%arg0: i32, %arg1: i32) -> (i32, i32) {
    %c0_i32 = arith.constant 0 : i32
    %c0_i32_0 = arith.constant 0 : i32
    return %c0_i32, %arg1 : i32, i32
  }
  func.func @transform_6(%arg0: i32, %arg1: i32) -> (i32, i32) {
    %c0_i32 = arith.constant 0 : i32
    return %arg0, %arg1 : i32, i32
  }
}

</mosaic_0001>

<sc_bundles>
// kernel: kernel.16.cloned.1.call-start
scs
__scs_entry_jumppad:
0x0: {  	(pc) =	sbr.rel $0x88, $3  }
0x1: {  	(tag) =	ssettag $0x0;
	lr =	simm.s32 $0x1  }
0x2: {  	[smem:$0x3F93] =	sst lr;
	_ =	strace $0xD0000000  }
0x3: {  	_ = 	snop  }
0x4: {  	_ = 	snop  }
0x5: {  	_ = 	snop  }
0x6: {  	_ = 	snop  }
0x7: {  	_ = 	snop  }
__scs_overlays_trampoline_lowered:
0x8: {  	[smem:$0x3FA2] =	sst s0  }
0x9: {  	[smem:$0x3FA3] =	sst s1  }
0xa: {  	[smem:$0x3FA4] =	sst s2  }
0xb: {  	[smem:$0x3FA5] =	sst s3  }
0xc: {  	[smem:$0x3FA6] =	sst s4  }
0xd: {  	[smem:$0x3FA7] =	sst s5  }
0xe: {  	[smem:$0x3FA8] =	sst s6  }
0xf: {  	[smem:$0x3FA9] =	sst s7  }
0x10: {  	[smem:$0x3FAA] =	sst s8  }
0x11: {  	[smem:$0x3FAB] =	sst s9;
	s0 =	simm.s32 @!p0 $0x0  }
0x12: {  	s1 =	sld [smem:$0x3F91];
	s0 =	simm.s32 @p0 $0x1  }
0x13: {  	[smem:$0x3FAC] =	sst s0;
	s0 =	simm.s32 @!p1 $0x0  }
0x14: {  	s2 =	sld [smem:$0x3F90];
	s0 =	simm.s32 @p1 $0x1  }
0x15: {  	[smem:$0x3FAD] =	sst s0;
	s0 =	simm.s32 @!p2 $0x0  }
0x16: {  	s3 =	sld [smem:$0x3FDB];
	s0 =	simm.s32 @p2 $0x1  }
0x17: {  	s4 =	simm.s32 $0x1BF5;
	[smem:$0x3FAF] =	sst s0  }
0x18: {  	s0 =	sld [smem:$0x3F92];
	_ =	swait.ge [sflag:s4], $0x0  }
0x19: {  	s7 =	sld [smem:$0x3F93]  }
0x1a: {  	s8 =	sadd.s32 $0xFFFFE003, lr  }
0x1b: {  	s9 =	sadd.s32 $0xFFFFFEF7, lr;
	s5 =	simm.s32 $0xFFFFFFFF;
	p2 =	slt.u32 s8, $0xFFFFF086  }
0x1c: {  	p1 =	slt.u32 s9, $0xF7A;
	s5 =	simm.s32 @!p2 $0x0  }
0x1d: {  	s5 =	simm.s32 @p1 $0x1;
	p0 =	seq.s32 s7, s2  }
0x1e: {  	s7 =	smul.u32 @!p0 $0xF7A, s2;
	p2 =	seq.s32 @!p0 s5, $0x0  }
0x1f: {  	s9 =	smul.u32 $0xF7A, s1;
	s8 =	simm.s32 @!p0 $0x1BF5;
	p2 =	por !p2, p0  }
0x20: {  	[sflag:s8] =	ssyncset.s32 @!p0 $0xFFFFF086;
	s6 =	sadd.s32 @!p0 s3, s7;
	s7 =	simm.s32 @!p0 $0x108  }
0x21: {  	s3 =	sadd.s32 s3, s9;
	s6 =	sadd.s32 @!p0 $0x88, s6;
	s7 =	simm.s32 @p2 $0x1082  }
0x22: {  	[simem:s7], [sflag:s8] =	dma.local @!p0 [hbm:s6], $0xF7A  }
0x23: {  	s9 =	sor.u32 $0xD0000000, s2;
	s6 =	simm.s32 $0x108;
	_ =	swait.ge @!p0 [sflag:s8], $0x0  }
0x24: {  	s3 =	sadd.s32 $0x88, s3;
	s6 =	simm.s32 @!p1 $0x1082;
	[sflag:s4] =	ssyncset.s32 $0xFFFFF086  }
0x25: {  	[simem:s6], [sflag:s4] =	dma.local [hbm:s3], $0xF7A  }
0x26: {  	[smem:$0x3F93] =	sst s1;
	(tag) =	ssettag s2;
	_ =	strace s9  }
0x27: {  	s1 =	sld [smem:$0x3FA3]  }
0x28: {  	s2 =	sld [smem:$0x3FA4]  }
0x29: {  	s4 =	sld [smem:$0x3FA6]  }
0x2a: {  	p0 =	seq.s32 s5, $0x0;
	s5 =	sld [smem:$0x3FA7]  }
0x2b: {  	s6 =	sld [smem:$0x3FA8]  }
0x2c: {  	s7 =	sld [smem:$0x3FA9]  }
0x2d: {  	s3 =	simm.s32 $0x108;
	s8 =	sld [smem:$0x3FAA]  }
0x2e: {  	s3 =	simm.s32 @!p0 $0x1082;
	s9 =	sld [smem:$0x3FAB]  }
0x2f: {  	lr =	sadd.s32 s0, s3;
	s0 =	sld [smem:$0x3FA2]  }
0x30: {  	s3 =	sld [smem:$0x3FA5]  }
0x31: {  	[smem:$0x3FAE] =	sst s10  }
0x32: {  	s10 =	sld [smem:$0x3FAC];
	_ =	sdelay $0x3  }
0x33: {  	p0 =	seq.s32 s10, $0x1;
	s10 =	sld [smem:$0x3FAE];
	_ =	sdelay $0x3  }
0x34: {  	[smem:$0x3FAE] =	sst s10  }
0x35: {  	s10 =	sld [smem:$0x3FAD];
	_ =	sdelay $0x3  }
0x36: {  	p1 =	seq.s32 s10, $0x1;
	s10 =	sld [smem:$0x3FAE];
	_ =	sdelay $0x3  }
0x37: {  	[smem:$0x3FAE] =	sst s10  }
0x38: {  	s10 =	sld [smem:$0x3FAF]  }
0x39: {  	_ = 	snop;
	(pc) =	sbr.ind lr, $3  }
0x3a: {  	_ = 	snop  }
0x3b: {  	_ = 	snop  }
0x3c: {  	p2 =	seq.s32 s10, $0x1;
	s10 =	sld [smem:$0x3FAE]  }
0x3d: {  	_ =	shalt  }
0x3e: {  	_ =	shalt  }
0x3f: {  	_ =	shalt  }
0x40: {  	_ =	shalt  }
0x41: {  	_ =	shalt  }
0x42: {  	_ =	shalt  }
0x43: {  	_ =	shalt  }
0x44: {  	_ =	shalt  }
0x45: {  	_ =	shalt  }
0x46: {  	_ =	shalt  }
0x47: {  	_ =	shalt  }
0x48: {  	_ =	shalt  }
0x49: {  	_ =	shalt  }
0x4a: {  	_ =	shalt  }
0x4b: {  	_ =	shalt  }
0x4c: {  	_ =	shalt  }
0x4d: {  	_ =	shalt  }
0x4e: {  	_ =	shalt  }
0x4f: {  	_ =	shalt  }
0x50: {  	_ =	shalt  }
0x51: {  	_ =	shalt  }
0x52: {  	_ =	shalt  }
0x53: {  	_ =	shalt  }
0x54: {  	_ =	shalt  }
0x55: {  	_ =	shalt  }
0x56: {  	_ =	shalt  }
0x57: {  	_ =	shalt  }
0x58: {  	_ =	shalt  }
0x59: {  	_ =	shalt  }
0x5a: {  	_ =	shalt  }
0x5b: {  	_ =	shalt  }
0x5c: {  	_ =	shalt  }
0x5d: {  	_ =	shalt  }
0x5e: {  	_ =	shalt  }
0x5f: {  	_ =	shalt  }
0x60: {  	_ =	shalt  }
0x61: {  	_ =	shalt  }
0x62: {  	_ =	shalt  }
0x63: {  	_ =	shalt  }
0x64: {  	_ =	shalt  }
0x65: {  	_ =	shalt  }
0x66: {  	_ =	shalt  }
0x67: {  	_ =	shalt  }
0x68: {  	_ =	shalt  }
0x69: {  	_ =	shalt  }
0x6a: {  	_ =	shalt  }
0x6b: {  	_ =	shalt  }
0x6c: {  	_ =	shalt  }
0x6d: {  	_ =	shalt  }
0x6e: {  	_ =	shalt  }
0x6f: {  	_ =	shalt  }
0x70: {  	_ =	shalt  }
0x71: {  	_ =	shalt  }
0x72: {  	_ =	shalt  }
0x73: {  	_ =	shalt  }
0x74: {  	_ =	shalt  }
0x75: {  	_ =	shalt  }
0x76: {  	_ =	shalt  }
0x77: {  	_ =	shalt  }
0x78: {  	_ =	shalt  }
0x79: {  	_ =	shalt  }
0x7a: {  	_ =	shalt  }
0x7b: {  	_ =	shalt  }
0x7c: {  	_ =	shalt  }
0x7d: {  	_ =	shalt  }
0x7e: {  	_ =	shalt  }
0x7f: {  	_ =	shalt  }
0x80: {  	_ =	shalt  }
0x81: {  	_ =	shalt  }
0x82: {  	_ =	shalt  }
0x83: {  	_ =	shalt  }
0x84: {  	_ =	shalt  }
0x85: {  	_ =	shalt  }
0x86: {  	_ =	shalt  }
0x87: {  	_ =	shalt  }
.Lfunc_end0:
.L_simem_size_0:
called_computation_lowered:
.L_overlay_start_0:
0x88: {  	s2 =	sld [smem:$0x3FD9]  }
0x89: {  	s3 =	sld [smem:$0x3FFE];
	_ =	sdelay $0x1  }
0x8a: {  	s1 =	srdreg.scid  }
0x8b: {  	s0 =	sand.u32 $0x1, s1  }
0x8c: {  	s17 =	sshll.u32 s0, $0xA;
	s2 =	sadd.s32 s3, s2  }
0x8d: {  	s2 =	sadd.s32 s2, s17  }
0x8e: {  	[smem:$0x3FBA] =	sst s2  }
0x8f: {  	_ = 	snop  }
0x90: {  	s2 =	sld [smem:$0x3FD0];
	(tm) =	ssettm $0x1  }
0x91: {  	s18 =	sld [smem:$0x3FFB];
	_ =	sdelay $0x3  }
0x92: {  	_ =	strace s18  }
0x93: {  	s3 =	sld [smem:$0x3FFC];
	_ =	sdelay $0x3  }
0x94: {  	_ =	strace s3  }
0x95: {  	s3 =	sld [smem:$0x3FFD];
	_ =	sdelay $0x3  }
0x96: {  	_ =	strace s3  }
0x97: {  	_ =	strace $0x8FFFFFFF  }
0x98: {  	s19 =	sld [smem:$0x3FDB];
	_ =	sdelay $0x1  }
0x99: {  	s4 =	simm.s32 $_scs_section_size  }
0x9a: {  	s5 =	simm.s32 $_size__tile_overlayer_lowered;
	s6 =	simm.s32 $_tile_overlayer_lowered  }
0x9b: {  	s22 =	simm.s32 $0x1BFF;
	s21 =	sshll.u32 s6, $0x1;
	s3 =	sadd.s32 s4, s19  }
0x9c: {  	s7 =	simm.s32 $0x0;
	s20 =	sshll.u32 s5, $0x1;
	s5 =	sadd.s32 s21, s3  }
0x9d: {  	[timem:s7], [sflag:s22] =	dma.local [hbm:s5], s20  }
0x9e: {  	_ =	swait.ge [sflag:s22], s20  }
0x9f: {  	s4 =	ssub.s32 $0x0, s20;
	[sflag:s22] =	ssyncset.done $0x0  }
0xa0: {  	[sflag:s22] =	ssyncadd.s32 s4;
	_ =	sdelay $0x1  }
0xa1: {  	s23 =	simm.s32 $0x1B8B  }
0xa2: {  	_ =	swait.ge [sflag:s23], $0x1  }
0xa3: {  	[sflag:s23] =	ssyncset.done $0x0  }
0xa4: {  	s25 =	simm.s32 $0x1B8E;
	s24 =	sld [smem:$0x3FFE];
	[sflag:s23] =	ssyncadd.s32 $0xFFFFFFFF  }
0xa5: {  	s26 =	simm.s32 $execute0_lowered;
	[smem:$0x3FD2] =	sst s25  }
0xa6: {  	s5 =	sshll.u32 s26, $0x1;
	_ =	strace $0x80000046;
	[dreg:$0x1] =	wrdreg $0xFFFFFFFF  }
0xa7: {  	s28 =	simm.s32 $_size_execute0_lowered;
	s3 =	sadd.s32 s3, s5;
	[dreg:$0x0] =	wrdreg $0x0  }
0xa8: {  	s5 =	sshll.u32 s28, $0x1;
	[dreg:$0x2] =	wrdreg s3  }
0xa9: {  	[dreg:$0x3] =	wrdreg s5  }
0xaa: {  	[dreg:$0x4] =	wrdreg $0xC0  }
0xab: {  	_ =	task [dreg:s7], $0x5FFFF  }
0xac: {  	[dreg:$0x1] =	wrdreg $0xFFFFFFFF  }
0xad: {  	[dreg:$0x0] =	wrdreg $0x60  }
0xae: {  	[dreg:$0x2] =	wrdreg s2  }
0xaf: {  	[dreg:$0x3] =	wrdreg s24  }
0xb0: {  	[dreg:$0x4] =	wrdreg $0x9  }
0xb1: {  	_ =	task.clear_ibuf [dreg:s7], $0x5FFFF;
	_ =	strace $0x90000046  }
0xb2: {  	s29 =	simm.s32 $0x9;
	_ =	strace $0x80000048  }
0xb3: {  	_ =	swait.ge [sflag:s29], $0x1  }
0xb4: {  	[sflag:s29] =	ssyncadd.s32 $0xFFFFFFFF  }
0xb5: {  	_ =	strace $0x90000048  }
0xb6: {  	_ =	sfence  }
0xb7: {  	s30 =	sld [smem:$0x0];
	_ =	sdelay $0x2  }
0xb8: {  	s31 =	sshll.u32 s1, $0xD;
	s1 =	sshrl.u32 s1, $0x2  }
0xb9: {  	s3 =	sand.u32 $0x4000, s31;
	s1 =	sadd.s32 s1, s30  }
0xba: {  	s0 =	sor.u32 s3, s0;
	s1 =	sshll.u32 s1, $0x11  }
0xbb: {  	s0 =	sor.u32 s1, s0  }
0xbc: {  	s0 =	sadd.s32 $0x8F2B, s0  }
0xbd: {  	[sflag:s0] =	ssyncadd.remote.s32 $0x1  }
0xbe: {  	_ =	sfence.sel $0xFFFF  }
0xbf: {  	[dreg:$0x0] =	wrdreg $0xFFFFFFFF;
	(pc) =	sbr.abs _section_cstart, $3  }
0xc0: {  	[dreg:$0x1] =	wrdreg $0xFFFFFFFF  }
0xc1: {  	_ =	task.clear_ibuf [dreg:s7], $0x2FFFF;
	_ =	strace $0x9FFFFFFF  }
0xc2: {  	(tm) =	ssettm $0x7FFFFFFF  }
0xc3: {  	_ =	shalt  }
tec
execute0_lowered:
.L_overlay_start_1:
0x0: {  	(tag) =	ssettag $0x1  }
0x1: {  	s0 =	srdreg.scid  }
0x2: {  	s4 =	rddreg [dreg:$0x0];
	s3 =	sand.u32 $0x1, s0  }
0x3: {  	s5 =	rddreg [dreg:$0x1];
	s0 =	stileid.u32;
	s1 =	sshll.u32 s3, $0x4  }
0x4: {  	s9 =	simm.s32 $0x400;
	s10 =	simm.s32 $0x1;
	s1 =	sor.u32 s0, s1  }
0x5: {  	s11 =	simm.s32 $0x2800;
	s12 =	simm.s32 $0x7800;
	s1 =	sshrl.u32 s1, $0x3  }
0x6: {  	s13 =	simm.s32 $0x5000;
	s2 =	sshll.u32 s0, $0x7;
	s6 =	smul.u32 $0x14000, s1  }
0x7: {  	s14 =	simm.s32 $0x0;
	s7 =	sand.u32 $0x380, s2;
	s2 =	simm.s32 $0x0  }
0x8: {  	s3 =	ssub.s32 $0x2, s3;
	[smem:$0x7FF] =	sst s2;
	s6 =	sor.u32 s7, s6  }
0x9: {  	s31 =	sshrl.u32 s3, $0x1;
	s1 =	rddreg [dreg:$0x2];
	s6 =	sshrl.u32 s6, $0x3  }
0xa: {  	_ =	strace $0x80000047;
	s7 =	ssub.s32 s3, s31;
	s8 =	sadd.s32 s6, s5  }
0xb: {  	s7 =	smax.u32 s7, $0x1;
	s3 =	sadd.s32 s4, s6;
	s4 =	sadd.s32 $0x10400, s8  }
0xc: {  	v0 =	vimm.f32 $0.0e+00;
	v1 =	vimm.f32 $1.000000000e+00;
	s5 =	sadd.s32 $0x24400, s8;
	s6 =	sadd.s32 $0x1A400, s8;
	s8 =	simm.s32 $0x80  }
.LBB2_1:
0xd: {  	[tilespmem:s2], [sflag:$0x1] =	stream.strided.gather [hbm4b:s3+s8], $0x2800, s9, s8, $0x38;
	[tilespmem:$0xA000] =	vst v63  }
0xe: {  	_ =	swait.ge [sflag:s10], $0x2800  }
0xf: {  	[sflag:s10] =	ssyncset.done $0x0  }
0x10: {  	[sflag:s10] =	ssyncadd.s32 $0xFFFFD800  }
0x11: {  	[tilespmem:s11], [sflag:$0x1] =	stream.strided.gather [hbm4b:s4+s8], $0x2800, s9, s8, $0x38;
	[tilespmem:$0xA000] =	vst v63  }
0x12: {  	_ =	swait.ge [sflag:s10], $0x2800  }
0x13: {  	[sflag:s10] =	ssyncset.done $0x0  }
0x14: {  	s15 =	simm.s32 $0x0;
	[sflag:s10] =	ssyncadd.s32 $0xFFFFD800  }
.LBB2_2:
0x15: {  	p0 =	sne.s32 s15, $0x9FC0  }
.Ltmp0:
0x16: {  	_ = 	snop;
	(pc) =	sbr.rel @p0 .LBB2_2-.Ltmp0, $3  }
0x17: {  	_ =	sdelay $0x1  }
0x18: {  	s16 =	sshra.s32 s15, $0x2  }
0x19: {  	s15 =	sadd.s32 $0x40, s15;
	[tilespmem:s16+$0x7800] =	vst v0  }
0x1a: {  	s15 =	simm.s32 $0x0  }
0x1b: {  	v3 =	vld [tilespmem:s15+$0x2800]  }
0x1c: {  	s16 =	simm.s32 $0x40;
	v2 =	vld [tilespmem:s15+$0x0]  }
.LBB2_4:
0x1d: {  	p0 =	sne.s32 s16, $0x9FC0;
	_ =	sdelay $0x3  }
0x1e: {  	vm0 =	vne.s32 v2, v3;
	_ =	sdelay $0x3  }
.Ltmp1:
0x1f: {  	(pc) =	sbr.rel @p0 .LBB2_4-.Ltmp1, $4  }
0x20: {  	_ = 	snop  }
0x21: {  	s17 =	sshra.s32 s16, $0x2;
	[tilespmem:v2+s12+$0x0] =	vst.idx.add.f32.msk vm0, v1;
	v2 =	vnsel vm0, $0x2710, v2  }
0x22: {  	v3 =	vld [tilespmem:s17+$0x2800];
	[tilespmem:s15+$0x5000] =	vst v2;
	s15 =	smov.u32 s17  }
0x23: {  	s16 =	sadd.s32 $0x40, s16;
	v2 =	vld [tilespmem:s15+$0x0]  }
0x24: {  	_ =	sdelay $0x3  }
0x25: {  	vm0 =	vne.s32 v2, v3;
	_ =	sdelay $0x5  }
0x26: {  	[tilespmem:v2+s12+$0x0] =	vst.idx.add.f32.msk vm0, v1;
	v2 =	vnsel vm0, $0x2710, v2  }
0x27: {  	[tilespmem:s15+$0x5000] =	vst v2  }
0x28: {  	[hbm4b:s5+s8] =	stream.strided.scatter [tilespmem:s12], [sflag:$0x1], $0x2800, s9, s8, $0x38;
	[tilespmem:$0xA000] =	vst v63  }
0x29: {  	s14 =	sadd.s32 $0x1, s14;
	_ =	swait.ge [sflag:s10], $0x2800  }
0x2a: {  	p0 =	sne.s32 s14, s7;
	[sflag:s10] =	ssyncset.done $0x0  }
.Ltmp2:
0x2b: {  	[sflag:s10] =	ssyncadd.s32 $0xFFFFD800;
	(pc) =	sbr.rel @p0 .LBB2_1-.Ltmp2, $4  }
0x2c: {  	[hbm4b:s6+s8] =	stream.strided.scatter [tilespmem:s13], [sflag:$0x1], $0x2800, s9, s8, $0x38;
	[tilespmem:$0xA000] =	vst v63  }
0x2d: {  	_ =	swait.ge [sflag:s10], $0x2800  }
0x2e: {  	[sflag:s10] =	ssyncset.done $0x0  }
0x2f: {  	[sflag:s10] =	ssyncadd.s32 $0xFFFFD800  }
0x30: {  	_ =	sfence.sel $0x180000  }
0x31: {  	[bflag:$0x0] =	sbarrier.arrive $0xFFFF  }
0x32: {  	p0 =	sne.s32 s0, $0x0;
	_ =	strace $0x90000047  }
0x33: {  	s0 =	sadd.s32 @!p0 $0x100000, s1;
	[bflag:$0x2] =	sbarrier.arrive $0xFFFF  }
0x34: {  	[sflag:s0] =	ssyncadd.tile.s32 @!p0 $0x1;
	_ =	shalt  }
.Lfunc_end2:
_tile_overlayer_lowered:
.L_overlay_start_2:
0x35: {  	(tag) =	ssettag $0x2  }
0x36: {  	s0 =	rddreg [dreg:$0x0];
	s2 =	stileid.u32  }
0x37: {  	s1 =	rddreg [dreg:$0x1];
	p0 =	sne.s32 s2, $0x0  }
0x38: {  	s3 =	rddreg [dreg:$0x2];
	[bflag:$0x3] =	sbarrier.arrive $0xFFFF;
	s2 =	simm.s32 @!p0 $0x1C01  }
0x39: {  	[timem:s3], [sflag:s2] =	dma.local @!p0 [hbm:s0], s1  }
0x3a: {  	s0 =	simm.s32 @!p0 $0x1  }
0x3b: {  	_ =	swait.ge @!p0 [sflag:s0], s1  }
0x3c: {  	s1 =	ssub.s32 @!p0 $0x0, s1;
	[sflag:s0] =	ssyncset.done @!p0 $0x0  }
0x3d: {  	[sflag:s0] =	ssyncadd.s32 @!p0 s1  }
0x3e: {  	[bflag:$0x3] =	sbarrier.arrive $0xFFFF  }
0x3f: {  	_ =	shalt  }

// kernel: kernel.19.cloned.1.call-start
scs
__scs_entry_jumppad:
0x0: {  	(pc) =	sbr.rel $0x88, $3  }
0x1: {  	(tag) =	ssettag $0x0;
	lr =	simm.s32 $0x1  }
0x2: {  	[smem:$0x3F93] =	sst lr;
	_ =	strace $0xD0000000  }
0x3: {  	_ = 	snop  }
0x4: {  	_ = 	snop  }
0x5: {  	_ = 	snop  }
0x6: {  	_ = 	snop  }
0x7: {  	_ = 	snop  }
__scs_overlays_trampoline_lowered:
0x8: {  	[smem:$0x3FA2] =	sst s0  }
0x9: {  	[smem:$0x3FA3] =	sst s1  }
0xa: {  	[smem:$0x3FA4] =	sst s2  }
0xb: {  	[smem:$0x3FA5] =	sst s3  }
0xc: {  	[smem:$0x3FA6] =	sst s4  }
0xd: {  	[smem:$0x3FA7] =	sst s5  }
0xe: {  	[smem:$0x3FA8] =	sst s6  }
0xf: {  	[smem:$0x3FA9] =	sst s7  }
0x10: {  	[smem:$0x3FAA] =	sst s8  }
0x11: {  	[smem:$0x3FAB] =	sst s9;
	s0 =	simm.s32 @!p0 $0x0  }
0x12: {  	s1 =	sld [smem:$0x3F91];
	s0 =	simm.s32 @p0 $0x1  }
0x13: {  	[smem:$0x3FAC] =	sst s0;
	s0 =	simm.s32 @!p1 $0x0  }
0x14: {  	s2 =	sld [smem:$0x3F90];
	s0 =	simm.s32 @p1 $0x1  }
0x15: {  	[smem:$0x3FAD] =	sst s0;
	s0 =	simm.s32 @!p2 $0x0  }
0x16: {  	s3 =	sld [smem:$0x3FDB];
	s0 =	simm.s32 @p2 $0x1  }
0x17: {  	s4 =	simm.s32 $0x1BF5;
	[smem:$0x3FAF] =	sst s0  }
0x18: {  	s0 =	sld [smem:$0x3F92];
	_ =	swait.ge [sflag:s4], $0x0  }
0x19: {  	s7 =	sld [smem:$0x3F93]  }
0x1a: {  	s8 =	sadd.s32 $0xFFFFE003, lr  }
0x1b: {  	s9 =	sadd.s32 $0xFFFFFEF7, lr;
	s5 =	simm.s32 $0xFFFFFFFF;
	p2 =	slt.u32 s8, $0xFFFFF086  }
0x1c: {  	p1 =	slt.u32 s9, $0xF7A;
	s5 =	simm.s32 @!p2 $0x0  }
0x1d: {  	s5 =	simm.s32 @p1 $0x1;
	p0 =	seq.s32 s7, s2  }
0x1e: {  	s7 =	smul.u32 @!p0 $0xF7A, s2;
	p2 =	seq.s32 @!p0 s5, $0x0  }
0x1f: {  	s9 =	smul.u32 $0xF7A, s1;
	s8 =	simm.s32 @!p0 $0x1BF5;
	p2 =	por !p2, p0  }
0x20: {  	[sflag:s8] =	ssyncset.s32 @!p0 $0xFFFFF086;
	s6 =	sadd.s32 @!p0 s3, s7;
	s7 =	simm.s32 @!p0 $0x108  }
0x21: {  	s3 =	sadd.s32 s3, s9;
	s6 =	sadd.s32 @!p0 $0x88, s6;
	s7 =	simm.s32 @p2 $0x1082  }
0x22: {  	[simem:s7], [sflag:s8] =	dma.local @!p0 [hbm:s6], $0xF7A  }
0x23: {  	s9 =	sor.u32 $0xD0000000, s2;
	s6 =	simm.s32 $0x108;
	_ =	swait.ge @!p0 [sflag:s8], $0x0  }
0x24: {  	s3 =	sadd.s32 $0x88, s3;
	s6 =	simm.s32 @!p1 $0x1082;
	[sflag:s4] =	ssyncset.s32 $0xFFFFF086  }
0x25: {  	[simem:s6], [sflag:s4] =	dma.local [hbm:s3], $0xF7A  }
0x26: {  	[smem:$0x3F93] =	sst s1;
	(tag) =	ssettag s2;
	_ =	strace s9  }
0x27: {  	s1 =	sld [smem:$0x3FA3]  }
0x28: {  	s2 =	sld [smem:$0x3FA4]  }
0x29: {  	s4 =	sld [smem:$0x3FA6]  }
0x2a: {  	p0 =	seq.s32 s5, $0x0;
	s5 =	sld [smem:$0x3FA7]  }
0x2b: {  	s6 =	sld [smem:$0x3FA8]  }
0x2c: {  	s7 =	sld [smem:$0x3FA9]  }
0x2d: {  	s3 =	simm.s32 $0x108;
	s8 =	sld [smem:$0x3FAA]  }
0x2e: {  	s3 =	simm.s32 @!p0 $0x1082;
	s9 =	sld [smem:$0x3FAB]  }
0x2f: {  	lr =	sadd.s32 s0, s3;
	s0 =	sld [smem:$0x3FA2]  }
0x30: {  	s3 =	sld [smem:$0x3FA5]  }
0x31: {  	[smem:$0x3FAE] =	sst s10  }
0x32: {  	s10 =	sld [smem:$0x3FAC];
	_ =	sdelay $0x3  }
0x33: {  	p0 =	seq.s32 s10, $0x1;
	s10 =	sld [smem:$0x3FAE];
	_ =	sdelay $0x3  }
0x34: {  	[smem:$0x3FAE] =	sst s10  }
0x35: {  	s10 =	sld [smem:$0x3FAD];
	_ =	sdelay $0x3  }
0x36: {  	p1 =	seq.s32 s10, $0x1;
	s10 =	sld [smem:$0x3FAE];
	_ =	sdelay $0x3  }
0x37: {  	[smem:$0x3FAE] =	sst s10  }
0x38: {  	s10 =	sld [smem:$0x3FAF]  }
0x39: {  	_ = 	snop;
	(pc) =	sbr.ind lr, $3  }
0x3a: {  	_ = 	snop  }
0x3b: {  	_ = 	snop  }
0x3c: {  	p2 =	seq.s32 s10, $0x1;
	s10 =	sld [smem:$0x3FAE]  }
0x3d: {  	_ =	shalt  }
0x3e: {  	_ =	shalt  }
0x3f: {  	_ =	shalt  }
0x40: {  	_ =	shalt  }
0x41: {  	_ =	shalt  }
0x42: {  	_ =	shalt  }
0x43: {  	_ =	shalt  }
0x44: {  	_ =	shalt  }
0x45: {  	_ =	shalt  }
0x46: {  	_ =	shalt  }
0x47: {  	_ =	shalt  }
0x48: {  	_ =	shalt  }
0x49: {  	_ =	shalt  }
0x4a: {  	_ =	shalt  }
0x4b: {  	_ =	shalt  }
0x4c: {  	_ =	shalt  }
0x4d: {  	_ =	shalt  }
0x4e: {  	_ =	shalt  }
0x4f: {  	_ =	shalt  }
0x50: {  	_ =	shalt  }
0x51: {  	_ =	shalt  }
0x52: {  	_ =	shalt  }
0x53: {  	_ =	shalt  }
0x54: {  	_ =	shalt  }
0x55: {  	_ =	shalt  }
0x56: {  	_ =	shalt  }
0x57: {  	_ =	shalt  }
0x58: {  	_ =	shalt  }
0x59: {  	_ =	shalt  }
0x5a: {  	_ =	shalt  }
0x5b: {  	_ =	shalt  }
0x5c: {  	_ =	shalt  }
0x5d: {  	_ =	shalt  }
0x5e: {  	_ =	shalt  }
0x5f: {  	_ =	shalt  }
0x60: {  	_ =	shalt  }
0x61: {  	_ =	shalt  }
0x62: {  	_ =	shalt  }
0x63: {  	_ =	shalt  }
0x64: {  	_ =	shalt  }
0x65: {  	_ =	shalt  }
0x66: {  	_ =	shalt  }
0x67: {  	_ =	shalt  }
0x68: {  	_ =	shalt  }
0x69: {  	_ =	shalt  }
0x6a: {  	_ =	shalt  }
0x6b: {  	_ =	shalt  }
0x6c: {  	_ =	shalt  }
0x6d: {  	_ =	shalt  }
0x6e: {  	_ =	shalt  }
0x6f: {  	_ =	shalt  }
0x70: {  	_ =	shalt  }
0x71: {  	_ =	shalt  }
0x72: {  	_ =	shalt  }
0x73: {  	_ =	shalt  }
0x74: {  	_ =	shalt  }
0x75: {  	_ =	shalt  }
0x76: {  	_ =	shalt  }
0x77: {  	_ =	shalt  }
0x78: {  	_ =	shalt  }
0x79: {  	_ =	shalt  }
0x7a: {  	_ =	shalt  }
0x7b: {  	_ =	shalt  }
0x7c: {  	_ =	shalt  }
0x7d: {  	_ =	shalt  }
0x7e: {  	_ =	shalt  }
0x7f: {  	_ =	shalt  }
0x80: {  	_ =	shalt  }
0x81: {  	_ =	shalt  }
0x82: {  	_ =	shalt  }
0x83: {  	_ =	shalt  }
0x84: {  	_ =	shalt  }
0x85: {  	_ =	shalt  }
0x86: {  	_ =	shalt  }
0x87: {  	_ =	shalt  }
.Lfunc_end0:
.L_simem_size_0:
called_computation.1_lowered:
.L_overlay_start_0:
0x88: {  	s2 =	sld [smem:$0x3FD9]  }
0x89: {  	s3 =	sld [smem:$0x3FFE];
	_ =	sdelay $0x1  }
0x8a: {  	s1 =	srdreg.scid  }
0x8b: {  	s0 =	sand.u32 $0x1, s1  }
0x8c: {  	s17 =	sshll.u32 s0, $0xA;
	s2 =	sadd.s32 s3, s2  }
0x8d: {  	s2 =	sadd.s32 s2, s17  }
0x8e: {  	[smem:$0x3FBA] =	sst s2  }
0x8f: {  	_ = 	snop  }
0x90: {  	s2 =	sld [smem:$0x3FD0];
	(tm) =	ssettm $0x1  }
0x91: {  	s18 =	sld [smem:$0x3FFB];
	_ =	sdelay $0x3  }
0x92: {  	_ =	strace s18  }
0x93: {  	s3 =	sld [smem:$0x3FFC];
	_ =	sdelay $0x3  }
0x94: {  	_ =	strace s3  }
0x95: {  	s3 =	sld [smem:$0x3FFD];
	_ =	sdelay $0x3  }
0x96: {  	_ =	strace s3  }
0x97: {  	_ =	strace $0x8FFFFFFF  }
0x98: {  	s19 =	sld [smem:$0x3FDB];
	_ =	sdelay $0x1  }
0x99: {  	s4 =	simm.s32 $_scs_section_size  }
0x9a: {  	s5 =	simm.s32 $_size__tile_overlayer_lowered;
	s6 =	simm.s32 $_tile_overlayer_lowered  }
0x9b: {  	s22 =	simm.s32 $0x1BFF;
	s21 =	sshll.u32 s6, $0x1;
	s3 =	sadd.s32 s4, s19  }
0x9c: {  	s7 =	simm.s32 $0x0;
	s20 =	sshll.u32 s5, $0x1;
	s5 =	sadd.s32 s21, s3  }
0x9d: {  	[timem:s7], [sflag:s22] =	dma.local [hbm:s5], s20  }
0x9e: {  	_ =	swait.ge [sflag:s22], s20  }
0x9f: {  	s4 =	ssub.s32 $0x0, s20;
	[sflag:s22] =	ssyncset.done $0x0  }
0xa0: {  	[sflag:s22] =	ssyncadd.s32 s4;
	_ =	sdelay $0x1  }
0xa1: {  	s23 =	simm.s32 $0x1B8B  }
0xa2: {  	_ =	swait.ge [sflag:s23], $0x1  }
0xa3: {  	[sflag:s23] =	ssyncset.done $0x0  }
0xa4: {  	s25 =	simm.s32 $0x1B8E;
	s24 =	sld [smem:$0x3FFE];
	[sflag:s23] =	ssyncadd.s32 $0xFFFFFFFF  }
0xa5: {  	s26 =	simm.s32 $execute0_lowered;
	[smem:$0x3FD2] =	sst s25  }
0xa6: {  	s5 =	sshll.u32 s26, $0x1;
	_ =	strace $0x80000049;
	[dreg:$0x1] =	wrdreg $0xFFFFFFFF  }
0xa7: {  	s28 =	simm.s32 $_size_execute0_lowered;
	s3 =	sadd.s32 s3, s5;
	[dreg:$0x0] =	wrdreg $0x0  }
0xa8: {  	s5 =	sshll.u32 s28, $0x1;
	[dreg:$0x2] =	wrdreg s3  }
0xa9: {  	[dreg:$0x3] =	wrdreg s5  }
0xaa: {  	[dreg:$0x4] =	wrdreg $0xC0  }
0xab: {  	_ =	task [dreg:s7], $0x5FFFF  }
0xac: {  	[dreg:$0x1] =	wrdreg $0xFFFFFFFF  }
0xad: {  	[dreg:$0x0] =	wrdreg $0x60  }
0xae: {  	[dreg:$0x2] =	wrdreg s24  }
0xaf: {  	[dreg:$0x3] =	wrdreg s2  }
0xb0: {  	[dreg:$0x4] =	wrdreg $0x90000  }
0xb1: {  	[dreg:$0x5] =	wrdreg $0x9  }
0xb2: {  	_ =	task.clear_ibuf [dreg:s7], $0x6FFFF;
	_ =	strace $0x90000049  }
0xb3: {  	s29 =	simm.s32 $0x9;
	_ =	strace $0x8000004B  }
0xb4: {  	_ =	swait.ge [sflag:s29], $0x1  }
0xb5: {  	[sflag:s29] =	ssyncadd.s32 $0xFFFFFFFF  }
0xb6: {  	_ =	strace $0x9000004B  }
0xb7: {  	_ =	sfence  }
0xb8: {  	s30 =	sld [smem:$0x0];
	_ =	sdelay $0x2  }
0xb9: {  	s31 =	sshll.u32 s1, $0xD;
	s1 =	sshrl.u32 s1, $0x2  }
0xba: {  	s3 =	sand.u32 $0x4000, s31;
	s1 =	sadd.s32 s1, s30  }
0xbb: {  	s0 =	sor.u32 s3, s0;
	s1 =	sshll.u32 s1, $0x11  }
0xbc: {  	s0 =	sor.u32 s1, s0  }
0xbd: {  	s0 =	sadd.s32 $0x8F2B, s0  }
0xbe: {  	[sflag:s0] =	ssyncadd.remote.s32 $0x1  }
0xbf: {  	_ =	sfence.sel $0xFFFF  }
0xc0: {  	[dreg:$0x0] =	wrdreg $0xFFFFFFFF;
	(pc) =	sbr.abs _section_cstart, $3  }
0xc1: {  	[dreg:$0x1] =	wrdreg $0xFFFFFFFF  }
0xc2: {  	_ =	task.clear_ibuf [dreg:s7], $0x2FFFF;
	_ =	strace $0x9FFFFFFF  }
0xc3: {  	(tm) =	ssettm $0x7FFFFFFF  }
tec
execute0_lowered:
.L_overlay_start_1:
0x0: {  	(tag) =	ssettag $0x1  }
0x1: {  	s5 =	rddreg [dreg:$0x0]  }
0x2: {  	s0 =	srdreg.scid;
	s8 =	rddreg [dreg:$0x1]  }
0x3: {  	s2 =	rddreg [dreg:$0x2];
	s1 =	stileid.u32  }
0x4: {  	s3 =	simm.s32 $0x0;
	s14 =	simm.s32 $0x5000;
	s15 =	simm.s32 $0x1  }
0x5: {  	s6 =	sand.u32 $0x1, s0;
	s0 =	rddreg [dreg:$0x3];
	s10 =	smul.u32 $0x50000, s1  }
0x6: {  	[smem:$0x7FF] =	sst s3;
	s17 =	smul.u32 $0x2800, s1;
	s31 =	sshll.u32 s1, $0x6  }
0x7: {  	s4 =	sshll.u32 s6, $0x4;
	_ =	strace $0x8000004A;
	s9 =	ssub.s32 $0x2, s6  }
0x8: {  	s12 =	smul.u32 $0x28000, s6;
	s4 =	sor.u32 s1, s4;
	s11 =	sshrl.u32 s9, $0x1  }
0x9: {  	s10 =	sshrl.u32 s10, $0x2;
	s7 =	smul.u32 $0x500, s4;
	s4 =	sadd.s32 $0x1A400, s5  }
0xa: {  	s9 =	ssub.s32 s9, s11;
	s13 =	sadd.s32 s10, s2;
	s16 =	sadd.s32 s8, s12  }
0xb: {  	s10 =	simm.s32 $0x2800;
	s11 =	sor.u32 $0x1C02, s31;
	s8 =	smax.u32 s9, $0x1  }
0xc: {  	s9 =	simm.s32 $0x2;
	s12 =	sshrl.u32 s13, $0x3;
	s13 =	simm.s32 $0x80  }
0xd: {  	s16 =	sadd.s32 s17, s16;
	s17 =	simm.s32 $0x0;
	s7 =	sadd.s32 s7, s5  }
0xe: {  	s5 =	sadd.s32 $0x42400, s5;
	s6 =	sadd.s32 $0x10400, s7;
	s7 =	sadd.s32 $0x6400, s7  }
.LBB2_1:
0xf: {  	[tilespmem:s3], [sflag:$0x2] =	stream.linear.gather [hbm4b:s6+s3], $0x2800, $0x38;
	[tilespmem:$0x1D000] =	vst v63  }
0x10: {  	_ =	swait.ge [sflag:s9], $0x2800  }
0x11: {  	[sflag:s9] =	ssyncset.done $0x0  }
0x12: {  	[sflag:s9] =	ssyncadd.s32 $0xFFFFD800  }
0x13: {  	[tilespmem:s10], [sflag:$0x2] =	stream.linear.gather [hbm4b:s7+s3], $0x2800, $0x38;
	[tilespmem:$0x1D000] =	vst v63  }
0x14: {  	_ =	swait.ge [sflag:s9], $0x2800  }
0x15: {  	[sflag:s9] =	ssyncset.done $0x0  }
0x16: {  	[sflag:s9] =	ssyncadd.s32 $0xFFFFD800  }
0x17: {  	[spmem:s12], [sflag:s11] =	dma.local [hbm:s5], $0x2800  }
0x18: {  	_ =	swait.ge [sflag:s9], $0x2800  }
0x19: {  	[sflag:s9] =	ssyncset.done $0x0  }
0x1a: {  	[sflag:s9] =	ssyncadd.s32 $0xFFFFD800  }
0x1b: {  	s18 =	simm.s32 $0x0;
	[bflag:$0x0] =	sbarrier.arrive $0xFFFF  }
0x1c: {  	[tilespmem:s14], [sflag:$0x1] =	stream.indirect.gather [hbm4b:s4+s13], $0x80, s18, s13, $0xb8;
	[tilespmem:$0x1D000] =	vst v63  }
0x1d: {  	_ =	swait.ge [sflag:s15], $0x4000  }
0x1e: {  	[sflag:s15] =	ssyncset.done $0x0  }
0x1f: {  	s31 =	simm.s32 $0x2800;
	[sflag:s15] =	ssyncadd.s32 $0xFFFFC000  }
0x20: {  	[spmem:s2] =	stream.indirect.scatter.add.f32 [tilespmem:s14], [sflag:$0x2], $0x80, s31, s13, $0xb8;
	[tilespmem:$0x1D000] =	vst v63  }
0x21: {  	_ =	swait.ge [sflag:s9], $0x4000  }
0x22: {  	s19 =	simm.s32 $0x400;
	s18 =	simm.s32 $0x200;
	[sflag:s9] =	ssyncset.done $0x0  }
.LBB2_2:
0x23: {  	s20 =	sshra.s32 s18, $0x2  }
0x24: {  	[sflag:s9] =	ssyncadd.s32 $0xFFFFC000;
	s18 =	smov.u32 s19;
	s21 =	sadd.s32 $0x200, s19  }
0x25: {  	[tilespmem:s14], [sflag:$0x1] =	stream.indirect.gather [hbm4b:s4+s13], $0x80, s20, s13, $0xb8;
	[tilespmem:$0x1D000] =	vst v63  }
0x26: {  	p0 =	sne.s32 s19, $0x9E00;
	_ =	swait.ge [sflag:s15], $0x4000  }
.Ltmp0:
0x27: {  	[sflag:s15] =	ssyncset.done $0x0;
	(pc) =	sbr.rel @p0 .LBB2_2-.Ltmp0, $4  }
0x28: {  	s19 =	sadd.s32 $0x2800, s20;
	[sflag:s15] =	ssyncadd.s32 $0xFFFFC000  }
0x29: {  	[spmem:s2] =	stream.indirect.scatter.add.f32 [tilespmem:s14], [sflag:$0x2], $0x80, s19, s13, $0xb8;
	[tilespmem:$0x1D000] =	vst v63  }
0x2a: {  	_ =	swait.ge [sflag:s9], $0x4000  }
0x2b: {  	s19 =	smov.u32 s21;
	[sflag:s9] =	ssyncset.done $0x0  }
0x2c: {  	s18 =	sshra.s32 s18, $0x2;
	[sflag:s9] =	ssyncadd.s32 $0xFFFFC000  }
0x2d: {  	[tilespmem:s14], [sflag:$0x1] =	stream.indirect.gather [hbm4b:s4+s13], $0x80, s18, s13, $0xb8;
	[tilespmem:$0x1D000] =	vst v63  }
0x2e: {  	_ =	swait.ge [sflag:s15], $0x4000  }
0x2f: {  	[sflag:s15] =	ssyncset.done $0x0  }
0x30: {  	s18 =	sadd.s32 $0x2800, s18;
	[sflag:s15] =	ssyncadd.s32 $0xFFFFC000  }
0x31: {  	[spmem:s2] =	stream.indirect.scatter.add.f32 [tilespmem:s14], [sflag:$0x2], $0x80, s18, s13, $0xb8;
	[tilespmem:$0x1D000] =	vst v63  }
0x32: {  	_ =	swait.ge [sflag:s9], $0x4000  }
0x33: {  	s17 =	sadd.s32 $0x1, s17;
	[sflag:s9] =	ssyncset.done $0x0  }
0x34: {  	p0 =	sne.s32 s17, s8;
	[sflag:s9] =	ssyncadd.s32 $0xFFFFC000  }
.Ltmp1:
0x35: {  	[bflag:$0x0] =	sbarrier.arrive $0xFFFF;
	(pc) =	sbr.rel @p0 .LBB2_1-.Ltmp1, $4  }
0x36: {  	[hbm:s16], [sflag:s11] =	dma.local [spmem:s12], $0x2800  }
0x37: {  	_ =	swait.ge [sflag:s9], $0x2800  }
0x38: {  	[sflag:s9] =	ssyncset.done $0x0  }
0x39: {  	[sflag:s9] =	ssyncadd.s32 $0xFFFFD800  }
0x3a: {  	_ =	sfence.sel $0x180000  }
0x3b: {  	[bflag:$0x0] =	sbarrier.arrive $0xFFFF  }
0x3c: {  	p0 =	sne.s32 s1, $0x0;
	_ =	strace $0x9000004A  }
0x3d: {  	s0 =	sadd.s32 @!p0 $0x100000, s0;
	[bflag:$0x2] =	sbarrier.arrive $0xFFFF  }
0x3e: {  	[sflag:s0] =	ssyncadd.tile.s32 @!p0 $0x1;
	_ =	shalt  }
.Lfunc_end2:
_tile_overlayer_lowered:
.L_overlay_start_2:
0x3f: {  	(tag) =	ssettag $0x2  }
0x40: {  	s0 =	rddreg [dreg:$0x0];
	s2 =	stileid.u32  }
0x41: {  	s1 =	rddreg [dreg:$0x1];
	p0 =	sne.s32 s2, $0x0  }
0x42: {  	s3 =	rddreg [dreg:$0x2];
	[bflag:$0x3] =	sbarrier.arrive $0xFFFF;
	s2 =	simm.s32 @!p0 $0x1C02  }
0x43: {  	[timem:s3], [sflag:s2] =	dma.local @!p0 [hbm:s0], s1  }
0x44: {  	s0 =	simm.s32 @!p0 $0x2  }
0x45: {  	_ =	swait.ge @!p0 [sflag:s0], s1  }
0x46: {  	s1 =	ssub.s32 @!p0 $0x0, s1;
	[sflag:s0] =	ssyncset.done @!p0 $0x0  }
0x47: {  	[sflag:s0] =	ssyncadd.s32 @!p0 s1  }
0x48: {  	[bflag:$0x3] =	sbarrier.arrive $0xFFFF  }
0x49: {  	_ =	shalt  }

// kernel: kernel.22.cloned.1.call-start
scs
__scs_entry_jumppad:
0x0: {  	(pc) =	sbr.rel $0x88, $3  }
0x1: {  	(tag) =	ssettag $0x0;
	lr =	simm.s32 $0x1  }
0x2: {  	[smem:$0x3F93] =	sst lr;
	_ =	strace $0xD0000000  }
0x3: {  	_ = 	snop  }
0x4: {  	_ = 	snop  }
0x5: {  	_ = 	snop  }
0x6: {  	_ = 	snop  }
0x7: {  	_ = 	snop  }
__scs_overlays_trampoline_lowered:
0x8: {  	[smem:$0x3FA2] =	sst s0  }
0x9: {  	[smem:$0x3FA3] =	sst s1  }
0xa: {  	[smem:$0x3FA4] =	sst s2  }
0xb: {  	[smem:$0x3FA5] =	sst s3  }
0xc: {  	[smem:$0x3FA6] =	sst s4  }
0xd: {  	[smem:$0x3FA7] =	sst s5  }
0xe: {  	[smem:$0x3FA8] =	sst s6  }
0xf: {  	[smem:$0x3FA9] =	sst s7  }
0x10: {  	[smem:$0x3FAA] =	sst s8  }
0x11: {  	[smem:$0x3FAB] =	sst s9;
	s0 =	simm.s32 @!p0 $0x0  }
0x12: {  	s1 =	sld [smem:$0x3F91];
	s0 =	simm.s32 @p0 $0x1  }
0x13: {  	[smem:$0x3FAC] =	sst s0;
	s0 =	simm.s32 @!p1 $0x0  }
0x14: {  	s2 =	sld [smem:$0x3F90];
	s0 =	simm.s32 @p1 $0x1  }
0x15: {  	[smem:$0x3FAD] =	sst s0;
	s0 =	simm.s32 @!p2 $0x0  }
0x16: {  	s3 =	sld [smem:$0x3FDB];
	s0 =	simm.s32 @p2 $0x1  }
0x17: {  	s4 =	simm.s32 $0x1BF5;
	[smem:$0x3FAF] =	sst s0  }
0x18: {  	s0 =	sld [smem:$0x3F92];
	_ =	swait.ge [sflag:s4], $0x0  }
0x19: {  	s7 =	sld [smem:$0x3F93]  }
0x1a: {  	s8 =	sadd.s32 $0xFFFFE003, lr  }
0x1b: {  	s9 =	sadd.s32 $0xFFFFFEF7, lr;
	s5 =	simm.s32 $0xFFFFFFFF;
	p2 =	slt.u32 s8, $0xFFFFF086  }
0x1c: {  	p1 =	slt.u32 s9, $0xF7A;
	s5 =	simm.s32 @!p2 $0x0  }
0x1d: {  	s5 =	simm.s32 @p1 $0x1;
	p0 =	seq.s32 s7, s2  }
0x1e: {  	s7 =	smul.u32 @!p0 $0xF7A, s2;
	p2 =	seq.s32 @!p0 s5, $0x0  }
0x1f: {  	s9 =	smul.u32 $0xF7A, s1;
	s8 =	simm.s32 @!p0 $0x1BF5;
	p2 =	por !p2, p0  }
0x20: {  	[sflag:s8] =	ssyncset.s32 @!p0 $0xFFFFF086;
	s6 =	sadd.s32 @!p0 s3, s7;
	s7 =	simm.s32 @!p0 $0x108  }
0x21: {  	s3 =	sadd.s32 s3, s9;
	s6 =	sadd.s32 @!p0 $0x88, s6;
	s7 =	simm.s32 @p2 $0x1082  }
0x22: {  	[simem:s7], [sflag:s8] =	dma.local @!p0 [hbm:s6], $0xF7A  }
0x23: {  	s9 =	sor.u32 $0xD0000000, s2;
	s6 =	simm.s32 $0x108;
	_ =	swait.ge @!p0 [sflag:s8], $0x0  }
0x24: {  	s3 =	sadd.s32 $0x88, s3;
	s6 =	simm.s32 @!p1 $0x1082;
	[sflag:s4] =	ssyncset.s32 $0xFFFFF086  }
0x25: {  	[simem:s6], [sflag:s4] =	dma.local [hbm:s3], $0xF7A  }
0x26: {  	[smem:$0x3F93] =	sst s1;
	(tag) =	ssettag s2;
	_ =	strace s9  }
0x27: {  	s1 =	sld [smem:$0x3FA3]  }
0x28: {  	s2 =	sld [smem:$0x3FA4]  }
0x29: {  	s4 =	sld [smem:$0x3FA6]  }
0x2a: {  	p0 =	seq.s32 s5, $0x0;
	s5 =	sld [smem:$0x3FA7]  }
0x2b: {  	s6 =	sld [smem:$0x3FA8]  }
0x2c: {  	s7 =	sld [smem:$0x3FA9]  }
0x2d: {  	s3 =	simm.s32 $0x108;
	s8 =	sld [smem:$0x3FAA]  }
0x2e: {  	s3 =	simm.s32 @!p0 $0x1082;
	s9 =	sld [smem:$0x3FAB]  }
0x2f: {  	lr =	sadd.s32 s0, s3;
	s0 =	sld [smem:$0x3FA2]  }
0x30: {  	s3 =	sld [smem:$0x3FA5]  }
0x31: {  	[smem:$0x3FAE] =	sst s10  }
0x32: {  	s10 =	sld [smem:$0x3FAC];
	_ =	sdelay $0x3  }
0x33: {  	p0 =	seq.s32 s10, $0x1;
	s10 =	sld [smem:$0x3FAE];
	_ =	sdelay $0x3  }
0x34: {  	[smem:$0x3FAE] =	sst s10  }
0x35: {  	s10 =	sld [smem:$0x3FAD];
	_ =	sdelay $0x3  }
0x36: {  	p1 =	seq.s32 s10, $0x1;
	s10 =	sld [smem:$0x3FAE];
	_ =	sdelay $0x3  }
0x37: {  	[smem:$0x3FAE] =	sst s10  }
0x38: {  	s10 =	sld [smem:$0x3FAF]  }
0x39: {  	_ = 	snop;
	(pc) =	sbr.ind lr, $3  }
0x3a: {  	_ = 	snop  }
0x3b: {  	_ = 	snop  }
0x3c: {  	p2 =	seq.s32 s10, $0x1;
	s10 =	sld [smem:$0x3FAE]  }
0x3d: {  	_ =	shalt  }
0x3e: {  	_ =	shalt  }
0x3f: {  	_ =	shalt  }
0x40: {  	_ =	shalt  }
0x41: {  	_ =	shalt  }
0x42: {  	_ =	shalt  }
0x43: {  	_ =	shalt  }
0x44: {  	_ =	shalt  }
0x45: {  	_ =	shalt  }
0x46: {  	_ =	shalt  }
0x47: {  	_ =	shalt  }
0x48: {  	_ =	shalt  }
0x49: {  	_ =	shalt  }
0x4a: {  	_ =	shalt  }
0x4b: {  	_ =	shalt  }
0x4c: {  	_ =	shalt  }
0x4d: {  	_ =	shalt  }
0x4e: {  	_ =	shalt  }
0x4f: {  	_ =	shalt  }
0x50: {  	_ =	shalt  }
0x51: {  	_ =	shalt  }
0x52: {  	_ =	shalt  }
0x53: {  	_ =	shalt  }
0x54: {  	_ =	shalt  }
0x55: {  	_ =	shalt  }
0x56: {  	_ =	shalt  }
0x57: {  	_ =	shalt  }
0x58: {  	_ =	shalt  }
0x59: {  	_ =	shalt  }
0x5a: {  	_ =	shalt  }
0x5b: {  	_ =	shalt  }
0x5c: {  	_ =	shalt  }
0x5d: {  	_ =	shalt  }
0x5e: {  	_ =	shalt  }
0x5f: {  	_ =	shalt  }
0x60: {  	_ =	shalt  }
0x61: {  	_ =	shalt  }
0x62: {  	_ =	shalt  }
0x63: {  	_ =	shalt  }
0x64: {  	_ =	shalt  }
0x65: {  	_ =	shalt  }
0x66: {  	_ =	shalt  }
0x67: {  	_ =	shalt  }
0x68: {  	_ =	shalt  }
0x69: {  	_ =	shalt  }
0x6a: {  	_ =	shalt  }
0x6b: {  	_ =	shalt  }
0x6c: {  	_ =	shalt  }
0x6d: {  	_ =	shalt  }
0x6e: {  	_ =	shalt  }
0x6f: {  	_ =	shalt  }
0x70: {  	_ =	shalt  }
0x71: {  	_ =	shalt  }
0x72: {  	_ =	shalt  }
0x73: {  	_ =	shalt  }
0x74: {  	_ =	shalt  }
0x75: {  	_ =	shalt  }
0x76: {  	_ =	shalt  }
0x77: {  	_ =	shalt  }
0x78: {  	_ =	shalt  }
0x79: {  	_ =	shalt  }
0x7a: {  	_ =	shalt  }
0x7b: {  	_ =	shalt  }
0x7c: {  	_ =	shalt  }
0x7d: {  	_ =	shalt  }
0x7e: {  	_ =	shalt  }
0x7f: {  	_ =	shalt  }
0x80: {  	_ =	shalt  }
0x81: {  	_ =	shalt  }
0x82: {  	_ =	shalt  }
0x83: {  	_ =	shalt  }
0x84: {  	_ =	shalt  }
0x85: {  	_ =	shalt  }
0x86: {  	_ =	shalt  }
0x87: {  	_ =	shalt  }
.Lfunc_end0:
.L_simem_size_0:
called_computation.2_lowered:
.L_overlay_start_0:
0x88: {  	s2 =	sld [smem:$0x3FD9]  }
0x89: {  	s3 =	sld [smem:$0x3FFE];
	_ =	sdelay $0x1  }
0x8a: {  	s1 =	srdreg.scid  }
0x8b: {  	s0 =	sand.u32 $0x1, s1  }
0x8c: {  	s16 =	sshll.u32 s0, $0xA;
	s2 =	sadd.s32 s3, s2  }
0x8d: {  	s2 =	sadd.s32 s2, s16  }
0x8e: {  	[smem:$0x3FBA] =	sst s2  }
0x8f: {  	_ = 	snop  }
0x90: {  	(tm) =	ssettm $0x1  }
0x91: {  	s17 =	sld [smem:$0x3FFB];
	_ =	sdelay $0x3  }
0x92: {  	_ =	strace s17  }
0x93: {  	s2 =	sld [smem:$0x3FFC];
	_ =	sdelay $0x3  }
0x94: {  	_ =	strace s2  }
0x95: {  	s2 =	sld [smem:$0x3FFD];
	_ =	sdelay $0x3  }
0x96: {  	_ =	strace s2  }
0x97: {  	_ =	strace $0x8FFFFFFF  }
0x98: {  	s18 =	sld [smem:$0x3FDB];
	_ =	sdelay $0x1  }
0x99: {  	s19 =	simm.s32 $_scs_section_size  }
0x9a: {  	s4 =	simm.s32 $_size__tile_overlayer_lowered;
	s5 =	simm.s32 $_tile_overlayer_lowered  }
0x9b: {  	s22 =	simm.s32 $0x1BFF;
	s21 =	sshll.u32 s5, $0x1;
	s2 =	sadd.s32 s19, s18  }
0x9c: {  	s6 =	simm.s32 $0x0;
	s20 =	sshll.u32 s4, $0x1;
	s4 =	sadd.s32 s21, s2  }
0x9d: {  	[timem:s6], [sflag:s22] =	dma.local [hbm:s4], s20  }
0x9e: {  	_ =	swait.ge [sflag:s22], s20  }
0x9f: {  	s3 =	ssub.s32 $0x0, s20;
	[sflag:s22] =	ssyncset.done $0x0  }
0xa0: {  	[sflag:s22] =	ssyncadd.s32 s3;
	_ =	sdelay $0x1  }
0xa1: {  	s23 =	simm.s32 $0x1B8B  }
0xa2: {  	_ =	swait.ge [sflag:s23], $0x1  }
0xa3: {  	[sflag:s23] =	ssyncset.done $0x0  }
0xa4: {  	s25 =	simm.s32 $0x1B8E;
	s24 =	sld [smem:$0x3FFE];
	[sflag:s23] =	ssyncadd.s32 $0xFFFFFFFF  }
0xa5: {  	s26 =	simm.s32 $execute0_lowered;
	[smem:$0x3FD2] =	sst s25  }
0xa6: {  	s4 =	sshll.u32 s26, $0x1;
	_ =	strace $0x8000004C;
	[dreg:$0x1] =	wrdreg $0xFFFFFFFF  }
0xa7: {  	s28 =	simm.s32 $_size_execute0_lowered;
	s2 =	sadd.s32 s2, s4;
	[dreg:$0x0] =	wrdreg $0x0  }
0xa8: {  	s4 =	sshll.u32 s28, $0x1;
	[dreg:$0x2] =	wrdreg s2  }
0xa9: {  	[dreg:$0x3] =	wrdreg s4  }
0xaa: {  	[dreg:$0x4] =	wrdreg $0xC0  }
0xab: {  	_ =	task [dreg:s6], $0x5FFFF  }
0xac: {  	[dreg:$0x1] =	wrdreg $0xFFFFFFFF  }
0xad: {  	[dreg:$0x0] =	wrdreg $0x60  }
0xae: {  	[dreg:$0x2] =	wrdreg s24  }
0xaf: {  	[dreg:$0x3] =	wrdreg $0x90000  }
0xb0: {  	[dreg:$0x4] =	wrdreg $0x9  }
0xb1: {  	_ =	task.clear_ibuf [dreg:s6], $0x5FFFF;
	_ =	strace $0x9000004C  }
0xb2: {  	s29 =	simm.s32 $0x9;
	_ =	strace $0x8000004E  }
0xb3: {  	_ =	swait.ge [sflag:s29], $0x1  }
0xb4: {  	[sflag:s29] =	ssyncadd.s32 $0xFFFFFFFF  }
0xb5: {  	_ =	strace $0x9000004E  }
0xb6: {  	_ =	sfence  }
0xb7: {  	s30 =	sld [smem:$0x0];
	_ =	sdelay $0x2  }
0xb8: {  	s31 =	sshll.u32 s1, $0xD;
	s1 =	sshrl.u32 s1, $0x2  }
0xb9: {  	s3 =	sand.u32 $0x4000, s31;
	s1 =	sadd.s32 s1, s30  }
0xba: {  	s0 =	sor.u32 s3, s0;
	s1 =	sshll.u32 s1, $0x11  }
0xbb: {  	s0 =	sor.u32 s1, s0  }
0xbc: {  	s0 =	sadd.s32 $0x8F2B, s0  }
0xbd: {  	[sflag:s0] =	ssyncadd.remote.s32 $0x1  }
0xbe: {  	_ =	sfence.sel $0xFFFF  }
0xbf: {  	[dreg:$0x0] =	wrdreg $0xFFFFFFFF;
	(pc) =	sbr.abs _section_cstart, $3  }
0xc0: {  	[dreg:$0x1] =	wrdreg $0xFFFFFFFF  }
0xc1: {  	_ =	task.clear_ibuf [dreg:s6], $0x2FFFF;
	_ =	strace $0x9FFFFFFF  }
0xc2: {  	(tm) =	ssettm $0x7FFFFFFF  }
0xc3: {  	_ =	shalt  }
tec
execute0_lowered:
.L_overlay_start_1:
0x0: {  	(tag) =	ssettag $0x1  }
0x1: {  	s0 =	srdreg.scid;
	s6 =	rddreg [dreg:$0x0]  }
0x2: {  	s2 =	rddreg [dreg:$0x1];
	s1 =	stileid.u32;
	s3 =	simm.s32 $0x0  }
0x3: {  	s13 =	simm.s32 $0x80;
	s14 =	simm.s32 $0x5000;
	s15 =	simm.s32 $0x1  }
0x4: {  	s5 =	sand.u32 $0x1, s0;
	s0 =	rddreg [dreg:$0x2];
	s10 =	smul.u32 $0x50000, s1  }
0x5: {  	[smem:$0x7FF] =	sst s3;
	s17 =	smul.u32 $0x2800, s1;
	s11 =	sshll.u32 s1, $0x6  }
0x6: {  	s4 =	sshll.u32 s5, $0x4;
	_ =	strace $0x8000004D;
	s8 =	smul.u32 $0x28000, s5  }
0x7: {  	s9 =	ssub.s32 $0x2, s5;
	s5 =	sadd.s32 $0x42400, s6;
	s11 =	sor.u32 $0x1C02, s11  }
0x8: {  	s4 =	sor.u32 s1, s4;
	s31 =	sshrl.u32 s9, $0x1;
	s10 =	sshrl.u32 s10, $0x2  }
0x9: {  	s7 =	smul.u32 $0x500, s4;
	s4 =	sadd.s32 $0x1A400, s6;
	s8 =	sadd.s32 s8, s6  }
0xa: {  	s9 =	ssub.s32 s9, s31;
	s12 =	sadd.s32 s10, s2;
	s10 =	simm.s32 $0x2800  }
0xb: {  	s16 =	sadd.s32 $0x44C00, s8;
	s8 =	smax.u32 s9, $0x1;
	s9 =	simm.s32 $0x2  }
0xc: {  	s12 =	sshrl.u32 s12, $0x3;
	s7 =	sadd.s32 s7, s6;
	s16 =	sadd.s32 s17, s16  }
0xd: {  	s17 =	simm.s32 $0x0;
	s6 =	sadd.s32 $0x10400, s7;
	s7 =	sadd.s32 $0x6400, s7  }
.LBB2_1:
0xe: {  	[tilespmem:s3], [sflag:$0x2] =	stream.linear.gather [hbm4b:s6+s3], $0x2800, $0x38;
	[tilespmem:$0x1D000] =	vst v63  }
0xf: {  	_ =	swait.ge [sflag:s9], $0x2800  }
0x10: {  	[sflag:s9] =	ssyncset.done $0x0  }
0x11: {  	[sflag:s9] =	ssyncadd.s32 $0xFFFFD800  }
0x12: {  	[tilespmem:s10], [sflag:$0x2] =	stream.linear.gather [hbm4b:s7+s3], $0x2800, $0x38;
	[tilespmem:$0x1D000] =	vst v63  }
0x13: {  	_ =	swait.ge [sflag:s9], $0x2800  }
0x14: {  	[sflag:s9] =	ssyncset.done $0x0  }
0x15: {  	[sflag:s9] =	ssyncadd.s32 $0xFFFFD800  }
0x16: {  	[spmem:s12], [sflag:s11] =	dma.local [hbm:s5], $0x2800  }
0x17: {  	_ =	swait.ge [sflag:s9], $0x2800  }
0x18: {  	[sflag:s9] =	ssyncset.done $0x0  }
0x19: {  	[sflag:s9] =	ssyncadd.s32 $0xFFFFD800  }
0x1a: {  	s18 =	simm.s32 $0x0;
	[bflag:$0x0] =	sbarrier.arrive $0xFFFF  }
0x1b: {  	[tilespmem:s14], [sflag:$0x1] =	stream.indirect.gather [hbm4b:s4+s13], $0x80, s18, s13, $0xb8;
	[tilespmem:$0x1D000] =	vst v63  }
0x1c: {  	_ =	swait.ge [sflag:s15], $0x4000  }
0x1d: {  	[sflag:s15] =	ssyncset.done $0x0  }
0x1e: {  	s31 =	simm.s32 $0x2800;
	[sflag:s15] =	ssyncadd.s32 $0xFFFFC000  }
0x1f: {  	[spmem:s2] =	stream.indirect.scatter.add.f32 [tilespmem:s14], [sflag:$0x2], $0x80, s31, s13, $0xb8;
	[tilespmem:$0x1D000] =	vst v63  }
0x20: {  	_ =	swait.ge [sflag:s9], $0x4000  }
0x21: {  	s19 =	simm.s32 $0x400;
	s18 =	simm.s32 $0x200;
	[sflag:s9] =	ssyncset.done $0x0  }
.LBB2_2:
0x22: {  	s20 =	sshra.s32 s18, $0x2  }
0x23: {  	[sflag:s9] =	ssyncadd.s32 $0xFFFFC000;
	s18 =	smov.u32 s19;
	s21 =	sadd.s32 $0x200, s19  }
0x24: {  	[tilespmem:s14], [sflag:$0x1] =	stream.indirect.gather [hbm4b:s4+s13], $0x80, s20, s13, $0xb8;
	[tilespmem:$0x1D000] =	vst v63  }
0x25: {  	p0 =	sne.s32 s19, $0x9E00;
	_ =	swait.ge [sflag:s15], $0x4000  }
.Ltmp0:
0x26: {  	[sflag:s15] =	ssyncset.done $0x0;
	(pc) =	sbr.rel @p0 .LBB2_2-.Ltmp0, $4  }
0x27: {  	s19 =	sadd.s32 $0x2800, s20;
	[sflag:s15] =	ssyncadd.s32 $0xFFFFC000  }
0x28: {  	[spmem:s2] =	stream.indirect.scatter.add.f32 [tilespmem:s14], [sflag:$0x2], $0x80, s19, s13, $0xb8;
	[tilespmem:$0x1D000] =	vst v63  }
0x29: {  	_ =	swait.ge [sflag:s9], $0x4000  }
0x2a: {  	s19 =	smov.u32 s21;
	[sflag:s9] =	ssyncset.done $0x0  }
0x2b: {  	s18 =	sshra.s32 s18, $0x2;
	[sflag:s9] =	ssyncadd.s32 $0xFFFFC000  }
0x2c: {  	[tilespmem:s14], [sflag:$0x1] =	stream.indirect.gather [hbm4b:s4+s13], $0x80, s18, s13, $0xb8;
	[tilespmem:$0x1D000] =	vst v63  }
0x2d: {  	_ =	swait.ge [sflag:s15], $0x4000  }
0x2e: {  	[sflag:s15] =	ssyncset.done $0x0  }
0x2f: {  	s18 =	sadd.s32 $0x2800, s18;
	[sflag:s15] =	ssyncadd.s32 $0xFFFFC000  }
0x30: {  	[spmem:s2] =	stream.indirect.scatter.add.f32 [tilespmem:s14], [sflag:$0x2], $0x80, s18, s13, $0xb8;
	[tilespmem:$0x1D000] =	vst v63  }
0x31: {  	_ =	swait.ge [sflag:s9], $0x4000  }
0x32: {  	s17 =	sadd.s32 $0x1, s17;
	[sflag:s9] =	ssyncset.done $0x0  }
0x33: {  	p0 =	sne.s32 s17, s8;
	[sflag:s9] =	ssyncadd.s32 $0xFFFFC000  }
.Ltmp1:
0x34: {  	[bflag:$0x0] =	sbarrier.arrive $0xFFFF;
	(pc) =	sbr.rel @p0 .LBB2_1-.Ltmp1, $4  }
0x35: {  	[hbm:s16], [sflag:s11] =	dma.local [spmem:s12], $0x2800  }
0x36: {  	_ =	swait.ge [sflag:s9], $0x2800  }
0x37: {  	[sflag:s9] =	ssyncset.done $0x0  }
0x38: {  	[sflag:s9] =	ssyncadd.s32 $0xFFFFD800  }
0x39: {  	_ =	sfence.sel $0x180000  }
0x3a: {  	[bflag:$0x0] =	sbarrier.arrive $0xFFFF  }
0x3b: {  	p0 =	sne.s32 s1, $0x0;
	_ =	strace $0x9000004D  }
0x3c: {  	s0 =	sadd.s32 @!p0 $0x100000, s0;
	[bflag:$0x2] =	sbarrier.arrive $0xFFFF  }
0x3d: {  	[sflag:s0] =	ssyncadd.tile.s32 @!p0 $0x1;
	_ =	shalt  }
.Lfunc_end2:
_tile_overlayer_lowered:
.L_overlay_start_2:
0x3e: {  	(tag) =	ssettag $0x2  }
0x3f: {  	s0 =	rddreg [dreg:$0x0];
	s2 =	stileid.u32  }
0x40: {  	s1 =	rddreg [dreg:$0x1];
	p0 =	sne.s32 s2, $0x0  }
0x41: {  	s3 =	rddreg [dreg:$0x2];
	[bflag:$0x3] =	sbarrier.arrive $0xFFFF;
	s2 =	simm.s32 @!p0 $0x1C02  }
0x42: {  	[timem:s3], [sflag:s2] =	dma.local @!p0 [hbm:s0], s1  }
0x43: {  	s0 =	simm.s32 @!p0 $0x2  }
0x44: {  	_ =	swait.ge @!p0 [sflag:s0], s1  }
0x45: {  	s1 =	ssub.s32 @!p0 $0x0, s1;
	[sflag:s0] =	ssyncset.done @!p0 $0x0  }
0x46: {  	[sflag:s0] =	ssyncadd.s32 @!p0 s1  }
0x47: {  	[bflag:$0x3] =	sbarrier.arrive $0xFFFF  }
0x48: {  	_ =	shalt  }

// kernel: kernel.25.cloned.1.call-start
scs
__scs_entry_jumppad:
0x0: {  	(pc) =	sbr.rel $0x88, $3  }
0x1: {  	(tag) =	ssettag $0x0;
	lr =	simm.s32 $0x1  }
0x2: {  	[smem:$0x3F93] =	sst lr;
	_ =	strace $0xD0000000  }
0x3: {  	_ = 	snop  }
0x4: {  	_ = 	snop  }
0x5: {  	_ = 	snop  }
0x6: {  	_ = 	snop  }
0x7: {  	_ = 	snop  }
__scs_overlays_trampoline_lowered:
0x8: {  	[smem:$0x3FA2] =	sst s0  }
0x9: {  	[smem:$0x3FA3] =	sst s1  }
0xa: {  	[smem:$0x3FA4] =	sst s2  }
0xb: {  	[smem:$0x3FA5] =	sst s3  }
0xc: {  	[smem:$0x3FA6] =	sst s4  }
0xd: {  	[smem:$0x3FA7] =	sst s5  }
0xe: {  	[smem:$0x3FA8] =	sst s6  }
0xf: {  	[smem:$0x3FA9] =	sst s7  }
0x10: {  	[smem:$0x3FAA] =	sst s8  }
0x11: {  	[smem:$0x3FAB] =	sst s9;
	s0 =	simm.s32 @!p0 $0x0  }
0x12: {  	s1 =	sld [smem:$0x3F91];
	s0 =	simm.s32 @p0 $0x1  }
0x13: {  	[smem:$0x3FAC] =	sst s0;
	s0 =	simm.s32 @!p1 $0x0  }
0x14: {  	s2 =	sld [smem:$0x3F90];
	s0 =	simm.s32 @p1 $0x1  }
0x15: {  	[smem:$0x3FAD] =	sst s0;
	s0 =	simm.s32 @!p2 $0x0  }
0x16: {  	s3 =	sld [smem:$0x3FDB];
	s0 =	simm.s32 @p2 $0x1  }
0x17: {  	s4 =	simm.s32 $0x1BF5;
	[smem:$0x3FAF] =	sst s0  }
0x18: {  	s0 =	sld [smem:$0x3F92];
	_ =	swait.ge [sflag:s4], $0x0  }
0x19: {  	s7 =	sld [smem:$0x3F93]  }
0x1a: {  	s8 =	sadd.s32 $0xFFFFE003, lr  }
0x1b: {  	s9 =	sadd.s32 $0xFFFFFEF7, lr;
	s5 =	simm.s32 $0xFFFFFFFF;
	p2 =	slt.u32 s8, $0xFFFFF086  }
0x1c: {  	p1 =	slt.u32 s9, $0xF7A;
	s5 =	simm.s32 @!p2 $0x0  }
0x1d: {  	s5 =	simm.s32 @p1 $0x1;
	p0 =	seq.s32 s7, s2  }
0x1e: {  	s7 =	smul.u32 @!p0 $0xF7A, s2;
	p2 =	seq.s32 @!p0 s5, $0x0  }
0x1f: {  	s9 =	smul.u32 $0xF7A, s1;
	s8 =	simm.s32 @!p0 $0x1BF5;
	p2 =	por !p2, p0  }
0x20: {  	[sflag:s8] =	ssyncset.s32 @!p0 $0xFFFFF086;
	s6 =	sadd.s32 @!p0 s3, s7;
	s7 =	simm.s32 @!p0 $0x108  }
0x21: {  	s3 =	sadd.s32 s3, s9;
	s6 =	sadd.s32 @!p0 $0x88, s6;
	s7 =	simm.s32 @p2 $0x1082  }
0x22: {  	[simem:s7], [sflag:s8] =	dma.local @!p0 [hbm:s6], $0xF7A  }
0x23: {  	s9 =	sor.u32 $0xD0000000, s2;
	s6 =	simm.s32 $0x108;
	_ =	swait.ge @!p0 [sflag:s8], $0x0  }
0x24: {  	s3 =	sadd.s32 $0x88, s3;
	s6 =	simm.s32 @!p1 $0x1082;
	[sflag:s4] =	ssyncset.s32 $0xFFFFF086  }
0x25: {  	[simem:s6], [sflag:s4] =	dma.local [hbm:s3], $0xF7A  }
0x26: {  	[smem:$0x3F93] =	sst s1;
	(tag) =	ssettag s2;
	_ =	strace s9  }
0x27: {  	s1 =	sld [smem:$0x3FA3]  }
0x28: {  	s2 =	sld [smem:$0x3FA4]  }
0x29: {  	s4 =	sld [smem:$0x3FA6]  }
0x2a: {  	p0 =	seq.s32 s5, $0x0;
	s5 =	sld [smem:$0x3FA7]  }
0x2b: {  	s6 =	sld [smem:$0x3FA8]  }
0x2c: {  	s7 =	sld [smem:$0x3FA9]  }
0x2d: {  	s3 =	simm.s32 $0x108;
	s8 =	sld [smem:$0x3FAA]  }
0x2e: {  	s3 =	simm.s32 @!p0 $0x1082;
	s9 =	sld [smem:$0x3FAB]  }
0x2f: {  	lr =	sadd.s32 s0, s3;
	s0 =	sld [smem:$0x3FA2]  }
0x30: {  	s3 =	sld [smem:$0x3FA5]  }
0x31: {  	[smem:$0x3FAE] =	sst s10  }
0x32: {  	s10 =	sld [smem:$0x3FAC];
	_ =	sdelay $0x3  }
0x33: {  	p0 =	seq.s32 s10, $0x1;
	s10 =	sld [smem:$0x3FAE];
	_ =	sdelay $0x3  }
0x34: {  	[smem:$0x3FAE] =	sst s10  }
0x35: {  	s10 =	sld [smem:$0x3FAD];
	_ =	sdelay $0x3  }
0x36: {  	p1 =	seq.s32 s10, $0x1;
	s10 =	sld [smem:$0x3FAE];
	_ =	sdelay $0x3  }
0x37: {  	[smem:$0x3FAE] =	sst s10  }
0x38: {  	s10 =	sld [smem:$0x3FAF]  }
0x39: {  	_ = 	snop;
	(pc) =	sbr.ind lr, $3  }
0x3a: {  	_ = 	snop  }
0x3b: {  	_ = 	snop  }
0x3c: {  	p2 =	seq.s32 s10, $0x1;
	s10 =	sld [smem:$0x3FAE]  }
0x3d: {  	_ =	shalt  }
0x3e: {  	_ =	shalt  }
0x3f: {  	_ =	shalt  }
0x40: {  	_ =	shalt  }
0x41: {  	_ =	shalt  }
0x42: {  	_ =	shalt  }
0x43: {  	_ =	shalt  }
0x44: {  	_ =	shalt  }
0x45: {  	_ =	shalt  }
0x46: {  	_ =	shalt  }
0x47: {  	_ =	shalt  }
0x48: {  	_ =	shalt  }
0x49: {  	_ =	shalt  }
0x4a: {  	_ =	shalt  }
0x4b: {  	_ =	shalt  }
0x4c: {  	_ =	shalt  }
0x4d: {  	_ =	shalt  }
0x4e: {  	_ =	shalt  }
0x4f: {  	_ =	shalt  }
0x50: {  	_ =	shalt  }
0x51: {  	_ =	shalt  }
0x52: {  	_ =	shalt  }
0x53: {  	_ =	shalt  }
0x54: {  	_ =	shalt  }
0x55: {  	_ =	shalt  }
0x56: {  	_ =	shalt  }
0x57: {  	_ =	shalt  }
0x58: {  	_ =	shalt  }
0x59: {  	_ =	shalt  }
0x5a: {  	_ =	shalt  }
0x5b: {  	_ =	shalt  }
0x5c: {  	_ =	shalt  }
0x5d: {  	_ =	shalt  }
0x5e: {  	_ =	shalt  }
0x5f: {  	_ =	shalt  }
0x60: {  	_ =	shalt  }
0x61: {  	_ =	shalt  }
0x62: {  	_ =	shalt  }
0x63: {  	_ =	shalt  }
0x64: {  	_ =	shalt  }
0x65: {  	_ =	shalt  }
0x66: {  	_ =	shalt  }
0x67: {  	_ =	shalt  }
0x68: {  	_ =	shalt  }
0x69: {  	_ =	shalt  }
0x6a: {  	_ =	shalt  }
0x6b: {  	_ =	shalt  }
0x6c: {  	_ =	shalt  }
0x6d: {  	_ =	shalt  }
0x6e: {  	_ =	shalt  }
0x6f: {  	_ =	shalt  }
0x70: {  	_ =	shalt  }
0x71: {  	_ =	shalt  }
0x72: {  	_ =	shalt  }
0x73: {  	_ =	shalt  }
0x74: {  	_ =	shalt  }
0x75: {  	_ =	shalt  }
0x76: {  	_ =	shalt  }
0x77: {  	_ =	shalt  }
0x78: {  	_ =	shalt  }
0x79: {  	_ =	shalt  }
0x7a: {  	_ =	shalt  }
0x7b: {  	_ =	shalt  }
0x7c: {  	_ =	shalt  }
0x7d: {  	_ =	shalt  }
0x7e: {  	_ =	shalt  }
0x7f: {  	_ =	shalt  }
0x80: {  	_ =	shalt  }
0x81: {  	_ =	shalt  }
0x82: {  	_ =	shalt  }
0x83: {  	_ =	shalt  }
0x84: {  	_ =	shalt  }
0x85: {  	_ =	shalt  }
0x86: {  	_ =	shalt  }
0x87: {  	_ =	shalt  }
.Lfunc_end0:
.L_simem_size_0:
called_computation.3_lowered:
.L_overlay_start_0:
0x88: {  	s2 =	sld [smem:$0x3FD9]  }
0x89: {  	s3 =	sld [smem:$0x3FFE];
	_ =	sdelay $0x1  }
0x8a: {  	s1 =	srdreg.scid  }
0x8b: {  	s0 =	sand.u32 $0x1, s1  }
0x8c: {  	s17 =	sshll.u32 s0, $0xA;
	s2 =	sadd.s32 s3, s2  }
0x8d: {  	s2 =	sadd.s32 s2, s17  }
0x8e: {  	[smem:$0x3FBA] =	sst s2  }
0x8f: {  	_ = 	snop  }
0x90: {  	s2 =	sld [smem:$0x3FD0];
	(tm) =	ssettm $0x1  }
0x91: {  	s18 =	sld [smem:$0x3FFB];
	_ =	sdelay $0x3  }
0x92: {  	_ =	strace s18  }
0x93: {  	s3 =	sld [smem:$0x3FFC];
	_ =	sdelay $0x3  }
0x94: {  	_ =	strace s3  }
0x95: {  	s3 =	sld [smem:$0x3FFD];
	_ =	sdelay $0x3  }
0x96: {  	_ =	strace s3  }
0x97: {  	_ =	strace $0x8FFFFFFF  }
0x98: {  	s19 =	sld [smem:$0x3FDB];
	_ =	sdelay $0x1  }
0x99: {  	s4 =	simm.s32 $_scs_section_size  }
0x9a: {  	s5 =	simm.s32 $_size__tile_overlayer_lowered;
	s6 =	simm.s32 $_tile_overlayer_lowered  }
0x9b: {  	s22 =	simm.s32 $0x1BFF;
	s21 =	sshll.u32 s6, $0x1;
	s3 =	sadd.s32 s4, s19  }
0x9c: {  	s7 =	simm.s32 $0x0;
	s20 =	sshll.u32 s5, $0x1;
	s5 =	sadd.s32 s21, s3  }
0x9d: {  	[timem:s7], [sflag:s22] =	dma.local [hbm:s5], s20  }
0x9e: {  	_ =	swait.ge [sflag:s22], s20  }
0x9f: {  	s4 =	ssub.s32 $0x0, s20;
	[sflag:s22] =	ssyncset.done $0x0  }
0xa0: {  	[sflag:s22] =	ssyncadd.s32 s4;
	_ =	sdelay $0x1  }
0xa1: {  	s23 =	simm.s32 $0x1B8B  }
0xa2: {  	_ =	swait.ge [sflag:s23], $0x1  }
0xa3: {  	[sflag:s23] =	ssyncset.done $0x0  }
0xa4: {  	s25 =	simm.s32 $0x1B8E;
	s24 =	sld [smem:$0x3FFE];
	[sflag:s23] =	ssyncadd.s32 $0xFFFFFFFF  }
0xa5: {  	s26 =	simm.s32 $execute0_lowered;
	[smem:$0x3FD2] =	sst s25  }
0xa6: {  	s5 =	sshll.u32 s26, $0x1;
	_ =	strace $0x8000004F;
	[dreg:$0x1] =	wrdreg $0xFFFFFFFF  }
0xa7: {  	s28 =	simm.s32 $_size_execute0_lowered;
	s3 =	sadd.s32 s3, s5;
	[dreg:$0x0] =	wrdreg $0x0  }
0xa8: {  	s5 =	sshll.u32 s28, $0x1;
	[dreg:$0x2] =	wrdreg s3  }
0xa9: {  	[dreg:$0x3] =	wrdreg s5  }
0xaa: {  	[dreg:$0x4] =	wrdreg $0xC0  }
0xab: {  	_ =	task [dreg:s7], $0x5FFFF  }
0xac: {  	[dreg:$0x1] =	wrdreg $0xFFFFFFFF  }
0xad: {  	[dreg:$0x0] =	wrdreg $0x60  }
0xae: {  	[dreg:$0x2] =	wrdreg s2  }
0xaf: {  	[dreg:$0x3] =	wrdreg s24  }
0xb0: {  	[dreg:$0x4] =	wrdreg $0x90000  }
0xb1: {  	[dreg:$0x5] =	wrdreg $0x9  }
0xb2: {  	_ =	task.clear_ibuf [dreg:s7], $0x6FFFF;
	_ =	strace $0x9000004F  }
0xb3: {  	s29 =	simm.s32 $0x9;
	_ =	strace $0x80000051  }
0xb4: {  	_ =	swait.ge [sflag:s29], $0x1  }
0xb5: {  	[sflag:s29] =	ssyncadd.s32 $0xFFFFFFFF  }
0xb6: {  	_ =	strace $0x90000051  }
0xb7: {  	_ =	sfence  }
0xb8: {  	s30 =	sld [smem:$0x0];
	_ =	sdelay $0x2  }
0xb9: {  	s31 =	sshll.u32 s1, $0xD;
	s1 =	sshrl.u32 s1, $0x2  }
0xba: {  	s3 =	sand.u32 $0x4000, s31;
	s1 =	sadd.s32 s1, s30  }
0xbb: {  	s0 =	sor.u32 s3, s0;
	s1 =	sshll.u32 s1, $0x11  }
0xbc: {  	s0 =	sor.u32 s1, s0  }
0xbd: {  	s0 =	sadd.s32 $0x8F2B, s0  }
0xbe: {  	[sflag:s0] =	ssyncadd.remote.s32 $0x1  }
0xbf: {  	_ =	sfence.sel $0xFFFF  }
0xc0: {  	[dreg:$0x0] =	wrdreg $0xFFFFFFFF;
	(pc) =	sbr.abs _section_cstart, $3  }
0xc1: {  	[dreg:$0x1] =	wrdreg $0xFFFFFFFF  }
0xc2: {  	_ =	task.clear_ibuf [dreg:s7], $0x2FFFF;
	_ =	strace $0x9FFFFFFF  }
0xc3: {  	(tm) =	ssettm $0x7FFFFFFF  }
tec
execute0_lowered:
.L_overlay_start_1:
0x0: {  	(tag) =	ssettag $0x1  }
0x1: {  	s1 =	rddreg [dreg:$0x0]  }
0x2: {  	s6 =	rddreg [dreg:$0x1]  }
0x3: {  	s0 =	srdreg.scid;
	s3 =	rddreg [dreg:$0x2]  }
0x4: {  	s4 =	simm.s32 $0x0;
	s14 =	simm.s32 $0x80;
	s15 =	simm.s32 $0x5000  }
0x5: {  	s19 =	simm.s32 $0x0;
	s5 =	sand.u32 $0x1, s0;
	s0 =	stileid.u32  }
0x6: {  	[smem:$0x7FF] =	sst s4;
	s2 =	sshll.u32 s5, $0x4;
	s8 =	smul.u32 $0x50000, s5  }
0x7: {  	s9 =	ssub.s32 $0x2, s5;
	s10 =	smul.u32 $0x50000, s0;
	s5 =	sadd.s32 $0x42400, s6  }
0x8: {  	s17 =	smul.u32 $0x2800, s0;
	s12 =	sshll.u32 s0, $0x6;
	s7 =	sor.u32 s0, s2  }
0x9: {  	s2 =	rddreg [dreg:$0x3];
	_ =	strace $0x80000050;
	s11 =	sshrl.u32 s9, $0x1  }
0xa: {  	s12 =	sor.u32 $0x1C02, s12;
	s7 =	smul.u32 $0x500, s7;
	s8 =	sadd.s32 s8, s6  }
0xb: {  	s9 =	ssub.s32 s9, s11;
	s10 =	sshrl.u32 s10, $0x2;
	s11 =	simm.s32 $0x2800  }
0xc: {  	s13 =	sadd.s32 s10, s3;
	s16 =	sadd.s32 $0x94C00, s8;
	s8 =	sadd.s32 $0x28000, s1  }
0xd: {  	s9 =	smax.u32 s9, $0x1;
	s10 =	simm.s32 $0x2;
	s7 =	sadd.s32 s7, s6  }
0xe: {  	s13 =	sshrl.u32 s13, $0x3;
	s16 =	sadd.s32 s17, s16;
	s17 =	simm.s32 $0x1  }
0xf: {  	s6 =	sadd.s32 $0x10400, s7;
	s7 =	sadd.s32 $0x6400, s7;
	s18 =	sadd.s32 $0x28000, s16  }
.LBB2_1:
0x10: {  	[tilespmem:s4], [sflag:$0x2] =	stream.linear.gather [hbm4b:s6+s4], $0x2800, $0x38;
	[tilespmem:$0x1D000] =	vst v63  }
0x11: {  	_ =	swait.ge [sflag:s10], $0x2800  }
0x12: {  	[sflag:s10] =	ssyncset.done $0x0  }
0x13: {  	[sflag:s10] =	ssyncadd.s32 $0xFFFFD800  }
0x14: {  	[tilespmem:s11], [sflag:$0x2] =	stream.linear.gather [hbm4b:s7+s4], $0x2800, $0x38;
	[tilespmem:$0x1D000] =	vst v63  }
0x15: {  	_ =	swait.ge [sflag:s10], $0x2800  }
0x16: {  	[sflag:s10] =	ssyncset.done $0x0  }
0x17: {  	[sflag:s10] =	ssyncadd.s32 $0xFFFFD800  }
0x18: {  	[spmem:s13], [sflag:s12] =	dma.local [hbm:s5], $0x2800  }
0x19: {  	_ =	swait.ge [sflag:s10], $0x2800  }
0x1a: {  	[sflag:s10] =	ssyncset.done $0x0  }
0x1b: {  	[sflag:s10] =	ssyncadd.s32 $0xFFFFD800  }
0x1c: {  	s20 =	simm.s32 $0x0;
	[bflag:$0x0] =	sbarrier.arrive $0xFFFF  }
0x1d: {  	[tilespmem:s15], [sflag:$0x1] =	stream.indirect.gather [hbm4b:s1+s14], $0x80, s20, s14, $0xb8;
	[tilespmem:$0x1D000] =	vst v63  }
0x1e: {  	_ =	swait.ge [sflag:s17], $0x4000  }
0x1f: {  	[sflag:s17] =	ssyncset.done $0x0  }
0x20: {  	s31 =	simm.s32 $0x2800;
	[sflag:s17] =	ssyncadd.s32 $0xFFFFC000  }
0x21: {  	[spmem:s3] =	stream.indirect.scatter.add.f32 [tilespmem:s15], [sflag:$0x2], $0x80, s31, s14, $0xb8;
	[tilespmem:$0x1D000] =	vst v63  }
0x22: {  	_ =	swait.ge [sflag:s10], $0x4000  }
0x23: {  	s21 =	simm.s32 $0x400;
	s20 =	simm.s32 $0x200;
	[sflag:s10] =	ssyncset.done $0x0  }
.LBB2_2:
0x24: {  	s22 =	sshra.s32 s20, $0x2  }
0x25: {  	[sflag:s10] =	ssyncadd.s32 $0xFFFFC000;
	s20 =	smov.u32 s21;
	s23 =	sadd.s32 $0x200, s21  }
0x26: {  	[tilespmem:s15], [sflag:$0x1] =	stream.indirect.gather [hbm4b:s1+s14], $0x80, s22, s14, $0xb8;
	[tilespmem:$0x1D000] =	vst v63  }
0x27: {  	p0 =	sne.s32 s21, $0x9E00;
	_ =	swait.ge [sflag:s17], $0x4000  }
.Ltmp0:
0x28: {  	[sflag:s17] =	ssyncset.done $0x0;
	(pc) =	sbr.rel @p0 .LBB2_2-.Ltmp0, $4  }
0x29: {  	s21 =	sadd.s32 $0x2800, s22;
	[sflag:s17] =	ssyncadd.s32 $0xFFFFC000  }
0x2a: {  	[spmem:s3] =	stream.indirect.scatter.add.f32 [tilespmem:s15], [sflag:$0x2], $0x80, s21, s14, $0xb8;
	[tilespmem:$0x1D000] =	vst v63  }
0x2b: {  	_ =	swait.ge [sflag:s10], $0x4000  }
0x2c: {  	s21 =	smov.u32 s23;
	[sflag:s10] =	ssyncset.done $0x0  }
0x2d: {  	s20 =	sshra.s32 s20, $0x2;
	[sflag:s10] =	ssyncadd.s32 $0xFFFFC000  }
0x2e: {  	[tilespmem:s15], [sflag:$0x1] =	stream.indirect.gather [hbm4b:s1+s14], $0x80, s20, s14, $0xb8;
	[tilespmem:$0x1D000] =	vst v63  }
0x2f: {  	_ =	swait.ge [sflag:s17], $0x4000  }
0x30: {  	[sflag:s17] =	ssyncset.done $0x0  }
0x31: {  	s20 =	sadd.s32 $0x2800, s20;
	[sflag:s17] =	ssyncadd.s32 $0xFFFFC000  }
0x32: {  	[spmem:s3] =	stream.indirect.scatter.add.f32 [tilespmem:s15], [sflag:$0x2], $0x80, s20, s14, $0xb8;
	[tilespmem:$0x1D000] =	vst v63  }
0x33: {  	_ =	swait.ge [sflag:s10], $0x4000  }
0x34: {  	[sflag:s10] =	ssyncset.done $0x0  }
0x35: {  	[sflag:s10] =	ssyncadd.s32 $0xFFFFC000  }
0x36: {  	[bflag:$0x0] =	sbarrier.arrive $0xFFFF  }
0x37: {  	[hbm:s16], [sflag:s12] =	dma.local [spmem:s13], $0x2800  }
0x38: {  	_ =	swait.ge [sflag:s10], $0x2800  }
0x39: {  	[sflag:s10] =	ssyncset.done $0x0  }
0x3a: {  	[sflag:s10] =	ssyncadd.s32 $0xFFFFD800  }
0x3b: {  	[spmem:s13], [sflag:s12] =	dma.local [hbm:s5], $0x2800  }
0x3c: {  	_ =	swait.ge [sflag:s10], $0x2800  }
0x3d: {  	[sflag:s10] =	ssyncset.done $0x0  }
0x3e: {  	[sflag:s10] =	ssyncadd.s32 $0xFFFFD800  }
0x3f: {  	s30 =	simm.s32 $0x0;
	[bflag:$0x0] =	sbarrier.arrive $0xFFFF  }
0x40: {  	[tilespmem:s15], [sflag:$0x1] =	stream.indirect.gather [hbm4b:s8+s14], $0x80, s30, s14, $0xb8;
	[tilespmem:$0x1D000] =	vst v63  }
0x41: {  	_ =	swait.ge [sflag:s17], $0x4000  }
0x42: {  	[sflag:s17] =	ssyncset.done $0x0  }
0x43: {  	s31 =	simm.s32 $0x2800;
	[sflag:s17] =	ssyncadd.s32 $0xFFFFC000  }
0x44: {  	[spmem:s3] =	stream.indirect.scatter.add.f32 [tilespmem:s15], [sflag:$0x2], $0x80, s31, s14, $0xb8;
	[tilespmem:$0x1D000] =	vst v63  }
0x45: {  	_ =	swait.ge [sflag:s10], $0x4000  }
0x46: {  	s21 =	simm.s32 $0x400;
	s20 =	simm.s32 $0x200;
	[sflag:s10] =	ssyncset.done $0x0  }
.LBB2_4:
0x47: {  	s22 =	sshra.s32 s20, $0x2  }
0x48: {  	[sflag:s10] =	ssyncadd.s32 $0xFFFFC000;
	s20 =	smov.u32 s21;
	s23 =	sadd.s32 $0x200, s21  }
0x49: {  	[tilespmem:s15], [sflag:$0x1] =	stream.indirect.gather [hbm4b:s8+s14], $0x80, s22, s14, $0xb8;
	[tilespmem:$0x1D000] =	vst v63  }
0x4a: {  	p0 =	sne.s32 s21, $0x9E00;
	_ =	swait.ge [sflag:s17], $0x4000  }
.Ltmp1:
0x4b: {  	[sflag:s17] =	ssyncset.done $0x0;
	(pc) =	sbr.rel @p0 .LBB2_4-.Ltmp1, $4  }
0x4c: {  	s21 =	sadd.s32 $0x2800, s22;
	[sflag:s17] =	ssyncadd.s32 $0xFFFFC000  }
0x4d: {  	[spmem:s3] =	stream.indirect.scatter.add.f32 [tilespmem:s15], [sflag:$0x2], $0x80, s21, s14, $0xb8;
	[tilespmem:$0x1D000] =	vst v63  }
0x4e: {  	_ =	swait.ge [sflag:s10], $0x4000  }
0x4f: {  	s21 =	smov.u32 s23;
	[sflag:s10] =	ssyncset.done $0x0  }
0x50: {  	s20 =	sshra.s32 s20, $0x2;
	[sflag:s10] =	ssyncadd.s32 $0xFFFFC000  }
0x51: {  	[tilespmem:s15], [sflag:$0x1] =	stream.indirect.gather [hbm4b:s8+s14], $0x80, s20, s14, $0xb8;
	[tilespmem:$0x1D000] =	vst v63  }
0x52: {  	_ =	swait.ge [sflag:s17], $0x4000  }
0x53: {  	[sflag:s17] =	ssyncset.done $0x0  }
0x54: {  	s20 =	sadd.s32 $0x2800, s20;
	[sflag:s17] =	ssyncadd.s32 $0xFFFFC000  }
0x55: {  	[spmem:s3] =	stream.indirect.scatter.add.f32 [tilespmem:s15], [sflag:$0x2], $0x80, s20, s14, $0xb8;
	[tilespmem:$0x1D000] =	vst v63  }
0x56: {  	_ =	swait.ge [sflag:s10], $0x4000  }
0x57: {  	s19 =	sadd.s32 $0x1, s19;
	[sflag:s10] =	ssyncset.done $0x0  }
0x58: {  	p0 =	sne.s32 s19, s9;
	[sflag:s10] =	ssyncadd.s32 $0xFFFFC000  }
.Ltmp2:
0x59: {  	[bflag:$0x0] =	sbarrier.arrive $0xFFFF;
	(pc) =	sbr.rel @p0 .LBB2_1-.Ltmp2, $4  }
0x5a: {  	[hbm:s18], [sflag:s12] =	dma.local [spmem:s13], $0x2800  }
0x5b: {  	_ =	swait.ge [sflag:s10], $0x2800  }
0x5c: {  	[sflag:s10] =	ssyncset.done $0x0  }
0x5d: {  	[sflag:s10] =	ssyncadd.s32 $0xFFFFD800  }
0x5e: {  	_ =	sfence.sel $0x180000  }
0x5f: {  	[bflag:$0x0] =	sbarrier.arrive $0xFFFF  }
0x60: {  	p0 =	sne.s32 s0, $0x0;
	_ =	strace $0x90000050  }
0x61: {  	s0 =	sadd.s32 @!p0 $0x100000, s2;
	[bflag:$0x2] =	sbarrier.arrive $0xFFFF  }
0x62: {  	[sflag:s0] =	ssyncadd.tile.s32 @!p0 $0x1;
	_ =	shalt  }
.Lfunc_end2:
_tile_overlayer_lowered:
.L_overlay_start_2:
0x63: {  	(tag) =	ssettag $0x2  }
0x64: {  	s0 =	rddreg [dreg:$0x0];
	s2 =	stileid.u32  }
0x65: {  	s1 =	rddreg [dreg:$0x1];
	p0 =	sne.s32 s2, $0x0  }
0x66: {  	s3 =	rddreg [dreg:$0x2];
	[bflag:$0x3] =	sbarrier.arrive $0xFFFF;
	s2 =	simm.s32 @!p0 $0x1C02  }
0x67: {  	[timem:s3], [sflag:s2] =	dma.local @!p0 [hbm:s0], s1  }
0x68: {  	s0 =	simm.s32 @!p0 $0x2  }
0x69: {  	_ =	swait.ge @!p0 [sflag:s0], s1  }
0x6a: {  	s1 =	ssub.s32 @!p0 $0x0, s1;
	[sflag:s0] =	ssyncset.done @!p0 $0x0  }
0x6b: {  	[sflag:s0] =	ssyncadd.s32 @!p0 s1  }
0x6c: {  	[bflag:$0x3] =	sbarrier.arrive $0xFFFF  }
0x6d: {  	_ =	shalt  }

// kernel: kernel.28.cloned.1.call-start
scs
__scs_entry_jumppad:
0x0: {  	(pc) =	sbr.rel $0x88, $3  }
0x1: {  	(tag) =	ssettag $0x0;
	lr =	simm.s32 $0x1  }
0x2: {  	[smem:$0x3F93] =	sst lr;
	_ =	strace $0xD0000000  }
0x3: {  	_ = 	snop  }
0x4: {  	_ = 	snop  }
0x5: {  	_ = 	snop  }
0x6: {  	_ = 	snop  }
0x7: {  	_ = 	snop  }
__scs_overlays_trampoline_lowered:
0x8: {  	[smem:$0x3FA2] =	sst s0  }
0x9: {  	[smem:$0x3FA3] =	sst s1  }
0xa: {  	[smem:$0x3FA4] =	sst s2  }
0xb: {  	[smem:$0x3FA5] =	sst s3  }
0xc: {  	[smem:$0x3FA6] =	sst s4  }
0xd: {  	[smem:$0x3FA7] =	sst s5  }
0xe: {  	[smem:$0x3FA8] =	sst s6  }
0xf: {  	[smem:$0x3FA9] =	sst s7  }
0x10: {  	[smem:$0x3FAA] =	sst s8  }
0x11: {  	[smem:$0x3FAB] =	sst s9;
	s0 =	simm.s32 @!p0 $0x0  }
0x12: {  	s1 =	sld [smem:$0x3F91];
	s0 =	simm.s32 @p0 $0x1  }
0x13: {  	[smem:$0x3FAC] =	sst s0;
	s0 =	simm.s32 @!p1 $0x0  }
0x14: {  	s2 =	sld [smem:$0x3F90];
	s0 =	simm.s32 @p1 $0x1  }
0x15: {  	[smem:$0x3FAD] =	sst s0;
	s0 =	simm.s32 @!p2 $0x0  }
0x16: {  	s3 =	sld [smem:$0x3FDB];
	s0 =	simm.s32 @p2 $0x1  }
0x17: {  	s4 =	simm.s32 $0x1BF5;
	[smem:$0x3FAF] =	sst s0  }
0x18: {  	s0 =	sld [smem:$0x3F92];
	_ =	swait.ge [sflag:s4], $0x0  }
0x19: {  	s7 =	sld [smem:$0x3F93]  }
0x1a: {  	s8 =	sadd.s32 $0xFFFFE003, lr  }
0x1b: {  	s9 =	sadd.s32 $0xFFFFFEF7, lr;
	s5 =	simm.s32 $0xFFFFFFFF;
	p2 =	slt.u32 s8, $0xFFFFF086  }
0x1c: {  	p1 =	slt.u32 s9, $0xF7A;
	s5 =	simm.s32 @!p2 $0x0  }
0x1d: {  	s5 =	simm.s32 @p1 $0x1;
	p0 =	seq.s32 s7, s2  }
0x1e: {  	s7 =	smul.u32 @!p0 $0xF7A, s2;
	p2 =	seq.s32 @!p0 s5, $0x0  }
0x1f: {  	s9 =	smul.u32 $0xF7A, s1;
	s8 =	simm.s32 @!p0 $0x1BF5;
	p2 =	por !p2, p0  }
0x20: {  	[sflag:s8] =	ssyncset.s32 @!p0 $0xFFFFF086;
	s6 =	sadd.s32 @!p0 s3, s7;
	s7 =	simm.s32 @!p0 $0x108  }
0x21: {  	s3 =	sadd.s32 s3, s9;
	s6 =	sadd.s32 @!p0 $0x88, s6;
	s7 =	simm.s32 @p2 $0x1082  }
0x22: {  	[simem:s7], [sflag:s8] =	dma.local @!p0 [hbm:s6], $0xF7A  }
0x23: {  	s9 =	sor.u32 $0xD0000000, s2;
	s6 =	simm.s32 $0x108;
	_ =	swait.ge @!p0 [sflag:s8], $0x0  }
0x24: {  	s3 =	sadd.s32 $0x88, s3;
	s6 =	simm.s32 @!p1 $0x1082;
	[sflag:s4] =	ssyncset.s32 $0xFFFFF086  }
0x25: {  	[simem:s6], [sflag:s4] =	dma.local [hbm:s3], $0xF7A  }
0x26: {  	[smem:$0x3F93] =	sst s1;
	(tag) =	ssettag s2;
	_ =	strace s9  }
0x27: {  	s1 =	sld [smem:$0x3FA3]  }
0x28: {  	s2 =	sld [smem:$0x3FA4]  }
0x29: {  	s4 =	sld [smem:$0x3FA6]  }
0x2a: {  	p0 =	seq.s32 s5, $0x0;
	s5 =	sld [smem:$0x3FA7]  }
0x2b: {  	s6 =	sld [smem:$0x3FA8]  }
0x2c: {  	s7 =	sld [smem:$0x3FA9]  }
0x2d: {  	s3 =	simm.s32 $0x108;
	s8 =	sld [smem:$0x3FAA]  }
0x2e: {  	s3 =	simm.s32 @!p0 $0x1082;
	s9 =	sld [smem:$0x3FAB]  }
0x2f: {  	lr =	sadd.s32 s0, s3;
	s0 =	sld [smem:$0x3FA2]  }
0x30: {  	s3 =	sld [smem:$0x3FA5]  }
0x31: {  	[smem:$0x3FAE] =	sst s10  }
0x32: {  	s10 =	sld [smem:$0x3FAC];
	_ =	sdelay $0x3  }
0x33: {  	p0 =	seq.s32 s10, $0x1;
	s10 =	sld [smem:$0x3FAE];
	_ =	sdelay $0x3  }
0x34: {  	[smem:$0x3FAE] =	sst s10  }
0x35: {  	s10 =	sld [smem:$0x3FAD];
	_ =	sdelay $0x3  }
0x36: {  	p1 =	seq.s32 s10, $0x1;
	s10 =	sld [smem:$0x3FAE];
	_ =	sdelay $0x3  }
0x37: {  	[smem:$0x3FAE] =	sst s10  }
0x38: {  	s10 =	sld [smem:$0x3FAF]  }
0x39: {  	_ = 	snop;
	(pc) =	sbr.ind lr, $3  }
0x3a: {  	_ = 	snop  }
0x3b: {  	_ = 	snop  }
0x3c: {  	p2 =	seq.s32 s10, $0x1;
	s10 =	sld [smem:$0x3FAE]  }
0x3d: {  	_ =	shalt  }
0x3e: {  	_ =	shalt  }
0x3f: {  	_ =	shalt  }
0x40: {  	_ =	shalt  }
0x41: {  	_ =	shalt  }
0x42: {  	_ =	shalt  }
0x43: {  	_ =	shalt  }
0x44: {  	_ =	shalt  }
0x45: {  	_ =	shalt  }
0x46: {  	_ =	shalt  }
0x47: {  	_ =	shalt  }
0x48: {  	_ =	shalt  }
0x49: {  	_ =	shalt  }
0x4a: {  	_ =	shalt  }
0x4b: {  	_ =	shalt  }
0x4c: {  	_ =	shalt  }
0x4d: {  	_ =	shalt  }
0x4e: {  	_ =	shalt  }
0x4f: {  	_ =	shalt  }
0x50: {  	_ =	shalt  }
0x51: {  	_ =	shalt  }
0x52: {  	_ =	shalt  }
0x53: {  	_ =	shalt  }
0x54: {  	_ =	shalt  }
0x55: {  	_ =	shalt  }
0x56: {  	_ =	shalt  }
0x57: {  	_ =	shalt  }
0x58: {  	_ =	shalt  }
0x59: {  	_ =	shalt  }
0x5a: {  	_ =	shalt  }
0x5b: {  	_ =	shalt  }
0x5c: {  	_ =	shalt  }
0x5d: {  	_ =	shalt  }
0x5e: {  	_ =	shalt  }
0x5f: {  	_ =	shalt  }
0x60: {  	_ =	shalt  }
0x61: {  	_ =	shalt  }
0x62: {  	_ =	shalt  }
0x63: {  	_ =	shalt  }
0x64: {  	_ =	shalt  }
0x65: {  	_ =	shalt  }
0x66: {  	_ =	shalt  }
0x67: {  	_ =	shalt  }
0x68: {  	_ =	shalt  }
0x69: {  	_ =	shalt  }
0x6a: {  	_ =	shalt  }
0x6b: {  	_ =	shalt  }
0x6c: {  	_ =	shalt  }
0x6d: {  	_ =	shalt  }
0x6e: {  	_ =	shalt  }
0x6f: {  	_ =	shalt  }
0x70: {  	_ =	shalt  }
0x71: {  	_ =	shalt  }
0x72: {  	_ =	shalt  }
0x73: {  	_ =	shalt  }
0x74: {  	_ =	shalt  }
0x75: {  	_ =	shalt  }
0x76: {  	_ =	shalt  }
0x77: {  	_ =	shalt  }
0x78: {  	_ =	shalt  }
0x79: {  	_ =	shalt  }
0x7a: {  	_ =	shalt  }
0x7b: {  	_ =	shalt  }
0x7c: {  	_ =	shalt  }
0x7d: {  	_ =	shalt  }
0x7e: {  	_ =	shalt  }
0x7f: {  	_ =	shalt  }
0x80: {  	_ =	shalt  }
0x81: {  	_ =	shalt  }
0x82: {  	_ =	shalt  }
0x83: {  	_ =	shalt  }
0x84: {  	_ =	shalt  }
0x85: {  	_ =	shalt  }
0x86: {  	_ =	shalt  }
0x87: {  	_ =	shalt  }
.Lfunc_end0:
.L_simem_size_0:
called_computation.4_lowered:
.L_overlay_start_0:
0x88: {  	s2 =	sld [smem:$0x3FD9]  }
0x89: {  	s3 =	sld [smem:$0x3FFE];
	_ =	sdelay $0x1  }
0x8a: {  	s1 =	srdreg.scid  }
0x8b: {  	s0 =	sand.u32 $0x1, s1  }
0x8c: {  	s16 =	sshll.u32 s0, $0xA;
	s2 =	sadd.s32 s3, s2  }
0x8d: {  	s2 =	sadd.s32 s2, s16  }
0x8e: {  	[smem:$0x3FBA] =	sst s2  }
0x8f: {  	_ = 	snop  }
0x90: {  	(tm) =	ssettm $0x1  }
0x91: {  	s17 =	sld [smem:$0x3FFB];
	_ =	sdelay $0x3  }
0x92: {  	_ =	strace s17  }
0x93: {  	s2 =	sld [smem:$0x3FFC];
	_ =	sdelay $0x3  }
0x94: {  	_ =	strace s2  }
0x95: {  	s2 =	sld [smem:$0x3FFD];
	_ =	sdelay $0x3  }
0x96: {  	_ =	strace s2  }
0x97: {  	_ =	strace $0x8FFFFFFF  }
0x98: {  	s18 =	sld [smem:$0x3FDB];
	_ =	sdelay $0x1  }
0x99: {  	s19 =	simm.s32 $_scs_section_size  }
0x9a: {  	s4 =	simm.s32 $_size__tile_overlayer_lowered;
	s5 =	simm.s32 $_tile_overlayer_lowered  }
0x9b: {  	s22 =	simm.s32 $0x1BFF;
	s21 =	sshll.u32 s5, $0x1;
	s2 =	sadd.s32 s19, s18  }
0x9c: {  	s6 =	simm.s32 $0x0;
	s20 =	sshll.u32 s4, $0x1;
	s4 =	sadd.s32 s21, s2  }
0x9d: {  	[timem:s6], [sflag:s22] =	dma.local [hbm:s4], s20  }
0x9e: {  	_ =	swait.ge [sflag:s22], s20  }
0x9f: {  	s3 =	ssub.s32 $0x0, s20;
	[sflag:s22] =	ssyncset.done $0x0  }
0xa0: {  	[sflag:s22] =	ssyncadd.s32 s3;
	_ =	sdelay $0x1  }
0xa1: {  	s23 =	simm.s32 $0x1B8B  }
0xa2: {  	_ =	swait.ge [sflag:s23], $0x1  }
0xa3: {  	[sflag:s23] =	ssyncset.done $0x0  }
0xa4: {  	s25 =	simm.s32 $0x1B8E;
	s24 =	sld [smem:$0x3FFE];
	[sflag:s23] =	ssyncadd.s32 $0xFFFFFFFF  }
0xa5: {  	s26 =	simm.s32 $execute0_lowered;
	[smem:$0x3FD2] =	sst s25  }
0xa6: {  	s4 =	sshll.u32 s26, $0x1;
	_ =	strace $0x80000052;
	[dreg:$0x1] =	wrdreg $0xFFFFFFFF  }
0xa7: {  	s28 =	simm.s32 $_size_execute0_lowered;
	s2 =	sadd.s32 s2, s4;
	[dreg:$0x0] =	wrdreg $0x0  }
0xa8: {  	s4 =	sshll.u32 s28, $0x1;
	[dreg:$0x2] =	wrdreg s2  }
0xa9: {  	[dreg:$0x3] =	wrdreg s4  }
0xaa: {  	[dreg:$0x4] =	wrdreg $0xC0  }
0xab: {  	_ =	task [dreg:s6], $0x5FFFF  }
0xac: {  	[dreg:$0x1] =	wrdreg $0xFFFFFFFF  }
0xad: {  	[dreg:$0x0] =	wrdreg $0x60  }
0xae: {  	[dreg:$0x2] =	wrdreg s24  }
0xaf: {  	[dreg:$0x3] =	wrdreg $0x90000  }
0xb0: {  	[dreg:$0x4] =	wrdreg $0x9  }
0xb1: {  	_ =	task.clear_ibuf [dreg:s6], $0x5FFFF;
	_ =	strace $0x90000052  }
0xb2: {  	s29 =	simm.s32 $0x9;
	_ =	strace $0x80000054  }
0xb3: {  	_ =	swait.ge [sflag:s29], $0x1  }
0xb4: {  	[sflag:s29] =	ssyncadd.s32 $0xFFFFFFFF  }
0xb5: {  	_ =	strace $0x90000054  }
0xb6: {  	_ =	sfence  }
0xb7: {  	s30 =	sld [smem:$0x0];
	_ =	sdelay $0x2  }
0xb8: {  	s31 =	sshll.u32 s1, $0xD;
	s1 =	sshrl.u32 s1, $0x2  }
0xb9: {  	s3 =	sand.u32 $0x4000, s31;
	s1 =	sadd.s32 s1, s30  }
0xba: {  	s0 =	sor.u32 s3, s0;
	s1 =	sshll.u32 s1, $0x11  }
0xbb: {  	s0 =	sor.u32 s1, s0  }
0xbc: {  	s0 =	sadd.s32 $0x8F2B, s0  }
0xbd: {  	[sflag:s0] =	ssyncadd.remote.s32 $0x1  }
0xbe: {  	_ =	sfence.sel $0xFFFF  }
0xbf: {  	[dreg:$0x0] =	wrdreg $0xFFFFFFFF;
	(pc) =	sbr.abs _section_cstart, $3  }
0xc0: {  	[dreg:$0x1] =	wrdreg $0xFFFFFFFF  }
0xc1: {  	_ =	task.clear_ibuf [dreg:s6], $0x2FFFF;
	_ =	strace $0x9FFFFFFF  }
0xc2: {  	(tm) =	ssettm $0x7FFFFFFF  }
0xc3: {  	_ =	shalt  }
tec
execute0_lowered:
.L_overlay_start_1:
0x0: {  	(tag) =	ssettag $0x1  }
0x1: {  	s0 =	srdreg.scid;
	s8 =	rddreg [dreg:$0x0]  }
0x2: {  	s2 =	rddreg [dreg:$0x1];
	s1 =	stileid.u32  }
0x3: {  	s3 =	simm.s32 $0x0;
	s14 =	simm.s32 $0x80;
	s15 =	simm.s32 $0x5000  }
0x4: {  	s5 =	sand.u32 $0x1, s0;
	s0 =	rddreg [dreg:$0x2];
	s10 =	smul.u32 $0x50000, s1  }
0x5: {  	s19 =	simm.s32 $0x0;
	[smem:$0x7FF] =	sst s3;
	s17 =	smul.u32 $0x2800, s1  }
0x6: {  	s31 =	sshll.u32 s1, $0x6;
	s4 =	sshll.u32 s5, $0x4;
	_ =	strace $0x80000053  }
0x7: {  	s7 =	smul.u32 $0x50000, s5;
	s9 =	ssub.s32 $0x2, s5;
	s5 =	sadd.s32 $0x42400, s8  }
0x8: {  	s4 =	sor.u32 s1, s4;
	s30 =	sshrl.u32 s9, $0x1;
	s10 =	sshrl.u32 s10, $0x2  }
0x9: {  	s6 =	smul.u32 $0x500, s4;
	s4 =	sadd.s32 $0x94C00, s8;
	s12 =	sadd.s32 s7, s8  }
0xa: {  	s9 =	ssub.s32 s9, s30;
	s13 =	sadd.s32 s10, s2;
	s10 =	simm.s32 $0x2  }
0xb: {  	s16 =	sadd.s32 $0xE4C00, s12;
	s9 =	smax.u32 s9, $0x1;
	s12 =	sor.u32 $0x1C02, s31  }
0xc: {  	s13 =	sshrl.u32 s13, $0x3;
	s11 =	sadd.s32 s6, s8;
	s8 =	sadd.s32 $0xBCC00, s8  }
0xd: {  	s16 =	sadd.s32 s17, s16;
	s17 =	simm.s32 $0x1;
	s6 =	sadd.s32 $0x10400, s11  }
0xe: {  	s7 =	sadd.s32 $0x6400, s11;
	s11 =	simm.s32 $0x2800;
	s18 =	sadd.s32 $0x28000, s16  }
.LBB2_1:
0xf: {  	[tilespmem:s3], [sflag:$0x2] =	stream.linear.gather [hbm4b:s6+s3], $0x2800, $0x38;
	[tilespmem:$0x1D000] =	vst v63  }
0x10: {  	_ =	swait.ge [sflag:s10], $0x2800  }
0x11: {  	[sflag:s10] =	ssyncset.done $0x0  }
0x12: {  	[sflag:s10] =	ssyncadd.s32 $0xFFFFD800  }
0x13: {  	[tilespmem:s11], [sflag:$0x2] =	stream.linear.gather [hbm4b:s7+s3], $0x2800, $0x38;
	[tilespmem:$0x1D000] =	vst v63  }
0x14: {  	_ =	swait.ge [sflag:s10], $0x2800  }
0x15: {  	[sflag:s10] =	ssyncset.done $0x0  }
0x16: {  	[sflag:s10] =	ssyncadd.s32 $0xFFFFD800  }
0x17: {  	[spmem:s13], [sflag:s12] =	dma.local [hbm:s5], $0x2800  }
0x18: {  	_ =	swait.ge [sflag:s10], $0x2800  }
0x19: {  	[sflag:s10] =	ssyncset.done $0x0  }
0x1a: {  	[sflag:s10] =	ssyncadd.s32 $0xFFFFD800  }
0x1b: {  	s20 =	simm.s32 $0x0;
	[bflag:$0x0] =	sbarrier.arrive $0xFFFF  }
0x1c: {  	[tilespmem:s15], [sflag:$0x1] =	stream.indirect.gather [hbm4b:s4+s14], $0x80, s20, s14, $0xb8;
	[tilespmem:$0x1D000] =	vst v63  }
0x1d: {  	_ =	swait.ge [sflag:s17], $0x4000  }
0x1e: {  	[sflag:s17] =	ssyncset.done $0x0  }
0x1f: {  	s31 =	simm.s32 $0x2800;
	[sflag:s17] =	ssyncadd.s32 $0xFFFFC000  }
0x20: {  	[spmem:s2] =	stream.indirect.scatter.add.f32 [tilespmem:s15], [sflag:$0x2], $0x80, s31, s14, $0xb8;
	[tilespmem:$0x1D000] =	vst v63  }
0x21: {  	_ =	swait.ge [sflag:s10], $0x4000  }
0x22: {  	s21 =	simm.s32 $0x400;
	s20 =	simm.s32 $0x200;
	[sflag:s10] =	ssyncset.done $0x0  }
.LBB2_2:
0x23: {  	s22 =	sshra.s32 s20, $0x2  }
0x24: {  	[sflag:s10] =	ssyncadd.s32 $0xFFFFC000;
	s20 =	smov.u32 s21;
	s23 =	sadd.s32 $0x200, s21  }
0x25: {  	[tilespmem:s15], [sflag:$0x1] =	stream.indirect.gather [hbm4b:s4+s14], $0x80, s22, s14, $0xb8;
	[tilespmem:$0x1D000] =	vst v63  }
0x26: {  	p0 =	sne.s32 s21, $0x9E00;
	_ =	swait.ge [sflag:s17], $0x4000  }
.Ltmp0:
0x27: {  	[sflag:s17] =	ssyncset.done $0x0;
	(pc) =	sbr.rel @p0 .LBB2_2-.Ltmp0, $4  }
0x28: {  	s21 =	sadd.s32 $0x2800, s22;
	[sflag:s17] =	ssyncadd.s32 $0xFFFFC000  }
0x29: {  	[spmem:s2] =	stream.indirect.scatter.add.f32 [tilespmem:s15], [sflag:$0x2], $0x80, s21, s14, $0xb8;
	[tilespmem:$0x1D000] =	vst v63  }
0x2a: {  	_ =	swait.ge [sflag:s10], $0x4000  }
0x2b: {  	s21 =	smov.u32 s23;
	[sflag:s10] =	ssyncset.done $0x0  }
0x2c: {  	s20 =	sshra.s32 s20, $0x2;
	[sflag:s10] =	ssyncadd.s32 $0xFFFFC000  }
0x2d: {  	[tilespmem:s15], [sflag:$0x1] =	stream.indirect.gather [hbm4b:s4+s14], $0x80, s20, s14, $0xb8;
	[tilespmem:$0x1D000] =	vst v63  }
0x2e: {  	_ =	swait.ge [sflag:s17], $0x4000  }
0x2f: {  	[sflag:s17] =	ssyncset.done $0x0  }
0x30: {  	s20 =	sadd.s32 $0x2800, s20;
	[sflag:s17] =	ssyncadd.s32 $0xFFFFC000  }
0x31: {  	[spmem:s2] =	stream.indirect.scatter.add.f32 [tilespmem:s15], [sflag:$0x2], $0x80, s20, s14, $0xb8;
	[tilespmem:$0x1D000] =	vst v63  }
0x32: {  	_ =	swait.ge [sflag:s10], $0x4000  }
0x33: {  	[sflag:s10] =	ssyncset.done $0x0  }
0x34: {  	[sflag:s10] =	ssyncadd.s32 $0xFFFFC000  }
0x35: {  	[bflag:$0x0] =	sbarrier.arrive $0xFFFF  }
0x36: {  	[hbm:s16], [sflag:s12] =	dma.local [spmem:s13], $0x2800  }
0x37: {  	_ =	swait.ge [sflag:s10], $0x2800  }
0x38: {  	[sflag:s10] =	ssyncset.done $0x0  }
0x39: {  	[sflag:s10] =	ssyncadd.s32 $0xFFFFD800  }
0x3a: {  	[spmem:s13], [sflag:s12] =	dma.local [hbm:s5], $0x2800  }
0x3b: {  	_ =	swait.ge [sflag:s10], $0x2800  }
0x3c: {  	[sflag:s10] =	ssyncset.done $0x0  }
0x3d: {  	[sflag:s10] =	ssyncadd.s32 $0xFFFFD800  }
0x3e: {  	s30 =	simm.s32 $0x0;
	[bflag:$0x0] =	sbarrier.arrive $0xFFFF  }
0x3f: {  	[tilespmem:s15], [sflag:$0x1] =	stream.indirect.gather [hbm4b:s8+s14], $0x80, s30, s14, $0xb8;
	[tilespmem:$0x1D000] =	vst v63  }
0x40: {  	_ =	swait.ge [sflag:s17], $0x4000  }
0x41: {  	[sflag:s17] =	ssyncset.done $0x0  }
0x42: {  	s31 =	simm.s32 $0x2800;
	[sflag:s17] =	ssyncadd.s32 $0xFFFFC000  }
0x43: {  	[spmem:s2] =	stream.indirect.scatter.add.f32 [tilespmem:s15], [sflag:$0x2], $0x80, s31, s14, $0xb8;
	[tilespmem:$0x1D000] =	vst v63  }
0x44: {  	_ =	swait.ge [sflag:s10], $0x4000  }
0x45: {  	s21 =	simm.s32 $0x400;
	s20 =	simm.s32 $0x200;
	[sflag:s10] =	ssyncset.done $0x0  }
.LBB2_4:
0x46: {  	s22 =	sshra.s32 s20, $0x2  }
0x47: {  	[sflag:s10] =	ssyncadd.s32 $0xFFFFC000;
	s20 =	smov.u32 s21;
	s23 =	sadd.s32 $0x200, s21  }
0x48: {  	[tilespmem:s15], [sflag:$0x1] =	stream.indirect.gather [hbm4b:s8+s14], $0x80, s22, s14, $0xb8;
	[tilespmem:$0x1D000] =	vst v63  }
0x49: {  	p0 =	sne.s32 s21, $0x9E00;
	_ =	swait.ge [sflag:s17], $0x4000  }
.Ltmp1:
0x4a: {  	[sflag:s17] =	ssyncset.done $0x0;
	(pc) =	sbr.rel @p0 .LBB2_4-.Ltmp1, $4  }
0x4b: {  	s21 =	sadd.s32 $0x2800, s22;
	[sflag:s17] =	ssyncadd.s32 $0xFFFFC000  }
0x4c: {  	[spmem:s2] =	stream.indirect.scatter.add.f32 [tilespmem:s15], [sflag:$0x2], $0x80, s21, s14, $0xb8;
	[tilespmem:$0x1D000] =	vst v63  }
0x4d: {  	_ =	swait.ge [sflag:s10], $0x4000  }
0x4e: {  	s21 =	smov.u32 s23;
	[sflag:s10] =	ssyncset.done $0x0  }
0x4f: {  	s20 =	sshra.s32 s20, $0x2;
	[sflag:s10] =	ssyncadd.s32 $0xFFFFC000  }
0x50: {  	[tilespmem:s15], [sflag:$0x1] =	stream.indirect.gather [hbm4b:s8+s14], $0x80, s20, s14, $0xb8;
	[tilespmem:$0x1D000] =	vst v63  }
0x51: {  	_ =	swait.ge [sflag:s17], $0x4000  }
0x52: {  	[sflag:s17] =	ssyncset.done $0x0  }
0x53: {  	s20 =	sadd.s32 $0x2800, s20;
	[sflag:s17] =	ssyncadd.s32 $0xFFFFC000  }
0x54: {  	[spmem:s2] =	stream.indirect.scatter.add.f32 [tilespmem:s15], [sflag:$0x2], $0x80, s20, s14, $0xb8;
	[tilespmem:$0x1D000] =	vst v63  }
0x55: {  	_ =	swait.ge [sflag:s10], $0x4000  }
0x56: {  	s19 =	sadd.s32 $0x1, s19;
	[sflag:s10] =	ssyncset.done $0x0  }
0x57: {  	p0 =	sne.s32 s19, s9;
	[sflag:s10] =	ssyncadd.s32 $0xFFFFC000  }
.Ltmp2:
0x58: {  	[bflag:$0x0] =	sbarrier.arrive $0xFFFF;
	(pc) =	sbr.rel @p0 .LBB2_1-.Ltmp2, $4  }
0x59: {  	[hbm:s18], [sflag:s12] =	dma.local [spmem:s13], $0x2800  }
0x5a: {  	_ =	swait.ge [sflag:s10], $0x2800  }
0x5b: {  	[sflag:s10] =	ssyncset.done $0x0  }
0x5c: {  	[sflag:s10] =	ssyncadd.s32 $0xFFFFD800  }
0x5d: {  	_ =	sfence.sel $0x180000  }
0x5e: {  	[bflag:$0x0] =	sbarrier.arrive $0xFFFF  }
0x5f: {  	p0 =	sne.s32 s1, $0x0;
	_ =	strace $0x90000053  }
0x60: {  	s0 =	sadd.s32 @!p0 $0x100000, s0;
	[bflag:$0x2] =	sbarrier.arrive $0xFFFF  }
0x61: {  	[sflag:s0] =	ssyncadd.tile.s32 @!p0 $0x1;
	_ =	shalt  }
.Lfunc_end2:
_tile_overlayer_lowered:
.L_overlay_start_2:
0x62: {  	(tag) =	ssettag $0x2  }
0x63: {  	s0 =	rddreg [dreg:$0x0];
	s2 =	stileid.u32  }
0x64: {  	s1 =	rddreg [dreg:$0x1];
	p0 =	sne.s32 s2, $0x0  }
0x65: {  	s3 =	rddreg [dreg:$0x2];
	[bflag:$0x3] =	sbarrier.arrive $0xFFFF;
	s2 =	simm.s32 @!p0 $0x1C02  }
0x66: {  	[timem:s3], [sflag:s2] =	dma.local @!p0 [hbm:s0], s1  }
0x67: {  	s0 =	simm.s32 @!p0 $0x2  }
0x68: {  	_ =	swait.ge @!p0 [sflag:s0], s1  }
0x69: {  	s1 =	ssub.s32 @!p0 $0x0, s1;
	[sflag:s0] =	ssyncset.done @!p0 $0x0  }
0x6a: {  	[sflag:s0] =	ssyncadd.s32 @!p0 s1  }
0x6b: {  	[bflag:$0x3] =	sbarrier.arrive $0xFFFF  }
0x6c: {  	_ =	shalt  }

// kernel: kernel.31.cloned.1.call-start
scs
__scs_entry_jumppad:
0x0: {  	(pc) =	sbr.rel $0x88, $3  }
0x1: {  	(tag) =	ssettag $0x0;
	lr =	simm.s32 $0x1  }
0x2: {  	[smem:$0x3F93] =	sst lr;
	_ =	strace $0xD0000000  }
0x3: {  	_ = 	snop  }
0x4: {  	_ = 	snop  }
0x5: {  	_ = 	snop  }
0x6: {  	_ = 	snop  }
0x7: {  	_ = 	snop  }
__scs_overlays_trampoline_lowered:
0x8: {  	[smem:$0x3FA2] =	sst s0  }
0x9: {  	[smem:$0x3FA3] =	sst s1  }
0xa: {  	[smem:$0x3FA4] =	sst s2  }
0xb: {  	[smem:$0x3FA5] =	sst s3  }
0xc: {  	[smem:$0x3FA6] =	sst s4  }
0xd: {  	[smem:$0x3FA7] =	sst s5  }
0xe: {  	[smem:$0x3FA8] =	sst s6  }
0xf: {  	[smem:$0x3FA9] =	sst s7  }
0x10: {  	[smem:$0x3FAA] =	sst s8  }
0x11: {  	[smem:$0x3FAB] =	sst s9;
	s0 =	simm.s32 @!p0 $0x0  }
0x12: {  	s1 =	sld [smem:$0x3F91];
	s0 =	simm.s32 @p0 $0x1  }
0x13: {  	[smem:$0x3FAC] =	sst s0;
	s0 =	simm.s32 @!p1 $0x0  }
0x14: {  	s2 =	sld [smem:$0x3F90];
	s0 =	simm.s32 @p1 $0x1  }
0x15: {  	[smem:$0x3FAD] =	sst s0;
	s0 =	simm.s32 @!p2 $0x0  }
0x16: {  	s3 =	sld [smem:$0x3FDB];
	s0 =	simm.s32 @p2 $0x1  }
0x17: {  	s4 =	simm.s32 $0x1BF5;
	[smem:$0x3FAF] =	sst s0  }
0x18: {  	s0 =	sld [smem:$0x3F92];
	_ =	swait.ge [sflag:s4], $0x0  }
0x19: {  	s7 =	sld [smem:$0x3F93]  }
0x1a: {  	s8 =	sadd.s32 $0xFFFFE003, lr  }
0x1b: {  	s9 =	sadd.s32 $0xFFFFFEF7, lr;
	s5 =	simm.s32 $0xFFFFFFFF;
	p2 =	slt.u32 s8, $0xFFFFF086  }
0x1c: {  	p1 =	slt.u32 s9, $0xF7A;
	s5 =	simm.s32 @!p2 $0x0  }
0x1d: {  	s5 =	simm.s32 @p1 $0x1;
	p0 =	seq.s32 s7, s2  }
0x1e: {  	s7 =	smul.u32 @!p0 $0xF7A, s2;
	p2 =	seq.s32 @!p0 s5, $0x0  }
0x1f: {  	s9 =	smul.u32 $0xF7A, s1;
	s8 =	simm.s32 @!p0 $0x1BF5;
	p2 =	por !p2, p0  }
0x20: {  	[sflag:s8] =	ssyncset.s32 @!p0 $0xFFFFF086;
	s6 =	sadd.s32 @!p0 s3, s7;
	s7 =	simm.s32 @!p0 $0x108  }
0x21: {  	s3 =	sadd.s32 s3, s9;
	s6 =	sadd.s32 @!p0 $0x88, s6;
	s7 =	simm.s32 @p2 $0x1082  }
0x22: {  	[simem:s7], [sflag:s8] =	dma.local @!p0 [hbm:s6], $0xF7A  }
0x23: {  	s9 =	sor.u32 $0xD0000000, s2;
	s6 =	simm.s32 $0x108;
	_ =	swait.ge @!p0 [sflag:s8], $0x0  }
0x24: {  	s3 =	sadd.s32 $0x88, s3;
	s6 =	simm.s32 @!p1 $0x1082;
	[sflag:s4] =	ssyncset.s32 $0xFFFFF086  }
0x25: {  	[simem:s6], [sflag:s4] =	dma.local [hbm:s3], $0xF7A  }
0x26: {  	[smem:$0x3F93] =	sst s1;
	(tag) =	ssettag s2;
	_ =	strace s9  }
0x27: {  	s1 =	sld [smem:$0x3FA3]  }
0x28: {  	s2 =	sld [smem:$0x3FA4]  }
0x29: {  	s4 =	sld [smem:$0x3FA6]  }
0x2a: {  	p0 =	seq.s32 s5, $0x0;
	s5 =	sld [smem:$0x3FA7]  }
0x2b: {  	s6 =	sld [smem:$0x3FA8]  }
0x2c: {  	s7 =	sld [smem:$0x3FA9]  }
0x2d: {  	s3 =	simm.s32 $0x108;
	s8 =	sld [smem:$0x3FAA]  }
0x2e: {  	s3 =	simm.s32 @!p0 $0x1082;
	s9 =	sld [smem:$0x3FAB]  }
0x2f: {  	lr =	sadd.s32 s0, s3;
	s0 =	sld [smem:$0x3FA2]  }
0x30: {  	s3 =	sld [smem:$0x3FA5]  }
0x31: {  	[smem:$0x3FAE] =	sst s10  }
0x32: {  	s10 =	sld [smem:$0x3FAC];
	_ =	sdelay $0x3  }
0x33: {  	p0 =	seq.s32 s10, $0x1;
	s10 =	sld [smem:$0x3FAE];
	_ =	sdelay $0x3  }
0x34: {  	[smem:$0x3FAE] =	sst s10  }
0x35: {  	s10 =	sld [smem:$0x3FAD];
	_ =	sdelay $0x3  }
0x36: {  	p1 =	seq.s32 s10, $0x1;
	s10 =	sld [smem:$0x3FAE];
	_ =	sdelay $0x3  }
0x37: {  	[smem:$0x3FAE] =	sst s10  }
0x38: {  	s10 =	sld [smem:$0x3FAF]  }
0x39: {  	_ = 	snop;
	(pc) =	sbr.ind lr, $3  }
0x3a: {  	_ = 	snop  }
0x3b: {  	_ = 	snop  }
0x3c: {  	p2 =	seq.s32 s10, $0x1;
	s10 =	sld [smem:$0x3FAE]  }
0x3d: {  	_ =	shalt  }
0x3e: {  	_ =	shalt  }
0x3f: {  	_ =	shalt  }
0x40: {  	_ =	shalt  }
0x41: {  	_ =	shalt  }
0x42: {  	_ =	shalt  }
0x43: {  	_ =	shalt  }
0x44: {  	_ =	shalt  }
0x45: {  	_ =	shalt  }
0x46: {  	_ =	shalt  }
0x47: {  	_ =	shalt  }
0x48: {  	_ =	shalt  }
0x49: {  	_ =	shalt  }
0x4a: {  	_ =	shalt  }
0x4b: {  	_ =	shalt  }
0x4c: {  	_ =	shalt  }
0x4d: {  	_ =	shalt  }
0x4e: {  	_ =	shalt  }
0x4f: {  	_ =	shalt  }
0x50: {  	_ =	shalt  }
0x51: {  	_ =	shalt  }
0x52: {  	_ =	shalt  }
0x53: {  	_ =	shalt  }
0x54: {  	_ =	shalt  }
0x55: {  	_ =	shalt  }
0x56: {  	_ =	shalt  }
0x57: {  	_ =	shalt  }
0x58: {  	_ =	shalt  }
0x59: {  	_ =	shalt  }
0x5a: {  	_ =	shalt  }
0x5b: {  	_ =	shalt  }
0x5c: {  	_ =	shalt  }
0x5d: {  	_ =	shalt  }
0x5e: {  	_ =	shalt  }
0x5f: {  	_ =	shalt  }
0x60: {  	_ =	shalt  }
0x61: {  	_ =	shalt  }
0x62: {  	_ =	shalt  }
0x63: {  	_ =	shalt  }
0x64: {  	_ =	shalt  }
0x65: {  	_ =	shalt  }
0x66: {  	_ =	shalt  }
0x67: {  	_ =	shalt  }
0x68: {  	_ =	shalt  }
0x69: {  	_ =	shalt  }
0x6a: {  	_ =	shalt  }
0x6b: {  	_ =	shalt  }
0x6c: {  	_ =	shalt  }
0x6d: {  	_ =	shalt  }
0x6e: {  	_ =	shalt  }
0x6f: {  	_ =	shalt  }
0x70: {  	_ =	shalt  }
0x71: {  	_ =	shalt  }
0x72: {  	_ =	shalt  }
0x73: {  	_ =	shalt  }
0x74: {  	_ =	shalt  }
0x75: {  	_ =	shalt  }
0x76: {  	_ =	shalt  }
0x77: {  	_ =	shalt  }
0x78: {  	_ =	shalt  }
0x79: {  	_ =	shalt  }
0x7a: {  	_ =	shalt  }
0x7b: {  	_ =	shalt  }
0x7c: {  	_ =	shalt  }
0x7d: {  	_ =	shalt  }
0x7e: {  	_ =	shalt  }
0x7f: {  	_ =	shalt  }
0x80: {  	_ =	shalt  }
0x81: {  	_ =	shalt  }
0x82: {  	_ =	shalt  }
0x83: {  	_ =	shalt  }
0x84: {  	_ =	shalt  }
0x85: {  	_ =	shalt  }
0x86: {  	_ =	shalt  }
0x87: {  	_ =	shalt  }
.Lfunc_end0:
.L_simem_size_0:
called_computation.5_lowered:
.L_overlay_start_0:
0x88: {  	s2 =	sld [smem:$0x3FD9]  }
0x89: {  	s3 =	sld [smem:$0x3FFE];
	_ =	sdelay $0x1  }
0x8a: {  	s1 =	srdreg.scid  }
0x8b: {  	s0 =	sand.u32 $0x1, s1  }
0x8c: {  	s16 =	sshll.u32 s0, $0xA;
	s2 =	sadd.s32 s3, s2  }
0x8d: {  	s2 =	sadd.s32 s2, s16  }
0x8e: {  	[smem:$0x3FBA] =	sst s2  }
0x8f: {  	_ = 	snop  }
0x90: {  	(tm) =	ssettm $0x1  }
0x91: {  	s17 =	sld [smem:$0x3FFB];
	_ =	sdelay $0x3  }
0x92: {  	_ =	strace s17  }
0x93: {  	s2 =	sld [smem:$0x3FFC];
	_ =	sdelay $0x3  }
0x94: {  	_ =	strace s2  }
0x95: {  	s2 =	sld [smem:$0x3FFD];
	_ =	sdelay $0x3  }
0x96: {  	_ =	strace s2  }
0x97: {  	_ =	strace $0x8FFFFFFF  }
0x98: {  	s18 =	sld [smem:$0x3FDB];
	_ =	sdelay $0x1  }
0x99: {  	s19 =	simm.s32 $_scs_section_size  }
0x9a: {  	s4 =	simm.s32 $_size__tile_overlayer_lowered;
	s5 =	simm.s32 $_tile_overlayer_lowered  }
0x9b: {  	s22 =	simm.s32 $0x1BFF;
	s21 =	sshll.u32 s5, $0x1;
	s2 =	sadd.s32 s19, s18  }
0x9c: {  	s6 =	simm.s32 $0x0;
	s20 =	sshll.u32 s4, $0x1;
	s4 =	sadd.s32 s21, s2  }
0x9d: {  	[timem:s6], [sflag:s22] =	dma.local [hbm:s4], s20  }
0x9e: {  	_ =	swait.ge [sflag:s22], s20  }
0x9f: {  	s3 =	ssub.s32 $0x0, s20;
	[sflag:s22] =	ssyncset.done $0x0  }
0xa0: {  	[sflag:s22] =	ssyncadd.s32 s3;
	_ =	sdelay $0x1  }
0xa1: {  	s23 =	simm.s32 $0x1B8B  }
0xa2: {  	_ =	swait.ge [sflag:s23], $0x1  }
0xa3: {  	[sflag:s23] =	ssyncset.done $0x0  }
0xa4: {  	s25 =	simm.s32 $0x1B8E;
	s24 =	sld [smem:$0x3FFE];
	[sflag:s23] =	ssyncadd.s32 $0xFFFFFFFF  }
0xa5: {  	s26 =	simm.s32 $execute0_lowered;
	[smem:$0x3FD2] =	sst s25  }
0xa6: {  	s4 =	sshll.u32 s26, $0x1;
	_ =	strace $0x80000055;
	[dreg:$0x1] =	wrdreg $0xFFFFFFFF  }
0xa7: {  	s28 =	simm.s32 $_size_execute0_lowered;
	s2 =	sadd.s32 s2, s4;
	[dreg:$0x0] =	wrdreg $0x0  }
0xa8: {  	s4 =	sshll.u32 s28, $0x1;
	[dreg:$0x2] =	wrdreg s2  }
0xa9: {  	[dreg:$0x3] =	wrdreg s4  }
0xaa: {  	[dreg:$0x4] =	wrdreg $0xC0  }
0xab: {  	_ =	task [dreg:s6], $0x5FFFF  }
0xac: {  	[dreg:$0x1] =	wrdreg $0xFFFFFFFF  }
0xad: {  	[dreg:$0x0] =	wrdreg $0x60  }
0xae: {  	[dreg:$0x2] =	wrdreg s24  }
0xaf: {  	[dreg:$0x3] =	wrdreg $0x90000  }
0xb0: {  	[dreg:$0x4] =	wrdreg $0x9  }
0xb1: {  	_ =	task.clear_ibuf [dreg:s6], $0x5FFFF;
	_ =	strace $0x90000055  }
0xb2: {  	s29 =	simm.s32 $0x9;
	_ =	strace $0x80000057  }
0xb3: {  	_ =	swait.ge [sflag:s29], $0x1  }
0xb4: {  	[sflag:s29] =	ssyncadd.s32 $0xFFFFFFFF  }
0xb5: {  	_ =	strace $0x90000057  }
0xb6: {  	_ =	sfence  }
0xb7: {  	s30 =	sld [smem:$0x0];
	_ =	sdelay $0x2  }
0xb8: {  	s31 =	sshll.u32 s1, $0xD;
	s1 =	sshrl.u32 s1, $0x2  }
0xb9: {  	s3 =	sand.u32 $0x4000, s31;
	s1 =	sadd.s32 s1, s30  }
0xba: {  	s0 =	sor.u32 s3, s0;
	s1 =	sshll.u32 s1, $0x11  }
0xbb: {  	s0 =	sor.u32 s1, s0  }
0xbc: {  	s0 =	sadd.s32 $0x8F2B, s0  }
0xbd: {  	[sflag:s0] =	ssyncadd.remote.s32 $0x1  }
0xbe: {  	_ =	sfence.sel $0xFFFF  }
0xbf: {  	[dreg:$0x0] =	wrdreg $0xFFFFFFFF;
	(pc) =	sbr.abs _section_cstart, $3  }
0xc0: {  	[dreg:$0x1] =	wrdreg $0xFFFFFFFF  }
0xc1: {  	_ =	task.clear_ibuf [dreg:s6], $0x2FFFF;
	_ =	strace $0x9FFFFFFF  }
0xc2: {  	(tm) =	ssettm $0x7FFFFFFF  }
0xc3: {  	_ =	shalt  }
tec
execute0_lowered:
.L_overlay_start_1:
0x0: {  	(tag) =	ssettag $0x1  }
0x1: {  	s10 =	rddreg [dreg:$0x0]  }
0x2: {  	s1 =	rddreg [dreg:$0x1];
	s2 =	srdreg.scid  }
0x3: {  	s0 =	rddreg [dreg:$0x2];
	s3 =	simm.s32 $0x0;
	s16 =	simm.s32 $0x80  }
0x4: {  	s17 =	simm.s32 $0x5000;
	s5 =	sand.u32 $0x1, s2;
	s2 =	stileid.u32  }
0x5: {  	s21 =	simm.s32 $0x0;
	[smem:$0x7FF] =	sst s3;
	s7 =	smul.u32 $0xA0000, s5  }
0x6: {  	s4 =	sshll.u32 s5, $0x4;
	_ =	strace $0x80000056;
	s11 =	smul.u32 $0x50000, s2  }
0x7: {  	s8 =	ssub.s32 $0x2, s5;
	s5 =	sadd.s32 $0x42400, s10;
	s19 =	smul.u32 $0x2800, s2  }
0x8: {  	s14 =	sshll.u32 s2, $0x6;
	s4 =	sor.u32 s2, s4;
	s30 =	sshrl.u32 s8, $0x1  }
0x9: {  	s14 =	sor.u32 $0x1C02, s14;
	s6 =	smul.u32 $0x500, s4;
	s4 =	sadd.s32 $0x44C00, s10  }
0xa: {  	s12 =	sadd.s32 s7, s10;
	s13 =	ssub.s32 s8, s30;
	s31 =	sshrl.u32 s11, $0x2  }
0xb: {  	s8 =	sadd.s32 $0x6CC00, s10;
	s15 =	sadd.s32 s31, s1;
	s18 =	sadd.s32 $0x224C00, s12  }
0xc: {  	s11 =	smax.u32 s13, $0x1;
	s12 =	simm.s32 $0x2;
	s13 =	simm.s32 $0x2800  }
0xd: {  	s9 =	sadd.s32 s6, s10;
	s15 =	sshrl.u32 s15, $0x3;
	s18 =	sadd.s32 s19, s18  }
0xe: {  	s19 =	simm.s32 $0x1;
	s6 =	sadd.s32 $0x10400, s9;
	s7 =	sadd.s32 $0x6400, s9  }
0xf: {  	s9 =	sadd.s32 $0x94C00, s10;
	s10 =	sadd.s32 $0xBCC00, s10;
	s20 =	sadd.s32 $0x28000, s18  }
.LBB2_1:
0x10: {  	[tilespmem:s3], [sflag:$0x2] =	stream.linear.gather [hbm4b:s6+s3], $0x2800, $0x38;
	[tilespmem:$0x1D000] =	vst v63  }
0x11: {  	_ =	swait.ge [sflag:s12], $0x2800  }
0x12: {  	[sflag:s12] =	ssyncset.done $0x0  }
0x13: {  	[sflag:s12] =	ssyncadd.s32 $0xFFFFD800  }
0x14: {  	[tilespmem:s13], [sflag:$0x2] =	stream.linear.gather [hbm4b:s7+s3], $0x2800, $0x38;
	[tilespmem:$0x1D000] =	vst v63  }
0x15: {  	_ =	swait.ge [sflag:s12], $0x2800  }
0x16: {  	[sflag:s12] =	ssyncset.done $0x0  }
0x17: {  	[sflag:s12] =	ssyncadd.s32 $0xFFFFD800  }
0x18: {  	[spmem:s15], [sflag:s14] =	dma.local [hbm:s5], $0x2800  }
0x19: {  	_ =	swait.ge [sflag:s12], $0x2800  }
0x1a: {  	[sflag:s12] =	ssyncset.done $0x0  }
0x1b: {  	[sflag:s12] =	ssyncadd.s32 $0xFFFFD800  }
0x1c: {  	s22 =	simm.s32 $0x0;
	[bflag:$0x0] =	sbarrier.arrive $0xFFFF  }
0x1d: {  	[tilespmem:s17], [sflag:$0x1] =	stream.indirect.gather [hbm4b:s4+s16], $0x80, s22, s16, $0xb8;
	[tilespmem:$0x1D000] =	vst v63  }
0x1e: {  	_ =	swait.ge [sflag:s19], $0x4000  }
0x1f: {  	[sflag:s19] =	ssyncset.done $0x0  }
0x20: {  	s31 =	simm.s32 $0x2800;
	[sflag:s19] =	ssyncadd.s32 $0xFFFFC000  }
0x21: {  	[spmem:s1] =	stream.indirect.scatter.add.f32 [tilespmem:s17], [sflag:$0x2], $0x80, s31, s16, $0xb8;
	[tilespmem:$0x1D000] =	vst v63  }
0x22: {  	_ =	swait.ge [sflag:s12], $0x4000  }
0x23: {  	s23 =	simm.s32 $0x400;
	s22 =	simm.s32 $0x200;
	[sflag:s12] =	ssyncset.done $0x0  }
.LBB2_2:
0x24: {  	s24 =	sshra.s32 s22, $0x2  }
0x25: {  	[sflag:s12] =	ssyncadd.s32 $0xFFFFC000;
	s22 =	smov.u32 s23;
	s25 =	sadd.s32 $0x200, s23  }
0x26: {  	[tilespmem:s17], [sflag:$0x1] =	stream.indirect.gather [hbm4b:s4+s16], $0x80, s24, s16, $0xb8;
	[tilespmem:$0x1D000] =	vst v63  }
0x27: {  	p0 =	sne.s32 s23, $0x9E00;
	_ =	swait.ge [sflag:s19], $0x4000  }
.Ltmp0:
0x28: {  	[sflag:s19] =	ssyncset.done $0x0;
	(pc) =	sbr.rel @p0 .LBB2_2-.Ltmp0, $4  }
0x29: {  	s23 =	sadd.s32 $0x2800, s24;
	[sflag:s19] =	ssyncadd.s32 $0xFFFFC000  }
0x2a: {  	[spmem:s1] =	stream.indirect.scatter.add.f32 [tilespmem:s17], [sflag:$0x2], $0x80, s23, s16, $0xb8;
	[tilespmem:$0x1D000] =	vst v63  }
0x2b: {  	_ =	swait.ge [sflag:s12], $0x4000  }
0x2c: {  	s23 =	smov.u32 s25;
	[sflag:s12] =	ssyncset.done $0x0  }
0x2d: {  	s22 =	sshra.s32 s22, $0x2;
	[sflag:s12] =	ssyncadd.s32 $0xFFFFC000  }
0x2e: {  	[tilespmem:s17], [sflag:$0x1] =	stream.indirect.gather [hbm4b:s4+s16], $0x80, s22, s16, $0xb8;
	[tilespmem:$0x1D000] =	vst v63  }
0x2f: {  	_ =	swait.ge [sflag:s19], $0x4000  }
0x30: {  	[sflag:s19] =	ssyncset.done $0x0  }
0x31: {  	s22 =	sadd.s32 $0x2800, s22;
	[sflag:s19] =	ssyncadd.s32 $0xFFFFC000  }
0x32: {  	[spmem:s1] =	stream.indirect.scatter.add.f32 [tilespmem:s17], [sflag:$0x2], $0x80, s22, s16, $0xb8;
	[tilespmem:$0x1D000] =	vst v63  }
0x33: {  	_ =	swait.ge [sflag:s12], $0x4000  }
0x34: {  	[sflag:s12] =	ssyncset.done $0x0  }
0x35: {  	[sflag:s12] =	ssyncadd.s32 $0xFFFFC000  }
0x36: {  	[bflag:$0x0] =	sbarrier.arrive $0xFFFF  }
0x37: {  	[hbm:s18], [sflag:s14] =	dma.local [spmem:s15], $0x2800  }
0x38: {  	_ =	swait.ge [sflag:s12], $0x2800  }
0x39: {  	[sflag:s12] =	ssyncset.done $0x0  }
0x3a: {  	[sflag:s12] =	ssyncadd.s32 $0xFFFFD800  }
0x3b: {  	[spmem:s15], [sflag:s14] =	dma.local [hbm:s5], $0x2800  }
0x3c: {  	_ =	swait.ge [sflag:s12], $0x2800  }
0x3d: {  	[sflag:s12] =	ssyncset.done $0x0  }
0x3e: {  	[sflag:s12] =	ssyncadd.s32 $0xFFFFD800  }
0x3f: {  	s30 =	simm.s32 $0x0;
	[bflag:$0x0] =	sbarrier.arrive $0xFFFF  }
0x40: {  	[tilespmem:s17], [sflag:$0x1] =	stream.indirect.gather [hbm4b:s8+s16], $0x80, s30, s16, $0xb8;
	[tilespmem:$0x1D000] =	vst v63  }
0x41: {  	_ =	swait.ge [sflag:s19], $0x4000  }
0x42: {  	[sflag:s19] =	ssyncset.done $0x0  }
0x43: {  	s31 =	simm.s32 $0x2800;
	[sflag:s19] =	ssyncadd.s32 $0xFFFFC000  }
0x44: {  	[spmem:s1] =	stream.indirect.scatter.add.f32 [tilespmem:s17], [sflag:$0x2], $0x80, s31, s16, $0xb8;
	[tilespmem:$0x1D000] =	vst v63  }
0x45: {  	_ =	swait.ge [sflag:s12], $0x4000  }
0x46: {  	s23 =	simm.s32 $0x400;
	s22 =	simm.s32 $0x200;
	[sflag:s12] =	ssyncset.done $0x0  }
.LBB2_4:
0x47: {  	s24 =	sshra.s32 s22, $0x2  }
0x48: {  	[sflag:s12] =	ssyncadd.s32 $0xFFFFC000;
	s22 =	smov.u32 s23;
	s25 =	sadd.s32 $0x200, s23  }
0x49: {  	[tilespmem:s17], [sflag:$0x1] =	stream.indirect.gather [hbm4b:s8+s16], $0x80, s24, s16, $0xb8;
	[tilespmem:$0x1D000] =	vst v63  }
0x4a: {  	p0 =	sne.s32 s23, $0x9E00;
	_ =	swait.ge [sflag:s19], $0x4000  }
.Ltmp1:
0x4b: {  	[sflag:s19] =	ssyncset.done $0x0;
	(pc) =	sbr.rel @p0 .LBB2_4-.Ltmp1, $4  }
0x4c: {  	s23 =	sadd.s32 $0x2800, s24;
	[sflag:s19] =	ssyncadd.s32 $0xFFFFC000  }
0x4d: {  	[spmem:s1] =	stream.indirect.scatter.add.f32 [tilespmem:s17], [sflag:$0x2], $0x80, s23, s16, $0xb8;
	[tilespmem:$0x1D000] =	vst v63  }
0x4e: {  	_ =	swait.ge [sflag:s12], $0x4000  }
0x4f: {  	s23 =	smov.u32 s25;
	[sflag:s12] =	ssyncset.done $0x0  }
0x50: {  	s22 =	sshra.s32 s22, $0x2;
	[sflag:s12] =	ssyncadd.s32 $0xFFFFC000  }
0x51: {  	[tilespmem:s17], [sflag:$0x1] =	stream.indirect.gather [hbm4b:s8+s16], $0x80, s22, s16, $0xb8;
	[tilespmem:$0x1D000] =	vst v63  }
0x52: {  	_ =	swait.ge [sflag:s19], $0x4000  }
0x53: {  	[sflag:s19] =	ssyncset.done $0x0  }
0x54: {  	s22 =	sadd.s32 $0x2800, s22;
	[sflag:s19] =	ssyncadd.s32 $0xFFFFC000  }
0x55: {  	[spmem:s1] =	stream.indirect.scatter.add.f32 [tilespmem:s17], [sflag:$0x2], $0x80, s22, s16, $0xb8;
	[tilespmem:$0x1D000] =	vst v63  }
0x56: {  	_ =	swait.ge [sflag:s12], $0x4000  }
0x57: {  	[sflag:s12] =	ssyncset.done $0x0  }
0x58: {  	[sflag:s12] =	ssyncadd.s32 $0xFFFFC000  }
0x59: {  	[bflag:$0x0] =	sbarrier.arrive $0xFFFF  }
0x5a: {  	[hbm:s20], [sflag:s14] =	dma.local [spmem:s15], $0x2800  }
0x5b: {  	_ =	swait.ge [sflag:s12], $0x2800  }
0x5c: {  	[sflag:s12] =	ssyncset.done $0x0  }
0x5d: {  	[sflag:s12] =	ssyncadd.s32 $0xFFFFD800  }
0x5e: {  	[spmem:s15], [sflag:s14] =	dma.local [hbm:s5], $0x2800  }
0x5f: {  	_ =	swait.ge [sflag:s12], $0x2800  }
0x60: {  	[sflag:s12] =	ssyncset.done $0x0  }
0x61: {  	[sflag:s12] =	ssyncadd.s32 $0xFFFFD800  }
0x62: {  	s30 =	simm.s32 $0x0;
	[bflag:$0x0] =	sbarrier.arrive $0xFFFF  }
0x63: {  	[tilespmem:s17], [sflag:$0x1] =	stream.indirect.gather [hbm4b:s9+s16], $0x80, s30, s16, $0xb8;
	[tilespmem:$0x1D000] =	vst v63  }
0x64: {  	_ =	swait.ge [sflag:s19], $0x4000  }
0x65: {  	[sflag:s19] =	ssyncset.done $0x0  }
0x66: {  	s31 =	simm.s32 $0x2800;
	[sflag:s19] =	ssyncadd.s32 $0xFFFFC000  }
0x67: {  	[spmem:s1] =	stream.indirect.scatter.add.f32 [tilespmem:s17], [sflag:$0x2], $0x80, s31, s16, $0xb8;
	[tilespmem:$0x1D000] =	vst v63  }
0x68: {  	_ =	swait.ge [sflag:s12], $0x4000  }
0x69: {  	s23 =	simm.s32 $0x400;
	s22 =	simm.s32 $0x200;
	[sflag:s12] =	ssyncset.done $0x0  }
.LBB2_6:
0x6a: {  	s24 =	sshra.s32 s22, $0x2  }
0x6b: {  	[sflag:s12] =	ssyncadd.s32 $0xFFFFC000;
	s22 =	smov.u32 s23;
	s25 =	sadd.s32 $0x200, s23  }
0x6c: {  	[tilespmem:s17], [sflag:$0x1] =	stream.indirect.gather [hbm4b:s9+s16], $0x80, s24, s16, $0xb8;
	[tilespmem:$0x1D000] =	vst v63  }
0x6d: {  	p0 =	sne.s32 s23, $0x9E00;
	_ =	swait.ge [sflag:s19], $0x4000  }
.Ltmp2:
0x6e: {  	[sflag:s19] =	ssyncset.done $0x0;
	(pc) =	sbr.rel @p0 .LBB2_6-.Ltmp2, $4  }
0x6f: {  	s23 =	sadd.s32 $0x2800, s24;
	[sflag:s19] =	ssyncadd.s32 $0xFFFFC000  }
0x70: {  	[spmem:s1] =	stream.indirect.scatter.add.f32 [tilespmem:s17], [sflag:$0x2], $0x80, s23, s16, $0xb8;
	[tilespmem:$0x1D000] =	vst v63  }
0x71: {  	_ =	swait.ge [sflag:s12], $0x4000  }
0x72: {  	s23 =	smov.u32 s25;
	[sflag:s12] =	ssyncset.done $0x0  }
0x73: {  	s22 =	sshra.s32 s22, $0x2;
	[sflag:s12] =	ssyncadd.s32 $0xFFFFC000  }
0x74: {  	[tilespmem:s17], [sflag:$0x1] =	stream.indirect.gather [hbm4b:s9+s16], $0x80, s22, s16, $0xb8;
	[tilespmem:$0x1D000] =	vst v63  }
0x75: {  	_ =	swait.ge [sflag:s19], $0x4000  }
0x76: {  	[sflag:s19] =	ssyncset.done $0x0  }
0x77: {  	s22 =	sadd.s32 $0x2800, s22;
	[sflag:s19] =	ssyncadd.s32 $0xFFFFC000  }
0x78: {  	[spmem:s1] =	stream.indirect.scatter.add.f32 [tilespmem:s17], [sflag:$0x2], $0x80, s22, s16, $0xb8;
	[tilespmem:$0x1D000] =	vst v63  }
0x79: {  	_ =	swait.ge [sflag:s12], $0x4000  }
0x7a: {  	[sflag:s12] =	ssyncset.done $0x0  }
0x7b: {  	[sflag:s12] =	ssyncadd.s32 $0xFFFFC000  }
0x7c: {  	s29 =	sadd.s32 $0x50000, s18;
	[bflag:$0x0] =	sbarrier.arrive $0xFFFF  }
0x7d: {  	[hbm:s29], [sflag:s14] =	dma.local [spmem:s15], $0x2800  }
0x7e: {  	_ =	swait.ge [sflag:s12], $0x2800  }
0x7f: {  	[sflag:s12] =	ssyncset.done $0x0  }
0x80: {  	[sflag:s12] =	ssyncadd.s32 $0xFFFFD800  }
0x81: {  	[spmem:s15], [sflag:s14] =	dma.local [hbm:s5], $0x2800  }
0x82: {  	_ =	swait.ge [sflag:s12], $0x2800  }
0x83: {  	[sflag:s12] =	ssyncset.done $0x0  }
0x84: {  	[sflag:s12] =	ssyncadd.s32 $0xFFFFD800  }
0x85: {  	s30 =	simm.s32 $0x0;
	[bflag:$0x0] =	sbarrier.arrive $0xFFFF  }
0x86: {  	[tilespmem:s17], [sflag:$0x1] =	stream.indirect.gather [hbm4b:s10+s16], $0x80, s30, s16, $0xb8;
	[tilespmem:$0x1D000] =	vst v63  }
0x87: {  	_ =	swait.ge [sflag:s19], $0x4000  }
0x88: {  	[sflag:s19] =	ssyncset.done $0x0  }
0x89: {  	s31 =	simm.s32 $0x2800;
	[sflag:s19] =	ssyncadd.s32 $0xFFFFC000  }
0x8a: {  	[spmem:s1] =	stream.indirect.scatter.add.f32 [tilespmem:s17], [sflag:$0x2], $0x80, s31, s16, $0xb8;
	[tilespmem:$0x1D000] =	vst v63  }
0x8b: {  	_ =	swait.ge [sflag:s12], $0x4000  }
0x8c: {  	s23 =	simm.s32 $0x400;
	s22 =	simm.s32 $0x200;
	[sflag:s12] =	ssyncset.done $0x0  }
.LBB2_8:
0x8d: {  	s24 =	sshra.s32 s22, $0x2  }
0x8e: {  	[sflag:s12] =	ssyncadd.s32 $0xFFFFC000;
	s22 =	smov.u32 s23;
	s25 =	sadd.s32 $0x200, s23  }
0x8f: {  	[tilespmem:s17], [sflag:$0x1] =	stream.indirect.gather [hbm4b:s10+s16], $0x80, s24, s16, $0xb8;
	[tilespmem:$0x1D000] =	vst v63  }
0x90: {  	p0 =	sne.s32 s23, $0x9E00;
	_ =	swait.ge [sflag:s19], $0x4000  }
.Ltmp3:
0x91: {  	[sflag:s19] =	ssyncset.done $0x0;
	(pc) =	sbr.rel @p0 .LBB2_8-.Ltmp3, $4  }
0x92: {  	s23 =	sadd.s32 $0x2800, s24;
	[sflag:s19] =	ssyncadd.s32 $0xFFFFC000  }
0x93: {  	[spmem:s1] =	stream.indirect.scatter.add.f32 [tilespmem:s17], [sflag:$0x2], $0x80, s23, s16, $0xb8;
	[tilespmem:$0x1D000] =	vst v63  }
0x94: {  	_ =	swait.ge [sflag:s12], $0x4000  }
0x95: {  	s23 =	smov.u32 s25;
	[sflag:s12] =	ssyncset.done $0x0  }
0x96: {  	s22 =	sshra.s32 s22, $0x2;
	[sflag:s12] =	ssyncadd.s32 $0xFFFFC000  }
0x97: {  	[tilespmem:s17], [sflag:$0x1] =	stream.indirect.gather [hbm4b:s10+s16], $0x80, s22, s16, $0xb8;
	[tilespmem:$0x1D000] =	vst v63  }
0x98: {  	_ =	swait.ge [sflag:s19], $0x4000  }
0x99: {  	[sflag:s19] =	ssyncset.done $0x0  }
0x9a: {  	s22 =	sadd.s32 $0x2800, s22;
	[sflag:s19] =	ssyncadd.s32 $0xFFFFC000  }
0x9b: {  	[spmem:s1] =	stream.indirect.scatter.add.f32 [tilespmem:s17], [sflag:$0x2], $0x80, s22, s16, $0xb8;
	[tilespmem:$0x1D000] =	vst v63  }
0x9c: {  	_ =	swait.ge [sflag:s12], $0x4000  }
0x9d: {  	s21 =	sadd.s32 $0x1, s21;
	[sflag:s12] =	ssyncset.done $0x0  }
0x9e: {  	p0 =	sne.s32 s21, s11;
	[sflag:s12] =	ssyncadd.s32 $0xFFFFC000  }
.Ltmp4:
0x9f: {  	s31 =	sadd.s32 $0x78000, s18;
	[bflag:$0x0] =	sbarrier.arrive $0xFFFF;
	(pc) =	sbr.rel @p0 .LBB2_1-.Ltmp4, $4  }
0xa0: {  	[hbm:s31], [sflag:s14] =	dma.local [spmem:s15], $0x2800  }
0xa1: {  	_ =	swait.ge [sflag:s12], $0x2800  }
0xa2: {  	[sflag:s12] =	ssyncset.done $0x0  }
0xa3: {  	[sflag:s12] =	ssyncadd.s32 $0xFFFFD800  }
0xa4: {  	_ =	sfence.sel $0x180000  }
0xa5: {  	[bflag:$0x0] =	sbarrier.arrive $0xFFFF  }
0xa6: {  	p0 =	sne.s32 s2, $0x0;
	_ =	strace $0x90000056  }
0xa7: {  	s0 =	sadd.s32 @!p0 $0x100000, s0;
	[bflag:$0x2] =	sbarrier.arrive $0xFFFF  }
0xa8: {  	[sflag:s0] =	ssyncadd.tile.s32 @!p0 $0x1;
	_ =	shalt  }
.Lfunc_end2:
_tile_overlayer_lowered:
.L_overlay_start_2:
0xa9: {  	(tag) =	ssettag $0x2  }
0xaa: {  	s0 =	rddreg [dreg:$0x0];
	s2 =	stileid.u32  }
0xab: {  	s1 =	rddreg [dreg:$0x1];
	p0 =	sne.s32 s2, $0x0  }
0xac: {  	s3 =	rddreg [dreg:$0x2];
	[bflag:$0x3] =	sbarrier.arrive $0xFFFF;
	s2 =	simm.s32 @!p0 $0x1C02  }
0xad: {  	[timem:s3], [sflag:s2] =	dma.local @!p0 [hbm:s0], s1  }
0xae: {  	s0 =	simm.s32 @!p0 $0x2  }
0xaf: {  	_ =	swait.ge @!p0 [sflag:s0], s1  }
0xb0: {  	s1 =	ssub.s32 @!p0 $0x0, s1;
	[sflag:s0] =	ssyncset.done @!p0 $0x0  }
0xb1: {  	[sflag:s0] =	ssyncadd.s32 @!p0 s1  }
0xb2: {  	[bflag:$0x3] =	sbarrier.arrive $0xFFFF  }
0xb3: {  	_ =	shalt  }

// kernel: kernel.34.cloned.1.call-start
scs
__scs_entry_jumppad:
0x0: {  	(pc) =	sbr.rel $0x88, $3  }
0x1: {  	(tag) =	ssettag $0x0;
	lr =	simm.s32 $0x1  }
0x2: {  	[smem:$0x3F93] =	sst lr;
	_ =	strace $0xD0000000  }
0x3: {  	_ = 	snop  }
0x4: {  	_ = 	snop  }
0x5: {  	_ = 	snop  }
0x6: {  	_ = 	snop  }
0x7: {  	_ = 	snop  }
__scs_overlays_trampoline_lowered:
0x8: {  	[smem:$0x3FA2] =	sst s0  }
0x9: {  	[smem:$0x3FA3] =	sst s1  }
0xa: {  	[smem:$0x3FA4] =	sst s2  }
0xb: {  	[smem:$0x3FA5] =	sst s3  }
0xc: {  	[smem:$0x3FA6] =	sst s4  }
0xd: {  	[smem:$0x3FA7] =	sst s5  }
0xe: {  	[smem:$0x3FA8] =	sst s6  }
0xf: {  	[smem:$0x3FA9] =	sst s7  }
0x10: {  	[smem:$0x3FAA] =	sst s8  }
0x11: {  	[smem:$0x3FAB] =	sst s9;
	s0 =	simm.s32 @!p0 $0x0  }
0x12: {  	s1 =	sld [smem:$0x3F91];
	s0 =	simm.s32 @p0 $0x1  }
0x13: {  	[smem:$0x3FAC] =	sst s0;
	s0 =	simm.s32 @!p1 $0x0  }
0x14: {  	s2 =	sld [smem:$0x3F90];
	s0 =	simm.s32 @p1 $0x1  }
0x15: {  	[smem:$0x3FAD] =	sst s0;
	s0 =	simm.s32 @!p2 $0x0  }
0x16: {  	s3 =	sld [smem:$0x3FDB];
	s0 =	simm.s32 @p2 $0x1  }
0x17: {  	s4 =	simm.s32 $0x1BF5;
	[smem:$0x3FAF] =	sst s0  }
0x18: {  	s0 =	sld [smem:$0x3F92];
	_ =	swait.ge [sflag:s4], $0x0  }
0x19: {  	s7 =	sld [smem:$0x3F93]  }
0x1a: {  	s8 =	sadd.s32 $0xFFFFE003, lr  }
0x1b: {  	s9 =	sadd.s32 $0xFFFFFEF7, lr;
	s5 =	simm.s32 $0xFFFFFFFF;
	p2 =	slt.u32 s8, $0xFFFFF086  }
0x1c: {  	p1 =	slt.u32 s9, $0xF7A;
	s5 =	simm.s32 @!p2 $0x0  }
0x1d: {  	s5 =	simm.s32 @p1 $0x1;
	p0 =	seq.s32 s7, s2  }
0x1e: {  	s7 =	smul.u32 @!p0 $0xF7A, s2;
	p2 =	seq.s32 @!p0 s5, $0x0  }
0x1f: {  	s9 =	smul.u32 $0xF7A, s1;
	s8 =	simm.s32 @!p0 $0x1BF5;
	p2 =	por !p2, p0  }
0x20: {  	[sflag:s8] =	ssyncset.s32 @!p0 $0xFFFFF086;
	s6 =	sadd.s32 @!p0 s3, s7;
	s7 =	simm.s32 @!p0 $0x108  }
0x21: {  	s3 =	sadd.s32 s3, s9;
	s6 =	sadd.s32 @!p0 $0x88, s6;
	s7 =	simm.s32 @p2 $0x1082  }
0x22: {  	[simem:s7], [sflag:s8] =	dma.local @!p0 [hbm:s6], $0xF7A  }
0x23: {  	s9 =	sor.u32 $0xD0000000, s2;
	s6 =	simm.s32 $0x108;
	_ =	swait.ge @!p0 [sflag:s8], $0x0  }
0x24: {  	s3 =	sadd.s32 $0x88, s3;
	s6 =	simm.s32 @!p1 $0x1082;
	[sflag:s4] =	ssyncset.s32 $0xFFFFF086  }
0x25: {  	[simem:s6], [sflag:s4] =	dma.local [hbm:s3], $0xF7A  }
0x26: {  	[smem:$0x3F93] =	sst s1;
	(tag) =	ssettag s2;
	_ =	strace s9  }
0x27: {  	s1 =	sld [smem:$0x3FA3]  }
0x28: {  	s2 =	sld [smem:$0x3FA4]  }
0x29: {  	s4 =	sld [smem:$0x3FA6]  }
0x2a: {  	p0 =	seq.s32 s5, $0x0;
	s5 =	sld [smem:$0x3FA7]  }
0x2b: {  	s6 =	sld [smem:$0x3FA8]  }
0x2c: {  	s7 =	sld [smem:$0x3FA9]  }
0x2d: {  	s3 =	simm.s32 $0x108;
	s8 =	sld [smem:$0x3FAA]  }
0x2e: {  	s3 =	simm.s32 @!p0 $0x1082;
	s9 =	sld [smem:$0x3FAB]  }
0x2f: {  	lr =	sadd.s32 s0, s3;
	s0 =	sld [smem:$0x3FA2]  }
0x30: {  	s3 =	sld [smem:$0x3FA5]  }
0x31: {  	[smem:$0x3FAE] =	sst s10  }
0x32: {  	s10 =	sld [smem:$0x3FAC];
	_ =	sdelay $0x3  }
0x33: {  	p0 =	seq.s32 s10, $0x1;
	s10 =	sld [smem:$0x3FAE];
	_ =	sdelay $0x3  }
0x34: {  	[smem:$0x3FAE] =	sst s10  }
0x35: {  	s10 =	sld [smem:$0x3FAD];
	_ =	sdelay $0x3  }
0x36: {  	p1 =	seq.s32 s10, $0x1;
	s10 =	sld [smem:$0x3FAE];
	_ =	sdelay $0x3  }
0x37: {  	[smem:$0x3FAE] =	sst s10  }
0x38: {  	s10 =	sld [smem:$0x3FAF]  }
0x39: {  	_ = 	snop;
	(pc) =	sbr.ind lr, $3  }
0x3a: {  	_ = 	snop  }
0x3b: {  	_ = 	snop  }
0x3c: {  	p2 =	seq.s32 s10, $0x1;
	s10 =	sld [smem:$0x3FAE]  }
0x3d: {  	_ =	shalt  }
0x3e: {  	_ =	shalt  }
0x3f: {  	_ =	shalt  }
0x40: {  	_ =	shalt  }
0x41: {  	_ =	shalt  }
0x42: {  	_ =	shalt  }
0x43: {  	_ =	shalt  }
0x44: {  	_ =	shalt  }
0x45: {  	_ =	shalt  }
0x46: {  	_ =	shalt  }
0x47: {  	_ =	shalt  }
0x48: {  	_ =	shalt  }
0x49: {  	_ =	shalt  }
0x4a: {  	_ =	shalt  }
0x4b: {  	_ =	shalt  }
0x4c: {  	_ =	shalt  }
0x4d: {  	_ =	shalt  }
0x4e: {  	_ =	shalt  }
0x4f: {  	_ =	shalt  }
0x50: {  	_ =	shalt  }
0x51: {  	_ =	shalt  }
0x52: {  	_ =	shalt  }
0x53: {  	_ =	shalt  }
0x54: {  	_ =	shalt  }
0x55: {  	_ =	shalt  }
0x56: {  	_ =	shalt  }
0x57: {  	_ =	shalt  }
0x58: {  	_ =	shalt  }
0x59: {  	_ =	shalt  }
0x5a: {  	_ =	shalt  }
0x5b: {  	_ =	shalt  }
0x5c: {  	_ =	shalt  }
0x5d: {  	_ =	shalt  }
0x5e: {  	_ =	shalt  }
0x5f: {  	_ =	shalt  }
0x60: {  	_ =	shalt  }
0x61: {  	_ =	shalt  }
0x62: {  	_ =	shalt  }
0x63: {  	_ =	shalt  }
0x64: {  	_ =	shalt  }
0x65: {  	_ =	shalt  }
0x66: {  	_ =	shalt  }
0x67: {  	_ =	shalt  }
0x68: {  	_ =	shalt  }
0x69: {  	_ =	shalt  }
0x6a: {  	_ =	shalt  }
0x6b: {  	_ =	shalt  }
0x6c: {  	_ =	shalt  }
0x6d: {  	_ =	shalt  }
0x6e: {  	_ =	shalt  }
0x6f: {  	_ =	shalt  }
0x70: {  	_ =	shalt  }
0x71: {  	_ =	shalt  }
0x72: {  	_ =	shalt  }
0x73: {  	_ =	shalt  }
0x74: {  	_ =	shalt  }
0x75: {  	_ =	shalt  }
0x76: {  	_ =	shalt  }
0x77: {  	_ =	shalt  }
0x78: {  	_ =	shalt  }
0x79: {  	_ =	shalt  }
0x7a: {  	_ =	shalt  }
0x7b: {  	_ =	shalt  }
0x7c: {  	_ =	shalt  }
0x7d: {  	_ =	shalt  }
0x7e: {  	_ =	shalt  }
0x7f: {  	_ =	shalt  }
0x80: {  	_ =	shalt  }
0x81: {  	_ =	shalt  }
0x82: {  	_ =	shalt  }
0x83: {  	_ =	shalt  }
0x84: {  	_ =	shalt  }
0x85: {  	_ =	shalt  }
0x86: {  	_ =	shalt  }
0x87: {  	_ =	shalt  }
.Lfunc_end0:
.L_simem_size_0:
called_computation.6_lowered:
.L_overlay_start_0:
0x88: {  	s2 =	sld [smem:$0x3FD9]  }
0x89: {  	s3 =	sld [smem:$0x3FFE];
	_ =	sdelay $0x1  }
0x8a: {  	s1 =	srdreg.scid  }
0x8b: {  	s0 =	sand.u32 $0x1, s1  }
0x8c: {  	s16 =	sshll.u32 s0, $0xA;
	s2 =	sadd.s32 s3, s2  }
0x8d: {  	s2 =	sadd.s32 s2, s16  }
0x8e: {  	[smem:$0x3FBA] =	sst s2  }
0x8f: {  	_ = 	snop  }
0x90: {  	(tm) =	ssettm $0x1  }
0x91: {  	s17 =	sld [smem:$0x3FFB];
	_ =	sdelay $0x3  }
0x92: {  	_ =	strace s17  }
0x93: {  	s2 =	sld [smem:$0x3FFC];
	_ =	sdelay $0x3  }
0x94: {  	_ =	strace s2  }
0x95: {  	s2 =	sld [smem:$0x3FFD];
	_ =	sdelay $0x3  }
0x96: {  	_ =	strace s2  }
0x97: {  	_ =	strace $0x8FFFFFFF  }
0x98: {  	s18 =	sld [smem:$0x3FDB];
	_ =	sdelay $0x1  }
0x99: {  	s19 =	simm.s32 $_scs_section_size  }
0x9a: {  	s4 =	simm.s32 $_size__tile_overlayer_lowered;
	s5 =	simm.s32 $_tile_overlayer_lowered  }
0x9b: {  	s22 =	simm.s32 $0x1BFF;
	s21 =	sshll.u32 s5, $0x1;
	s2 =	sadd.s32 s19, s18  }
0x9c: {  	s6 =	simm.s32 $0x0;
	s20 =	sshll.u32 s4, $0x1;
	s4 =	sadd.s32 s21, s2  }
0x9d: {  	[timem:s6], [sflag:s22] =	dma.local [hbm:s4], s20  }
0x9e: {  	_ =	swait.ge [sflag:s22], s20  }
0x9f: {  	s3 =	ssub.s32 $0x0, s20;
	[sflag:s22] =	ssyncset.done $0x0  }
0xa0: {  	[sflag:s22] =	ssyncadd.s32 s3;
	_ =	sdelay $0x1  }
0xa1: {  	s23 =	simm.s32 $0x1B8B  }
0xa2: {  	_ =	swait.ge [sflag:s23], $0x1  }
0xa3: {  	[sflag:s23] =	ssyncset.done $0x0  }
0xa4: {  	s25 =	simm.s32 $0x1B8E;
	s24 =	sld [smem:$0x3FFE];
	[sflag:s23] =	ssyncadd.s32 $0xFFFFFFFF  }
0xa5: {  	s26 =	simm.s32 $execute0_lowered;
	[smem:$0x3FD2] =	sst s25  }
0xa6: {  	s4 =	sshll.u32 s26, $0x1;
	_ =	strace $0x80000058;
	[dreg:$0x1] =	wrdreg $0xFFFFFFFF  }
0xa7: {  	s28 =	simm.s32 $_size_execute0_lowered;
	s2 =	sadd.s32 s2, s4;
	[dreg:$0x0] =	wrdreg $0x0  }
0xa8: {  	s4 =	sshll.u32 s28, $0x1;
	[dreg:$0x2] =	wrdreg s2  }
0xa9: {  	[dreg:$0x3] =	wrdreg s4  }
0xaa: {  	[dreg:$0x4] =	wrdreg $0xC0  }
0xab: {  	_ =	task [dreg:s6], $0x5FFFF  }
0xac: {  	[dreg:$0x1] =	wrdreg $0xFFFFFFFF  }
0xad: {  	[dreg:$0x0] =	wrdreg $0x60  }
0xae: {  	[dreg:$0x2] =	wrdreg s24  }
0xaf: {  	[dreg:$0x3] =	wrdreg $0x90000  }
0xb0: {  	[dreg:$0x4] =	wrdreg $0x9  }
0xb1: {  	_ =	task.clear_ibuf [dreg:s6], $0x5FFFF;
	_ =	strace $0x90000058  }
0xb2: {  	s29 =	simm.s32 $0x9;
	_ =	strace $0x8000005A  }
0xb3: {  	_ =	swait.ge [sflag:s29], $0x1  }
0xb4: {  	[sflag:s29] =	ssyncadd.s32 $0xFFFFFFFF  }
0xb5: {  	_ =	strace $0x9000005A  }
0xb6: {  	_ =	sfence  }
0xb7: {  	s30 =	sld [smem:$0x0];
	_ =	sdelay $0x2  }
0xb8: {  	s31 =	sshll.u32 s1, $0xD;
	s1 =	sshrl.u32 s1, $0x2  }
0xb9: {  	s3 =	sand.u32 $0x4000, s31;
	s1 =	sadd.s32 s1, s30  }
0xba: {  	s0 =	sor.u32 s3, s0;
	s1 =	sshll.u32 s1, $0x11  }
0xbb: {  	s0 =	sor.u32 s1, s0  }
0xbc: {  	s0 =	sadd.s32 $0x8F2B, s0  }
0xbd: {  	[sflag:s0] =	ssyncadd.remote.s32 $0x1  }
0xbe: {  	_ =	sfence.sel $0xFFFF  }
0xbf: {  	[dreg:$0x0] =	wrdreg $0xFFFFFFFF;
	(pc) =	sbr.abs _section_cstart, $3  }
0xc0: {  	[dreg:$0x1] =	wrdreg $0xFFFFFFFF  }
0xc1: {  	_ =	task.clear_ibuf [dreg:s6], $0x2FFFF;
	_ =	strace $0x9FFFFFFF  }
0xc2: {  	(tm) =	ssettm $0x7FFFFFFF  }
0xc3: {  	_ =	shalt  }
tec
execute0_lowered:
.L_overlay_start_1:
0x0: {  	(tag) =	ssettag $0x1  }
0x1: {  	s10 =	rddreg [dreg:$0x0]  }
0x2: {  	s1 =	rddreg [dreg:$0x1];
	s2 =	srdreg.scid  }
0x3: {  	s0 =	rddreg [dreg:$0x2];
	s3 =	simm.s32 $0x0;
	s16 =	simm.s32 $0x80  }
0x4: {  	s17 =	simm.s32 $0x5000;
	s5 =	sand.u32 $0x1, s2;
	s2 =	stileid.u32  }
0x5: {  	s21 =	simm.s32 $0x0;
	[smem:$0x7FF] =	sst s3;
	s7 =	smul.u32 $0xA0000, s5  }
0x6: {  	s4 =	sshll.u32 s5, $0x4;
	_ =	strace $0x80000059;
	s11 =	smul.u32 $0x50000, s2  }
0x7: {  	s8 =	ssub.s32 $0x2, s5;
	s5 =	sadd.s32 $0x42400, s10;
	s19 =	smul.u32 $0x2800, s2  }
0x8: {  	s14 =	sshll.u32 s2, $0x6;
	s4 =	sor.u32 s2, s4;
	s30 =	sshrl.u32 s8, $0x1  }
0x9: {  	s14 =	sor.u32 $0x1C02, s14;
	s6 =	smul.u32 $0x500, s4;
	s4 =	sadd.s32 $0x44C00, s10  }
0xa: {  	s12 =	sadd.s32 s7, s10;
	s13 =	ssub.s32 s8, s30;
	s31 =	sshrl.u32 s11, $0x2  }
0xb: {  	s8 =	sadd.s32 $0x6CC00, s10;
	s15 =	sadd.s32 s31, s1;
	s18 =	sadd.s32 $0x224C00, s12  }
0xc: {  	s11 =	smax.u32 s13, $0x1;
	s12 =	simm.s32 $0x2;
	s13 =	simm.s32 $0x2800  }
0xd: {  	s9 =	sadd.s32 s6, s10;
	s15 =	sshrl.u32 s15, $0x3;
	s18 =	sadd.s32 s19, s18  }
0xe: {  	s19 =	simm.s32 $0x1;
	s6 =	sadd.s32 $0x10400, s9;
	s7 =	sadd.s32 $0x6400, s9  }
0xf: {  	s9 =	sadd.s32 $0x94C00, s10;
	s10 =	sadd.s32 $0xBCC00, s10;
	s20 =	sadd.s32 $0x28000, s18  }
.LBB2_1:
0x10: {  	[tilespmem:s3], [sflag:$0x2] =	stream.linear.gather [hbm4b:s6+s3], $0x2800, $0x38;
	[tilespmem:$0x1D000] =	vst v63  }
0x11: {  	_ =	swait.ge [sflag:s12], $0x2800  }
0x12: {  	[sflag:s12] =	ssyncset.done $0x0  }
0x13: {  	[sflag:s12] =	ssyncadd.s32 $0xFFFFD800  }
0x14: {  	[tilespmem:s13], [sflag:$0x2] =	stream.linear.gather [hbm4b:s7+s3], $0x2800, $0x38;
	[tilespmem:$0x1D000] =	vst v63  }
0x15: {  	_ =	swait.ge [sflag:s12], $0x2800  }
0x16: {  	[sflag:s12] =	ssyncset.done $0x0  }
0x17: {  	[sflag:s12] =	ssyncadd.s32 $0xFFFFD800  }
0x18: {  	[spmem:s15], [sflag:s14] =	dma.local [hbm:s5], $0x2800  }
0x19: {  	_ =	swait.ge [sflag:s12], $0x2800  }
0x1a: {  	[sflag:s12] =	ssyncset.done $0x0  }
0x1b: {  	[sflag:s12] =	ssyncadd.s32 $0xFFFFD800  }
0x1c: {  	s22 =	simm.s32 $0x0;
	[bflag:$0x0] =	sbarrier.arrive $0xFFFF  }
0x1d: {  	[tilespmem:s17], [sflag:$0x1] =	stream.indirect.gather [hbm4b:s4+s16], $0x80, s22, s16, $0xb8;
	[tilespmem:$0x1D000] =	vst v63  }
0x1e: {  	_ =	swait.ge [sflag:s19], $0x4000  }
0x1f: {  	[sflag:s19] =	ssyncset.done $0x0  }
0x20: {  	s31 =	simm.s32 $0x2800;
	[sflag:s19] =	ssyncadd.s32 $0xFFFFC000  }
0x21: {  	[spmem:s1] =	stream.indirect.scatter.add.f32 [tilespmem:s17], [sflag:$0x2], $0x80, s31, s16, $0xb8;
	[tilespmem:$0x1D000] =	vst v63  }
0x22: {  	_ =	swait.ge [sflag:s12], $0x4000  }
0x23: {  	s23 =	simm.s32 $0x400;
	s22 =	simm.s32 $0x200;
	[sflag:s12] =	ssyncset.done $0x0  }
.LBB2_2:
0x24: {  	s24 =	sshra.s32 s22, $0x2  }
0x25: {  	[sflag:s12] =	ssyncadd.s32 $0xFFFFC000;
	s22 =	smov.u32 s23;
	s25 =	sadd.s32 $0x200, s23  }
0x26: {  	[tilespmem:s17], [sflag:$0x1] =	stream.indirect.gather [hbm4b:s4+s16], $0x80, s24, s16, $0xb8;
	[tilespmem:$0x1D000] =	vst v63  }
0x27: {  	p0 =	sne.s32 s23, $0x9E00;
	_ =	swait.ge [sflag:s19], $0x4000  }
.Ltmp0:
0x28: {  	[sflag:s19] =	ssyncset.done $0x0;
	(pc) =	sbr.rel @p0 .LBB2_2-.Ltmp0, $4  }
0x29: {  	s23 =	sadd.s32 $0x2800, s24;
	[sflag:s19] =	ssyncadd.s32 $0xFFFFC000  }
0x2a: {  	[spmem:s1] =	stream.indirect.scatter.add.f32 [tilespmem:s17], [sflag:$0x2], $0x80, s23, s16, $0xb8;
	[tilespmem:$0x1D000] =	vst v63  }
0x2b: {  	_ =	swait.ge [sflag:s12], $0x4000  }
0x2c: {  	s23 =	smov.u32 s25;
	[sflag:s12] =	ssyncset.done $0x0  }
0x2d: {  	s22 =	sshra.s32 s22, $0x2;
	[sflag:s12] =	ssyncadd.s32 $0xFFFFC000  }
0x2e: {  	[tilespmem:s17], [sflag:$0x1] =	stream.indirect.gather [hbm4b:s4+s16], $0x80, s22, s16, $0xb8;
	[tilespmem:$0x1D000] =	vst v63  }
0x2f: {  	_ =	swait.ge [sflag:s19], $0x4000  }
0x30: {  	[sflag:s19] =	ssyncset.done $0x0  }
0x31: {  	s22 =	sadd.s32 $0x2800, s22;
	[sflag:s19] =	ssyncadd.s32 $0xFFFFC000  }
0x32: {  	[spmem:s1] =	stream.indirect.scatter.add.f32 [tilespmem:s17], [sflag:$0x2], $0x80, s22, s16, $0xb8;
	[tilespmem:$0x1D000] =	vst v63  }
0x33: {  	_ =	swait.ge [sflag:s12], $0x4000  }
0x34: {  	[sflag:s12] =	ssyncset.done $0x0  }
0x35: {  	[sflag:s12] =	ssyncadd.s32 $0xFFFFC000  }
0x36: {  	[bflag:$0x0] =	sbarrier.arrive $0xFFFF  }
0x37: {  	[hbm:s18], [sflag:s14] =	dma.local [spmem:s15], $0x2800  }
0x38: {  	_ =	swait.ge [sflag:s12], $0x2800  }
0x39: {  	[sflag:s12] =	ssyncset.done $0x0  }
0x3a: {  	[sflag:s12] =	ssyncadd.s32 $0xFFFFD800  }
0x3b: {  	[spmem:s15], [sflag:s14] =	dma.local [hbm:s5], $0x2800  }
0x3c: {  	_ =	swait.ge [sflag:s12], $0x2800  }
0x3d: {  	[sflag:s12] =	ssyncset.done $0x0  }
0x3e: {  	[sflag:s12] =	ssyncadd.s32 $0xFFFFD800  }
0x3f: {  	s30 =	simm.s32 $0x0;
	[bflag:$0x0] =	sbarrier.arrive $0xFFFF  }
0x40: {  	[tilespmem:s17], [sflag:$0x1] =	stream.indirect.gather [hbm4b:s8+s16], $0x80, s30, s16, $0xb8;
	[tilespmem:$0x1D000] =	vst v63  }
0x41: {  	_ =	swait.ge [sflag:s19], $0x4000  }
0x42: {  	[sflag:s19] =	ssyncset.done $0x0  }
0x43: {  	s31 =	simm.s32 $0x2800;
	[sflag:s19] =	ssyncadd.s32 $0xFFFFC000  }
0x44: {  	[spmem:s1] =	stream.indirect.scatter.add.f32 [tilespmem:s17], [sflag:$0x2], $0x80, s31, s16, $0xb8;
	[tilespmem:$0x1D000] =	vst v63  }
0x45: {  	_ =	swait.ge [sflag:s12], $0x4000  }
0x46: {  	s23 =	simm.s32 $0x400;
	s22 =	simm.s32 $0x200;
	[sflag:s12] =	ssyncset.done $0x0  }
.LBB2_4:
0x47: {  	s24 =	sshra.s32 s22, $0x2  }
0x48: {  	[sflag:s12] =	ssyncadd.s32 $0xFFFFC000;
	s22 =	smov.u32 s23;
	s25 =	sadd.s32 $0x200, s23  }
0x49: {  	[tilespmem:s17], [sflag:$0x1] =	stream.indirect.gather [hbm4b:s8+s16], $0x80, s24, s16, $0xb8;
	[tilespmem:$0x1D000] =	vst v63  }
0x4a: {  	p0 =	sne.s32 s23, $0x9E00;
	_ =	swait.ge [sflag:s19], $0x4000  }
.Ltmp1:
0x4b: {  	[sflag:s19] =	ssyncset.done $0x0;
	(pc) =	sbr.rel @p0 .LBB2_4-.Ltmp1, $4  }
0x4c: {  	s23 =	sadd.s32 $0x2800, s24;
	[sflag:s19] =	ssyncadd.s32 $0xFFFFC000  }
0x4d: {  	[spmem:s1] =	stream.indirect.scatter.add.f32 [tilespmem:s17], [sflag:$0x2], $0x80, s23, s16, $0xb8;
	[tilespmem:$0x1D000] =	vst v63  }
0x4e: {  	_ =	swait.ge [sflag:s12], $0x4000  }
0x4f: {  	s23 =	smov.u32 s25;
	[sflag:s12] =	ssyncset.done $0x0  }
0x50: {  	s22 =	sshra.s32 s22, $0x2;
	[sflag:s12] =	ssyncadd.s32 $0xFFFFC000  }
0x51: {  	[tilespmem:s17], [sflag:$0x1] =	stream.indirect.gather [hbm4b:s8+s16], $0x80, s22, s16, $0xb8;
	[tilespmem:$0x1D000] =	vst v63  }
0x52: {  	_ =	swait.ge [sflag:s19], $0x4000  }
0x53: {  	[sflag:s19] =	ssyncset.done $0x0  }
0x54: {  	s22 =	sadd.s32 $0x2800, s22;
	[sflag:s19] =	ssyncadd.s32 $0xFFFFC000  }
0x55: {  	[spmem:s1] =	stream.indirect.scatter.add.f32 [tilespmem:s17], [sflag:$0x2], $0x80, s22, s16, $0xb8;
	[tilespmem:$0x1D000] =	vst v63  }
0x56: {  	_ =	swait.ge [sflag:s12], $0x4000  }
0x57: {  	[sflag:s12] =	ssyncset.done $0x0  }
0x58: {  	[sflag:s12] =	ssyncadd.s32 $0xFFFFC000  }
0x59: {  	[bflag:$0x0] =	sbarrier.arrive $0xFFFF  }
0x5a: {  	[hbm:s20], [sflag:s14] =	dma.local [spmem:s15], $0x2800  }
0x5b: {  	_ =	swait.ge [sflag:s12], $0x2800  }
0x5c: {  	[sflag:s12] =	ssyncset.done $0x0  }
0x5d: {  	[sflag:s12] =	ssyncadd.s32 $0xFFFFD800  }
0x5e: {  	[spmem:s15], [sflag:s14] =	dma.local [hbm:s5], $0x2800  }
0x5f: {  	_ =	swait.ge [sflag:s12], $0x2800  }
0x60: {  	[sflag:s12] =	ssyncset.done $0x0  }
0x61: {  	[sflag:s12] =	ssyncadd.s32 $0xFFFFD800  }
0x62: {  	s30 =	simm.s32 $0x0;
	[bflag:$0x0] =	sbarrier.arrive $0xFFFF  }
0x63: {  	[tilespmem:s17], [sflag:$0x1] =	stream.indirect.gather [hbm4b:s9+s16], $0x80, s30, s16, $0xb8;
	[tilespmem:$0x1D000] =	vst v63  }
0x64: {  	_ =	swait.ge [sflag:s19], $0x4000  }
0x65: {  	[sflag:s19] =	ssyncset.done $0x0  }
0x66: {  	s31 =	simm.s32 $0x2800;
	[sflag:s19] =	ssyncadd.s32 $0xFFFFC000  }
0x67: {  	[spmem:s1] =	stream.indirect.scatter.add.f32 [tilespmem:s17], [sflag:$0x2], $0x80, s31, s16, $0xb8;
	[tilespmem:$0x1D000] =	vst v63  }
0x68: {  	_ =	swait.ge [sflag:s12], $0x4000  }
0x69: {  	s23 =	simm.s32 $0x400;
	s22 =	simm.s32 $0x200;
	[sflag:s12] =	ssyncset.done $0x0  }
.LBB2_6:
0x6a: {  	s24 =	sshra.s32 s22, $0x2  }
0x6b: {  	[sflag:s12] =	ssyncadd.s32 $0xFFFFC000;
	s22 =	smov.u32 s23;
	s25 =	sadd.s32 $0x200, s23  }
0x6c: {  	[tilespmem:s17], [sflag:$0x1] =	stream.indirect.gather [hbm4b:s9+s16], $0x80, s24, s16, $0xb8;
	[tilespmem:$0x1D000] =	vst v63  }
0x6d: {  	p0 =	sne.s32 s23, $0x9E00;
	_ =	swait.ge [sflag:s19], $0x4000  }
.Ltmp2:
0x6e: {  	[sflag:s19] =	ssyncset.done $0x0;
	(pc) =	sbr.rel @p0 .LBB2_6-.Ltmp2, $4  }
0x6f: {  	s23 =	sadd.s32 $0x2800, s24;
	[sflag:s19] =	ssyncadd.s32 $0xFFFFC000  }
0x70: {  	[spmem:s1] =	stream.indirect.scatter.add.f32 [tilespmem:s17], [sflag:$0x2], $0x80, s23, s16, $0xb8;
	[tilespmem:$0x1D000] =	vst v63  }
0x71: {  	_ =	swait.ge [sflag:s12], $0x4000  }
0x72: {  	s23 =	smov.u32 s25;
	[sflag:s12] =	ssyncset.done $0x0  }
0x73: {  	s22 =	sshra.s32 s22, $0x2;
	[sflag:s12] =	ssyncadd.s32 $0xFFFFC000  }
0x74: {  	[tilespmem:s17], [sflag:$0x1] =	stream.indirect.gather [hbm4b:s9+s16], $0x80, s22, s16, $0xb8;
	[tilespmem:$0x1D000] =	vst v63  }
0x75: {  	_ =	swait.ge [sflag:s19], $0x4000  }
0x76: {  	[sflag:s19] =	ssyncset.done $0x0  }
0x77: {  	s22 =	sadd.s32 $0x2800, s22;
	[sflag:s19] =	ssyncadd.s32 $0xFFFFC000  }
0x78: {  	[spmem:s1] =	stream.indirect.scatter.add.f32 [tilespmem:s17], [sflag:$0x2], $0x80, s22, s16, $0xb8;
	[tilespmem:$0x1D000] =	vst v63  }
0x79: {  	_ =	swait.ge [sflag:s12], $0x4000  }
0x7a: {  	[sflag:s12] =	ssyncset.done $0x0  }
0x7b: {  	[sflag:s12] =	ssyncadd.s32 $0xFFFFC000  }
0x7c: {  	s29 =	sadd.s32 $0x50000, s18;
	[bflag:$0x0] =	sbarrier.arrive $0xFFFF  }
0x7d: {  	[hbm:s29], [sflag:s14] =	dma.local [spmem:s15], $0x2800  }
0x7e: {  	_ =	swait.ge [sflag:s12], $0x2800  }
0x7f: {  	[sflag:s12] =	ssyncset.done $0x0  }
0x80: {  	[sflag:s12] =	ssyncadd.s32 $0xFFFFD800  }
0x81: {  	[spmem:s15], [sflag:s14] =	dma.local [hbm:s5], $0x2800  }
0x82: {  	_ =	swait.ge [sflag:s12], $0x2800  }
0x83: {  	[sflag:s12] =	ssyncset.done $0x0  }
0x84: {  	[sflag:s12] =	ssyncadd.s32 $0xFFFFD800  }
0x85: {  	s30 =	simm.s32 $0x0;
	[bflag:$0x0] =	sbarrier.arrive $0xFFFF  }
0x86: {  	[tilespmem:s17], [sflag:$0x1] =	stream.indirect.gather [hbm4b:s10+s16], $0x80, s30, s16, $0xb8;
	[tilespmem:$0x1D000] =	vst v63  }
0x87: {  	_ =	swait.ge [sflag:s19], $0x4000  }
0x88: {  	[sflag:s19] =	ssyncset.done $0x0  }
0x89: {  	s31 =	simm.s32 $0x2800;
	[sflag:s19] =	ssyncadd.s32 $0xFFFFC000  }
0x8a: {  	[spmem:s1] =	stream.indirect.scatter.add.f32 [tilespmem:s17], [sflag:$0x2], $0x80, s31, s16, $0xb8;
	[tilespmem:$0x1D000] =	vst v63  }
0x8b: {  	_ =	swait.ge [sflag:s12], $0x4000  }
0x8c: {  	s23 =	simm.s32 $0x400;
	s22 =	simm.s32 $0x200;
	[sflag:s12] =	ssyncset.done $0x0  }
.LBB2_8:
0x8d: {  	s24 =	sshra.s32 s22, $0x2  }
0x8e: {  	[sflag:s12] =	ssyncadd.s32 $0xFFFFC000;
	s22 =	smov.u32 s23;
	s25 =	sadd.s32 $0x200, s23  }
0x8f: {  	[tilespmem:s17], [sflag:$0x1] =	stream.indirect.gather [hbm4b:s10+s16], $0x80, s24, s16, $0xb8;
	[tilespmem:$0x1D000] =	vst v63  }
0x90: {  	p0 =	sne.s32 s23, $0x9E00;
	_ =	swait.ge [sflag:s19], $0x4000  }
.Ltmp3:
0x91: {  	[sflag:s19] =	ssyncset.done $0x0;
	(pc) =	sbr.rel @p0 .LBB2_8-.Ltmp3, $4  }
0x92: {  	s23 =	sadd.s32 $0x2800, s24;
	[sflag:s19] =	ssyncadd.s32 $0xFFFFC000  }
0x93: {  	[spmem:s1] =	stream.indirect.scatter.add.f32 [tilespmem:s17], [sflag:$0x2], $0x80, s23, s16, $0xb8;
	[tilespmem:$0x1D000] =	vst v63  }
0x94: {  	_ =	swait.ge [sflag:s12], $0x4000  }
0x95: {  	s23 =	smov.u32 s25;
	[sflag:s12] =	ssyncset.done $0x0  }
0x96: {  	s22 =	sshra.s32 s22, $0x2;
	[sflag:s12] =	ssyncadd.s32 $0xFFFFC000  }
0x97: {  	[tilespmem:s17], [sflag:$0x1] =	stream.indirect.gather [hbm4b:s10+s16], $0x80, s22, s16, $0xb8;
	[tilespmem:$0x1D000] =	vst v63  }
0x98: {  	_ =	swait.ge [sflag:s19], $0x4000  }
0x99: {  	[sflag:s19] =	ssyncset.done $0x0  }
0x9a: {  	s22 =	sadd.s32 $0x2800, s22;
	[sflag:s19] =	ssyncadd.s32 $0xFFFFC000  }
0x9b: {  	[spmem:s1] =	stream.indirect.scatter.add.f32 [tilespmem:s17], [sflag:$0x2], $0x80, s22, s16, $0xb8;
	[tilespmem:$0x1D000] =	vst v63  }
0x9c: {  	_ =	swait.ge [sflag:s12], $0x4000  }
0x9d: {  	s21 =	sadd.s32 $0x1, s21;
	[sflag:s12] =	ssyncset.done $0x0  }
0x9e: {  	p0 =	sne.s32 s21, s11;
	[sflag:s12] =	ssyncadd.s32 $0xFFFFC000  }
.Ltmp4:
0x9f: {  	s31 =	sadd.s32 $0x78000, s18;
	[bflag:$0x0] =	sbarrier.arrive $0xFFFF;
	(pc) =	sbr.rel @p0 .LBB2_1-.Ltmp4, $4  }
0xa0: {  	[hbm:s31], [sflag:s14] =	dma.local [spmem:s15], $0x2800  }
0xa1: {  	_ =	swait.ge [sflag:s12], $0x2800  }
0xa2: {  	[sflag:s12] =	ssyncset.done $0x0  }
0xa3: {  	[sflag:s12] =	ssyncadd.s32 $0xFFFFD800  }
0xa4: {  	_ =	sfence.sel $0x180000  }
0xa5: {  	[bflag:$0x0] =	sbarrier.arrive $0xFFFF  }
0xa6: {  	p0 =	sne.s32 s2, $0x0;
	_ =	strace $0x90000059  }
0xa7: {  	s0 =	sadd.s32 @!p0 $0x100000, s0;
	[bflag:$0x2] =	sbarrier.arrive $0xFFFF  }
0xa8: {  	[sflag:s0] =	ssyncadd.tile.s32 @!p0 $0x1;
	_ =	shalt  }
.Lfunc_end2:
_tile_overlayer_lowered:
.L_overlay_start_2:
0xa9: {  	(tag) =	ssettag $0x2  }
0xaa: {  	s0 =	rddreg [dreg:$0x0];
	s2 =	stileid.u32  }
0xab: {  	s1 =	rddreg [dreg:$0x1];
	p0 =	sne.s32 s2, $0x0  }
0xac: {  	s3 =	rddreg [dreg:$0x2];
	[bflag:$0x3] =	sbarrier.arrive $0xFFFF;
	s2 =	simm.s32 @!p0 $0x1C02  }
0xad: {  	[timem:s3], [sflag:s2] =	dma.local @!p0 [hbm:s0], s1  }
0xae: {  	s0 =	simm.s32 @!p0 $0x2  }
0xaf: {  	_ =	swait.ge @!p0 [sflag:s0], s1  }
0xb0: {  	s1 =	ssub.s32 @!p0 $0x0, s1;
	[sflag:s0] =	ssyncset.done @!p0 $0x0  }
0xb1: {  	[sflag:s0] =	ssyncadd.s32 @!p0 s1  }
0xb2: {  	[bflag:$0x3] =	sbarrier.arrive $0xFFFF  }
0xb3: {  	_ =	shalt  }

</sc_bundles>
